<compile_context>
chip_gen: v7x
topology: tpu7x:2x2x1
jax: 0.10.2.dev20260603
libtpu: 0.0.44.dev20260713+nightly
codegen_flags: <defaults>
</compile_context>

<pallas_src>
import jax
import jax.numpy as jnp
from jax import lax
from jax.experimental import pallas as pl
from jax.experimental.pallas import tpu as pltpu
from jax.experimental.pallas import tpu_sc as plsc

N_FACTORS = 64
BATCH = 16384
NW = 32
B_PER_W = BATCH // NW
HALF = B_PER_W // 2


def _body(users_hbm, items_hbm, ut_hbm, it_hbm, out_hbm,
          uidx, iidx, urows, irows, out_v, sem):
    wid = lax.axis_index("s") * 2 + lax.axis_index("c")

    pltpu.sync_copy(users_hbm.at[wid], uidx.at[pl.ds(0, B_PER_W)])
    pltpu.sync_copy(items_hbm.at[wid], iidx.at[pl.ds(0, B_PER_W)])

    iota = lax.iota(jnp.int32, 16)

    for half in range(2):
        def fire(t, _, half=half):
            t2 = half * (HALF // 8) + t
            uvec = uidx[pl.ds(t2 * 8, 16)]
            ivec = iidx[pl.ds(t2 * 8, 16)]
            for l in range(8):
                slot = t * 8 + l
                pltpu.async_copy(ut_hbm.at[uvec[l]], urows.at[slot], sem)
                pltpu.async_copy(it_hbm.at[ivec[l]], irows.at[slot], sem)
            return 0

        lax.fori_loop(0, HALF // 8, fire, 0)

        pltpu.make_async_copy(ut_hbm.at[pl.ds(0, HALF)], urows, sem).wait()
        pltpu.make_async_copy(it_hbm.at[pl.ds(0, HALF)], irows, sem).wait()

        def group(g, _, half=half):
            slotv = g * 16 + iota
            acc = jnp.zeros((16,), jnp.float32)
            for d in range(N_FACTORS):
                colv = (iota + d) & (N_FACTORS - 1)
                u = plsc.load_gather(urows, [slotv, colv])
                v = plsc.load_gather(irows, [slotv, colv])
                acc = acc + u * v
            out_v[pl.ds(half * HALF + g * 16, 16)] = acc
            return 0

        lax.fori_loop(0, HALF // 16, group, 0)

    pltpu.sync_copy(out_v, out_hbm.at[wid])


@jax.jit
def _mf(users2, items2, ut, it):
    mesh = plsc.VectorSubcoreMesh(core_axis_name="c", subcore_axis_name="s")
    f = pl.kernel(
        _body,
        out_type=jax.ShapeDtypeStruct((NW, B_PER_W), jnp.float32),
        mesh=mesh,
        scratch_types=[
            pltpu.VMEM((B_PER_W + 16,), jnp.int32),
            pltpu.VMEM((B_PER_W + 16,), jnp.int32),
            pltpu.VMEM((HALF, N_FACTORS), jnp.float32),
            pltpu.VMEM((HALF, N_FACTORS), jnp.float32),
            pltpu.VMEM((B_PER_W,), jnp.float32),
            pltpu.SemaphoreType.DMA,
        ],
        compiler_params=pltpu.CompilerParams(needs_layout_passes=False),
    )
    return f(users2, items2, ut, it)


def kernel(users, items, user_table, item_table):
    users2 = users.reshape(NW, B_PER_W)
    items2 = items.reshape(NW, B_PER_W)
    out = _mf(users2, items2, user_table, item_table)
    return out.reshape(BATCH)

# --- scband reference (transcript-rebuilt; emitter-appended) ---
"""Pipeline reference for scband-mf-83408264888916 (READ-ONLY COPY).

The authoritative reference and input builder live on the scoring server;
editing this copy changes nothing except your own understanding.
"""

import jax, jax.numpy as jnp
import numpy as np

NUM_USERS = 1000000
NUM_ITEMS = 1000000
N_FACTORS = 64
BATCH = 16384


def setup_inputs(seed: int = 0) -> dict:
    key = jax.random.key(seed)
    k1, k2, k3, k4 = jax.random.split(key, 4)
    users = jax.random.randint(k1, (BATCH,), 0, NUM_USERS, dtype=jnp.int64 if jax.config.jax_enable_x64 else jnp.int32).astype(jnp.int32)
    items = jax.random.randint(k2, (BATCH,), 0, NUM_ITEMS, dtype=jnp.int32)
    # kaiming_normal_ with mode='fan_out': std = sqrt(2 / fan_out) = sqrt(2 / n_factors)
    std = np.sqrt(2.0 / N_FACTORS)
    user_table = jax.random.normal(k3, (NUM_USERS, N_FACTORS), dtype=jnp.float32) * std
    item_table = jax.random.normal(k4, (NUM_ITEMS, N_FACTORS), dtype=jnp.float32) * std
    return {"users": users, "items": items, "user_table": user_table, "item_table": item_table}


def reference(users, items, user_table, item_table):
    # noise_std=0 path: plain embedding lookups + elementwise product + row-sum
    users_emb = jnp.take(user_table, users, axis=0)   # [B, F] gather
    items_emb = jnp.take(item_table, items, axis=0)   # [B, F] gather
    inner_pro = users_emb * items_emb
    predictions = jnp.sum(inner_pro, axis=1)          # [B]
    return predictions

if __name__ == "__main__":
    import jax
    _d = setup_inputs()
    print(jax.jit(kernel)(*tuple(_d.values())))

</pallas_src>

<mosaic_0001>
#map = affine_map<(d0, d1) -> (0, 0)>
module attributes {stable_mosaic.version = 14 : i64} {
  func.func @_body(%arg0: i32, %arg1: i32, %arg2: memref<32x512xi32, #tpu.memory_space<hbm>>, %arg3: memref<32x512xi32, #tpu.memory_space<hbm>>, %arg4: memref<1000000x64xf32, #tpu.memory_space<hbm>>, %arg5: memref<1000000x64xf32, #tpu.memory_space<hbm>>, %arg6: memref<32x512xf32, #tpu.memory_space<hbm>>, %arg7: memref<528xi32, #tpu.memory_space<vmem>>, %arg8: memref<528xi32, #tpu.memory_space<vmem>>, %arg9: memref<256x64xf32, #tpu.memory_space<vmem>>, %arg10: memref<256x64xf32, #tpu.memory_space<vmem>>, %arg11: memref<512xf32, #tpu.memory_space<vmem>>, %arg12: memref<!tpu.dma_semaphore, #tpu.memory_space<semaphore_mem>>) attributes {dimension_semantics = [#tpu.dimension_semantics<core_parallel>, #tpu.dimension_semantics<subcore_parallel>], iteration_bounds = array<i64: 2, 16>, scalar_prefetch = 0 : i64, scratch_operands = 6 : i64, tpu.core_type = #tpu.core_type<sc_vector_subcore>, window_params = [{transform_indices = #map}, {transform_indices = #map}, {transform_indices = #map}, {transform_indices = #map}, {transform_indices = #map}]} {
    %mul3A = arith.constant 2 : i32
    %mul3A_0 = arith.muli %arg1, %mul3A : i32
    %add3A = arith.addi %mul3A_0, %arg0 : i32
    "tpu.region"() ({
      %run_scoped3A = tpu.sem_alloc : memref<!tpu.dma_semaphore, #tpu.memory_space<semaphore_mem>>
      %dma_start3A = arith.constant 0 : i32
      %dma_start3A_51 = tpu.memref_slice %arg7[%dma_start3A] : memref<528xi32, #tpu.memory_space<vmem>> -> memref<512xi32, #tpu.memory_space<vmem>>
      %dma_start3A_52 = arith.constant 0 : i32
      %dma_start3A_53 = tpu.memref_slice %arg2[%add3A, %dma_start3A_52] : memref<32x512xi32, #tpu.memory_space<hbm>> -> memref<1x512xi32, #tpu.memory_space<hbm>>
      %dma_start3A_54 = tpu.memref_squeeze %dma_start3A_53 : memref<1x512xi32, #tpu.memory_space<hbm>> -> memref<512xi32, #tpu.memory_space<hbm>>
      %dma_start3A_55 = arith.constant 0 : i32
      %dma_start3A_56 = tpu.memref_slice %arg7[%dma_start3A_55] : memref<528xi32, #tpu.memory_space<vmem>> -> memref<512xi32, #tpu.memory_space<vmem>>
      %dma_start3A_57 = arith.constant 0 : i32
      %dma_start3A_58 = tpu.memref_slice %arg2[%add3A, %dma_start3A_57] : memref<32x512xi32, #tpu.memory_space<hbm>> -> memref<1x512xi32, #tpu.memory_space<hbm>>
      %dma_start3A_59 = tpu.memref_squeeze %dma_start3A_58 : memref<1x512xi32, #tpu.memory_space<hbm>> -> memref<512xi32, #tpu.memory_space<hbm>>
      tpu.enqueue_dma source(%dma_start3A_59 : memref<512xi32, #tpu.memory_space<hbm>>) target(%dma_start3A_56 : memref<512xi32, #tpu.memory_space<vmem>>) target_semaphore(%run_scoped3A : memref<!tpu.dma_semaphore, #tpu.memory_space<semaphore_mem>>)
      %dma_wait3A_60 = arith.constant 0 : i32
      %dma_wait3A_61 = tpu.memref_slice %arg7[%dma_wait3A_60] : memref<528xi32, #tpu.memory_space<vmem>> -> memref<512xi32, #tpu.memory_space<vmem>>
      %dma_wait3A_62 = arith.constant 0 : i32
      %dma_wait3A_63 = tpu.memref_slice %arg2[%add3A, %dma_wait3A_62] : memref<32x512xi32, #tpu.memory_space<hbm>> -> memref<1x512xi32, #tpu.memory_space<hbm>>
      %dma_wait3A_64 = tpu.memref_squeeze %dma_wait3A_63 : memref<1x512xi32, #tpu.memory_space<hbm>> -> memref<512xi32, #tpu.memory_space<hbm>>
      %dma_wait3A_65 = arith.constant 0 : i32
      %dma_wait3A_66 = tpu.memref_slice %arg7[%dma_wait3A_65] : memref<528xi32, #tpu.memory_space<vmem>> -> memref<512xi32, #tpu.memory_space<vmem>>
      %dma_wait3A_67 = arith.constant 0 : i32
      %dma_wait3A_68 = tpu.memref_slice %arg2[%add3A, %dma_wait3A_67] : memref<32x512xi32, #tpu.memory_space<hbm>> -> memref<1x512xi32, #tpu.memory_space<hbm>>
      %dma_wait3A_69 = tpu.memref_squeeze %dma_wait3A_68 : memref<1x512xi32, #tpu.memory_space<hbm>> -> memref<512xi32, #tpu.memory_space<hbm>>
      tpu.wait_dma2 semaphore(%run_scoped3A : memref<!tpu.dma_semaphore, #tpu.memory_space<semaphore_mem>>) src(%dma_wait3A_69 : memref<512xi32, #tpu.memory_space<hbm>>) dst(%dma_wait3A_66 : memref<512xi32, #tpu.memory_space<vmem>>)
      tpu.yield
    }) : () -> ()
    "tpu.region"() ({
      %run_scoped3A = tpu.sem_alloc : memref<!tpu.dma_semaphore, #tpu.memory_space<semaphore_mem>>
      %dma_start3A = arith.constant 0 : i32
      %dma_start3A_51 = tpu.memref_slice %arg8[%dma_start3A] : memref<528xi32, #tpu.memory_space<vmem>> -> memref<512xi32, #tpu.memory_space<vmem>>
      %dma_start3A_52 = arith.constant 0 : i32
      %dma_start3A_53 = tpu.memref_slice %arg3[%add3A, %dma_start3A_52] : memref<32x512xi32, #tpu.memory_space<hbm>> -> memref<1x512xi32, #tpu.memory_space<hbm>>
      %dma_start3A_54 = tpu.memref_squeeze %dma_start3A_53 : memref<1x512xi32, #tpu.memory_space<hbm>> -> memref<512xi32, #tpu.memory_space<hbm>>
      %dma_start3A_55 = arith.constant 0 : i32
      %dma_start3A_56 = tpu.memref_slice %arg8[%dma_start3A_55] : memref<528xi32, #tpu.memory_space<vmem>> -> memref<512xi32, #tpu.memory_space<vmem>>
      %dma_start3A_57 = arith.constant 0 : i32
      %dma_start3A_58 = tpu.memref_slice %arg3[%add3A, %dma_start3A_57] : memref<32x512xi32, #tpu.memory_space<hbm>> -> memref<1x512xi32, #tpu.memory_space<hbm>>
      %dma_start3A_59 = tpu.memref_squeeze %dma_start3A_58 : memref<1x512xi32, #tpu.memory_space<hbm>> -> memref<512xi32, #tpu.memory_space<hbm>>
      tpu.enqueue_dma source(%dma_start3A_59 : memref<512xi32, #tpu.memory_space<hbm>>) target(%dma_start3A_56 : memref<512xi32, #tpu.memory_space<vmem>>) target_semaphore(%run_scoped3A : memref<!tpu.dma_semaphore, #tpu.memory_space<semaphore_mem>>)
      %dma_wait3A_60 = arith.constant 0 : i32
      %dma_wait3A_61 = tpu.memref_slice %arg8[%dma_wait3A_60] : memref<528xi32, #tpu.memory_space<vmem>> -> memref<512xi32, #tpu.memory_space<vmem>>
      %dma_wait3A_62 = arith.constant 0 : i32
      %dma_wait3A_63 = tpu.memref_slice %arg3[%add3A, %dma_wait3A_62] : memref<32x512xi32, #tpu.memory_space<hbm>> -> memref<1x512xi32, #tpu.memory_space<hbm>>
      %dma_wait3A_64 = tpu.memref_squeeze %dma_wait3A_63 : memref<1x512xi32, #tpu.memory_space<hbm>> -> memref<512xi32, #tpu.memory_space<hbm>>
      %dma_wait3A_65 = arith.constant 0 : i32
      %dma_wait3A_66 = tpu.memref_slice %arg8[%dma_wait3A_65] : memref<528xi32, #tpu.memory_space<vmem>> -> memref<512xi32, #tpu.memory_space<vmem>>
      %dma_wait3A_67 = arith.constant 0 : i32
      %dma_wait3A_68 = tpu.memref_slice %arg3[%add3A, %dma_wait3A_67] : memref<32x512xi32, #tpu.memory_space<hbm>> -> memref<1x512xi32, #tpu.memory_space<hbm>>
      %dma_wait3A_69 = tpu.memref_squeeze %dma_wait3A_68 : memref<1x512xi32, #tpu.memory_space<hbm>> -> memref<512xi32, #tpu.memory_space<hbm>>
      tpu.wait_dma2 semaphore(%run_scoped3A : memref<!tpu.dma_semaphore, #tpu.memory_space<semaphore_mem>>) src(%dma_wait3A_69 : memref<512xi32, #tpu.memory_space<hbm>>) dst(%dma_wait3A_66 : memref<512xi32, #tpu.memory_space<vmem>>)
      tpu.yield
    }) : () -> ()
    %iota3A = tpu.iota {dimensions = array<i32: 0>} : vector<16xi32>
    %scan3A = arith.constant 0 : i32
    %scan3A_1 = arith.constant 0 : i32
    %scan3A_2 = arith.constant 32 : i32
    %scan3A_3 = arith.addi %scan3A_1, %scan3A_2 : i32
    %scan3A_4 = arith.constant 1 : i32
    %scan3A_5 = scf.for %scan3A_51 = %scan3A_1 to %scan3A_3 step %scan3A_4 iter_args(%scan3A_52 = %scan3A) -> (i32)  : i32 {
      %add3A_53 = arith.constant 0 : i32
      %add3A_54 = arith.addi %add3A_53, %scan3A_51 : i32
      %mul3A_55 = arith.constant 8 : i32
      %mul3A_56 = arith.muli %add3A_54, %mul3A_55 : i32
      %get3A = arith.index_cast %mul3A_56 : i32 to index
      %get3A_57 = tpu.vector_load %arg7[%get3A] {strides = array<i32>} : memref<528xi32, #tpu.memory_space<vmem>>, vector<16xi32>,
      %mul3A_58 = arith.constant 8 : i32
      %mul3A_59 = arith.muli %add3A_54, %mul3A_58 : i32
      %get3A_60 = arith.index_cast %mul3A_59 : i32 to index
      %get3A_61 = tpu.vector_load %arg8[%get3A_60] {strides = array<i32>} : memref<528xi32, #tpu.memory_space<vmem>>, vector<16xi32>,
      %mul3A_62 = arith.constant 8 : i32
      %mul3A_63 = arith.muli %scan3A_51, %mul3A_62 : i32
      %add3A_64 = arith.constant 0 : i32
      %add3A_65 = arith.addi %mul3A_63, %add3A_64 : i32
      %slice3A = vector.extract_strided_slice %get3A_57 {offsets = [0], sizes = [1], strides = [1]} : vector<16xi32> to vector<1xi32>
      %squeeze3A = vector.extract %slice3A[0] : i32 from vector<1xi32>
      %dma_start3A = arith.constant 0 : i32
      %dma_start3A_66 = tpu.memref_slice %arg9[%add3A_65, %dma_start3A] : memref<256x64xf32, #tpu.memory_space<vmem>> -> memref<1x64xf32, #tpu.memory_space<vmem>>
      %dma_start3A_67 = tpu.memref_squeeze %dma_start3A_66 : memref<1x64xf32, #tpu.memory_space<vmem>> -> memref<64xf32, #tpu.memory_space<vmem>>
      %dma_start3A_68 = arith.constant 0 : i32
      %dma_start3A_69 = tpu.memref_slice %arg4[%squeeze3A, %dma_start3A_68] : memref<1000000x64xf32, #tpu.memory_space<hbm>> -> memref<1x64xf32, #tpu.memory_space<hbm>>
      %dma_start3A_70 = tpu.memref_squeeze %dma_start3A_69 : memref<1x64xf32, #tpu.memory_space<hbm>> -> memref<64xf32, #tpu.memory_space<hbm>>
      %dma_start3A_71 = arith.constant 0 : i32
      %dma_start3A_72 = tpu.memref_slice %arg9[%add3A_65, %dma_start3A_71] : memref<256x64xf32, #tpu.memory_space<vmem>> -> memref<1x64xf32, #tpu.memory_space<vmem>>
      %dma_start3A_73 = tpu.memref_squeeze %dma_start3A_72 : memref<1x64xf32, #tpu.memory_space<vmem>> -> memref<64xf32, #tpu.memory_space<vmem>>
      %dma_start3A_74 = arith.constant 0 : i32
      %dma_start3A_75 = tpu.memref_slice %arg4[%squeeze3A, %dma_start3A_74] : memref<1000000x64xf32, #tpu.memory_space<hbm>> -> memref<1x64xf32, #tpu.memory_space<hbm>>
      %dma_start3A_76 = tpu.memref_squeeze %dma_start3A_75 : memref<1x64xf32, #tpu.memory_space<hbm>> -> memref<64xf32, #tpu.memory_space<hbm>>
      tpu.enqueue_dma source(%dma_start3A_76 : memref<64xf32, #tpu.memory_space<hbm>>) target(%dma_start3A_73 : memref<64xf32, #tpu.memory_space<vmem>>) target_semaphore(%arg12 : memref<!tpu.dma_semaphore, #tpu.memory_space<semaphore_mem>>)
      %slice3A_77 = vector.extract_strided_slice %get3A_61 {offsets = [0], sizes = [1], strides = [1]} : vector<16xi32> to vector<1xi32>
      %squeeze3A_78 = vector.extract %slice3A_77[0] : i32 from vector<1xi32>
      %dma_start3A_79 = arith.constant 0 : i32
      %dma_start3A_80 = tpu.memref_slice %arg10[%add3A_65, %dma_start3A_79] : memref<256x64xf32, #tpu.memory_space<vmem>> -> memref<1x64xf32, #tpu.memory_space<vmem>>
      %dma_start3A_81 = tpu.memref_squeeze %dma_start3A_80 : memref<1x64xf32, #tpu.memory_space<vmem>> -> memref<64xf32, #tpu.memory_space<vmem>>
      %dma_start3A_82 = arith.constant 0 : i32
      %dma_start3A_83 = tpu.memref_slice %arg5[%squeeze3A_78, %dma_start3A_82] : memref<1000000x64xf32, #tpu.memory_space<hbm>> -> memref<1x64xf32, #tpu.memory_space<hbm>>
      %dma_start3A_84 = tpu.memref_squeeze %dma_start3A_83 : memref<1x64xf32, #tpu.memory_space<hbm>> -> memref<64xf32, #tpu.memory_space<hbm>>
      %dma_start3A_85 = arith.constant 0 : i32
      %dma_start3A_86 = tpu.memref_slice %arg10[%add3A_65, %dma_start3A_85] : memref<256x64xf32, #tpu.memory_space<vmem>> -> memref<1x64xf32, #tpu.memory_space<vmem>>
      %dma_start3A_87 = tpu.memref_squeeze %dma_start3A_86 : memref<1x64xf32, #tpu.memory_space<vmem>> -> memref<64xf32, #tpu.memory_space<vmem>>
      %dma_start3A_88 = arith.constant 0 : i32
      %dma_start3A_89 = tpu.memref_slice %arg5[%squeeze3A_78, %dma_start3A_88] : memref<1000000x64xf32, #tpu.memory_space<hbm>> -> memref<1x64xf32, #tpu.memory_space<hbm>>
      %dma_start3A_90 = tpu.memref_squeeze %dma_start3A_89 : memref<1x64xf32, #tpu.memory_space<hbm>> -> memref<64xf32, #tpu.memory_space<hbm>>
      tpu.enqueue_dma source(%dma_start3A_90 : memref<64xf32, #tpu.memory_space<hbm>>) target(%dma_start3A_87 : memref<64xf32, #tpu.memory_space<vmem>>) target_semaphore(%arg12 : memref<!tpu.dma_semaphore, #tpu.memory_space<semaphore_mem>>)
      %mul3A_91 = arith.constant 8 : i32
      %mul3A_92 = arith.muli %scan3A_51, %mul3A_91 : i32
      %add3A_93 = arith.constant 1 : i32
      %add3A_94 = arith.addi %mul3A_92, %add3A_93 : i32
      %slice3A_95 = vector.extract_strided_slice %get3A_57 {offsets = [1], sizes = [1], strides = [1]} : vector<16xi32> to vector<1xi32>
      %squeeze3A_96 = vector.extract %slice3A_95[0] : i32 from vector<1xi32>
      %dma_start3A_97 = arith.constant 0 : i32
      %dma_start3A_98 = tpu.memref_slice %arg9[%add3A_94, %dma_start3A_97] : memref<256x64xf32, #tpu.memory_space<vmem>> -> memref<1x64xf32, #tpu.memory_space<vmem>>
      %dma_start3A_99 = tpu.memref_squeeze %dma_start3A_98 : memref<1x64xf32, #tpu.memory_space<vmem>> -> memref<64xf32, #tpu.memory_space<vmem>>
      %dma_start3A_100 = arith.constant 0 : i32
      %dma_start3A_101 = tpu.memref_slice %arg4[%squeeze3A_96, %dma_start3A_100] : memref<1000000x64xf32, #tpu.memory_space<hbm>> -> memref<1x64xf32, #tpu.memory_space<hbm>>
      %dma_start3A_102 = tpu.memref_squeeze %dma_start3A_101 : memref<1x64xf32, #tpu.memory_space<hbm>> -> memref<64xf32, #tpu.memory_space<hbm>>
      %dma_start3A_103 = arith.constant 0 : i32
      %dma_start3A_104 = tpu.memref_slice %arg9[%add3A_94, %dma_start3A_103] : memref<256x64xf32, #tpu.memory_space<vmem>> -> memref<1x64xf32, #tpu.memory_space<vmem>>
      %dma_start3A_105 = tpu.memref_squeeze %dma_start3A_104 : memref<1x64xf32, #tpu.memory_space<vmem>> -> memref<64xf32, #tpu.memory_space<vmem>>
      %dma_start3A_106 = arith.constant 0 : i32
      %dma_start3A_107 = tpu.memref_slice %arg4[%squeeze3A_96, %dma_start3A_106] : memref<1000000x64xf32, #tpu.memory_space<hbm>> -> memref<1x64xf32, #tpu.memory_space<hbm>>
      %dma_start3A_108 = tpu.memref_squeeze %dma_start3A_107 : memref<1x64xf32, #tpu.memory_space<hbm>> -> memref<64xf32, #tpu.memory_space<hbm>>
      tpu.enqueue_dma source(%dma_start3A_108 : memref<64xf32, #tpu.memory_space<hbm>>) target(%dma_start3A_105 : memref<64xf32, #tpu.memory_space<vmem>>) target_semaphore(%arg12 : memref<!tpu.dma_semaphore, #tpu.memory_space<semaphore_mem>>)
      %slice3A_109 = vector.extract_strided_slice %get3A_61 {offsets = [1], sizes = [1], strides = [1]} : vector<16xi32> to vector<1xi32>
      %squeeze3A_110 = vector.extract %slice3A_109[0] : i32 from vector<1xi32>
      %dma_start3A_111 = arith.constant 0 : i32
      %dma_start3A_112 = tpu.memref_slice %arg10[%add3A_94, %dma_start3A_111] : memref<256x64xf32, #tpu.memory_space<vmem>> -> memref<1x64xf32, #tpu.memory_space<vmem>>
      %dma_start3A_113 = tpu.memref_squeeze %dma_start3A_112 : memref<1x64xf32, #tpu.memory_space<vmem>> -> memref<64xf32, #tpu.memory_space<vmem>>
      %dma_start3A_114 = arith.constant 0 : i32
      %dma_start3A_115 = tpu.memref_slice %arg5[%squeeze3A_110, %dma_start3A_114] : memref<1000000x64xf32, #tpu.memory_space<hbm>> -> memref<1x64xf32, #tpu.memory_space<hbm>>
      %dma_start3A_116 = tpu.memref_squeeze %dma_start3A_115 : memref<1x64xf32, #tpu.memory_space<hbm>> -> memref<64xf32, #tpu.memory_space<hbm>>
      %dma_start3A_117 = arith.constant 0 : i32
      %dma_start3A_118 = tpu.memref_slice %arg10[%add3A_94, %dma_start3A_117] : memref<256x64xf32, #tpu.memory_space<vmem>> -> memref<1x64xf32, #tpu.memory_space<vmem>>
      %dma_start3A_119 = tpu.memref_squeeze %dma_start3A_118 : memref<1x64xf32, #tpu.memory_space<vmem>> -> memref<64xf32, #tpu.memory_space<vmem>>
      %dma_start3A_120 = arith.constant 0 : i32
      %dma_start3A_121 = tpu.memref_slice %arg5[%squeeze3A_110, %dma_start3A_120] : memref<1000000x64xf32, #tpu.memory_space<hbm>> -> memref<1x64xf32, #tpu.memory_space<hbm>>
      %dma_start3A_122 = tpu.memref_squeeze %dma_start3A_121 : memref<1x64xf32, #tpu.memory_space<hbm>> -> memref<64xf32, #tpu.memory_space<hbm>>
      tpu.enqueue_dma source(%dma_start3A_122 : memref<64xf32, #tpu.memory_space<hbm>>) target(%dma_start3A_119 : memref<64xf32, #tpu.memory_space<vmem>>) target_semaphore(%arg12 : memref<!tpu.dma_semaphore, #tpu.memory_space<semaphore_mem>>)
      %mul3A_123 = arith.constant 8 : i32
      %mul3A_124 = arith.muli %scan3A_51, %mul3A_123 : i32
      %add3A_125 = arith.constant 2 : i32
      %add3A_126 = arith.addi %mul3A_124, %add3A_125 : i32
      %slice3A_127 = vector.extract_strided_slice %get3A_57 {offsets = [2], sizes = [1], strides = [1]} : vector<16xi32> to vector<1xi32>
      %squeeze3A_128 = vector.extract %slice3A_127[0] : i32 from vector<1xi32>
      %dma_start3A_129 = arith.constant 0 : i32
      %dma_start3A_130 = tpu.memref_slice %arg9[%add3A_126, %dma_start3A_129] : memref<256x64xf32, #tpu.memory_space<vmem>> -> memref<1x64xf32, #tpu.memory_space<vmem>>
      %dma_start3A_131 = tpu.memref_squeeze %dma_start3A_130 : memref<1x64xf32, #tpu.memory_space<vmem>> -> memref<64xf32, #tpu.memory_space<vmem>>
      %dma_start3A_132 = arith.constant 0 : i32
      %dma_start3A_133 = tpu.memref_slice %arg4[%squeeze3A_128, %dma_start3A_132] : memref<1000000x64xf32, #tpu.memory_space<hbm>> -> memref<1x64xf32, #tpu.memory_space<hbm>>
      %dma_start3A_134 = tpu.memref_squeeze %dma_start3A_133 : memref<1x64xf32, #tpu.memory_space<hbm>> -> memref<64xf32, #tpu.memory_space<hbm>>
      %dma_start3A_135 = arith.constant 0 : i32
      %dma_start3A_136 = tpu.memref_slice %arg9[%add3A_126, %dma_start3A_135] : memref<256x64xf32, #tpu.memory_space<vmem>> -> memref<1x64xf32, #tpu.memory_space<vmem>>
      %dma_start3A_137 = tpu.memref_squeeze %dma_start3A_136 : memref<1x64xf32, #tpu.memory_space<vmem>> -> memref<64xf32, #tpu.memory_space<vmem>>
      %dma_start3A_138 = arith.constant 0 : i32
      %dma_start3A_139 = tpu.memref_slice %arg4[%squeeze3A_128, %dma_start3A_138] : memref<1000000x64xf32, #tpu.memory_space<hbm>> -> memref<1x64xf32, #tpu.memory_space<hbm>>
      %dma_start3A_140 = tpu.memref_squeeze %dma_start3A_139 : memref<1x64xf32, #tpu.memory_space<hbm>> -> memref<64xf32, #tpu.memory_space<hbm>>
      tpu.enqueue_dma source(%dma_start3A_140 : memref<64xf32, #tpu.memory_space<hbm>>) target(%dma_start3A_137 : memref<64xf32, #tpu.memory_space<vmem>>) target_semaphore(%arg12 : memref<!tpu.dma_semaphore, #tpu.memory_space<semaphore_mem>>)
      %slice3A_141 = vector.extract_strided_slice %get3A_61 {offsets = [2], sizes = [1], strides = [1]} : vector<16xi32> to vector<1xi32>
      %squeeze3A_142 = vector.extract %slice3A_141[0] : i32 from vector<1xi32>
      %dma_start3A_143 = arith.constant 0 : i32
      %dma_start3A_144 = tpu.memref_slice %arg10[%add3A_126, %dma_start3A_143] : memref<256x64xf32, #tpu.memory_space<vmem>> -> memref<1x64xf32, #tpu.memory_space<vmem>>
      %dma_start3A_145 = tpu.memref_squeeze %dma_start3A_144 : memref<1x64xf32, #tpu.memory_space<vmem>> -> memref<64xf32, #tpu.memory_space<vmem>>
      %dma_start3A_146 = arith.constant 0 : i32
      %dma_start3A_147 = tpu.memref_slice %arg5[%squeeze3A_142, %dma_start3A_146] : memref<1000000x64xf32, #tpu.memory_space<hbm>> -> memref<1x64xf32, #tpu.memory_space<hbm>>
      %dma_start3A_148 = tpu.memref_squeeze %dma_start3A_147 : memref<1x64xf32, #tpu.memory_space<hbm>> -> memref<64xf32, #tpu.memory_space<hbm>>
      %dma_start3A_149 = arith.constant 0 : i32
      %dma_start3A_150 = tpu.memref_slice %arg10[%add3A_126, %dma_start3A_149] : memref<256x64xf32, #tpu.memory_space<vmem>> -> memref<1x64xf32, #tpu.memory_space<vmem>>
      %dma_start3A_151 = tpu.memref_squeeze %dma_start3A_150 : memref<1x64xf32, #tpu.memory_space<vmem>> -> memref<64xf32, #tpu.memory_space<vmem>>
      %dma_start3A_152 = arith.constant 0 : i32
      %dma_start3A_153 = tpu.memref_slice %arg5[%squeeze3A_142, %dma_start3A_152] : memref<1000000x64xf32, #tpu.memory_space<hbm>> -> memref<1x64xf32, #tpu.memory_space<hbm>>
      %dma_start3A_154 = tpu.memref_squeeze %dma_start3A_153 : memref<1x64xf32, #tpu.memory_space<hbm>> -> memref<64xf32, #tpu.memory_space<hbm>>
      tpu.enqueue_dma source(%dma_start3A_154 : memref<64xf32, #tpu.memory_space<hbm>>) target(%dma_start3A_151 : memref<64xf32, #tpu.memory_space<vmem>>) target_semaphore(%arg12 : memref<!tpu.dma_semaphore, #tpu.memory_space<semaphore_mem>>)
      %mul3A_155 = arith.constant 8 : i32
      %mul3A_156 = arith.muli %scan3A_51, %mul3A_155 : i32
      %add3A_157 = arith.constant 3 : i32
      %add3A_158 = arith.addi %mul3A_156, %add3A_157 : i32
      %slice3A_159 = vector.extract_strided_slice %get3A_57 {offsets = [3], sizes = [1], strides = [1]} : vector<16xi32> to vector<1xi32>
      %squeeze3A_160 = vector.extract %slice3A_159[0] : i32 from vector<1xi32>
      %dma_start3A_161 = arith.constant 0 : i32
      %dma_start3A_162 = tpu.memref_slice %arg9[%add3A_158, %dma_start3A_161] : memref<256x64xf32, #tpu.memory_space<vmem>> -> memref<1x64xf32, #tpu.memory_space<vmem>>
      %dma_start3A_163 = tpu.memref_squeeze %dma_start3A_162 : memref<1x64xf32, #tpu.memory_space<vmem>> -> memref<64xf32, #tpu.memory_space<vmem>>
      %dma_start3A_164 = arith.constant 0 : i32
      %dma_start3A_165 = tpu.memref_slice %arg4[%squeeze3A_160, %dma_start3A_164] : memref<1000000x64xf32, #tpu.memory_space<hbm>> -> memref<1x64xf32, #tpu.memory_space<hbm>>
      %dma_start3A_166 = tpu.memref_squeeze %dma_start3A_165 : memref<1x64xf32, #tpu.memory_space<hbm>> -> memref<64xf32, #tpu.memory_space<hbm>>
      %dma_start3A_167 = arith.constant 0 : i32
      %dma_start3A_168 = tpu.memref_slice %arg9[%add3A_158, %dma_start3A_167] : memref<256x64xf32, #tpu.memory_space<vmem>> -> memref<1x64xf32, #tpu.memory_space<vmem>>
      %dma_start3A_169 = tpu.memref_squeeze %dma_start3A_168 : memref<1x64xf32, #tpu.memory_space<vmem>> -> memref<64xf32, #tpu.memory_space<vmem>>
      %dma_start3A_170 = arith.constant 0 : i32
      %dma_start3A_171 = tpu.memref_slice %arg4[%squeeze3A_160, %dma_start3A_170] : memref<1000000x64xf32, #tpu.memory_space<hbm>> -> memref<1x64xf32, #tpu.memory_space<hbm>>
      %dma_start3A_172 = tpu.memref_squeeze %dma_start3A_171 : memref<1x64xf32, #tpu.memory_space<hbm>> -> memref<64xf32, #tpu.memory_space<hbm>>
      tpu.enqueue_dma source(%dma_start3A_172 : memref<64xf32, #tpu.memory_space<hbm>>) target(%dma_start3A_169 : memref<64xf32, #tpu.memory_space<vmem>>) target_semaphore(%arg12 : memref<!tpu.dma_semaphore, #tpu.memory_space<semaphore_mem>>)
      %slice3A_173 = vector.extract_strided_slice %get3A_61 {offsets = [3], sizes = [1], strides = [1]} : vector<16xi32> to vector<1xi32>
      %squeeze3A_174 = vector.extract %slice3A_173[0] : i32 from vector<1xi32>
      %dma_start3A_175 = arith.constant 0 : i32
      %dma_start3A_176 = tpu.memref_slice %arg10[%add3A_158, %dma_start3A_175] : memref<256x64xf32, #tpu.memory_space<vmem>> -> memref<1x64xf32, #tpu.memory_space<vmem>>
      %dma_start3A_177 = tpu.memref_squeeze %dma_start3A_176 : memref<1x64xf32, #tpu.memory_space<vmem>> -> memref<64xf32, #tpu.memory_space<vmem>>
      %dma_start3A_178 = arith.constant 0 : i32
      %dma_start3A_179 = tpu.memref_slice %arg5[%squeeze3A_174, %dma_start3A_178] : memref<1000000x64xf32, #tpu.memory_space<hbm>> -> memref<1x64xf32, #tpu.memory_space<hbm>>
      %dma_start3A_180 = tpu.memref_squeeze %dma_start3A_179 : memref<1x64xf32, #tpu.memory_space<hbm>> -> memref<64xf32, #tpu.memory_space<hbm>>
      %dma_start3A_181 = arith.constant 0 : i32
      %dma_start3A_182 = tpu.memref_slice %arg10[%add3A_158, %dma_start3A_181] : memref<256x64xf32, #tpu.memory_space<vmem>> -> memref<1x64xf32, #tpu.memory_space<vmem>>
      %dma_start3A_183 = tpu.memref_squeeze %dma_start3A_182 : memref<1x64xf32, #tpu.memory_space<vmem>> -> memref<64xf32, #tpu.memory_space<vmem>>
      %dma_start3A_184 = arith.constant 0 : i32
      %dma_start3A_185 = tpu.memref_slice %arg5[%squeeze3A_174, %dma_start3A_184] : memref<1000000x64xf32, #tpu.memory_space<hbm>> -> memref<1x64xf32, #tpu.memory_space<hbm>>
      %dma_start3A_186 = tpu.memref_squeeze %dma_start3A_185 : memref<1x64xf32, #tpu.memory_space<hbm>> -> memref<64xf32, #tpu.memory_space<hbm>>
      tpu.enqueue_dma source(%dma_start3A_186 : memref<64xf32, #tpu.memory_space<hbm>>) target(%dma_start3A_183 : memref<64xf32, #tpu.memory_space<vmem>>) target_semaphore(%arg12 : memref<!tpu.dma_semaphore, #tpu.memory_space<semaphore_mem>>)
      %mul3A_187 = arith.constant 8 : i32
      %mul3A_188 = arith.muli %scan3A_51, %mul3A_187 : i32
      %add3A_189 = arith.constant 4 : i32
      %add3A_190 = arith.addi %mul3A_188, %add3A_189 : i32
      %slice3A_191 = vector.extract_strided_slice %get3A_57 {offsets = [4], sizes = [1], strides = [1]} : vector<16xi32> to vector<1xi32>
      %squeeze3A_192 = vector.extract %slice3A_191[0] : i32 from vector<1xi32>
      %dma_start3A_193 = arith.constant 0 : i32
      %dma_start3A_194 = tpu.memref_slice %arg9[%add3A_190, %dma_start3A_193] : memref<256x64xf32, #tpu.memory_space<vmem>> -> memref<1x64xf32, #tpu.memory_space<vmem>>
      %dma_start3A_195 = tpu.memref_squeeze %dma_start3A_194 : memref<1x64xf32, #tpu.memory_space<vmem>> -> memref<64xf32, #tpu.memory_space<vmem>>
      %dma_start3A_196 = arith.constant 0 : i32
      %dma_start3A_197 = tpu.memref_slice %arg4[%squeeze3A_192, %dma_start3A_196] : memref<1000000x64xf32, #tpu.memory_space<hbm>> -> memref<1x64xf32, #tpu.memory_space<hbm>>
      %dma_start3A_198 = tpu.memref_squeeze %dma_start3A_197 : memref<1x64xf32, #tpu.memory_space<hbm>> -> memref<64xf32, #tpu.memory_space<hbm>>
      %dma_start3A_199 = arith.constant 0 : i32
      %dma_start3A_200 = tpu.memref_slice %arg9[%add3A_190, %dma_start3A_199] : memref<256x64xf32, #tpu.memory_space<vmem>> -> memref<1x64xf32, #tpu.memory_space<vmem>>
      %dma_start3A_201 = tpu.memref_squeeze %dma_start3A_200 : memref<1x64xf32, #tpu.memory_space<vmem>> -> memref<64xf32, #tpu.memory_space<vmem>>
      %dma_start3A_202 = arith.constant 0 : i32
      %dma_start3A_203 = tpu.memref_slice %arg4[%squeeze3A_192, %dma_start3A_202] : memref<1000000x64xf32, #tpu.memory_space<hbm>> -> memref<1x64xf32, #tpu.memory_space<hbm>>
      %dma_start3A_204 = tpu.memref_squeeze %dma_start3A_203 : memref<1x64xf32, #tpu.memory_space<hbm>> -> memref<64xf32, #tpu.memory_space<hbm>>
      tpu.enqueue_dma source(%dma_start3A_204 : memref<64xf32, #tpu.memory_space<hbm>>) target(%dma_start3A_201 : memref<64xf32, #tpu.memory_space<vmem>>) target_semaphore(%arg12 : memref<!tpu.dma_semaphore, #tpu.memory_space<semaphore_mem>>)
      %slice3A_205 = vector.extract_strided_slice %get3A_61 {offsets = [4], sizes = [1], strides = [1]} : vector<16xi32> to vector<1xi32>
      %squeeze3A_206 = vector.extract %slice3A_205[0] : i32 from vector<1xi32>
      %dma_start3A_207 = arith.constant 0 : i32
      %dma_start3A_208 = tpu.memref_slice %arg10[%add3A_190, %dma_start3A_207] : memref<256x64xf32, #tpu.memory_space<vmem>> -> memref<1x64xf32, #tpu.memory_space<vmem>>
      %dma_start3A_209 = tpu.memref_squeeze %dma_start3A_208 : memref<1x64xf32, #tpu.memory_space<vmem>> -> memref<64xf32, #tpu.memory_space<vmem>>
      %dma_start3A_210 = arith.constant 0 : i32
      %dma_start3A_211 = tpu.memref_slice %arg5[%squeeze3A_206, %dma_start3A_210] : memref<1000000x64xf32, #tpu.memory_space<hbm>> -> memref<1x64xf32, #tpu.memory_space<hbm>>
      %dma_start3A_212 = tpu.memref_squeeze %dma_start3A_211 : memref<1x64xf32, #tpu.memory_space<hbm>> -> memref<64xf32, #tpu.memory_space<hbm>>
      %dma_start3A_213 = arith.constant 0 : i32
      %dma_start3A_214 = tpu.memref_slice %arg10[%add3A_190, %dma_start3A_213] : memref<256x64xf32, #tpu.memory_space<vmem>> -> memref<1x64xf32, #tpu.memory_space<vmem>>
      %dma_start3A_215 = tpu.memref_squeeze %dma_start3A_214 : memref<1x64xf32, #tpu.memory_space<vmem>> -> memref<64xf32, #tpu.memory_space<vmem>>
      %dma_start3A_216 = arith.constant 0 : i32
      %dma_start3A_217 = tpu.memref_slice %arg5[%squeeze3A_206, %dma_start3A_216] : memref<1000000x64xf32, #tpu.memory_space<hbm>> -> memref<1x64xf32, #tpu.memory_space<hbm>>
      %dma_start3A_218 = tpu.memref_squeeze %dma_start3A_217 : memref<1x64xf32, #tpu.memory_space<hbm>> -> memref<64xf32, #tpu.memory_space<hbm>>
      tpu.enqueue_dma source(%dma_start3A_218 : memref<64xf32, #tpu.memory_space<hbm>>) target(%dma_start3A_215 : memref<64xf32, #tpu.memory_space<vmem>>) target_semaphore(%arg12 : memref<!tpu.dma_semaphore, #tpu.memory_space<semaphore_mem>>)
      %mul3A_219 = arith.constant 8 : i32
      %mul3A_220 = arith.muli %scan3A_51, %mul3A_219 : i32
      %add3A_221 = arith.constant 5 : i32
      %add3A_222 = arith.addi %mul3A_220, %add3A_221 : i32
      %slice3A_223 = vector.extract_strided_slice %get3A_57 {offsets = [5], sizes = [1], strides = [1]} : vector<16xi32> to vector<1xi32>
      %squeeze3A_224 = vector.extract %slice3A_223[0] : i32 from vector<1xi32>
      %dma_start3A_225 = arith.constant 0 : i32
      %dma_start3A_226 = tpu.memref_slice %arg9[%add3A_222, %dma_start3A_225] : memref<256x64xf32, #tpu.memory_space<vmem>> -> memref<1x64xf32, #tpu.memory_space<vmem>>
      %dma_start3A_227 = tpu.memref_squeeze %dma_start3A_226 : memref<1x64xf32, #tpu.memory_space<vmem>> -> memref<64xf32, #tpu.memory_space<vmem>>
      %dma_start3A_228 = arith.constant 0 : i32
      %dma_start3A_229 = tpu.memref_slice %arg4[%squeeze3A_224, %dma_start3A_228] : memref<1000000x64xf32, #tpu.memory_space<hbm>> -> memref<1x64xf32, #tpu.memory_space<hbm>>
      %dma_start3A_230 = tpu.memref_squeeze %dma_start3A_229 : memref<1x64xf32, #tpu.memory_space<hbm>> -> memref<64xf32, #tpu.memory_space<hbm>>
      %dma_start3A_231 = arith.constant 0 : i32
      %dma_start3A_232 = tpu.memref_slice %arg9[%add3A_222, %dma_start3A_231] : memref<256x64xf32, #tpu.memory_space<vmem>> -> memref<1x64xf32, #tpu.memory_space<vmem>>
      %dma_start3A_233 = tpu.memref_squeeze %dma_start3A_232 : memref<1x64xf32, #tpu.memory_space<vmem>> -> memref<64xf32, #tpu.memory_space<vmem>>
      %dma_start3A_234 = arith.constant 0 : i32
      %dma_start3A_235 = tpu.memref_slice %arg4[%squeeze3A_224, %dma_start3A_234] : memref<1000000x64xf32, #tpu.memory_space<hbm>> -> memref<1x64xf32, #tpu.memory_space<hbm>>
      %dma_start3A_236 = tpu.memref_squeeze %dma_start3A_235 : memref<1x64xf32, #tpu.memory_space<hbm>> -> memref<64xf32, #tpu.memory_space<hbm>>
      tpu.enqueue_dma source(%dma_start3A_236 : memref<64xf32, #tpu.memory_space<hbm>>) target(%dma_start3A_233 : memref<64xf32, #tpu.memory_space<vmem>>) target_semaphore(%arg12 : memref<!tpu.dma_semaphore, #tpu.memory_space<semaphore_mem>>)
      %slice3A_237 = vector.extract_strided_slice %get3A_61 {offsets = [5], sizes = [1], strides = [1]} : vector<16xi32> to vector<1xi32>
      %squeeze3A_238 = vector.extract %slice3A_237[0] : i32 from vector<1xi32>
      %dma_start3A_239 = arith.constant 0 : i32
      %dma_start3A_240 = tpu.memref_slice %arg10[%add3A_222, %dma_start3A_239] : memref<256x64xf32, #tpu.memory_space<vmem>> -> memref<1x64xf32, #tpu.memory_space<vmem>>
      %dma_start3A_241 = tpu.memref_squeeze %dma_start3A_240 : memref<1x64xf32, #tpu.memory_space<vmem>> -> memref<64xf32, #tpu.memory_space<vmem>>
      %dma_start3A_242 = arith.constant 0 : i32
      %dma_start3A_243 = tpu.memref_slice %arg5[%squeeze3A_238, %dma_start3A_242] : memref<1000000x64xf32, #tpu.memory_space<hbm>> -> memref<1x64xf32, #tpu.memory_space<hbm>>
      %dma_start3A_244 = tpu.memref_squeeze %dma_start3A_243 : memref<1x64xf32, #tpu.memory_space<hbm>> -> memref<64xf32, #tpu.memory_space<hbm>>
      %dma_start3A_245 = arith.constant 0 : i32
      %dma_start3A_246 = tpu.memref_slice %arg10[%add3A_222, %dma_start3A_245] : memref<256x64xf32, #tpu.memory_space<vmem>> -> memref<1x64xf32, #tpu.memory_space<vmem>>
      %dma_start3A_247 = tpu.memref_squeeze %dma_start3A_246 : memref<1x64xf32, #tpu.memory_space<vmem>> -> memref<64xf32, #tpu.memory_space<vmem>>
      %dma_start3A_248 = arith.constant 0 : i32
      %dma_start3A_249 = tpu.memref_slice %arg5[%squeeze3A_238, %dma_start3A_248] : memref<1000000x64xf32, #tpu.memory_space<hbm>> -> memref<1x64xf32, #tpu.memory_space<hbm>>
      %dma_start3A_250 = tpu.memref_squeeze %dma_start3A_249 : memref<1x64xf32, #tpu.memory_space<hbm>> -> memref<64xf32, #tpu.memory_space<hbm>>
      tpu.enqueue_dma source(%dma_start3A_250 : memref<64xf32, #tpu.memory_space<hbm>>) target(%dma_start3A_247 : memref<64xf32, #tpu.memory_space<vmem>>) target_semaphore(%arg12 : memref<!tpu.dma_semaphore, #tpu.memory_space<semaphore_mem>>)
      %mul3A_251 = arith.constant 8 : i32
      %mul3A_252 = arith.muli %scan3A_51, %mul3A_251 : i32
      %add3A_253 = arith.constant 6 : i32
      %add3A_254 = arith.addi %mul3A_252, %add3A_253 : i32
      %slice3A_255 = vector.extract_strided_slice %get3A_57 {offsets = [6], sizes = [1], strides = [1]} : vector<16xi32> to vector<1xi32>
      %squeeze3A_256 = vector.extract %slice3A_255[0] : i32 from vector<1xi32>
      %dma_start3A_257 = arith.constant 0 : i32
      %dma_start3A_258 = tpu.memref_slice %arg9[%add3A_254, %dma_start3A_257] : memref<256x64xf32, #tpu.memory_space<vmem>> -> memref<1x64xf32, #tpu.memory_space<vmem>>
      %dma_start3A_259 = tpu.memref_squeeze %dma_start3A_258 : memref<1x64xf32, #tpu.memory_space<vmem>> -> memref<64xf32, #tpu.memory_space<vmem>>
      %dma_start3A_260 = arith.constant 0 : i32
      %dma_start3A_261 = tpu.memref_slice %arg4[%squeeze3A_256, %dma_start3A_260] : memref<1000000x64xf32, #tpu.memory_space<hbm>> -> memref<1x64xf32, #tpu.memory_space<hbm>>
      %dma_start3A_262 = tpu.memref_squeeze %dma_start3A_261 : memref<1x64xf32, #tpu.memory_space<hbm>> -> memref<64xf32, #tpu.memory_space<hbm>>
      %dma_start3A_263 = arith.constant 0 : i32
      %dma_start3A_264 = tpu.memref_slice %arg9[%add3A_254, %dma_start3A_263] : memref<256x64xf32, #tpu.memory_space<vmem>> -> memref<1x64xf32, #tpu.memory_space<vmem>>
      %dma_start3A_265 = tpu.memref_squeeze %dma_start3A_264 : memref<1x64xf32, #tpu.memory_space<vmem>> -> memref<64xf32, #tpu.memory_space<vmem>>
      %dma_start3A_266 = arith.constant 0 : i32
      %dma_start3A_267 = tpu.memref_slice %arg4[%squeeze3A_256, %dma_start3A_266] : memref<1000000x64xf32, #tpu.memory_space<hbm>> -> memref<1x64xf32, #tpu.memory_space<hbm>>
      %dma_start3A_268 = tpu.memref_squeeze %dma_start3A_267 : memref<1x64xf32, #tpu.memory_space<hbm>> -> memref<64xf32, #tpu.memory_space<hbm>>
      tpu.enqueue_dma source(%dma_start3A_268 : memref<64xf32, #tpu.memory_space<hbm>>) target(%dma_start3A_265 : memref<64xf32, #tpu.memory_space<vmem>>) target_semaphore(%arg12 : memref<!tpu.dma_semaphore, #tpu.memory_space<semaphore_mem>>)
      %slice3A_269 = vector.extract_strided_slice %get3A_61 {offsets = [6], sizes = [1], strides = [1]} : vector<16xi32> to vector<1xi32>
      %squeeze3A_270 = vector.extract %slice3A_269[0] : i32 from vector<1xi32>
      %dma_start3A_271 = arith.constant 0 : i32
      %dma_start3A_272 = tpu.memref_slice %arg10[%add3A_254, %dma_start3A_271] : memref<256x64xf32, #tpu.memory_space<vmem>> -> memref<1x64xf32, #tpu.memory_space<vmem>>
      %dma_start3A_273 = tpu.memref_squeeze %dma_start3A_272 : memref<1x64xf32, #tpu.memory_space<vmem>> -> memref<64xf32, #tpu.memory_space<vmem>>
      %dma_start3A_274 = arith.constant 0 : i32
      %dma_start3A_275 = tpu.memref_slice %arg5[%squeeze3A_270, %dma_start3A_274] : memref<1000000x64xf32, #tpu.memory_space<hbm>> -> memref<1x64xf32, #tpu.memory_space<hbm>>
      %dma_start3A_276 = tpu.memref_squeeze %dma_start3A_275 : memref<1x64xf32, #tpu.memory_space<hbm>> -> memref<64xf32, #tpu.memory_space<hbm>>
      %dma_start3A_277 = arith.constant 0 : i32
      %dma_start3A_278 = tpu.memref_slice %arg10[%add3A_254, %dma_start3A_277] : memref<256x64xf32, #tpu.memory_space<vmem>> -> memref<1x64xf32, #tpu.memory_space<vmem>>
      %dma_start3A_279 = tpu.memref_squeeze %dma_start3A_278 : memref<1x64xf32, #tpu.memory_space<vmem>> -> memref<64xf32, #tpu.memory_space<vmem>>
      %dma_start3A_280 = arith.constant 0 : i32
      %dma_start3A_281 = tpu.memref_slice %arg5[%squeeze3A_270, %dma_start3A_280] : memref<1000000x64xf32, #tpu.memory_space<hbm>> -> memref<1x64xf32, #tpu.memory_space<hbm>>
      %dma_start3A_282 = tpu.memref_squeeze %dma_start3A_281 : memref<1x64xf32, #tpu.memory_space<hbm>> -> memref<64xf32, #tpu.memory_space<hbm>>
      tpu.enqueue_dma source(%dma_start3A_282 : memref<64xf32, #tpu.memory_space<hbm>>) target(%dma_start3A_279 : memref<64xf32, #tpu.memory_space<vmem>>) target_semaphore(%arg12 : memref<!tpu.dma_semaphore, #tpu.memory_space<semaphore_mem>>)
      %mul3A_283 = arith.constant 8 : i32
      %mul3A_284 = arith.muli %scan3A_51, %mul3A_283 : i32
      %add3A_285 = arith.constant 7 : i32
      %add3A_286 = arith.addi %mul3A_284, %add3A_285 : i32
      %slice3A_287 = vector.extract_strided_slice %get3A_57 {offsets = [7], sizes = [1], strides = [1]} : vector<16xi32> to vector<1xi32>
      %squeeze3A_288 = vector.extract %slice3A_287[0] : i32 from vector<1xi32>
      %dma_start3A_289 = arith.constant 0 : i32
      %dma_start3A_290 = tpu.memref_slice %arg9[%add3A_286, %dma_start3A_289] : memref<256x64xf32, #tpu.memory_space<vmem>> -> memref<1x64xf32, #tpu.memory_space<vmem>>
      %dma_start3A_291 = tpu.memref_squeeze %dma_start3A_290 : memref<1x64xf32, #tpu.memory_space<vmem>> -> memref<64xf32, #tpu.memory_space<vmem>>
      %dma_start3A_292 = arith.constant 0 : i32
      %dma_start3A_293 = tpu.memref_slice %arg4[%squeeze3A_288, %dma_start3A_292] : memref<1000000x64xf32, #tpu.memory_space<hbm>> -> memref<1x64xf32, #tpu.memory_space<hbm>>
      %dma_start3A_294 = tpu.memref_squeeze %dma_start3A_293 : memref<1x64xf32, #tpu.memory_space<hbm>> -> memref<64xf32, #tpu.memory_space<hbm>>
      %dma_start3A_295 = arith.constant 0 : i32
      %dma_start3A_296 = tpu.memref_slice %arg9[%add3A_286, %dma_start3A_295] : memref<256x64xf32, #tpu.memory_space<vmem>> -> memref<1x64xf32, #tpu.memory_space<vmem>>
      %dma_start3A_297 = tpu.memref_squeeze %dma_start3A_296 : memref<1x64xf32, #tpu.memory_space<vmem>> -> memref<64xf32, #tpu.memory_space<vmem>>
      %dma_start3A_298 = arith.constant 0 : i32
      %dma_start3A_299 = tpu.memref_slice %arg4[%squeeze3A_288, %dma_start3A_298] : memref<1000000x64xf32, #tpu.memory_space<hbm>> -> memref<1x64xf32, #tpu.memory_space<hbm>>
      %dma_start3A_300 = tpu.memref_squeeze %dma_start3A_299 : memref<1x64xf32, #tpu.memory_space<hbm>> -> memref<64xf32, #tpu.memory_space<hbm>>
      tpu.enqueue_dma source(%dma_start3A_300 : memref<64xf32, #tpu.memory_space<hbm>>) target(%dma_start3A_297 : memref<64xf32, #tpu.memory_space<vmem>>) target_semaphore(%arg12 : memref<!tpu.dma_semaphore, #tpu.memory_space<semaphore_mem>>)
      %slice3A_301 = vector.extract_strided_slice %get3A_61 {offsets = [7], sizes = [1], strides = [1]} : vector<16xi32> to vector<1xi32>
      %squeeze3A_302 = vector.extract %slice3A_301[0] : i32 from vector<1xi32>
      %dma_start3A_303 = arith.constant 0 : i32
      %dma_start3A_304 = tpu.memref_slice %arg10[%add3A_286, %dma_start3A_303] : memref<256x64xf32, #tpu.memory_space<vmem>> -> memref<1x64xf32, #tpu.memory_space<vmem>>
      %dma_start3A_305 = tpu.memref_squeeze %dma_start3A_304 : memref<1x64xf32, #tpu.memory_space<vmem>> -> memref<64xf32, #tpu.memory_space<vmem>>
      %dma_start3A_306 = arith.constant 0 : i32
      %dma_start3A_307 = tpu.memref_slice %arg5[%squeeze3A_302, %dma_start3A_306] : memref<1000000x64xf32, #tpu.memory_space<hbm>> -> memref<1x64xf32, #tpu.memory_space<hbm>>
      %dma_start3A_308 = tpu.memref_squeeze %dma_start3A_307 : memref<1x64xf32, #tpu.memory_space<hbm>> -> memref<64xf32, #tpu.memory_space<hbm>>
      %dma_start3A_309 = arith.constant 0 : i32
      %dma_start3A_310 = tpu.memref_slice %arg10[%add3A_286, %dma_start3A_309] : memref<256x64xf32, #tpu.memory_space<vmem>> -> memref<1x64xf32, #tpu.memory_space<vmem>>
      %dma_start3A_311 = tpu.memref_squeeze %dma_start3A_310 : memref<1x64xf32, #tpu.memory_space<vmem>> -> memref<64xf32, #tpu.memory_space<vmem>>
      %dma_start3A_312 = arith.constant 0 : i32
      %dma_start3A_313 = tpu.memref_slice %arg5[%squeeze3A_302, %dma_start3A_312] : memref<1000000x64xf32, #tpu.memory_space<hbm>> -> memref<1x64xf32, #tpu.memory_space<hbm>>
      %dma_start3A_314 = tpu.memref_squeeze %dma_start3A_313 : memref<1x64xf32, #tpu.memory_space<hbm>> -> memref<64xf32, #tpu.memory_space<hbm>>
      tpu.enqueue_dma source(%dma_start3A_314 : memref<64xf32, #tpu.memory_space<hbm>>) target(%dma_start3A_311 : memref<64xf32, #tpu.memory_space<vmem>>) target_semaphore(%arg12 : memref<!tpu.dma_semaphore, #tpu.memory_space<semaphore_mem>>)
      %scan3A_315 = arith.constant 0 : i32
      scf.yield %scan3A_315 : i32
    }
    %scan3A_6 = arith.constant 32 : i32
    %dma_wait3A = arith.constant 0 : i32
    %dma_wait3A_7 = arith.constant 0 : i32
    %dma_wait3A_8 = tpu.memref_slice %arg4[%dma_wait3A, %dma_wait3A_7] : memref<1000000x64xf32, #tpu.memory_space<hbm>> -> memref<256x64xf32, #tpu.memory_space<hbm>>
    %dma_wait3A_9 = arith.constant 0 : i32
    %dma_wait3A_10 = arith.constant 0 : i32
    %dma_wait3A_11 = tpu.memref_slice %arg4[%dma_wait3A_9, %dma_wait3A_10] : memref<1000000x64xf32, #tpu.memory_space<hbm>> -> memref<256x64xf32, #tpu.memory_space<hbm>>
    tpu.wait_dma2 semaphore(%arg12 : memref<!tpu.dma_semaphore, #tpu.memory_space<semaphore_mem>>) src(%dma_wait3A_11 : memref<256x64xf32, #tpu.memory_space<hbm>>) dst(%arg9 : memref<256x64xf32, #tpu.memory_space<vmem>>)
    %dma_wait3A_12 = arith.constant 0 : i32
    %dma_wait3A_13 = arith.constant 0 : i32
    %dma_wait3A_14 = tpu.memref_slice %arg5[%dma_wait3A_12, %dma_wait3A_13] : memref<1000000x64xf32, #tpu.memory_space<hbm>> -> memref<256x64xf32, #tpu.memory_space<hbm>>
    %dma_wait3A_15 = arith.constant 0 : i32
    %dma_wait3A_16 = arith.constant 0 : i32
    %dma_wait3A_17 = tpu.memref_slice %arg5[%dma_wait3A_15, %dma_wait3A_16] : memref<1000000x64xf32, #tpu.memory_space<hbm>> -> memref<256x64xf32, #tpu.memory_space<hbm>>
    tpu.wait_dma2 semaphore(%arg12 : memref<!tpu.dma_semaphore, #tpu.memory_space<semaphore_mem>>) src(%dma_wait3A_17 : memref<256x64xf32, #tpu.memory_space<hbm>>) dst(%arg10 : memref<256x64xf32, #tpu.memory_space<vmem>>)
    %scan3A_18 = arith.constant 0 : i32
    %scan3A_19 = arith.constant 0 : i32
    %scan3A_20 = arith.constant 16 : i32
    %scan3A_21 = arith.addi %scan3A_19, %scan3A_20 : i32
    %scan3A_22 = arith.constant 1 : i32
    %scan3A_23 = scf.for %scan3A_51 = %scan3A_19 to %scan3A_21 step %scan3A_22 iter_args(%scan3A_52 = %scan3A_18) -> (i32)  : i32 {
      %mul3A_53 = arith.constant 16 : i32
      %mul3A_54 = arith.muli %scan3A_51, %mul3A_53 : i32
      %add3A_55 = vector.broadcast %mul3A_54 : i32 to vector<16xi32>
      %add3A_56 = arith.addi %add3A_55, %iota3A : vector<16xi32>
      %broadcast_in_dim3A = arith.constant 0.000000e+00 : f32
      %broadcast_in_dim3A_57 = vector.broadcast %broadcast_in_dim3A : f32 to vector<16xf32>
      %add3A_58 = arith.constant 0 : i32
      %add3A_59 = vector.broadcast %add3A_58 : i32 to vector<16xi32>
      %add3A_60 = arith.addi %iota3A, %add3A_59 : vector<16xi32>
      %and3A = arith.constant 63 : i32
      %and3A_61 = vector.broadcast %and3A : i32 to vector<16xi32>
      %and3A_62 = arith.andi %add3A_60, %and3A_61 : vector<16xi32>
      %gather3A = tpu.vector_load_idx %arg9[%add3A_56, %and3A_62] : memref<256x64xf32, #tpu.memory_space<vmem>>[vector<16xi32>, vector<16xi32>], vector<16xf32>,
      %gather3A_63 = tpu.vector_load_idx %arg10[%add3A_56, %and3A_62] : memref<256x64xf32, #tpu.memory_space<vmem>>[vector<16xi32>, vector<16xi32>], vector<16xf32>,
      %mul3A_64 = arith.mulf %gather3A, %gather3A_63 : vector<16xf32>
      %add3A_65 = arith.addf %broadcast_in_dim3A_57, %mul3A_64 : vector<16xf32>
      %add3A_66 = arith.constant 1 : i32
      %add3A_67 = vector.broadcast %add3A_66 : i32 to vector<16xi32>
      %add3A_68 = arith.addi %iota3A, %add3A_67 : vector<16xi32>
      %and3A_69 = arith.constant 63 : i32
      %and3A_70 = vector.broadcast %and3A_69 : i32 to vector<16xi32>
      %and3A_71 = arith.andi %add3A_68, %and3A_70 : vector<16xi32>
      %gather3A_72 = tpu.vector_load_idx %arg9[%add3A_56, %and3A_71] : memref<256x64xf32, #tpu.memory_space<vmem>>[vector<16xi32>, vector<16xi32>], vector<16xf32>,
      %gather3A_73 = tpu.vector_load_idx %arg10[%add3A_56, %and3A_71] : memref<256x64xf32, #tpu.memory_space<vmem>>[vector<16xi32>, vector<16xi32>], vector<16xf32>,
      %mul3A_74 = arith.mulf %gather3A_72, %gather3A_73 : vector<16xf32>
      %add3A_75 = arith.addf %add3A_65, %mul3A_74 : vector<16xf32>
      %add3A_76 = arith.constant 2 : i32
      %add3A_77 = vector.broadcast %add3A_76 : i32 to vector<16xi32>
      %add3A_78 = arith.addi %iota3A, %add3A_77 : vector<16xi32>
      %and3A_79 = arith.constant 63 : i32
      %and3A_80 = vector.broadcast %and3A_79 : i32 to vector<16xi32>
      %and3A_81 = arith.andi %add3A_78, %and3A_80 : vector<16xi32>
      %gather3A_82 = tpu.vector_load_idx %arg9[%add3A_56, %and3A_81] : memref<256x64xf32, #tpu.memory_space<vmem>>[vector<16xi32>, vector<16xi32>], vector<16xf32>,
      %gather3A_83 = tpu.vector_load_idx %arg10[%add3A_56, %and3A_81] : memref<256x64xf32, #tpu.memory_space<vmem>>[vector<16xi32>, vector<16xi32>], vector<16xf32>,
      %mul3A_84 = arith.mulf %gather3A_82, %gather3A_83 : vector<16xf32>
      %add3A_85 = arith.addf %add3A_75, %mul3A_84 : vector<16xf32>
      %add3A_86 = arith.constant 3 : i32
      %add3A_87 = vector.broadcast %add3A_86 : i32 to vector<16xi32>
      %add3A_88 = arith.addi %iota3A, %add3A_87 : vector<16xi32>
      %and3A_89 = arith.constant 63 : i32
      %and3A_90 = vector.broadcast %and3A_89 : i32 to vector<16xi32>
      %and3A_91 = arith.andi %add3A_88, %and3A_90 : vector<16xi32>
      %gather3A_92 = tpu.vector_load_idx %arg9[%add3A_56, %and3A_91] : memref<256x64xf32, #tpu.memory_space<vmem>>[vector<16xi32>, vector<16xi32>], vector<16xf32>,
      %gather3A_93 = tpu.vector_load_idx %arg10[%add3A_56, %and3A_91] : memref<256x64xf32, #tpu.memory_space<vmem>>[vector<16xi32>, vector<16xi32>], vector<16xf32>,
      %mul3A_94 = arith.mulf %gather3A_92, %gather3A_93 : vector<16xf32>
      %add3A_95 = arith.addf %add3A_85, %mul3A_94 : vector<16xf32>
      %add3A_96 = arith.constant 4 : i32
      %add3A_97 = vector.broadcast %add3A_96 : i32 to vector<16xi32>
      %add3A_98 = arith.addi %iota3A, %add3A_97 : vector<16xi32>
      %and3A_99 = arith.constant 63 : i32
      %and3A_100 = vector.broadcast %and3A_99 : i32 to vector<16xi32>
      %and3A_101 = arith.andi %add3A_98, %and3A_100 : vector<16xi32>
      %gather3A_102 = tpu.vector_load_idx %arg9[%add3A_56, %and3A_101] : memref<256x64xf32, #tpu.memory_space<vmem>>[vector<16xi32>, vector<16xi32>], vector<16xf32>,
      %gather3A_103 = tpu.vector_load_idx %arg10[%add3A_56, %and3A_101] : memref<256x64xf32, #tpu.memory_space<vmem>>[vector<16xi32>, vector<16xi32>], vector<16xf32>,
      %mul3A_104 = arith.mulf %gather3A_102, %gather3A_103 : vector<16xf32>
      %add3A_105 = arith.addf %add3A_95, %mul3A_104 : vector<16xf32>
      %add3A_106 = arith.constant 5 : i32
      %add3A_107 = vector.broadcast %add3A_106 : i32 to vector<16xi32>
      %add3A_108 = arith.addi %iota3A, %add3A_107 : vector<16xi32>
      %and3A_109 = arith.constant 63 : i32
      %and3A_110 = vector.broadcast %and3A_109 : i32 to vector<16xi32>
      %and3A_111 = arith.andi %add3A_108, %and3A_110 : vector<16xi32>
      %gather3A_112 = tpu.vector_load_idx %arg9[%add3A_56, %and3A_111] : memref<256x64xf32, #tpu.memory_space<vmem>>[vector<16xi32>, vector<16xi32>], vector<16xf32>,
      %gather3A_113 = tpu.vector_load_idx %arg10[%add3A_56, %and3A_111] : memref<256x64xf32, #tpu.memory_space<vmem>>[vector<16xi32>, vector<16xi32>], vector<16xf32>,
      %mul3A_114 = arith.mulf %gather3A_112, %gather3A_113 : vector<16xf32>
      %add3A_115 = arith.addf %add3A_105, %mul3A_114 : vector<16xf32>
      %add3A_116 = arith.constant 6 : i32
      %add3A_117 = vector.broadcast %add3A_116 : i32 to vector<16xi32>
      %add3A_118 = arith.addi %iota3A, %add3A_117 : vector<16xi32>
      %and3A_119 = arith.constant 63 : i32
      %and3A_120 = vector.broadcast %and3A_119 : i32 to vector<16xi32>
      %and3A_121 = arith.andi %add3A_118, %and3A_120 : vector<16xi32>
      %gather3A_122 = tpu.vector_load_idx %arg9[%add3A_56, %and3A_121] : memref<256x64xf32, #tpu.memory_space<vmem>>[vector<16xi32>, vector<16xi32>], vector<16xf32>,
      %gather3A_123 = tpu.vector_load_idx %arg10[%add3A_56, %and3A_121] : memref<256x64xf32, #tpu.memory_space<vmem>>[vector<16xi32>, vector<16xi32>], vector<16xf32>,
      %mul3A_124 = arith.mulf %gather3A_122, %gather3A_123 : vector<16xf32>
      %add3A_125 = arith.addf %add3A_115, %mul3A_124 : vector<16xf32>
      %add3A_126 = arith.constant 7 : i32
      %add3A_127 = vector.broadcast %add3A_126 : i32 to vector<16xi32>
      %add3A_128 = arith.addi %iota3A, %add3A_127 : vector<16xi32>
      %and3A_129 = arith.constant 63 : i32
      %and3A_130 = vector.broadcast %and3A_129 : i32 to vector<16xi32>
      %and3A_131 = arith.andi %add3A_128, %and3A_130 : vector<16xi32>
      %gather3A_132 = tpu.vector_load_idx %arg9[%add3A_56, %and3A_131] : memref<256x64xf32, #tpu.memory_space<vmem>>[vector<16xi32>, vector<16xi32>], vector<16xf32>,
      %gather3A_133 = tpu.vector_load_idx %arg10[%add3A_56, %and3A_131] : memref<256x64xf32, #tpu.memory_space<vmem>>[vector<16xi32>, vector<16xi32>], vector<16xf32>,
      %mul3A_134 = arith.mulf %gather3A_132, %gather3A_133 : vector<16xf32>
      %add3A_135 = arith.addf %add3A_125, %mul3A_134 : vector<16xf32>
      %add3A_136 = arith.constant 8 : i32
      %add3A_137 = vector.broadcast %add3A_136 : i32 to vector<16xi32>
      %add3A_138 = arith.addi %iota3A, %add3A_137 : vector<16xi32>
      %and3A_139 = arith.constant 63 : i32
      %and3A_140 = vector.broadcast %and3A_139 : i32 to vector<16xi32>
      %and3A_141 = arith.andi %add3A_138, %and3A_140 : vector<16xi32>
      %gather3A_142 = tpu.vector_load_idx %arg9[%add3A_56, %and3A_141] : memref<256x64xf32, #tpu.memory_space<vmem>>[vector<16xi32>, vector<16xi32>], vector<16xf32>,
      %gather3A_143 = tpu.vector_load_idx %arg10[%add3A_56, %and3A_141] : memref<256x64xf32, #tpu.memory_space<vmem>>[vector<16xi32>, vector<16xi32>], vector<16xf32>,
      %mul3A_144 = arith.mulf %gather3A_142, %gather3A_143 : vector<16xf32>
      %add3A_145 = arith.addf %add3A_135, %mul3A_144 : vector<16xf32>
      %add3A_146 = arith.constant 9 : i32
      %add3A_147 = vector.broadcast %add3A_146 : i32 to vector<16xi32>
      %add3A_148 = arith.addi %iota3A, %add3A_147 : vector<16xi32>
      %and3A_149 = arith.constant 63 : i32
      %and3A_150 = vector.broadcast %and3A_149 : i32 to vector<16xi32>
      %and3A_151 = arith.andi %add3A_148, %and3A_150 : vector<16xi32>
      %gather3A_152 = tpu.vector_load_idx %arg9[%add3A_56, %and3A_151] : memref<256x64xf32, #tpu.memory_space<vmem>>[vector<16xi32>, vector<16xi32>], vector<16xf32>,
      %gather3A_153 = tpu.vector_load_idx %arg10[%add3A_56, %and3A_151] : memref<256x64xf32, #tpu.memory_space<vmem>>[vector<16xi32>, vector<16xi32>], vector<16xf32>,
      %mul3A_154 = arith.mulf %gather3A_152, %gather3A_153 : vector<16xf32>
      %add3A_155 = arith.addf %add3A_145, %mul3A_154 : vector<16xf32>
      %add3A_156 = arith.constant 10 : i32
      %add3A_157 = vector.broadcast %add3A_156 : i32 to vector<16xi32>
      %add3A_158 = arith.addi %iota3A, %add3A_157 : vector<16xi32>
      %and3A_159 = arith.constant 63 : i32
      %and3A_160 = vector.broadcast %and3A_159 : i32 to vector<16xi32>
      %and3A_161 = arith.andi %add3A_158, %and3A_160 : vector<16xi32>
      %gather3A_162 = tpu.vector_load_idx %arg9[%add3A_56, %and3A_161] : memref<256x64xf32, #tpu.memory_space<vmem>>[vector<16xi32>, vector<16xi32>], vector<16xf32>,
      %gather3A_163 = tpu.vector_load_idx %arg10[%add3A_56, %and3A_161] : memref<256x64xf32, #tpu.memory_space<vmem>>[vector<16xi32>, vector<16xi32>], vector<16xf32>,
      %mul3A_164 = arith.mulf %gather3A_162, %gather3A_163 : vector<16xf32>
      %add3A_165 = arith.addf %add3A_155, %mul3A_164 : vector<16xf32>
      %add3A_166 = arith.constant 11 : i32
      %add3A_167 = vector.broadcast %add3A_166 : i32 to vector<16xi32>
      %add3A_168 = arith.addi %iota3A, %add3A_167 : vector<16xi32>
      %and3A_169 = arith.constant 63 : i32
      %and3A_170 = vector.broadcast %and3A_169 : i32 to vector<16xi32>
      %and3A_171 = arith.andi %add3A_168, %and3A_170 : vector<16xi32>
      %gather3A_172 = tpu.vector_load_idx %arg9[%add3A_56, %and3A_171] : memref<256x64xf32, #tpu.memory_space<vmem>>[vector<16xi32>, vector<16xi32>], vector<16xf32>,
      %gather3A_173 = tpu.vector_load_idx %arg10[%add3A_56, %and3A_171] : memref<256x64xf32, #tpu.memory_space<vmem>>[vector<16xi32>, vector<16xi32>], vector<16xf32>,
      %mul3A_174 = arith.mulf %gather3A_172, %gather3A_173 : vector<16xf32>
      %add3A_175 = arith.addf %add3A_165, %mul3A_174 : vector<16xf32>
      %add3A_176 = arith.constant 12 : i32
      %add3A_177 = vector.broadcast %add3A_176 : i32 to vector<16xi32>
      %add3A_178 = arith.addi %iota3A, %add3A_177 : vector<16xi32>
      %and3A_179 = arith.constant 63 : i32
      %and3A_180 = vector.broadcast %and3A_179 : i32 to vector<16xi32>
      %and3A_181 = arith.andi %add3A_178, %and3A_180 : vector<16xi32>
      %gather3A_182 = tpu.vector_load_idx %arg9[%add3A_56, %and3A_181] : memref<256x64xf32, #tpu.memory_space<vmem>>[vector<16xi32>, vector<16xi32>], vector<16xf32>,
      %gather3A_183 = tpu.vector_load_idx %arg10[%add3A_56, %and3A_181] : memref<256x64xf32, #tpu.memory_space<vmem>>[vector<16xi32>, vector<16xi32>], vector<16xf32>,
      %mul3A_184 = arith.mulf %gather3A_182, %gather3A_183 : vector<16xf32>
      %add3A_185 = arith.addf %add3A_175, %mul3A_184 : vector<16xf32>
      %add3A_186 = arith.constant 13 : i32
      %add3A_187 = vector.broadcast %add3A_186 : i32 to vector<16xi32>
      %add3A_188 = arith.addi %iota3A, %add3A_187 : vector<16xi32>
      %and3A_189 = arith.constant 63 : i32
      %and3A_190 = vector.broadcast %and3A_189 : i32 to vector<16xi32>
      %and3A_191 = arith.andi %add3A_188, %and3A_190 : vector<16xi32>
      %gather3A_192 = tpu.vector_load_idx %arg9[%add3A_56, %and3A_191] : memref<256x64xf32, #tpu.memory_space<vmem>>[vector<16xi32>, vector<16xi32>], vector<16xf32>,
      %gather3A_193 = tpu.vector_load_idx %arg10[%add3A_56, %and3A_191] : memref<256x64xf32, #tpu.memory_space<vmem>>[vector<16xi32>, vector<16xi32>], vector<16xf32>,
      %mul3A_194 = arith.mulf %gather3A_192, %gather3A_193 : vector<16xf32>
      %add3A_195 = arith.addf %add3A_185, %mul3A_194 : vector<16xf32>
      %add3A_196 = arith.constant 14 : i32
      %add3A_197 = vector.broadcast %add3A_196 : i32 to vector<16xi32>
      %add3A_198 = arith.addi %iota3A, %add3A_197 : vector<16xi32>
      %and3A_199 = arith.constant 63 : i32
      %and3A_200 = vector.broadcast %and3A_199 : i32 to vector<16xi32>
      %and3A_201 = arith.andi %add3A_198, %and3A_200 : vector<16xi32>
      %gather3A_202 = tpu.vector_load_idx %arg9[%add3A_56, %and3A_201] : memref<256x64xf32, #tpu.memory_space<vmem>>[vector<16xi32>, vector<16xi32>], vector<16xf32>,
      %gather3A_203 = tpu.vector_load_idx %arg10[%add3A_56, %and3A_201] : memref<256x64xf32, #tpu.memory_space<vmem>>[vector<16xi32>, vector<16xi32>], vector<16xf32>,
      %mul3A_204 = arith.mulf %gather3A_202, %gather3A_203 : vector<16xf32>
      %add3A_205 = arith.addf %add3A_195, %mul3A_204 : vector<16xf32>
      %add3A_206 = arith.constant 15 : i32
      %add3A_207 = vector.broadcast %add3A_206 : i32 to vector<16xi32>
      %add3A_208 = arith.addi %iota3A, %add3A_207 : vector<16xi32>
      %and3A_209 = arith.constant 63 : i32
      %and3A_210 = vector.broadcast %and3A_209 : i32 to vector<16xi32>
      %and3A_211 = arith.andi %add3A_208, %and3A_210 : vector<16xi32>
      %gather3A_212 = tpu.vector_load_idx %arg9[%add3A_56, %and3A_211] : memref<256x64xf32, #tpu.memory_space<vmem>>[vector<16xi32>, vector<16xi32>], vector<16xf32>,
      %gather3A_213 = tpu.vector_load_idx %arg10[%add3A_56, %and3A_211] : memref<256x64xf32, #tpu.memory_space<vmem>>[vector<16xi32>, vector<16xi32>], vector<16xf32>,
      %mul3A_214 = arith.mulf %gather3A_212, %gather3A_213 : vector<16xf32>
      %add3A_215 = arith.addf %add3A_205, %mul3A_214 : vector<16xf32>
      %add3A_216 = arith.constant 16 : i32
      %add3A_217 = vector.broadcast %add3A_216 : i32 to vector<16xi32>
      %add3A_218 = arith.addi %iota3A, %add3A_217 : vector<16xi32>
      %and3A_219 = arith.constant 63 : i32
      %and3A_220 = vector.broadcast %and3A_219 : i32 to vector<16xi32>
      %and3A_221 = arith.andi %add3A_218, %and3A_220 : vector<16xi32>
      %gather3A_222 = tpu.vector_load_idx %arg9[%add3A_56, %and3A_221] : memref<256x64xf32, #tpu.memory_space<vmem>>[vector<16xi32>, vector<16xi32>], vector<16xf32>,
      %gather3A_223 = tpu.vector_load_idx %arg10[%add3A_56, %and3A_221] : memref<256x64xf32, #tpu.memory_space<vmem>>[vector<16xi32>, vector<16xi32>], vector<16xf32>,
      %mul3A_224 = arith.mulf %gather3A_222, %gather3A_223 : vector<16xf32>
      %add3A_225 = arith.addf %add3A_215, %mul3A_224 : vector<16xf32>
      %add3A_226 = arith.constant 17 : i32
      %add3A_227 = vector.broadcast %add3A_226 : i32 to vector<16xi32>
      %add3A_228 = arith.addi %iota3A, %add3A_227 : vector<16xi32>
      %and3A_229 = arith.constant 63 : i32
      %and3A_230 = vector.broadcast %and3A_229 : i32 to vector<16xi32>
      %and3A_231 = arith.andi %add3A_228, %and3A_230 : vector<16xi32>
      %gather3A_232 = tpu.vector_load_idx %arg9[%add3A_56, %and3A_231] : memref<256x64xf32, #tpu.memory_space<vmem>>[vector<16xi32>, vector<16xi32>], vector<16xf32>,
      %gather3A_233 = tpu.vector_load_idx %arg10[%add3A_56, %and3A_231] : memref<256x64xf32, #tpu.memory_space<vmem>>[vector<16xi32>, vector<16xi32>], vector<16xf32>,
      %mul3A_234 = arith.mulf %gather3A_232, %gather3A_233 : vector<16xf32>
      %add3A_235 = arith.addf %add3A_225, %mul3A_234 : vector<16xf32>
      %add3A_236 = arith.constant 18 : i32
      %add3A_237 = vector.broadcast %add3A_236 : i32 to vector<16xi32>
      %add3A_238 = arith.addi %iota3A, %add3A_237 : vector<16xi32>
      %and3A_239 = arith.constant 63 : i32
      %and3A_240 = vector.broadcast %and3A_239 : i32 to vector<16xi32>
      %and3A_241 = arith.andi %add3A_238, %and3A_240 : vector<16xi32>
      %gather3A_242 = tpu.vector_load_idx %arg9[%add3A_56, %and3A_241] : memref<256x64xf32, #tpu.memory_space<vmem>>[vector<16xi32>, vector<16xi32>], vector<16xf32>,
      %gather3A_243 = tpu.vector_load_idx %arg10[%add3A_56, %and3A_241] : memref<256x64xf32, #tpu.memory_space<vmem>>[vector<16xi32>, vector<16xi32>], vector<16xf32>,
      %mul3A_244 = arith.mulf %gather3A_242, %gather3A_243 : vector<16xf32>
      %add3A_245 = arith.addf %add3A_235, %mul3A_244 : vector<16xf32>
      %add3A_246 = arith.constant 19 : i32
      %add3A_247 = vector.broadcast %add3A_246 : i32 to vector<16xi32>
      %add3A_248 = arith.addi %iota3A, %add3A_247 : vector<16xi32>
      %and3A_249 = arith.constant 63 : i32
      %and3A_250 = vector.broadcast %and3A_249 : i32 to vector<16xi32>
      %and3A_251 = arith.andi %add3A_248, %and3A_250 : vector<16xi32>
      %gather3A_252 = tpu.vector_load_idx %arg9[%add3A_56, %and3A_251] : memref<256x64xf32, #tpu.memory_space<vmem>>[vector<16xi32>, vector<16xi32>], vector<16xf32>,
      %gather3A_253 = tpu.vector_load_idx %arg10[%add3A_56, %and3A_251] : memref<256x64xf32, #tpu.memory_space<vmem>>[vector<16xi32>, vector<16xi32>], vector<16xf32>,
      %mul3A_254 = arith.mulf %gather3A_252, %gather3A_253 : vector<16xf32>
      %add3A_255 = arith.addf %add3A_245, %mul3A_254 : vector<16xf32>
      %add3A_256 = arith.constant 20 : i32
      %add3A_257 = vector.broadcast %add3A_256 : i32 to vector<16xi32>
      %add3A_258 = arith.addi %iota3A, %add3A_257 : vector<16xi32>
      %and3A_259 = arith.constant 63 : i32
      %and3A_260 = vector.broadcast %and3A_259 : i32 to vector<16xi32>
      %and3A_261 = arith.andi %add3A_258, %and3A_260 : vector<16xi32>
      %gather3A_262 = tpu.vector_load_idx %arg9[%add3A_56, %and3A_261] : memref<256x64xf32, #tpu.memory_space<vmem>>[vector<16xi32>, vector<16xi32>], vector<16xf32>,
      %gather3A_263 = tpu.vector_load_idx %arg10[%add3A_56, %and3A_261] : memref<256x64xf32, #tpu.memory_space<vmem>>[vector<16xi32>, vector<16xi32>], vector<16xf32>,
      %mul3A_264 = arith.mulf %gather3A_262, %gather3A_263 : vector<16xf32>
      %add3A_265 = arith.addf %add3A_255, %mul3A_264 : vector<16xf32>
      %add3A_266 = arith.constant 21 : i32
      %add3A_267 = vector.broadcast %add3A_266 : i32 to vector<16xi32>
      %add3A_268 = arith.addi %iota3A, %add3A_267 : vector<16xi32>
      %and3A_269 = arith.constant 63 : i32
      %and3A_270 = vector.broadcast %and3A_269 : i32 to vector<16xi32>
      %and3A_271 = arith.andi %add3A_268, %and3A_270 : vector<16xi32>
      %gather3A_272 = tpu.vector_load_idx %arg9[%add3A_56, %and3A_271] : memref<256x64xf32, #tpu.memory_space<vmem>>[vector<16xi32>, vector<16xi32>], vector<16xf32>,
      %gather3A_273 = tpu.vector_load_idx %arg10[%add3A_56, %and3A_271] : memref<256x64xf32, #tpu.memory_space<vmem>>[vector<16xi32>, vector<16xi32>], vector<16xf32>,
      %mul3A_274 = arith.mulf %gather3A_272, %gather3A_273 : vector<16xf32>
      %add3A_275 = arith.addf %add3A_265, %mul3A_274 : vector<16xf32>
      %add3A_276 = arith.constant 22 : i32
      %add3A_277 = vector.broadcast %add3A_276 : i32 to vector<16xi32>
      %add3A_278 = arith.addi %iota3A, %add3A_277 : vector<16xi32>
      %and3A_279 = arith.constant 63 : i32
      %and3A_280 = vector.broadcast %and3A_279 : i32 to vector<16xi32>
      %and3A_281 = arith.andi %add3A_278, %and3A_280 : vector<16xi32>
      %gather3A_282 = tpu.vector_load_idx %arg9[%add3A_56, %and3A_281] : memref<256x64xf32, #tpu.memory_space<vmem>>[vector<16xi32>, vector<16xi32>], vector<16xf32>,
      %gather3A_283 = tpu.vector_load_idx %arg10[%add3A_56, %and3A_281] : memref<256x64xf32, #tpu.memory_space<vmem>>[vector<16xi32>, vector<16xi32>], vector<16xf32>,
      %mul3A_284 = arith.mulf %gather3A_282, %gather3A_283 : vector<16xf32>
      %add3A_285 = arith.addf %add3A_275, %mul3A_284 : vector<16xf32>
      %add3A_286 = arith.constant 23 : i32
      %add3A_287 = vector.broadcast %add3A_286 : i32 to vector<16xi32>
      %add3A_288 = arith.addi %iota3A, %add3A_287 : vector<16xi32>
      %and3A_289 = arith.constant 63 : i32
      %and3A_290 = vector.broadcast %and3A_289 : i32 to vector<16xi32>
      %and3A_291 = arith.andi %add3A_288, %and3A_290 : vector<16xi32>
      %gather3A_292 = tpu.vector_load_idx %arg9[%add3A_56, %and3A_291] : memref<256x64xf32, #tpu.memory_space<vmem>>[vector<16xi32>, vector<16xi32>], vector<16xf32>,
      %gather3A_293 = tpu.vector_load_idx %arg10[%add3A_56, %and3A_291] : memref<256x64xf32, #tpu.memory_space<vmem>>[vector<16xi32>, vector<16xi32>], vector<16xf32>,
      %mul3A_294 = arith.mulf %gather3A_292, %gather3A_293 : vector<16xf32>
      %add3A_295 = arith.addf %add3A_285, %mul3A_294 : vector<16xf32>
      %add3A_296 = arith.constant 24 : i32
      %add3A_297 = vector.broadcast %add3A_296 : i32 to vector<16xi32>
      %add3A_298 = arith.addi %iota3A, %add3A_297 : vector<16xi32>
      %and3A_299 = arith.constant 63 : i32
      %and3A_300 = vector.broadcast %and3A_299 : i32 to vector<16xi32>
      %and3A_301 = arith.andi %add3A_298, %and3A_300 : vector<16xi32>
      %gather3A_302 = tpu.vector_load_idx %arg9[%add3A_56, %and3A_301] : memref<256x64xf32, #tpu.memory_space<vmem>>[vector<16xi32>, vector<16xi32>], vector<16xf32>,
      %gather3A_303 = tpu.vector_load_idx %arg10[%add3A_56, %and3A_301] : memref<256x64xf32, #tpu.memory_space<vmem>>[vector<16xi32>, vector<16xi32>], vector<16xf32>,
      %mul3A_304 = arith.mulf %gather3A_302, %gather3A_303 : vector<16xf32>
      %add3A_305 = arith.addf %add3A_295, %mul3A_304 : vector<16xf32>
      %add3A_306 = arith.constant 25 : i32
      %add3A_307 = vector.broadcast %add3A_306 : i32 to vector<16xi32>
      %add3A_308 = arith.addi %iota3A, %add3A_307 : vector<16xi32>
      %and3A_309 = arith.constant 63 : i32
      %and3A_310 = vector.broadcast %and3A_309 : i32 to vector<16xi32>
      %and3A_311 = arith.andi %add3A_308, %and3A_310 : vector<16xi32>
      %gather3A_312 = tpu.vector_load_idx %arg9[%add3A_56, %and3A_311] : memref<256x64xf32, #tpu.memory_space<vmem>>[vector<16xi32>, vector<16xi32>], vector<16xf32>,
      %gather3A_313 = tpu.vector_load_idx %arg10[%add3A_56, %and3A_311] : memref<256x64xf32, #tpu.memory_space<vmem>>[vector<16xi32>, vector<16xi32>], vector<16xf32>,
      %mul3A_314 = arith.mulf %gather3A_312, %gather3A_313 : vector<16xf32>
      %add3A_315 = arith.addf %add3A_305, %mul3A_314 : vector<16xf32>
      %add3A_316 = arith.constant 26 : i32
      %add3A_317 = vector.broadcast %add3A_316 : i32 to vector<16xi32>
      %add3A_318 = arith.addi %iota3A, %add3A_317 : vector<16xi32>
      %and3A_319 = arith.constant 63 : i32
      %and3A_320 = vector.broadcast %and3A_319 : i32 to vector<16xi32>
      %and3A_321 = arith.andi %add3A_318, %and3A_320 : vector<16xi32>
      %gather3A_322 = tpu.vector_load_idx %arg9[%add3A_56, %and3A_321] : memref<256x64xf32, #tpu.memory_space<vmem>>[vector<16xi32>, vector<16xi32>], vector<16xf32>,
      %gather3A_323 = tpu.vector_load_idx %arg10[%add3A_56, %and3A_321] : memref<256x64xf32, #tpu.memory_space<vmem>>[vector<16xi32>, vector<16xi32>], vector<16xf32>,
      %mul3A_324 = arith.mulf %gather3A_322, %gather3A_323 : vector<16xf32>
      %add3A_325 = arith.addf %add3A_315, %mul3A_324 : vector<16xf32>
      %add3A_326 = arith.constant 27 : i32
      %add3A_327 = vector.broadcast %add3A_326 : i32 to vector<16xi32>
      %add3A_328 = arith.addi %iota3A, %add3A_327 : vector<16xi32>
      %and3A_329 = arith.constant 63 : i32
      %and3A_330 = vector.broadcast %and3A_329 : i32 to vector<16xi32>
      %and3A_331 = arith.andi %add3A_328, %and3A_330 : vector<16xi32>
      %gather3A_332 = tpu.vector_load_idx %arg9[%add3A_56, %and3A_331] : memref<256x64xf32, #tpu.memory_space<vmem>>[vector<16xi32>, vector<16xi32>], vector<16xf32>,
      %gather3A_333 = tpu.vector_load_idx %arg10[%add3A_56, %and3A_331] : memref<256x64xf32, #tpu.memory_space<vmem>>[vector<16xi32>, vector<16xi32>], vector<16xf32>,
      %mul3A_334 = arith.mulf %gather3A_332, %gather3A_333 : vector<16xf32>
      %add3A_335 = arith.addf %add3A_325, %mul3A_334 : vector<16xf32>
      %add3A_336 = arith.constant 28 : i32
      %add3A_337 = vector.broadcast %add3A_336 : i32 to vector<16xi32>
      %add3A_338 = arith.addi %iota3A, %add3A_337 : vector<16xi32>
      %and3A_339 = arith.constant 63 : i32
      %and3A_340 = vector.broadcast %and3A_339 : i32 to vector<16xi32>
      %and3A_341 = arith.andi %add3A_338, %and3A_340 : vector<16xi32>
      %gather3A_342 = tpu.vector_load_idx %arg9[%add3A_56, %and3A_341] : memref<256x64xf32, #tpu.memory_space<vmem>>[vector<16xi32>, vector<16xi32>], vector<16xf32>,
      %gather3A_343 = tpu.vector_load_idx %arg10[%add3A_56, %and3A_341] : memref<256x64xf32, #tpu.memory_space<vmem>>[vector<16xi32>, vector<16xi32>], vector<16xf32>,
      %mul3A_344 = arith.mulf %gather3A_342, %gather3A_343 : vector<16xf32>
      %add3A_345 = arith.addf %add3A_335, %mul3A_344 : vector<16xf32>
      %add3A_346 = arith.constant 29 : i32
      %add3A_347 = vector.broadcast %add3A_346 : i32 to vector<16xi32>
      %add3A_348 = arith.addi %iota3A, %add3A_347 : vector<16xi32>
      %and3A_349 = arith.constant 63 : i32
      %and3A_350 = vector.broadcast %and3A_349 : i32 to vector<16xi32>
      %and3A_351 = arith.andi %add3A_348, %and3A_350 : vector<16xi32>
      %gather3A_352 = tpu.vector_load_idx %arg9[%add3A_56, %and3A_351] : memref<256x64xf32, #tpu.memory_space<vmem>>[vector<16xi32>, vector<16xi32>], vector<16xf32>,
      %gather3A_353 = tpu.vector_load_idx %arg10[%add3A_56, %and3A_351] : memref<256x64xf32, #tpu.memory_space<vmem>>[vector<16xi32>, vector<16xi32>], vector<16xf32>,
      %mul3A_354 = arith.mulf %gather3A_352, %gather3A_353 : vector<16xf32>
      %add3A_355 = arith.addf %add3A_345, %mul3A_354 : vector<16xf32>
      %add3A_356 = arith.constant 30 : i32
      %add3A_357 = vector.broadcast %add3A_356 : i32 to vector<16xi32>
      %add3A_358 = arith.addi %iota3A, %add3A_357 : vector<16xi32>
      %and3A_359 = arith.constant 63 : i32
      %and3A_360 = vector.broadcast %and3A_359 : i32 to vector<16xi32>
      %and3A_361 = arith.andi %add3A_358, %and3A_360 : vector<16xi32>
      %gather3A_362 = tpu.vector_load_idx %arg9[%add3A_56, %and3A_361] : memref<256x64xf32, #tpu.memory_space<vmem>>[vector<16xi32>, vector<16xi32>], vector<16xf32>,
      %gather3A_363 = tpu.vector_load_idx %arg10[%add3A_56, %and3A_361] : memref<256x64xf32, #tpu.memory_space<vmem>>[vector<16xi32>, vector<16xi32>], vector<16xf32>,
      %mul3A_364 = arith.mulf %gather3A_362, %gather3A_363 : vector<16xf32>
      %add3A_365 = arith.addf %add3A_355, %mul3A_364 : vector<16xf32>
      %add3A_366 = arith.constant 31 : i32
      %add3A_367 = vector.broadcast %add3A_366 : i32 to vector<16xi32>
      %add3A_368 = arith.addi %iota3A, %add3A_367 : vector<16xi32>
      %and3A_369 = arith.constant 63 : i32
      %and3A_370 = vector.broadcast %and3A_369 : i32 to vector<16xi32>
      %and3A_371 = arith.andi %add3A_368, %and3A_370 : vector<16xi32>
      %gather3A_372 = tpu.vector_load_idx %arg9[%add3A_56, %and3A_371] : memref<256x64xf32, #tpu.memory_space<vmem>>[vector<16xi32>, vector<16xi32>], vector<16xf32>,
      %gather3A_373 = tpu.vector_load_idx %arg10[%add3A_56, %and3A_371] : memref<256x64xf32, #tpu.memory_space<vmem>>[vector<16xi32>, vector<16xi32>], vector<16xf32>,
      %mul3A_374 = arith.mulf %gather3A_372, %gather3A_373 : vector<16xf32>
      %add3A_375 = arith.addf %add3A_365, %mul3A_374 : vector<16xf32>
      %add3A_376 = arith.constant 32 : i32
      %add3A_377 = vector.broadcast %add3A_376 : i32 to vector<16xi32>
      %add3A_378 = arith.addi %iota3A, %add3A_377 : vector<16xi32>
      %and3A_379 = arith.constant 63 : i32
      %and3A_380 = vector.broadcast %and3A_379 : i32 to vector<16xi32>
      %and3A_381 = arith.andi %add3A_378, %and3A_380 : vector<16xi32>
      %gather3A_382 = tpu.vector_load_idx %arg9[%add3A_56, %and3A_381] : memref<256x64xf32, #tpu.memory_space<vmem>>[vector<16xi32>, vector<16xi32>], vector<16xf32>,
      %gather3A_383 = tpu.vector_load_idx %arg10[%add3A_56, %and3A_381] : memref<256x64xf32, #tpu.memory_space<vmem>>[vector<16xi32>, vector<16xi32>], vector<16xf32>,
      %mul3A_384 = arith.mulf %gather3A_382, %gather3A_383 : vector<16xf32>
      %add3A_385 = arith.addf %add3A_375, %mul3A_384 : vector<16xf32>
      %add3A_386 = arith.constant 33 : i32
      %add3A_387 = vector.broadcast %add3A_386 : i32 to vector<16xi32>
      %add3A_388 = arith.addi %iota3A, %add3A_387 : vector<16xi32>
      %and3A_389 = arith.constant 63 : i32
      %and3A_390 = vector.broadcast %and3A_389 : i32 to vector<16xi32>
      %and3A_391 = arith.andi %add3A_388, %and3A_390 : vector<16xi32>
      %gather3A_392 = tpu.vector_load_idx %arg9[%add3A_56, %and3A_391] : memref<256x64xf32, #tpu.memory_space<vmem>>[vector<16xi32>, vector<16xi32>], vector<16xf32>,
      %gather3A_393 = tpu.vector_load_idx %arg10[%add3A_56, %and3A_391] : memref<256x64xf32, #tpu.memory_space<vmem>>[vector<16xi32>, vector<16xi32>], vector<16xf32>,
      %mul3A_394 = arith.mulf %gather3A_392, %gather3A_393 : vector<16xf32>
      %add3A_395 = arith.addf %add3A_385, %mul3A_394 : vector<16xf32>
      %add3A_396 = arith.constant 34 : i32
      %add3A_397 = vector.broadcast %add3A_396 : i32 to vector<16xi32>
      %add3A_398 = arith.addi %iota3A, %add3A_397 : vector<16xi32>
      %and3A_399 = arith.constant 63 : i32
      %and3A_400 = vector.broadcast %and3A_399 : i32 to vector<16xi32>
      %and3A_401 = arith.andi %add3A_398, %and3A_400 : vector<16xi32>
      %gather3A_402 = tpu.vector_load_idx %arg9[%add3A_56, %and3A_401] : memref<256x64xf32, #tpu.memory_space<vmem>>[vector<16xi32>, vector<16xi32>], vector<16xf32>,
      %gather3A_403 = tpu.vector_load_idx %arg10[%add3A_56, %and3A_401] : memref<256x64xf32, #tpu.memory_space<vmem>>[vector<16xi32>, vector<16xi32>], vector<16xf32>,
      %mul3A_404 = arith.mulf %gather3A_402, %gather3A_403 : vector<16xf32>
      %add3A_405 = arith.addf %add3A_395, %mul3A_404 : vector<16xf32>
      %add3A_406 = arith.constant 35 : i32
      %add3A_407 = vector.broadcast %add3A_406 : i32 to vector<16xi32>
      %add3A_408 = arith.addi %iota3A, %add3A_407 : vector<16xi32>
      %and3A_409 = arith.constant 63 : i32
      %and3A_410 = vector.broadcast %and3A_409 : i32 to vector<16xi32>
      %and3A_411 = arith.andi %add3A_408, %and3A_410 : vector<16xi32>
      %gather3A_412 = tpu.vector_load_idx %arg9[%add3A_56, %and3A_411] : memref<256x64xf32, #tpu.memory_space<vmem>>[vector<16xi32>, vector<16xi32>], vector<16xf32>,
      %gather3A_413 = tpu.vector_load_idx %arg10[%add3A_56, %and3A_411] : memref<256x64xf32, #tpu.memory_space<vmem>>[vector<16xi32>, vector<16xi32>], vector<16xf32>,
      %mul3A_414 = arith.mulf %gather3A_412, %gather3A_413 : vector<16xf32>
      %add3A_415 = arith.addf %add3A_405, %mul3A_414 : vector<16xf32>
      %add3A_416 = arith.constant 36 : i32
      %add3A_417 = vector.broadcast %add3A_416 : i32 to vector<16xi32>
      %add3A_418 = arith.addi %iota3A, %add3A_417 : vector<16xi32>
      %and3A_419 = arith.constant 63 : i32
      %and3A_420 = vector.broadcast %and3A_419 : i32 to vector<16xi32>
      %and3A_421 = arith.andi %add3A_418, %and3A_420 : vector<16xi32>
      %gather3A_422 = tpu.vector_load_idx %arg9[%add3A_56, %and3A_421] : memref<256x64xf32, #tpu.memory_space<vmem>>[vector<16xi32>, vector<16xi32>], vector<16xf32>,
      %gather3A_423 = tpu.vector_load_idx %arg10[%add3A_56, %and3A_421] : memref<256x64xf32, #tpu.memory_space<vmem>>[vector<16xi32>, vector<16xi32>], vector<16xf32>,
      %mul3A_424 = arith.mulf %gather3A_422, %gather3A_423 : vector<16xf32>
      %add3A_425 = arith.addf %add3A_415, %mul3A_424 : vector<16xf32>
      %add3A_426 = arith.constant 37 : i32
      %add3A_427 = vector.broadcast %add3A_426 : i32 to vector<16xi32>
      %add3A_428 = arith.addi %iota3A, %add3A_427 : vector<16xi32>
      %and3A_429 = arith.constant 63 : i32
      %and3A_430 = vector.broadcast %and3A_429 : i32 to vector<16xi32>
      %and3A_431 = arith.andi %add3A_428, %and3A_430 : vector<16xi32>
      %gather3A_432 = tpu.vector_load_idx %arg9[%add3A_56, %and3A_431] : memref<256x64xf32, #tpu.memory_space<vmem>>[vector<16xi32>, vector<16xi32>], vector<16xf32>,
      %gather3A_433 = tpu.vector_load_idx %arg10[%add3A_56, %and3A_431] : memref<256x64xf32, #tpu.memory_space<vmem>>[vector<16xi32>, vector<16xi32>], vector<16xf32>,
      %mul3A_434 = arith.mulf %gather3A_432, %gather3A_433 : vector<16xf32>
      %add3A_435 = arith.addf %add3A_425, %mul3A_434 : vector<16xf32>
      %add3A_436 = arith.constant 38 : i32
      %add3A_437 = vector.broadcast %add3A_436 : i32 to vector<16xi32>
      %add3A_438 = arith.addi %iota3A, %add3A_437 : vector<16xi32>
      %and3A_439 = arith.constant 63 : i32
      %and3A_440 = vector.broadcast %and3A_439 : i32 to vector<16xi32>
      %and3A_441 = arith.andi %add3A_438, %and3A_440 : vector<16xi32>
      %gather3A_442 = tpu.vector_load_idx %arg9[%add3A_56, %and3A_441] : memref<256x64xf32, #tpu.memory_space<vmem>>[vector<16xi32>, vector<16xi32>], vector<16xf32>,
      %gather3A_443 = tpu.vector_load_idx %arg10[%add3A_56, %and3A_441] : memref<256x64xf32, #tpu.memory_space<vmem>>[vector<16xi32>, vector<16xi32>], vector<16xf32>,
      %mul3A_444 = arith.mulf %gather3A_442, %gather3A_443 : vector<16xf32>
      %add3A_445 = arith.addf %add3A_435, %mul3A_444 : vector<16xf32>
      %add3A_446 = arith.constant 39 : i32
      %add3A_447 = vector.broadcast %add3A_446 : i32 to vector<16xi32>
      %add3A_448 = arith.addi %iota3A, %add3A_447 : vector<16xi32>
      %and3A_449 = arith.constant 63 : i32
      %and3A_450 = vector.broadcast %and3A_449 : i32 to vector<16xi32>
      %and3A_451 = arith.andi %add3A_448, %and3A_450 : vector<16xi32>
      %gather3A_452 = tpu.vector_load_idx %arg9[%add3A_56, %and3A_451] : memref<256x64xf32, #tpu.memory_space<vmem>>[vector<16xi32>, vector<16xi32>], vector<16xf32>,
      %gather3A_453 = tpu.vector_load_idx %arg10[%add3A_56, %and3A_451] : memref<256x64xf32, #tpu.memory_space<vmem>>[vector<16xi32>, vector<16xi32>], vector<16xf32>,
      %mul3A_454 = arith.mulf %gather3A_452, %gather3A_453 : vector<16xf32>
      %add3A_455 = arith.addf %add3A_445, %mul3A_454 : vector<16xf32>
      %add3A_456 = arith.constant 40 : i32
      %add3A_457 = vector.broadcast %add3A_456 : i32 to vector<16xi32>
      %add3A_458 = arith.addi %iota3A, %add3A_457 : vector<16xi32>
      %and3A_459 = arith.constant 63 : i32
      %and3A_460 = vector.broadcast %and3A_459 : i32 to vector<16xi32>
      %and3A_461 = arith.andi %add3A_458, %and3A_460 : vector<16xi32>
      %gather3A_462 = tpu.vector_load_idx %arg9[%add3A_56, %and3A_461] : memref<256x64xf32, #tpu.memory_space<vmem>>[vector<16xi32>, vector<16xi32>], vector<16xf32>,
      %gather3A_463 = tpu.vector_load_idx %arg10[%add3A_56, %and3A_461] : memref<256x64xf32, #tpu.memory_space<vmem>>[vector<16xi32>, vector<16xi32>], vector<16xf32>,
      %mul3A_464 = arith.mulf %gather3A_462, %gather3A_463 : vector<16xf32>
      %add3A_465 = arith.addf %add3A_455, %mul3A_464 : vector<16xf32>
      %add3A_466 = arith.constant 41 : i32
      %add3A_467 = vector.broadcast %add3A_466 : i32 to vector<16xi32>
      %add3A_468 = arith.addi %iota3A, %add3A_467 : vector<16xi32>
      %and3A_469 = arith.constant 63 : i32
      %and3A_470 = vector.broadcast %and3A_469 : i32 to vector<16xi32>
      %and3A_471 = arith.andi %add3A_468, %and3A_470 : vector<16xi32>
      %gather3A_472 = tpu.vector_load_idx %arg9[%add3A_56, %and3A_471] : memref<256x64xf32, #tpu.memory_space<vmem>>[vector<16xi32>, vector<16xi32>], vector<16xf32>,
      %gather3A_473 = tpu.vector_load_idx %arg10[%add3A_56, %and3A_471] : memref<256x64xf32, #tpu.memory_space<vmem>>[vector<16xi32>, vector<16xi32>], vector<16xf32>,
      %mul3A_474 = arith.mulf %gather3A_472, %gather3A_473 : vector<16xf32>
      %add3A_475 = arith.addf %add3A_465, %mul3A_474 : vector<16xf32>
      %add3A_476 = arith.constant 42 : i32
      %add3A_477 = vector.broadcast %add3A_476 : i32 to vector<16xi32>
      %add3A_478 = arith.addi %iota3A, %add3A_477 : vector<16xi32>
      %and3A_479 = arith.constant 63 : i32
      %and3A_480 = vector.broadcast %and3A_479 : i32 to vector<16xi32>
      %and3A_481 = arith.andi %add3A_478, %and3A_480 : vector<16xi32>
      %gather3A_482 = tpu.vector_load_idx %arg9[%add3A_56, %and3A_481] : memref<256x64xf32, #tpu.memory_space<vmem>>[vector<16xi32>, vector<16xi32>], vector<16xf32>,
      %gather3A_483 = tpu.vector_load_idx %arg10[%add3A_56, %and3A_481] : memref<256x64xf32, #tpu.memory_space<vmem>>[vector<16xi32>, vector<16xi32>], vector<16xf32>,
      %mul3A_484 = arith.mulf %gather3A_482, %gather3A_483 : vector<16xf32>
      %add3A_485 = arith.addf %add3A_475, %mul3A_484 : vector<16xf32>
      %add3A_486 = arith.constant 43 : i32
      %add3A_487 = vector.broadcast %add3A_486 : i32 to vector<16xi32>
      %add3A_488 = arith.addi %iota3A, %add3A_487 : vector<16xi32>
      %and3A_489 = arith.constant 63 : i32
      %and3A_490 = vector.broadcast %and3A_489 : i32 to vector<16xi32>
      %and3A_491 = arith.andi %add3A_488, %and3A_490 : vector<16xi32>
      %gather3A_492 = tpu.vector_load_idx %arg9[%add3A_56, %and3A_491] : memref<256x64xf32, #tpu.memory_space<vmem>>[vector<16xi32>, vector<16xi32>], vector<16xf32>,
      %gather3A_493 = tpu.vector_load_idx %arg10[%add3A_56, %and3A_491] : memref<256x64xf32, #tpu.memory_space<vmem>>[vector<16xi32>, vector<16xi32>], vector<16xf32>,
      %mul3A_494 = arith.mulf %gather3A_492, %gather3A_493 : vector<16xf32>
      %add3A_495 = arith.addf %add3A_485, %mul3A_494 : vector<16xf32>
      %add3A_496 = arith.constant 44 : i32
      %add3A_497 = vector.broadcast %add3A_496 : i32 to vector<16xi32>
      %add3A_498 = arith.addi %iota3A, %add3A_497 : vector<16xi32>
      %and3A_499 = arith.constant 63 : i32
      %and3A_500 = vector.broadcast %and3A_499 : i32 to vector<16xi32>
      %and3A_501 = arith.andi %add3A_498, %and3A_500 : vector<16xi32>
      %gather3A_502 = tpu.vector_load_idx %arg9[%add3A_56, %and3A_501] : memref<256x64xf32, #tpu.memory_space<vmem>>[vector<16xi32>, vector<16xi32>], vector<16xf32>,
      %gather3A_503 = tpu.vector_load_idx %arg10[%add3A_56, %and3A_501] : memref<256x64xf32, #tpu.memory_space<vmem>>[vector<16xi32>, vector<16xi32>], vector<16xf32>,
      %mul3A_504 = arith.mulf %gather3A_502, %gather3A_503 : vector<16xf32>
      %add3A_505 = arith.addf %add3A_495, %mul3A_504 : vector<16xf32>
      %add3A_506 = arith.constant 45 : i32
      %add3A_507 = vector.broadcast %add3A_506 : i32 to vector<16xi32>
      %add3A_508 = arith.addi %iota3A, %add3A_507 : vector<16xi32>
      %and3A_509 = arith.constant 63 : i32
      %and3A_510 = vector.broadcast %and3A_509 : i32 to vector<16xi32>
      %and3A_511 = arith.andi %add3A_508, %and3A_510 : vector<16xi32>
      %gather3A_512 = tpu.vector_load_idx %arg9[%add3A_56, %and3A_511] : memref<256x64xf32, #tpu.memory_space<vmem>>[vector<16xi32>, vector<16xi32>], vector<16xf32>,
      %gather3A_513 = tpu.vector_load_idx %arg10[%add3A_56, %and3A_511] : memref<256x64xf32, #tpu.memory_space<vmem>>[vector<16xi32>, vector<16xi32>], vector<16xf32>,
      %mul3A_514 = arith.mulf %gather3A_512, %gather3A_513 : vector<16xf32>
      %add3A_515 = arith.addf %add3A_505, %mul3A_514 : vector<16xf32>
      %add3A_516 = arith.constant 46 : i32
      %add3A_517 = vector.broadcast %add3A_516 : i32 to vector<16xi32>
      %add3A_518 = arith.addi %iota3A, %add3A_517 : vector<16xi32>
      %and3A_519 = arith.constant 63 : i32
      %and3A_520 = vector.broadcast %and3A_519 : i32 to vector<16xi32>
      %and3A_521 = arith.andi %add3A_518, %and3A_520 : vector<16xi32>
      %gather3A_522 = tpu.vector_load_idx %arg9[%add3A_56, %and3A_521] : memref<256x64xf32, #tpu.memory_space<vmem>>[vector<16xi32>, vector<16xi32>], vector<16xf32>,
      %gather3A_523 = tpu.vector_load_idx %arg10[%add3A_56, %and3A_521] : memref<256x64xf32, #tpu.memory_space<vmem>>[vector<16xi32>, vector<16xi32>], vector<16xf32>,
      %mul3A_524 = arith.mulf %gather3A_522, %gather3A_523 : vector<16xf32>
      %add3A_525 = arith.addf %add3A_515, %mul3A_524 : vector<16xf32>
      %add3A_526 = arith.constant 47 : i32
      %add3A_527 = vector.broadcast %add3A_526 : i32 to vector<16xi32>
      %add3A_528 = arith.addi %iota3A, %add3A_527 : vector<16xi32>
      %and3A_529 = arith.constant 63 : i32
      %and3A_530 = vector.broadcast %and3A_529 : i32 to vector<16xi32>
      %and3A_531 = arith.andi %add3A_528, %and3A_530 : vector<16xi32>
      %gather3A_532 = tpu.vector_load_idx %arg9[%add3A_56, %and3A_531] : memref<256x64xf32, #tpu.memory_space<vmem>>[vector<16xi32>, vector<16xi32>], vector<16xf32>,
      %gather3A_533 = tpu.vector_load_idx %arg10[%add3A_56, %and3A_531] : memref<256x64xf32, #tpu.memory_space<vmem>>[vector<16xi32>, vector<16xi32>], vector<16xf32>,
      %mul3A_534 = arith.mulf %gather3A_532, %gather3A_533 : vector<16xf32>
      %add3A_535 = arith.addf %add3A_525, %mul3A_534 : vector<16xf32>
      %add3A_536 = arith.constant 48 : i32
      %add3A_537 = vector.broadcast %add3A_536 : i32 to vector<16xi32>
      %add3A_538 = arith.addi %iota3A, %add3A_537 : vector<16xi32>
      %and3A_539 = arith.constant 63 : i32
      %and3A_540 = vector.broadcast %and3A_539 : i32 to vector<16xi32>
      %and3A_541 = arith.andi %add3A_538, %and3A_540 : vector<16xi32>
      %gather3A_542 = tpu.vector_load_idx %arg9[%add3A_56, %and3A_541] : memref<256x64xf32, #tpu.memory_space<vmem>>[vector<16xi32>, vector<16xi32>], vector<16xf32>,
      %gather3A_543 = tpu.vector_load_idx %arg10[%add3A_56, %and3A_541] : memref<256x64xf32, #tpu.memory_space<vmem>>[vector<16xi32>, vector<16xi32>], vector<16xf32>,
      %mul3A_544 = arith.mulf %gather3A_542, %gather3A_543 : vector<16xf32>
      %add3A_545 = arith.addf %add3A_535, %mul3A_544 : vector<16xf32>
      %add3A_546 = arith.constant 49 : i32
      %add3A_547 = vector.broadcast %add3A_546 : i32 to vector<16xi32>
      %add3A_548 = arith.addi %iota3A, %add3A_547 : vector<16xi32>
      %and3A_549 = arith.constant 63 : i32
      %and3A_550 = vector.broadcast %and3A_549 : i32 to vector<16xi32>
      %and3A_551 = arith.andi %add3A_548, %and3A_550 : vector<16xi32>
      %gather3A_552 = tpu.vector_load_idx %arg9[%add3A_56, %and3A_551] : memref<256x64xf32, #tpu.memory_space<vmem>>[vector<16xi32>, vector<16xi32>], vector<16xf32>,
      %gather3A_553 = tpu.vector_load_idx %arg10[%add3A_56, %and3A_551] : memref<256x64xf32, #tpu.memory_space<vmem>>[vector<16xi32>, vector<16xi32>], vector<16xf32>,
      %mul3A_554 = arith.mulf %gather3A_552, %gather3A_553 : vector<16xf32>
      %add3A_555 = arith.addf %add3A_545, %mul3A_554 : vector<16xf32>
      %add3A_556 = arith.constant 50 : i32
      %add3A_557 = vector.broadcast %add3A_556 : i32 to vector<16xi32>
      %add3A_558 = arith.addi %iota3A, %add3A_557 : vector<16xi32>
      %and3A_559 = arith.constant 63 : i32
      %and3A_560 = vector.broadcast %and3A_559 : i32 to vector<16xi32>
      %and3A_561 = arith.andi %add3A_558, %and3A_560 : vector<16xi32>
      %gather3A_562 = tpu.vector_load_idx %arg9[%add3A_56, %and3A_561] : memref<256x64xf32, #tpu.memory_space<vmem>>[vector<16xi32>, vector<16xi32>], vector<16xf32>,
      %gather3A_563 = tpu.vector_load_idx %arg10[%add3A_56, %and3A_561] : memref<256x64xf32, #tpu.memory_space<vmem>>[vector<16xi32>, vector<16xi32>], vector<16xf32>,
      %mul3A_564 = arith.mulf %gather3A_562, %gather3A_563 : vector<16xf32>
      %add3A_565 = arith.addf %add3A_555, %mul3A_564 : vector<16xf32>
      %add3A_566 = arith.constant 51 : i32
      %add3A_567 = vector.broadcast %add3A_566 : i32 to vector<16xi32>
      %add3A_568 = arith.addi %iota3A, %add3A_567 : vector<16xi32>
      %and3A_569 = arith.constant 63 : i32
      %and3A_570 = vector.broadcast %and3A_569 : i32 to vector<16xi32>
      %and3A_571 = arith.andi %add3A_568, %and3A_570 : vector<16xi32>
      %gather3A_572 = tpu.vector_load_idx %arg9[%add3A_56, %and3A_571] : memref<256x64xf32, #tpu.memory_space<vmem>>[vector<16xi32>, vector<16xi32>], vector<16xf32>,
      %gather3A_573 = tpu.vector_load_idx %arg10[%add3A_56, %and3A_571] : memref<256x64xf32, #tpu.memory_space<vmem>>[vector<16xi32>, vector<16xi32>], vector<16xf32>,
      %mul3A_574 = arith.mulf %gather3A_572, %gather3A_573 : vector<16xf32>
      %add3A_575 = arith.addf %add3A_565, %mul3A_574 : vector<16xf32>
      %add3A_576 = arith.constant 52 : i32
      %add3A_577 = vector.broadcast %add3A_576 : i32 to vector<16xi32>
      %add3A_578 = arith.addi %iota3A, %add3A_577 : vector<16xi32>
      %and3A_579 = arith.constant 63 : i32
      %and3A_580 = vector.broadcast %and3A_579 : i32 to vector<16xi32>
      %and3A_581 = arith.andi %add3A_578, %and3A_580 : vector<16xi32>
      %gather3A_582 = tpu.vector_load_idx %arg9[%add3A_56, %and3A_581] : memref<256x64xf32, #tpu.memory_space<vmem>>[vector<16xi32>, vector<16xi32>], vector<16xf32>,
      %gather3A_583 = tpu.vector_load_idx %arg10[%add3A_56, %and3A_581] : memref<256x64xf32, #tpu.memory_space<vmem>>[vector<16xi32>, vector<16xi32>], vector<16xf32>,
      %mul3A_584 = arith.mulf %gather3A_582, %gather3A_583 : vector<16xf32>
      %add3A_585 = arith.addf %add3A_575, %mul3A_584 : vector<16xf32>
      %add3A_586 = arith.constant 53 : i32
      %add3A_587 = vector.broadcast %add3A_586 : i32 to vector<16xi32>
      %add3A_588 = arith.addi %iota3A, %add3A_587 : vector<16xi32>
      %and3A_589 = arith.constant 63 : i32
      %and3A_590 = vector.broadcast %and3A_589 : i32 to vector<16xi32>
      %and3A_591 = arith.andi %add3A_588, %and3A_590 : vector<16xi32>
      %gather3A_592 = tpu.vector_load_idx %arg9[%add3A_56, %and3A_591] : memref<256x64xf32, #tpu.memory_space<vmem>>[vector<16xi32>, vector<16xi32>], vector<16xf32>,
      %gather3A_593 = tpu.vector_load_idx %arg10[%add3A_56, %and3A_591] : memref<256x64xf32, #tpu.memory_space<vmem>>[vector<16xi32>, vector<16xi32>], vector<16xf32>,
      %mul3A_594 = arith.mulf %gather3A_592, %gather3A_593 : vector<16xf32>
      %add3A_595 = arith.addf %add3A_585, %mul3A_594 : vector<16xf32>
      %add3A_596 = arith.constant 54 : i32
      %add3A_597 = vector.broadcast %add3A_596 : i32 to vector<16xi32>
      %add3A_598 = arith.addi %iota3A, %add3A_597 : vector<16xi32>
      %and3A_599 = arith.constant 63 : i32
      %and3A_600 = vector.broadcast %and3A_599 : i32 to vector<16xi32>
      %and3A_601 = arith.andi %add3A_598, %and3A_600 : vector<16xi32>
      %gather3A_602 = tpu.vector_load_idx %arg9[%add3A_56, %and3A_601] : memref<256x64xf32, #tpu.memory_space<vmem>>[vector<16xi32>, vector<16xi32>], vector<16xf32>,
      %gather3A_603 = tpu.vector_load_idx %arg10[%add3A_56, %and3A_601] : memref<256x64xf32, #tpu.memory_space<vmem>>[vector<16xi32>, vector<16xi32>], vector<16xf32>,
      %mul3A_604 = arith.mulf %gather3A_602, %gather3A_603 : vector<16xf32>
      %add3A_605 = arith.addf %add3A_595, %mul3A_604 : vector<16xf32>
      %add3A_606 = arith.constant 55 : i32
      %add3A_607 = vector.broadcast %add3A_606 : i32 to vector<16xi32>
      %add3A_608 = arith.addi %iota3A, %add3A_607 : vector<16xi32>
      %and3A_609 = arith.constant 63 : i32
      %and3A_610 = vector.broadcast %and3A_609 : i32 to vector<16xi32>
      %and3A_611 = arith.andi %add3A_608, %and3A_610 : vector<16xi32>
      %gather3A_612 = tpu.vector_load_idx %arg9[%add3A_56, %and3A_611] : memref<256x64xf32, #tpu.memory_space<vmem>>[vector<16xi32>, vector<16xi32>], vector<16xf32>,
      %gather3A_613 = tpu.vector_load_idx %arg10[%add3A_56, %and3A_611] : memref<256x64xf32, #tpu.memory_space<vmem>>[vector<16xi32>, vector<16xi32>], vector<16xf32>,
      %mul3A_614 = arith.mulf %gather3A_612, %gather3A_613 : vector<16xf32>
      %add3A_615 = arith.addf %add3A_605, %mul3A_614 : vector<16xf32>
      %add3A_616 = arith.constant 56 : i32
      %add3A_617 = vector.broadcast %add3A_616 : i32 to vector<16xi32>
      %add3A_618 = arith.addi %iota3A, %add3A_617 : vector<16xi32>
      %and3A_619 = arith.constant 63 : i32
      %and3A_620 = vector.broadcast %and3A_619 : i32 to vector<16xi32>
      %and3A_621 = arith.andi %add3A_618, %and3A_620 : vector<16xi32>
      %gather3A_622 = tpu.vector_load_idx %arg9[%add3A_56, %and3A_621] : memref<256x64xf32, #tpu.memory_space<vmem>>[vector<16xi32>, vector<16xi32>], vector<16xf32>,
      %gather3A_623 = tpu.vector_load_idx %arg10[%add3A_56, %and3A_621] : memref<256x64xf32, #tpu.memory_space<vmem>>[vector<16xi32>, vector<16xi32>], vector<16xf32>,
      %mul3A_624 = arith.mulf %gather3A_622, %gather3A_623 : vector<16xf32>
      %add3A_625 = arith.addf %add3A_615, %mul3A_624 : vector<16xf32>
      %add3A_626 = arith.constant 57 : i32
      %add3A_627 = vector.broadcast %add3A_626 : i32 to vector<16xi32>
      %add3A_628 = arith.addi %iota3A, %add3A_627 : vector<16xi32>
      %and3A_629 = arith.constant 63 : i32
      %and3A_630 = vector.broadcast %and3A_629 : i32 to vector<16xi32>
      %and3A_631 = arith.andi %add3A_628, %and3A_630 : vector<16xi32>
      %gather3A_632 = tpu.vector_load_idx %arg9[%add3A_56, %and3A_631] : memref<256x64xf32, #tpu.memory_space<vmem>>[vector<16xi32>, vector<16xi32>], vector<16xf32>,
      %gather3A_633 = tpu.vector_load_idx %arg10[%add3A_56, %and3A_631] : memref<256x64xf32, #tpu.memory_space<vmem>>[vector<16xi32>, vector<16xi32>], vector<16xf32>,
      %mul3A_634 = arith.mulf %gather3A_632, %gather3A_633 : vector<16xf32>
      %add3A_635 = arith.addf %add3A_625, %mul3A_634 : vector<16xf32>
      %add3A_636 = arith.constant 58 : i32
      %add3A_637 = vector.broadcast %add3A_636 : i32 to vector<16xi32>
      %add3A_638 = arith.addi %iota3A, %add3A_637 : vector<16xi32>
      %and3A_639 = arith.constant 63 : i32
      %and3A_640 = vector.broadcast %and3A_639 : i32 to vector<16xi32>
      %and3A_641 = arith.andi %add3A_638, %and3A_640 : vector<16xi32>
      %gather3A_642 = tpu.vector_load_idx %arg9[%add3A_56, %and3A_641] : memref<256x64xf32, #tpu.memory_space<vmem>>[vector<16xi32>, vector<16xi32>], vector<16xf32>,
      %gather3A_643 = tpu.vector_load_idx %arg10[%add3A_56, %and3A_641] : memref<256x64xf32, #tpu.memory_space<vmem>>[vector<16xi32>, vector<16xi32>], vector<16xf32>,
      %mul3A_644 = arith.mulf %gather3A_642, %gather3A_643 : vector<16xf32>
      %add3A_645 = arith.addf %add3A_635, %mul3A_644 : vector<16xf32>
      %add3A_646 = arith.constant 59 : i32
      %add3A_647 = vector.broadcast %add3A_646 : i32 to vector<16xi32>
      %add3A_648 = arith.addi %iota3A, %add3A_647 : vector<16xi32>
      %and3A_649 = arith.constant 63 : i32
      %and3A_650 = vector.broadcast %and3A_649 : i32 to vector<16xi32>
      %and3A_651 = arith.andi %add3A_648, %and3A_650 : vector<16xi32>
      %gather3A_652 = tpu.vector_load_idx %arg9[%add3A_56, %and3A_651] : memref<256x64xf32, #tpu.memory_space<vmem>>[vector<16xi32>, vector<16xi32>], vector<16xf32>,
      %gather3A_653 = tpu.vector_load_idx %arg10[%add3A_56, %and3A_651] : memref<256x64xf32, #tpu.memory_space<vmem>>[vector<16xi32>, vector<16xi32>], vector<16xf32>,
      %mul3A_654 = arith.mulf %gather3A_652, %gather3A_653 : vector<16xf32>
      %add3A_655 = arith.addf %add3A_645, %mul3A_654 : vector<16xf32>
      %add3A_656 = arith.constant 60 : i32
      %add3A_657 = vector.broadcast %add3A_656 : i32 to vector<16xi32>
      %add3A_658 = arith.addi %iota3A, %add3A_657 : vector<16xi32>
      %and3A_659 = arith.constant 63 : i32
      %and3A_660 = vector.broadcast %and3A_659 : i32 to vector<16xi32>
      %and3A_661 = arith.andi %add3A_658, %and3A_660 : vector<16xi32>
      %gather3A_662 = tpu.vector_load_idx %arg9[%add3A_56, %and3A_661] : memref<256x64xf32, #tpu.memory_space<vmem>>[vector<16xi32>, vector<16xi32>], vector<16xf32>,
      %gather3A_663 = tpu.vector_load_idx %arg10[%add3A_56, %and3A_661] : memref<256x64xf32, #tpu.memory_space<vmem>>[vector<16xi32>, vector<16xi32>], vector<16xf32>,
      %mul3A_664 = arith.mulf %gather3A_662, %gather3A_663 : vector<16xf32>
      %add3A_665 = arith.addf %add3A_655, %mul3A_664 : vector<16xf32>
      %add3A_666 = arith.constant 61 : i32
      %add3A_667 = vector.broadcast %add3A_666 : i32 to vector<16xi32>
      %add3A_668 = arith.addi %iota3A, %add3A_667 : vector<16xi32>
      %and3A_669 = arith.constant 63 : i32
      %and3A_670 = vector.broadcast %and3A_669 : i32 to vector<16xi32>
      %and3A_671 = arith.andi %add3A_668, %and3A_670 : vector<16xi32>
      %gather3A_672 = tpu.vector_load_idx %arg9[%add3A_56, %and3A_671] : memref<256x64xf32, #tpu.memory_space<vmem>>[vector<16xi32>, vector<16xi32>], vector<16xf32>,
      %gather3A_673 = tpu.vector_load_idx %arg10[%add3A_56, %and3A_671] : memref<256x64xf32, #tpu.memory_space<vmem>>[vector<16xi32>, vector<16xi32>], vector<16xf32>,
      %mul3A_674 = arith.mulf %gather3A_672, %gather3A_673 : vector<16xf32>
      %add3A_675 = arith.addf %add3A_665, %mul3A_674 : vector<16xf32>
      %add3A_676 = arith.constant 62 : i32
      %add3A_677 = vector.broadcast %add3A_676 : i32 to vector<16xi32>
      %add3A_678 = arith.addi %iota3A, %add3A_677 : vector<16xi32>
      %and3A_679 = arith.constant 63 : i32
      %and3A_680 = vector.broadcast %and3A_679 : i32 to vector<16xi32>
      %and3A_681 = arith.andi %add3A_678, %and3A_680 : vector<16xi32>
      %gather3A_682 = tpu.vector_load_idx %arg9[%add3A_56, %and3A_681] : memref<256x64xf32, #tpu.memory_space<vmem>>[vector<16xi32>, vector<16xi32>], vector<16xf32>,
      %gather3A_683 = tpu.vector_load_idx %arg10[%add3A_56, %and3A_681] : memref<256x64xf32, #tpu.memory_space<vmem>>[vector<16xi32>, vector<16xi32>], vector<16xf32>,
      %mul3A_684 = arith.mulf %gather3A_682, %gather3A_683 : vector<16xf32>
      %add3A_685 = arith.addf %add3A_675, %mul3A_684 : vector<16xf32>
      %add3A_686 = arith.constant 63 : i32
      %add3A_687 = vector.broadcast %add3A_686 : i32 to vector<16xi32>
      %add3A_688 = arith.addi %iota3A, %add3A_687 : vector<16xi32>
      %and3A_689 = arith.constant 63 : i32
      %and3A_690 = vector.broadcast %and3A_689 : i32 to vector<16xi32>
      %and3A_691 = arith.andi %add3A_688, %and3A_690 : vector<16xi32>
      %gather3A_692 = tpu.vector_load_idx %arg9[%add3A_56, %and3A_691] : memref<256x64xf32, #tpu.memory_space<vmem>>[vector<16xi32>, vector<16xi32>], vector<16xf32>,
      %gather3A_693 = tpu.vector_load_idx %arg10[%add3A_56, %and3A_691] : memref<256x64xf32, #tpu.memory_space<vmem>>[vector<16xi32>, vector<16xi32>], vector<16xf32>,
      %mul3A_694 = arith.mulf %gather3A_692, %gather3A_693 : vector<16xf32>
      %add3A_695 = arith.addf %add3A_685, %mul3A_694 : vector<16xf32>
      %mul3A_696 = arith.constant 16 : i32
      %mul3A_697 = arith.muli %scan3A_51, %mul3A_696 : i32
      %add3A_698 = arith.constant 0 : i32
      %add3A_699 = arith.addi %add3A_698, %mul3A_697 : i32
      %swap3A = arith.index_cast %add3A_699 : i32 to index
      %swap3A_700 = tpu.vector_load %arg11[%swap3A] {strides = array<i32>} : memref<512xf32, #tpu.memory_space<vmem>>, vector<16xf32>,
      tpu.vector_store %arg11[%swap3A], %add3A_695 {strides = array<i32>} : memref<512xf32, #tpu.memory_space<vmem>>, vector<16xf32>,
      %scan3A_701 = arith.constant 0 : i32
      scf.yield %scan3A_701 : i32
    }
    %scan3A_24 = arith.constant 16 : i32
    %scan3A_25 = arith.constant 0 : i32
    %scan3A_26 = arith.constant 0 : i32
    %scan3A_27 = arith.constant 32 : i32
    %scan3A_28 = arith.addi %scan3A_26, %scan3A_27 : i32
    %scan3A_29 = arith.constant 1 : i32
    %scan3A_30 = scf.for %scan3A_51 = %scan3A_26 to %scan3A_28 step %scan3A_29 iter_args(%scan3A_52 = %scan3A_25) -> (i32)  : i32 {
      %add3A_53 = arith.constant 32 : i32
      %add3A_54 = arith.addi %add3A_53, %scan3A_51 : i32
      %mul3A_55 = arith.constant 8 : i32
      %mul3A_56 = arith.muli %add3A_54, %mul3A_55 : i32
      %get3A = arith.index_cast %mul3A_56 : i32 to index
      %get3A_57 = tpu.vector_load %arg7[%get3A] {strides = array<i32>} : memref<528xi32, #tpu.memory_space<vmem>>, vector<16xi32>,
      %mul3A_58 = arith.constant 8 : i32
      %mul3A_59 = arith.muli %add3A_54, %mul3A_58 : i32
      %get3A_60 = arith.index_cast %mul3A_59 : i32 to index
      %get3A_61 = tpu.vector_load %arg8[%get3A_60] {strides = array<i32>} : memref<528xi32, #tpu.memory_space<vmem>>, vector<16xi32>,
      %mul3A_62 = arith.constant 8 : i32
      %mul3A_63 = arith.muli %scan3A_51, %mul3A_62 : i32
      %add3A_64 = arith.constant 0 : i32
      %add3A_65 = arith.addi %mul3A_63, %add3A_64 : i32
      %slice3A = vector.extract_strided_slice %get3A_57 {offsets = [0], sizes = [1], strides = [1]} : vector<16xi32> to vector<1xi32>
      %squeeze3A = vector.extract %slice3A[0] : i32 from vector<1xi32>
      %dma_start3A = arith.constant 0 : i32
      %dma_start3A_66 = tpu.memref_slice %arg9[%add3A_65, %dma_start3A] : memref<256x64xf32, #tpu.memory_space<vmem>> -> memref<1x64xf32, #tpu.memory_space<vmem>>
      %dma_start3A_67 = tpu.memref_squeeze %dma_start3A_66 : memref<1x64xf32, #tpu.memory_space<vmem>> -> memref<64xf32, #tpu.memory_space<vmem>>
      %dma_start3A_68 = arith.constant 0 : i32
      %dma_start3A_69 = tpu.memref_slice %arg4[%squeeze3A, %dma_start3A_68] : memref<1000000x64xf32, #tpu.memory_space<hbm>> -> memref<1x64xf32, #tpu.memory_space<hbm>>
      %dma_start3A_70 = tpu.memref_squeeze %dma_start3A_69 : memref<1x64xf32, #tpu.memory_space<hbm>> -> memref<64xf32, #tpu.memory_space<hbm>>
      %dma_start3A_71 = arith.constant 0 : i32
      %dma_start3A_72 = tpu.memref_slice %arg9[%add3A_65, %dma_start3A_71] : memref<256x64xf32, #tpu.memory_space<vmem>> -> memref<1x64xf32, #tpu.memory_space<vmem>>
      %dma_start3A_73 = tpu.memref_squeeze %dma_start3A_72 : memref<1x64xf32, #tpu.memory_space<vmem>> -> memref<64xf32, #tpu.memory_space<vmem>>
      %dma_start3A_74 = arith.constant 0 : i32
      %dma_start3A_75 = tpu.memref_slice %arg4[%squeeze3A, %dma_start3A_74] : memref<1000000x64xf32, #tpu.memory_space<hbm>> -> memref<1x64xf32, #tpu.memory_space<hbm>>
      %dma_start3A_76 = tpu.memref_squeeze %dma_start3A_75 : memref<1x64xf32, #tpu.memory_space<hbm>> -> memref<64xf32, #tpu.memory_space<hbm>>
      tpu.enqueue_dma source(%dma_start3A_76 : memref<64xf32, #tpu.memory_space<hbm>>) target(%dma_start3A_73 : memref<64xf32, #tpu.memory_space<vmem>>) target_semaphore(%arg12 : memref<!tpu.dma_semaphore, #tpu.memory_space<semaphore_mem>>)
      %slice3A_77 = vector.extract_strided_slice %get3A_61 {offsets = [0], sizes = [1], strides = [1]} : vector<16xi32> to vector<1xi32>
      %squeeze3A_78 = vector.extract %slice3A_77[0] : i32 from vector<1xi32>
      %dma_start3A_79 = arith.constant 0 : i32
      %dma_start3A_80 = tpu.memref_slice %arg10[%add3A_65, %dma_start3A_79] : memref<256x64xf32, #tpu.memory_space<vmem>> -> memref<1x64xf32, #tpu.memory_space<vmem>>
      %dma_start3A_81 = tpu.memref_squeeze %dma_start3A_80 : memref<1x64xf32, #tpu.memory_space<vmem>> -> memref<64xf32, #tpu.memory_space<vmem>>
      %dma_start3A_82 = arith.constant 0 : i32
      %dma_start3A_83 = tpu.memref_slice %arg5[%squeeze3A_78, %dma_start3A_82] : memref<1000000x64xf32, #tpu.memory_space<hbm>> -> memref<1x64xf32, #tpu.memory_space<hbm>>
      %dma_start3A_84 = tpu.memref_squeeze %dma_start3A_83 : memref<1x64xf32, #tpu.memory_space<hbm>> -> memref<64xf32, #tpu.memory_space<hbm>>
      %dma_start3A_85 = arith.constant 0 : i32
      %dma_start3A_86 = tpu.memref_slice %arg10[%add3A_65, %dma_start3A_85] : memref<256x64xf32, #tpu.memory_space<vmem>> -> memref<1x64xf32, #tpu.memory_space<vmem>>
      %dma_start3A_87 = tpu.memref_squeeze %dma_start3A_86 : memref<1x64xf32, #tpu.memory_space<vmem>> -> memref<64xf32, #tpu.memory_space<vmem>>
      %dma_start3A_88 = arith.constant 0 : i32
      %dma_start3A_89 = tpu.memref_slice %arg5[%squeeze3A_78, %dma_start3A_88] : memref<1000000x64xf32, #tpu.memory_space<hbm>> -> memref<1x64xf32, #tpu.memory_space<hbm>>
      %dma_start3A_90 = tpu.memref_squeeze %dma_start3A_89 : memref<1x64xf32, #tpu.memory_space<hbm>> -> memref<64xf32, #tpu.memory_space<hbm>>
      tpu.enqueue_dma source(%dma_start3A_90 : memref<64xf32, #tpu.memory_space<hbm>>) target(%dma_start3A_87 : memref<64xf32, #tpu.memory_space<vmem>>) target_semaphore(%arg12 : memref<!tpu.dma_semaphore, #tpu.memory_space<semaphore_mem>>)
      %mul3A_91 = arith.constant 8 : i32
      %mul3A_92 = arith.muli %scan3A_51, %mul3A_91 : i32
      %add3A_93 = arith.constant 1 : i32
      %add3A_94 = arith.addi %mul3A_92, %add3A_93 : i32
      %slice3A_95 = vector.extract_strided_slice %get3A_57 {offsets = [1], sizes = [1], strides = [1]} : vector<16xi32> to vector<1xi32>
      %squeeze3A_96 = vector.extract %slice3A_95[0] : i32 from vector<1xi32>
      %dma_start3A_97 = arith.constant 0 : i32
      %dma_start3A_98 = tpu.memref_slice %arg9[%add3A_94, %dma_start3A_97] : memref<256x64xf32, #tpu.memory_space<vmem>> -> memref<1x64xf32, #tpu.memory_space<vmem>>
      %dma_start3A_99 = tpu.memref_squeeze %dma_start3A_98 : memref<1x64xf32, #tpu.memory_space<vmem>> -> memref<64xf32, #tpu.memory_space<vmem>>
      %dma_start3A_100 = arith.constant 0 : i32
      %dma_start3A_101 = tpu.memref_slice %arg4[%squeeze3A_96, %dma_start3A_100] : memref<1000000x64xf32, #tpu.memory_space<hbm>> -> memref<1x64xf32, #tpu.memory_space<hbm>>
      %dma_start3A_102 = tpu.memref_squeeze %dma_start3A_101 : memref<1x64xf32, #tpu.memory_space<hbm>> -> memref<64xf32, #tpu.memory_space<hbm>>
      %dma_start3A_103 = arith.constant 0 : i32
      %dma_start3A_104 = tpu.memref_slice %arg9[%add3A_94, %dma_start3A_103] : memref<256x64xf32, #tpu.memory_space<vmem>> -> memref<1x64xf32, #tpu.memory_space<vmem>>
      %dma_start3A_105 = tpu.memref_squeeze %dma_start3A_104 : memref<1x64xf32, #tpu.memory_space<vmem>> -> memref<64xf32, #tpu.memory_space<vmem>>
      %dma_start3A_106 = arith.constant 0 : i32
      %dma_start3A_107 = tpu.memref_slice %arg4[%squeeze3A_96, %dma_start3A_106] : memref<1000000x64xf32, #tpu.memory_space<hbm>> -> memref<1x64xf32, #tpu.memory_space<hbm>>
      %dma_start3A_108 = tpu.memref_squeeze %dma_start3A_107 : memref<1x64xf32, #tpu.memory_space<hbm>> -> memref<64xf32, #tpu.memory_space<hbm>>
      tpu.enqueue_dma source(%dma_start3A_108 : memref<64xf32, #tpu.memory_space<hbm>>) target(%dma_start3A_105 : memref<64xf32, #tpu.memory_space<vmem>>) target_semaphore(%arg12 : memref<!tpu.dma_semaphore, #tpu.memory_space<semaphore_mem>>)
      %slice3A_109 = vector.extract_strided_slice %get3A_61 {offsets = [1], sizes = [1], strides = [1]} : vector<16xi32> to vector<1xi32>
      %squeeze3A_110 = vector.extract %slice3A_109[0] : i32 from vector<1xi32>
      %dma_start3A_111 = arith.constant 0 : i32
      %dma_start3A_112 = tpu.memref_slice %arg10[%add3A_94, %dma_start3A_111] : memref<256x64xf32, #tpu.memory_space<vmem>> -> memref<1x64xf32, #tpu.memory_space<vmem>>
      %dma_start3A_113 = tpu.memref_squeeze %dma_start3A_112 : memref<1x64xf32, #tpu.memory_space<vmem>> -> memref<64xf32, #tpu.memory_space<vmem>>
      %dma_start3A_114 = arith.constant 0 : i32
      %dma_start3A_115 = tpu.memref_slice %arg5[%squeeze3A_110, %dma_start3A_114] : memref<1000000x64xf32, #tpu.memory_space<hbm>> -> memref<1x64xf32, #tpu.memory_space<hbm>>
      %dma_start3A_116 = tpu.memref_squeeze %dma_start3A_115 : memref<1x64xf32, #tpu.memory_space<hbm>> -> memref<64xf32, #tpu.memory_space<hbm>>
      %dma_start3A_117 = arith.constant 0 : i32
      %dma_start3A_118 = tpu.memref_slice %arg10[%add3A_94, %dma_start3A_117] : memref<256x64xf32, #tpu.memory_space<vmem>> -> memref<1x64xf32, #tpu.memory_space<vmem>>
      %dma_start3A_119 = tpu.memref_squeeze %dma_start3A_118 : memref<1x64xf32, #tpu.memory_space<vmem>> -> memref<64xf32, #tpu.memory_space<vmem>>
      %dma_start3A_120 = arith.constant 0 : i32
      %dma_start3A_121 = tpu.memref_slice %arg5[%squeeze3A_110, %dma_start3A_120] : memref<1000000x64xf32, #tpu.memory_space<hbm>> -> memref<1x64xf32, #tpu.memory_space<hbm>>
      %dma_start3A_122 = tpu.memref_squeeze %dma_start3A_121 : memref<1x64xf32, #tpu.memory_space<hbm>> -> memref<64xf32, #tpu.memory_space<hbm>>
      tpu.enqueue_dma source(%dma_start3A_122 : memref<64xf32, #tpu.memory_space<hbm>>) target(%dma_start3A_119 : memref<64xf32, #tpu.memory_space<vmem>>) target_semaphore(%arg12 : memref<!tpu.dma_semaphore, #tpu.memory_space<semaphore_mem>>)
      %mul3A_123 = arith.constant 8 : i32
      %mul3A_124 = arith.muli %scan3A_51, %mul3A_123 : i32
      %add3A_125 = arith.constant 2 : i32
      %add3A_126 = arith.addi %mul3A_124, %add3A_125 : i32
      %slice3A_127 = vector.extract_strided_slice %get3A_57 {offsets = [2], sizes = [1], strides = [1]} : vector<16xi32> to vector<1xi32>
      %squeeze3A_128 = vector.extract %slice3A_127[0] : i32 from vector<1xi32>
      %dma_start3A_129 = arith.constant 0 : i32
      %dma_start3A_130 = tpu.memref_slice %arg9[%add3A_126, %dma_start3A_129] : memref<256x64xf32, #tpu.memory_space<vmem>> -> memref<1x64xf32, #tpu.memory_space<vmem>>
      %dma_start3A_131 = tpu.memref_squeeze %dma_start3A_130 : memref<1x64xf32, #tpu.memory_space<vmem>> -> memref<64xf32, #tpu.memory_space<vmem>>
      %dma_start3A_132 = arith.constant 0 : i32
      %dma_start3A_133 = tpu.memref_slice %arg4[%squeeze3A_128, %dma_start3A_132] : memref<1000000x64xf32, #tpu.memory_space<hbm>> -> memref<1x64xf32, #tpu.memory_space<hbm>>
      %dma_start3A_134 = tpu.memref_squeeze %dma_start3A_133 : memref<1x64xf32, #tpu.memory_space<hbm>> -> memref<64xf32, #tpu.memory_space<hbm>>
      %dma_start3A_135 = arith.constant 0 : i32
      %dma_start3A_136 = tpu.memref_slice %arg9[%add3A_126, %dma_start3A_135] : memref<256x64xf32, #tpu.memory_space<vmem>> -> memref<1x64xf32, #tpu.memory_space<vmem>>
      %dma_start3A_137 = tpu.memref_squeeze %dma_start3A_136 : memref<1x64xf32, #tpu.memory_space<vmem>> -> memref<64xf32, #tpu.memory_space<vmem>>
      %dma_start3A_138 = arith.constant 0 : i32
      %dma_start3A_139 = tpu.memref_slice %arg4[%squeeze3A_128, %dma_start3A_138] : memref<1000000x64xf32, #tpu.memory_space<hbm>> -> memref<1x64xf32, #tpu.memory_space<hbm>>
      %dma_start3A_140 = tpu.memref_squeeze %dma_start3A_139 : memref<1x64xf32, #tpu.memory_space<hbm>> -> memref<64xf32, #tpu.memory_space<hbm>>
      tpu.enqueue_dma source(%dma_start3A_140 : memref<64xf32, #tpu.memory_space<hbm>>) target(%dma_start3A_137 : memref<64xf32, #tpu.memory_space<vmem>>) target_semaphore(%arg12 : memref<!tpu.dma_semaphore, #tpu.memory_space<semaphore_mem>>)
      %slice3A_141 = vector.extract_strided_slice %get3A_61 {offsets = [2], sizes = [1], strides = [1]} : vector<16xi32> to vector<1xi32>
      %squeeze3A_142 = vector.extract %slice3A_141[0] : i32 from vector<1xi32>
      %dma_start3A_143 = arith.constant 0 : i32
      %dma_start3A_144 = tpu.memref_slice %arg10[%add3A_126, %dma_start3A_143] : memref<256x64xf32, #tpu.memory_space<vmem>> -> memref<1x64xf32, #tpu.memory_space<vmem>>
      %dma_start3A_145 = tpu.memref_squeeze %dma_start3A_144 : memref<1x64xf32, #tpu.memory_space<vmem>> -> memref<64xf32, #tpu.memory_space<vmem>>
      %dma_start3A_146 = arith.constant 0 : i32
      %dma_start3A_147 = tpu.memref_slice %arg5[%squeeze3A_142, %dma_start3A_146] : memref<1000000x64xf32, #tpu.memory_space<hbm>> -> memref<1x64xf32, #tpu.memory_space<hbm>>
      %dma_start3A_148 = tpu.memref_squeeze %dma_start3A_147 : memref<1x64xf32, #tpu.memory_space<hbm>> -> memref<64xf32, #tpu.memory_space<hbm>>
      %dma_start3A_149 = arith.constant 0 : i32
      %dma_start3A_150 = tpu.memref_slice %arg10[%add3A_126, %dma_start3A_149] : memref<256x64xf32, #tpu.memory_space<vmem>> -> memref<1x64xf32, #tpu.memory_space<vmem>>
      %dma_start3A_151 = tpu.memref_squeeze %dma_start3A_150 : memref<1x64xf32, #tpu.memory_space<vmem>> -> memref<64xf32, #tpu.memory_space<vmem>>
      %dma_start3A_152 = arith.constant 0 : i32
      %dma_start3A_153 = tpu.memref_slice %arg5[%squeeze3A_142, %dma_start3A_152] : memref<1000000x64xf32, #tpu.memory_space<hbm>> -> memref<1x64xf32, #tpu.memory_space<hbm>>
      %dma_start3A_154 = tpu.memref_squeeze %dma_start3A_153 : memref<1x64xf32, #tpu.memory_space<hbm>> -> memref<64xf32, #tpu.memory_space<hbm>>
      tpu.enqueue_dma source(%dma_start3A_154 : memref<64xf32, #tpu.memory_space<hbm>>) target(%dma_start3A_151 : memref<64xf32, #tpu.memory_space<vmem>>) target_semaphore(%arg12 : memref<!tpu.dma_semaphore, #tpu.memory_space<semaphore_mem>>)
      %mul3A_155 = arith.constant 8 : i32
      %mul3A_156 = arith.muli %scan3A_51, %mul3A_155 : i32
      %add3A_157 = arith.constant 3 : i32
      %add3A_158 = arith.addi %mul3A_156, %add3A_157 : i32
      %slice3A_159 = vector.extract_strided_slice %get3A_57 {offsets = [3], sizes = [1], strides = [1]} : vector<16xi32> to vector<1xi32>
      %squeeze3A_160 = vector.extract %slice3A_159[0] : i32 from vector<1xi32>
      %dma_start3A_161 = arith.constant 0 : i32
      %dma_start3A_162 = tpu.memref_slice %arg9[%add3A_158, %dma_start3A_161] : memref<256x64xf32, #tpu.memory_space<vmem>> -> memref<1x64xf32, #tpu.memory_space<vmem>>
      %dma_start3A_163 = tpu.memref_squeeze %dma_start3A_162 : memref<1x64xf32, #tpu.memory_space<vmem>> -> memref<64xf32, #tpu.memory_space<vmem>>
      %dma_start3A_164 = arith.constant 0 : i32
      %dma_start3A_165 = tpu.memref_slice %arg4[%squeeze3A_160, %dma_start3A_164] : memref<1000000x64xf32, #tpu.memory_space<hbm>> -> memref<1x64xf32, #tpu.memory_space<hbm>>
      %dma_start3A_166 = tpu.memref_squeeze %dma_start3A_165 : memref<1x64xf32, #tpu.memory_space<hbm>> -> memref<64xf32, #tpu.memory_space<hbm>>
      %dma_start3A_167 = arith.constant 0 : i32
      %dma_start3A_168 = tpu.memref_slice %arg9[%add3A_158, %dma_start3A_167] : memref<256x64xf32, #tpu.memory_space<vmem>> -> memref<1x64xf32, #tpu.memory_space<vmem>>
      %dma_start3A_169 = tpu.memref_squeeze %dma_start3A_168 : memref<1x64xf32, #tpu.memory_space<vmem>> -> memref<64xf32, #tpu.memory_space<vmem>>
      %dma_start3A_170 = arith.constant 0 : i32
      %dma_start3A_171 = tpu.memref_slice %arg4[%squeeze3A_160, %dma_start3A_170] : memref<1000000x64xf32, #tpu.memory_space<hbm>> -> memref<1x64xf32, #tpu.memory_space<hbm>>
      %dma_start3A_172 = tpu.memref_squeeze %dma_start3A_171 : memref<1x64xf32, #tpu.memory_space<hbm>> -> memref<64xf32, #tpu.memory_space<hbm>>
      tpu.enqueue_dma source(%dma_start3A_172 : memref<64xf32, #tpu.memory_space<hbm>>) target(%dma_start3A_169 : memref<64xf32, #tpu.memory_space<vmem>>) target_semaphore(%arg12 : memref<!tpu.dma_semaphore, #tpu.memory_space<semaphore_mem>>)
      %slice3A_173 = vector.extract_strided_slice %get3A_61 {offsets = [3], sizes = [1], strides = [1]} : vector<16xi32> to vector<1xi32>
      %squeeze3A_174 = vector.extract %slice3A_173[0] : i32 from vector<1xi32>
      %dma_start3A_175 = arith.constant 0 : i32
      %dma_start3A_176 = tpu.memref_slice %arg10[%add3A_158, %dma_start3A_175] : memref<256x64xf32, #tpu.memory_space<vmem>> -> memref<1x64xf32, #tpu.memory_space<vmem>>
      %dma_start3A_177 = tpu.memref_squeeze %dma_start3A_176 : memref<1x64xf32, #tpu.memory_space<vmem>> -> memref<64xf32, #tpu.memory_space<vmem>>
      %dma_start3A_178 = arith.constant 0 : i32
      %dma_start3A_179 = tpu.memref_slice %arg5[%squeeze3A_174, %dma_start3A_178] : memref<1000000x64xf32, #tpu.memory_space<hbm>> -> memref<1x64xf32, #tpu.memory_space<hbm>>
      %dma_start3A_180 = tpu.memref_squeeze %dma_start3A_179 : memref<1x64xf32, #tpu.memory_space<hbm>> -> memref<64xf32, #tpu.memory_space<hbm>>
      %dma_start3A_181 = arith.constant 0 : i32
      %dma_start3A_182 = tpu.memref_slice %arg10[%add3A_158, %dma_start3A_181] : memref<256x64xf32, #tpu.memory_space<vmem>> -> memref<1x64xf32, #tpu.memory_space<vmem>>
      %dma_start3A_183 = tpu.memref_squeeze %dma_start3A_182 : memref<1x64xf32, #tpu.memory_space<vmem>> -> memref<64xf32, #tpu.memory_space<vmem>>
      %dma_start3A_184 = arith.constant 0 : i32
      %dma_start3A_185 = tpu.memref_slice %arg5[%squeeze3A_174, %dma_start3A_184] : memref<1000000x64xf32, #tpu.memory_space<hbm>> -> memref<1x64xf32, #tpu.memory_space<hbm>>
      %dma_start3A_186 = tpu.memref_squeeze %dma_start3A_185 : memref<1x64xf32, #tpu.memory_space<hbm>> -> memref<64xf32, #tpu.memory_space<hbm>>
      tpu.enqueue_dma source(%dma_start3A_186 : memref<64xf32, #tpu.memory_space<hbm>>) target(%dma_start3A_183 : memref<64xf32, #tpu.memory_space<vmem>>) target_semaphore(%arg12 : memref<!tpu.dma_semaphore, #tpu.memory_space<semaphore_mem>>)
      %mul3A_187 = arith.constant 8 : i32
      %mul3A_188 = arith.muli %scan3A_51, %mul3A_187 : i32
      %add3A_189 = arith.constant 4 : i32
      %add3A_190 = arith.addi %mul3A_188, %add3A_189 : i32
      %slice3A_191 = vector.extract_strided_slice %get3A_57 {offsets = [4], sizes = [1], strides = [1]} : vector<16xi32> to vector<1xi32>
      %squeeze3A_192 = vector.extract %slice3A_191[0] : i32 from vector<1xi32>
      %dma_start3A_193 = arith.constant 0 : i32
      %dma_start3A_194 = tpu.memref_slice %arg9[%add3A_190, %dma_start3A_193] : memref<256x64xf32, #tpu.memory_space<vmem>> -> memref<1x64xf32, #tpu.memory_space<vmem>>
      %dma_start3A_195 = tpu.memref_squeeze %dma_start3A_194 : memref<1x64xf32, #tpu.memory_space<vmem>> -> memref<64xf32, #tpu.memory_space<vmem>>
      %dma_start3A_196 = arith.constant 0 : i32
      %dma_start3A_197 = tpu.memref_slice %arg4[%squeeze3A_192, %dma_start3A_196] : memref<1000000x64xf32, #tpu.memory_space<hbm>> -> memref<1x64xf32, #tpu.memory_space<hbm>>
      %dma_start3A_198 = tpu.memref_squeeze %dma_start3A_197 : memref<1x64xf32, #tpu.memory_space<hbm>> -> memref<64xf32, #tpu.memory_space<hbm>>
      %dma_start3A_199 = arith.constant 0 : i32
      %dma_start3A_200 = tpu.memref_slice %arg9[%add3A_190, %dma_start3A_199] : memref<256x64xf32, #tpu.memory_space<vmem>> -> memref<1x64xf32, #tpu.memory_space<vmem>>
      %dma_start3A_201 = tpu.memref_squeeze %dma_start3A_200 : memref<1x64xf32, #tpu.memory_space<vmem>> -> memref<64xf32, #tpu.memory_space<vmem>>
      %dma_start3A_202 = arith.constant 0 : i32
      %dma_start3A_203 = tpu.memref_slice %arg4[%squeeze3A_192, %dma_start3A_202] : memref<1000000x64xf32, #tpu.memory_space<hbm>> -> memref<1x64xf32, #tpu.memory_space<hbm>>
      %dma_start3A_204 = tpu.memref_squeeze %dma_start3A_203 : memref<1x64xf32, #tpu.memory_space<hbm>> -> memref<64xf32, #tpu.memory_space<hbm>>
      tpu.enqueue_dma source(%dma_start3A_204 : memref<64xf32, #tpu.memory_space<hbm>>) target(%dma_start3A_201 : memref<64xf32, #tpu.memory_space<vmem>>) target_semaphore(%arg12 : memref<!tpu.dma_semaphore, #tpu.memory_space<semaphore_mem>>)
      %slice3A_205 = vector.extract_strided_slice %get3A_61 {offsets = [4], sizes = [1], strides = [1]} : vector<16xi32> to vector<1xi32>
      %squeeze3A_206 = vector.extract %slice3A_205[0] : i32 from vector<1xi32>
      %dma_start3A_207 = arith.constant 0 : i32
      %dma_start3A_208 = tpu.memref_slice %arg10[%add3A_190, %dma_start3A_207] : memref<256x64xf32, #tpu.memory_space<vmem>> -> memref<1x64xf32, #tpu.memory_space<vmem>>
      %dma_start3A_209 = tpu.memref_squeeze %dma_start3A_208 : memref<1x64xf32, #tpu.memory_space<vmem>> -> memref<64xf32, #tpu.memory_space<vmem>>
      %dma_start3A_210 = arith.constant 0 : i32
      %dma_start3A_211 = tpu.memref_slice %arg5[%squeeze3A_206, %dma_start3A_210] : memref<1000000x64xf32, #tpu.memory_space<hbm>> -> memref<1x64xf32, #tpu.memory_space<hbm>>
      %dma_start3A_212 = tpu.memref_squeeze %dma_start3A_211 : memref<1x64xf32, #tpu.memory_space<hbm>> -> memref<64xf32, #tpu.memory_space<hbm>>
      %dma_start3A_213 = arith.constant 0 : i32
      %dma_start3A_214 = tpu.memref_slice %arg10[%add3A_190, %dma_start3A_213] : memref<256x64xf32, #tpu.memory_space<vmem>> -> memref<1x64xf32, #tpu.memory_space<vmem>>
      %dma_start3A_215 = tpu.memref_squeeze %dma_start3A_214 : memref<1x64xf32, #tpu.memory_space<vmem>> -> memref<64xf32, #tpu.memory_space<vmem>>
      %dma_start3A_216 = arith.constant 0 : i32
      %dma_start3A_217 = tpu.memref_slice %arg5[%squeeze3A_206, %dma_start3A_216] : memref<1000000x64xf32, #tpu.memory_space<hbm>> -> memref<1x64xf32, #tpu.memory_space<hbm>>
      %dma_start3A_218 = tpu.memref_squeeze %dma_start3A_217 : memref<1x64xf32, #tpu.memory_space<hbm>> -> memref<64xf32, #tpu.memory_space<hbm>>
      tpu.enqueue_dma source(%dma_start3A_218 : memref<64xf32, #tpu.memory_space<hbm>>) target(%dma_start3A_215 : memref<64xf32, #tpu.memory_space<vmem>>) target_semaphore(%arg12 : memref<!tpu.dma_semaphore, #tpu.memory_space<semaphore_mem>>)
      %mul3A_219 = arith.constant 8 : i32
      %mul3A_220 = arith.muli %scan3A_51, %mul3A_219 : i32
      %add3A_221 = arith.constant 5 : i32
      %add3A_222 = arith.addi %mul3A_220, %add3A_221 : i32
      %slice3A_223 = vector.extract_strided_slice %get3A_57 {offsets = [5], sizes = [1], strides = [1]} : vector<16xi32> to vector<1xi32>
      %squeeze3A_224 = vector.extract %slice3A_223[0] : i32 from vector<1xi32>
      %dma_start3A_225 = arith.constant 0 : i32
      %dma_start3A_226 = tpu.memref_slice %arg9[%add3A_222, %dma_start3A_225] : memref<256x64xf32, #tpu.memory_space<vmem>> -> memref<1x64xf32, #tpu.memory_space<vmem>>
      %dma_start3A_227 = tpu.memref_squeeze %dma_start3A_226 : memref<1x64xf32, #tpu.memory_space<vmem>> -> memref<64xf32, #tpu.memory_space<vmem>>
      %dma_start3A_228 = arith.constant 0 : i32
      %dma_start3A_229 = tpu.memref_slice %arg4[%squeeze3A_224, %dma_start3A_228] : memref<1000000x64xf32, #tpu.memory_space<hbm>> -> memref<1x64xf32, #tpu.memory_space<hbm>>
      %dma_start3A_230 = tpu.memref_squeeze %dma_start3A_229 : memref<1x64xf32, #tpu.memory_space<hbm>> -> memref<64xf32, #tpu.memory_space<hbm>>
      %dma_start3A_231 = arith.constant 0 : i32
      %dma_start3A_232 = tpu.memref_slice %arg9[%add3A_222, %dma_start3A_231] : memref<256x64xf32, #tpu.memory_space<vmem>> -> memref<1x64xf32, #tpu.memory_space<vmem>>
      %dma_start3A_233 = tpu.memref_squeeze %dma_start3A_232 : memref<1x64xf32, #tpu.memory_space<vmem>> -> memref<64xf32, #tpu.memory_space<vmem>>
      %dma_start3A_234 = arith.constant 0 : i32
      %dma_start3A_235 = tpu.memref_slice %arg4[%squeeze3A_224, %dma_start3A_234] : memref<1000000x64xf32, #tpu.memory_space<hbm>> -> memref<1x64xf32, #tpu.memory_space<hbm>>
      %dma_start3A_236 = tpu.memref_squeeze %dma_start3A_235 : memref<1x64xf32, #tpu.memory_space<hbm>> -> memref<64xf32, #tpu.memory_space<hbm>>
      tpu.enqueue_dma source(%dma_start3A_236 : memref<64xf32, #tpu.memory_space<hbm>>) target(%dma_start3A_233 : memref<64xf32, #tpu.memory_space<vmem>>) target_semaphore(%arg12 : memref<!tpu.dma_semaphore, #tpu.memory_space<semaphore_mem>>)
      %slice3A_237 = vector.extract_strided_slice %get3A_61 {offsets = [5], sizes = [1], strides = [1]} : vector<16xi32> to vector<1xi32>
      %squeeze3A_238 = vector.extract %slice3A_237[0] : i32 from vector<1xi32>
      %dma_start3A_239 = arith.constant 0 : i32
      %dma_start3A_240 = tpu.memref_slice %arg10[%add3A_222, %dma_start3A_239] : memref<256x64xf32, #tpu.memory_space<vmem>> -> memref<1x64xf32, #tpu.memory_space<vmem>>
      %dma_start3A_241 = tpu.memref_squeeze %dma_start3A_240 : memref<1x64xf32, #tpu.memory_space<vmem>> -> memref<64xf32, #tpu.memory_space<vmem>>
      %dma_start3A_242 = arith.constant 0 : i32
      %dma_start3A_243 = tpu.memref_slice %arg5[%squeeze3A_238, %dma_start3A_242] : memref<1000000x64xf32, #tpu.memory_space<hbm>> -> memref<1x64xf32, #tpu.memory_space<hbm>>
      %dma_start3A_244 = tpu.memref_squeeze %dma_start3A_243 : memref<1x64xf32, #tpu.memory_space<hbm>> -> memref<64xf32, #tpu.memory_space<hbm>>
      %dma_start3A_245 = arith.constant 0 : i32
      %dma_start3A_246 = tpu.memref_slice %arg10[%add3A_222, %dma_start3A_245] : memref<256x64xf32, #tpu.memory_space<vmem>> -> memref<1x64xf32, #tpu.memory_space<vmem>>
      %dma_start3A_247 = tpu.memref_squeeze %dma_start3A_246 : memref<1x64xf32, #tpu.memory_space<vmem>> -> memref<64xf32, #tpu.memory_space<vmem>>
      %dma_start3A_248 = arith.constant 0 : i32
      %dma_start3A_249 = tpu.memref_slice %arg5[%squeeze3A_238, %dma_start3A_248] : memref<1000000x64xf32, #tpu.memory_space<hbm>> -> memref<1x64xf32, #tpu.memory_space<hbm>>
      %dma_start3A_250 = tpu.memref_squeeze %dma_start3A_249 : memref<1x64xf32, #tpu.memory_space<hbm>> -> memref<64xf32, #tpu.memory_space<hbm>>
      tpu.enqueue_dma source(%dma_start3A_250 : memref<64xf32, #tpu.memory_space<hbm>>) target(%dma_start3A_247 : memref<64xf32, #tpu.memory_space<vmem>>) target_semaphore(%arg12 : memref<!tpu.dma_semaphore, #tpu.memory_space<semaphore_mem>>)
      %mul3A_251 = arith.constant 8 : i32
      %mul3A_252 = arith.muli %scan3A_51, %mul3A_251 : i32
      %add3A_253 = arith.constant 6 : i32
      %add3A_254 = arith.addi %mul3A_252, %add3A_253 : i32
      %slice3A_255 = vector.extract_strided_slice %get3A_57 {offsets = [6], sizes = [1], strides = [1]} : vector<16xi32> to vector<1xi32>
      %squeeze3A_256 = vector.extract %slice3A_255[0] : i32 from vector<1xi32>
      %dma_start3A_257 = arith.constant 0 : i32
      %dma_start3A_258 = tpu.memref_slice %arg9[%add3A_254, %dma_start3A_257] : memref<256x64xf32, #tpu.memory_space<vmem>> -> memref<1x64xf32, #tpu.memory_space<vmem>>
      %dma_start3A_259 = tpu.memref_squeeze %dma_start3A_258 : memref<1x64xf32, #tpu.memory_space<vmem>> -> memref<64xf32, #tpu.memory_space<vmem>>
      %dma_start3A_260 = arith.constant 0 : i32
      %dma_start3A_261 = tpu.memref_slice %arg4[%squeeze3A_256, %dma_start3A_260] : memref<1000000x64xf32, #tpu.memory_space<hbm>> -> memref<1x64xf32, #tpu.memory_space<hbm>>
      %dma_start3A_262 = tpu.memref_squeeze %dma_start3A_261 : memref<1x64xf32, #tpu.memory_space<hbm>> -> memref<64xf32, #tpu.memory_space<hbm>>
      %dma_start3A_263 = arith.constant 0 : i32
      %dma_start3A_264 = tpu.memref_slice %arg9[%add3A_254, %dma_start3A_263] : memref<256x64xf32, #tpu.memory_space<vmem>> -> memref<1x64xf32, #tpu.memory_space<vmem>>
      %dma_start3A_265 = tpu.memref_squeeze %dma_start3A_264 : memref<1x64xf32, #tpu.memory_space<vmem>> -> memref<64xf32, #tpu.memory_space<vmem>>
      %dma_start3A_266 = arith.constant 0 : i32
      %dma_start3A_267 = tpu.memref_slice %arg4[%squeeze3A_256, %dma_start3A_266] : memref<1000000x64xf32, #tpu.memory_space<hbm>> -> memref<1x64xf32, #tpu.memory_space<hbm>>
      %dma_start3A_268 = tpu.memref_squeeze %dma_start3A_267 : memref<1x64xf32, #tpu.memory_space<hbm>> -> memref<64xf32, #tpu.memory_space<hbm>>
      tpu.enqueue_dma source(%dma_start3A_268 : memref<64xf32, #tpu.memory_space<hbm>>) target(%dma_start3A_265 : memref<64xf32, #tpu.memory_space<vmem>>) target_semaphore(%arg12 : memref<!tpu.dma_semaphore, #tpu.memory_space<semaphore_mem>>)
      %slice3A_269 = vector.extract_strided_slice %get3A_61 {offsets = [6], sizes = [1], strides = [1]} : vector<16xi32> to vector<1xi32>
      %squeeze3A_270 = vector.extract %slice3A_269[0] : i32 from vector<1xi32>
      %dma_start3A_271 = arith.constant 0 : i32
      %dma_start3A_272 = tpu.memref_slice %arg10[%add3A_254, %dma_start3A_271] : memref<256x64xf32, #tpu.memory_space<vmem>> -> memref<1x64xf32, #tpu.memory_space<vmem>>
      %dma_start3A_273 = tpu.memref_squeeze %dma_start3A_272 : memref<1x64xf32, #tpu.memory_space<vmem>> -> memref<64xf32, #tpu.memory_space<vmem>>
      %dma_start3A_274 = arith.constant 0 : i32
      %dma_start3A_275 = tpu.memref_slice %arg5[%squeeze3A_270, %dma_start3A_274] : memref<1000000x64xf32, #tpu.memory_space<hbm>> -> memref<1x64xf32, #tpu.memory_space<hbm>>
      %dma_start3A_276 = tpu.memref_squeeze %dma_start3A_275 : memref<1x64xf32, #tpu.memory_space<hbm>> -> memref<64xf32, #tpu.memory_space<hbm>>
      %dma_start3A_277 = arith.constant 0 : i32
      %dma_start3A_278 = tpu.memref_slice %arg10[%add3A_254, %dma_start3A_277] : memref<256x64xf32, #tpu.memory_space<vmem>> -> memref<1x64xf32, #tpu.memory_space<vmem>>
      %dma_start3A_279 = tpu.memref_squeeze %dma_start3A_278 : memref<1x64xf32, #tpu.memory_space<vmem>> -> memref<64xf32, #tpu.memory_space<vmem>>
      %dma_start3A_280 = arith.constant 0 : i32
      %dma_start3A_281 = tpu.memref_slice %arg5[%squeeze3A_270, %dma_start3A_280] : memref<1000000x64xf32, #tpu.memory_space<hbm>> -> memref<1x64xf32, #tpu.memory_space<hbm>>
      %dma_start3A_282 = tpu.memref_squeeze %dma_start3A_281 : memref<1x64xf32, #tpu.memory_space<hbm>> -> memref<64xf32, #tpu.memory_space<hbm>>
      tpu.enqueue_dma source(%dma_start3A_282 : memref<64xf32, #tpu.memory_space<hbm>>) target(%dma_start3A_279 : memref<64xf32, #tpu.memory_space<vmem>>) target_semaphore(%arg12 : memref<!tpu.dma_semaphore, #tpu.memory_space<semaphore_mem>>)
      %mul3A_283 = arith.constant 8 : i32
      %mul3A_284 = arith.muli %scan3A_51, %mul3A_283 : i32
      %add3A_285 = arith.constant 7 : i32
      %add3A_286 = arith.addi %mul3A_284, %add3A_285 : i32
      %slice3A_287 = vector.extract_strided_slice %get3A_57 {offsets = [7], sizes = [1], strides = [1]} : vector<16xi32> to vector<1xi32>
      %squeeze3A_288 = vector.extract %slice3A_287[0] : i32 from vector<1xi32>
      %dma_start3A_289 = arith.constant 0 : i32
      %dma_start3A_290 = tpu.memref_slice %arg9[%add3A_286, %dma_start3A_289] : memref<256x64xf32, #tpu.memory_space<vmem>> -> memref<1x64xf32, #tpu.memory_space<vmem>>
      %dma_start3A_291 = tpu.memref_squeeze %dma_start3A_290 : memref<1x64xf32, #tpu.memory_space<vmem>> -> memref<64xf32, #tpu.memory_space<vmem>>
      %dma_start3A_292 = arith.constant 0 : i32
      %dma_start3A_293 = tpu.memref_slice %arg4[%squeeze3A_288, %dma_start3A_292] : memref<1000000x64xf32, #tpu.memory_space<hbm>> -> memref<1x64xf32, #tpu.memory_space<hbm>>
      %dma_start3A_294 = tpu.memref_squeeze %dma_start3A_293 : memref<1x64xf32, #tpu.memory_space<hbm>> -> memref<64xf32, #tpu.memory_space<hbm>>
      %dma_start3A_295 = arith.constant 0 : i32
      %dma_start3A_296 = tpu.memref_slice %arg9[%add3A_286, %dma_start3A_295] : memref<256x64xf32, #tpu.memory_space<vmem>> -> memref<1x64xf32, #tpu.memory_space<vmem>>
      %dma_start3A_297 = tpu.memref_squeeze %dma_start3A_296 : memref<1x64xf32, #tpu.memory_space<vmem>> -> memref<64xf32, #tpu.memory_space<vmem>>
      %dma_start3A_298 = arith.constant 0 : i32
      %dma_start3A_299 = tpu.memref_slice %arg4[%squeeze3A_288, %dma_start3A_298] : memref<1000000x64xf32, #tpu.memory_space<hbm>> -> memref<1x64xf32, #tpu.memory_space<hbm>>
      %dma_start3A_300 = tpu.memref_squeeze %dma_start3A_299 : memref<1x64xf32, #tpu.memory_space<hbm>> -> memref<64xf32, #tpu.memory_space<hbm>>
      tpu.enqueue_dma source(%dma_start3A_300 : memref<64xf32, #tpu.memory_space<hbm>>) target(%dma_start3A_297 : memref<64xf32, #tpu.memory_space<vmem>>) target_semaphore(%arg12 : memref<!tpu.dma_semaphore, #tpu.memory_space<semaphore_mem>>)
      %slice3A_301 = vector.extract_strided_slice %get3A_61 {offsets = [7], sizes = [1], strides = [1]} : vector<16xi32> to vector<1xi32>
      %squeeze3A_302 = vector.extract %slice3A_301[0] : i32 from vector<1xi32>
      %dma_start3A_303 = arith.constant 0 : i32
      %dma_start3A_304 = tpu.memref_slice %arg10[%add3A_286, %dma_start3A_303] : memref<256x64xf32, #tpu.memory_space<vmem>> -> memref<1x64xf32, #tpu.memory_space<vmem>>
      %dma_start3A_305 = tpu.memref_squeeze %dma_start3A_304 : memref<1x64xf32, #tpu.memory_space<vmem>> -> memref<64xf32, #tpu.memory_space<vmem>>
      %dma_start3A_306 = arith.constant 0 : i32
      %dma_start3A_307 = tpu.memref_slice %arg5[%squeeze3A_302, %dma_start3A_306] : memref<1000000x64xf32, #tpu.memory_space<hbm>> -> memref<1x64xf32, #tpu.memory_space<hbm>>
      %dma_start3A_308 = tpu.memref_squeeze %dma_start3A_307 : memref<1x64xf32, #tpu.memory_space<hbm>> -> memref<64xf32, #tpu.memory_space<hbm>>
      %dma_start3A_309 = arith.constant 0 : i32
      %dma_start3A_310 = tpu.memref_slice %arg10[%add3A_286, %dma_start3A_309] : memref<256x64xf32, #tpu.memory_space<vmem>> -> memref<1x64xf32, #tpu.memory_space<vmem>>
      %dma_start3A_311 = tpu.memref_squeeze %dma_start3A_310 : memref<1x64xf32, #tpu.memory_space<vmem>> -> memref<64xf32, #tpu.memory_space<vmem>>
      %dma_start3A_312 = arith.constant 0 : i32
      %dma_start3A_313 = tpu.memref_slice %arg5[%squeeze3A_302, %dma_start3A_312] : memref<1000000x64xf32, #tpu.memory_space<hbm>> -> memref<1x64xf32, #tpu.memory_space<hbm>>
      %dma_start3A_314 = tpu.memref_squeeze %dma_start3A_313 : memref<1x64xf32, #tpu.memory_space<hbm>> -> memref<64xf32, #tpu.memory_space<hbm>>
      tpu.enqueue_dma source(%dma_start3A_314 : memref<64xf32, #tpu.memory_space<hbm>>) target(%dma_start3A_311 : memref<64xf32, #tpu.memory_space<vmem>>) target_semaphore(%arg12 : memref<!tpu.dma_semaphore, #tpu.memory_space<semaphore_mem>>)
      %scan3A_315 = arith.constant 0 : i32
      scf.yield %scan3A_315 : i32
    }
    %scan3A_31 = arith.constant 32 : i32
    %dma_wait3A_32 = arith.constant 0 : i32
    %dma_wait3A_33 = arith.constant 0 : i32
    %dma_wait3A_34 = tpu.memref_slice %arg4[%dma_wait3A_32, %dma_wait3A_33] : memref<1000000x64xf32, #tpu.memory_space<hbm>> -> memref<256x64xf32, #tpu.memory_space<hbm>>
    %dma_wait3A_35 = arith.constant 0 : i32
    %dma_wait3A_36 = arith.constant 0 : i32
    %dma_wait3A_37 = tpu.memref_slice %arg4[%dma_wait3A_35, %dma_wait3A_36] : memref<1000000x64xf32, #tpu.memory_space<hbm>> -> memref<256x64xf32, #tpu.memory_space<hbm>>
    tpu.wait_dma2 semaphore(%arg12 : memref<!tpu.dma_semaphore, #tpu.memory_space<semaphore_mem>>) src(%dma_wait3A_37 : memref<256x64xf32, #tpu.memory_space<hbm>>) dst(%arg9 : memref<256x64xf32, #tpu.memory_space<vmem>>)
    %dma_wait3A_38 = arith.constant 0 : i32
    %dma_wait3A_39 = arith.constant 0 : i32
    %dma_wait3A_40 = tpu.memref_slice %arg5[%dma_wait3A_38, %dma_wait3A_39] : memref<1000000x64xf32, #tpu.memory_space<hbm>> -> memref<256x64xf32, #tpu.memory_space<hbm>>
    %dma_wait3A_41 = arith.constant 0 : i32
    %dma_wait3A_42 = arith.constant 0 : i32
    %dma_wait3A_43 = tpu.memref_slice %arg5[%dma_wait3A_41, %dma_wait3A_42] : memref<1000000x64xf32, #tpu.memory_space<hbm>> -> memref<256x64xf32, #tpu.memory_space<hbm>>
    tpu.wait_dma2 semaphore(%arg12 : memref<!tpu.dma_semaphore, #tpu.memory_space<semaphore_mem>>) src(%dma_wait3A_43 : memref<256x64xf32, #tpu.memory_space<hbm>>) dst(%arg10 : memref<256x64xf32, #tpu.memory_space<vmem>>)
    %scan3A_44 = arith.constant 0 : i32
    %scan3A_45 = arith.constant 0 : i32
    %scan3A_46 = arith.constant 16 : i32
    %scan3A_47 = arith.addi %scan3A_45, %scan3A_46 : i32
    %scan3A_48 = arith.constant 1 : i32
    %scan3A_49 = scf.for %scan3A_51 = %scan3A_45 to %scan3A_47 step %scan3A_48 iter_args(%scan3A_52 = %scan3A_44) -> (i32)  : i32 {
      %mul3A_53 = arith.constant 16 : i32
      %mul3A_54 = arith.muli %scan3A_51, %mul3A_53 : i32
      %add3A_55 = vector.broadcast %mul3A_54 : i32 to vector<16xi32>
      %add3A_56 = arith.addi %add3A_55, %iota3A : vector<16xi32>
      %broadcast_in_dim3A = arith.constant 0.000000e+00 : f32
      %broadcast_in_dim3A_57 = vector.broadcast %broadcast_in_dim3A : f32 to vector<16xf32>
      %add3A_58 = arith.constant 0 : i32
      %add3A_59 = vector.broadcast %add3A_58 : i32 to vector<16xi32>
      %add3A_60 = arith.addi %iota3A, %add3A_59 : vector<16xi32>
      %and3A = arith.constant 63 : i32
      %and3A_61 = vector.broadcast %and3A : i32 to vector<16xi32>
      %and3A_62 = arith.andi %add3A_60, %and3A_61 : vector<16xi32>
      %gather3A = tpu.vector_load_idx %arg9[%add3A_56, %and3A_62] : memref<256x64xf32, #tpu.memory_space<vmem>>[vector<16xi32>, vector<16xi32>], vector<16xf32>,
      %gather3A_63 = tpu.vector_load_idx %arg10[%add3A_56, %and3A_62] : memref<256x64xf32, #tpu.memory_space<vmem>>[vector<16xi32>, vector<16xi32>], vector<16xf32>,
      %mul3A_64 = arith.mulf %gather3A, %gather3A_63 : vector<16xf32>
      %add3A_65 = arith.addf %broadcast_in_dim3A_57, %mul3A_64 : vector<16xf32>
      %add3A_66 = arith.constant 1 : i32
      %add3A_67 = vector.broadcast %add3A_66 : i32 to vector<16xi32>
      %add3A_68 = arith.addi %iota3A, %add3A_67 : vector<16xi32>
      %and3A_69 = arith.constant 63 : i32
      %and3A_70 = vector.broadcast %and3A_69 : i32 to vector<16xi32>
      %and3A_71 = arith.andi %add3A_68, %and3A_70 : vector<16xi32>
      %gather3A_72 = tpu.vector_load_idx %arg9[%add3A_56, %and3A_71] : memref<256x64xf32, #tpu.memory_space<vmem>>[vector<16xi32>, vector<16xi32>], vector<16xf32>,
      %gather3A_73 = tpu.vector_load_idx %arg10[%add3A_56, %and3A_71] : memref<256x64xf32, #tpu.memory_space<vmem>>[vector<16xi32>, vector<16xi32>], vector<16xf32>,
      %mul3A_74 = arith.mulf %gather3A_72, %gather3A_73 : vector<16xf32>
      %add3A_75 = arith.addf %add3A_65, %mul3A_74 : vector<16xf32>
      %add3A_76 = arith.constant 2 : i32
      %add3A_77 = vector.broadcast %add3A_76 : i32 to vector<16xi32>
      %add3A_78 = arith.addi %iota3A, %add3A_77 : vector<16xi32>
      %and3A_79 = arith.constant 63 : i32
      %and3A_80 = vector.broadcast %and3A_79 : i32 to vector<16xi32>
      %and3A_81 = arith.andi %add3A_78, %and3A_80 : vector<16xi32>
      %gather3A_82 = tpu.vector_load_idx %arg9[%add3A_56, %and3A_81] : memref<256x64xf32, #tpu.memory_space<vmem>>[vector<16xi32>, vector<16xi32>], vector<16xf32>,
      %gather3A_83 = tpu.vector_load_idx %arg10[%add3A_56, %and3A_81] : memref<256x64xf32, #tpu.memory_space<vmem>>[vector<16xi32>, vector<16xi32>], vector<16xf32>,
      %mul3A_84 = arith.mulf %gather3A_82, %gather3A_83 : vector<16xf32>
      %add3A_85 = arith.addf %add3A_75, %mul3A_84 : vector<16xf32>
      %add3A_86 = arith.constant 3 : i32
      %add3A_87 = vector.broadcast %add3A_86 : i32 to vector<16xi32>
      %add3A_88 = arith.addi %iota3A, %add3A_87 : vector<16xi32>
      %and3A_89 = arith.constant 63 : i32
      %and3A_90 = vector.broadcast %and3A_89 : i32 to vector<16xi32>
      %and3A_91 = arith.andi %add3A_88, %and3A_90 : vector<16xi32>
      %gather3A_92 = tpu.vector_load_idx %arg9[%add3A_56, %and3A_91] : memref<256x64xf32, #tpu.memory_space<vmem>>[vector<16xi32>, vector<16xi32>], vector<16xf32>,
      %gather3A_93 = tpu.vector_load_idx %arg10[%add3A_56, %and3A_91] : memref<256x64xf32, #tpu.memory_space<vmem>>[vector<16xi32>, vector<16xi32>], vector<16xf32>,
      %mul3A_94 = arith.mulf %gather3A_92, %gather3A_93 : vector<16xf32>
      %add3A_95 = arith.addf %add3A_85, %mul3A_94 : vector<16xf32>
      %add3A_96 = arith.constant 4 : i32
      %add3A_97 = vector.broadcast %add3A_96 : i32 to vector<16xi32>
      %add3A_98 = arith.addi %iota3A, %add3A_97 : vector<16xi32>
      %and3A_99 = arith.constant 63 : i32
      %and3A_100 = vector.broadcast %and3A_99 : i32 to vector<16xi32>
      %and3A_101 = arith.andi %add3A_98, %and3A_100 : vector<16xi32>
      %gather3A_102 = tpu.vector_load_idx %arg9[%add3A_56, %and3A_101] : memref<256x64xf32, #tpu.memory_space<vmem>>[vector<16xi32>, vector<16xi32>], vector<16xf32>,
      %gather3A_103 = tpu.vector_load_idx %arg10[%add3A_56, %and3A_101] : memref<256x64xf32, #tpu.memory_space<vmem>>[vector<16xi32>, vector<16xi32>], vector<16xf32>,
      %mul3A_104 = arith.mulf %gather3A_102, %gather3A_103 : vector<16xf32>
      %add3A_105 = arith.addf %add3A_95, %mul3A_104 : vector<16xf32>
      %add3A_106 = arith.constant 5 : i32
      %add3A_107 = vector.broadcast %add3A_106 : i32 to vector<16xi32>
      %add3A_108 = arith.addi %iota3A, %add3A_107 : vector<16xi32>
      %and3A_109 = arith.constant 63 : i32
      %and3A_110 = vector.broadcast %and3A_109 : i32 to vector<16xi32>
      %and3A_111 = arith.andi %add3A_108, %and3A_110 : vector<16xi32>
      %gather3A_112 = tpu.vector_load_idx %arg9[%add3A_56, %and3A_111] : memref<256x64xf32, #tpu.memory_space<vmem>>[vector<16xi32>, vector<16xi32>], vector<16xf32>,
      %gather3A_113 = tpu.vector_load_idx %arg10[%add3A_56, %and3A_111] : memref<256x64xf32, #tpu.memory_space<vmem>>[vector<16xi32>, vector<16xi32>], vector<16xf32>,
      %mul3A_114 = arith.mulf %gather3A_112, %gather3A_113 : vector<16xf32>
      %add3A_115 = arith.addf %add3A_105, %mul3A_114 : vector<16xf32>
      %add3A_116 = arith.constant 6 : i32
      %add3A_117 = vector.broadcast %add3A_116 : i32 to vector<16xi32>
      %add3A_118 = arith.addi %iota3A, %add3A_117 : vector<16xi32>
      %and3A_119 = arith.constant 63 : i32
      %and3A_120 = vector.broadcast %and3A_119 : i32 to vector<16xi32>
      %and3A_121 = arith.andi %add3A_118, %and3A_120 : vector<16xi32>
      %gather3A_122 = tpu.vector_load_idx %arg9[%add3A_56, %and3A_121] : memref<256x64xf32, #tpu.memory_space<vmem>>[vector<16xi32>, vector<16xi32>], vector<16xf32>,
      %gather3A_123 = tpu.vector_load_idx %arg10[%add3A_56, %and3A_121] : memref<256x64xf32, #tpu.memory_space<vmem>>[vector<16xi32>, vector<16xi32>], vector<16xf32>,
      %mul3A_124 = arith.mulf %gather3A_122, %gather3A_123 : vector<16xf32>
      %add3A_125 = arith.addf %add3A_115, %mul3A_124 : vector<16xf32>
      %add3A_126 = arith.constant 7 : i32
      %add3A_127 = vector.broadcast %add3A_126 : i32 to vector<16xi32>
      %add3A_128 = arith.addi %iota3A, %add3A_127 : vector<16xi32>
      %and3A_129 = arith.constant 63 : i32
      %and3A_130 = vector.broadcast %and3A_129 : i32 to vector<16xi32>
      %and3A_131 = arith.andi %add3A_128, %and3A_130 : vector<16xi32>
      %gather3A_132 = tpu.vector_load_idx %arg9[%add3A_56, %and3A_131] : memref<256x64xf32, #tpu.memory_space<vmem>>[vector<16xi32>, vector<16xi32>], vector<16xf32>,
      %gather3A_133 = tpu.vector_load_idx %arg10[%add3A_56, %and3A_131] : memref<256x64xf32, #tpu.memory_space<vmem>>[vector<16xi32>, vector<16xi32>], vector<16xf32>,
      %mul3A_134 = arith.mulf %gather3A_132, %gather3A_133 : vector<16xf32>
      %add3A_135 = arith.addf %add3A_125, %mul3A_134 : vector<16xf32>
      %add3A_136 = arith.constant 8 : i32
      %add3A_137 = vector.broadcast %add3A_136 : i32 to vector<16xi32>
      %add3A_138 = arith.addi %iota3A, %add3A_137 : vector<16xi32>
      %and3A_139 = arith.constant 63 : i32
      %and3A_140 = vector.broadcast %and3A_139 : i32 to vector<16xi32>
      %and3A_141 = arith.andi %add3A_138, %and3A_140 : vector<16xi32>
      %gather3A_142 = tpu.vector_load_idx %arg9[%add3A_56, %and3A_141] : memref<256x64xf32, #tpu.memory_space<vmem>>[vector<16xi32>, vector<16xi32>], vector<16xf32>,
      %gather3A_143 = tpu.vector_load_idx %arg10[%add3A_56, %and3A_141] : memref<256x64xf32, #tpu.memory_space<vmem>>[vector<16xi32>, vector<16xi32>], vector<16xf32>,
      %mul3A_144 = arith.mulf %gather3A_142, %gather3A_143 : vector<16xf32>
      %add3A_145 = arith.addf %add3A_135, %mul3A_144 : vector<16xf32>
      %add3A_146 = arith.constant 9 : i32
      %add3A_147 = vector.broadcast %add3A_146 : i32 to vector<16xi32>
      %add3A_148 = arith.addi %iota3A, %add3A_147 : vector<16xi32>
      %and3A_149 = arith.constant 63 : i32
      %and3A_150 = vector.broadcast %and3A_149 : i32 to vector<16xi32>
      %and3A_151 = arith.andi %add3A_148, %and3A_150 : vector<16xi32>
      %gather3A_152 = tpu.vector_load_idx %arg9[%add3A_56, %and3A_151] : memref<256x64xf32, #tpu.memory_space<vmem>>[vector<16xi32>, vector<16xi32>], vector<16xf32>,
      %gather3A_153 = tpu.vector_load_idx %arg10[%add3A_56, %and3A_151] : memref<256x64xf32, #tpu.memory_space<vmem>>[vector<16xi32>, vector<16xi32>], vector<16xf32>,
      %mul3A_154 = arith.mulf %gather3A_152, %gather3A_153 : vector<16xf32>
      %add3A_155 = arith.addf %add3A_145, %mul3A_154 : vector<16xf32>
      %add3A_156 = arith.constant 10 : i32
      %add3A_157 = vector.broadcast %add3A_156 : i32 to vector<16xi32>
      %add3A_158 = arith.addi %iota3A, %add3A_157 : vector<16xi32>
      %and3A_159 = arith.constant 63 : i32
      %and3A_160 = vector.broadcast %and3A_159 : i32 to vector<16xi32>
      %and3A_161 = arith.andi %add3A_158, %and3A_160 : vector<16xi32>
      %gather3A_162 = tpu.vector_load_idx %arg9[%add3A_56, %and3A_161] : memref<256x64xf32, #tpu.memory_space<vmem>>[vector<16xi32>, vector<16xi32>], vector<16xf32>,
      %gather3A_163 = tpu.vector_load_idx %arg10[%add3A_56, %and3A_161] : memref<256x64xf32, #tpu.memory_space<vmem>>[vector<16xi32>, vector<16xi32>], vector<16xf32>,
      %mul3A_164 = arith.mulf %gather3A_162, %gather3A_163 : vector<16xf32>
      %add3A_165 = arith.addf %add3A_155, %mul3A_164 : vector<16xf32>
      %add3A_166 = arith.constant 11 : i32
      %add3A_167 = vector.broadcast %add3A_166 : i32 to vector<16xi32>
      %add3A_168 = arith.addi %iota3A, %add3A_167 : vector<16xi32>
      %and3A_169 = arith.constant 63 : i32
      %and3A_170 = vector.broadcast %and3A_169 : i32 to vector<16xi32>
      %and3A_171 = arith.andi %add3A_168, %and3A_170 : vector<16xi32>
      %gather3A_172 = tpu.vector_load_idx %arg9[%add3A_56, %and3A_171] : memref<256x64xf32, #tpu.memory_space<vmem>>[vector<16xi32>, vector<16xi32>], vector<16xf32>,
      %gather3A_173 = tpu.vector_load_idx %arg10[%add3A_56, %and3A_171] : memref<256x64xf32, #tpu.memory_space<vmem>>[vector<16xi32>, vector<16xi32>], vector<16xf32>,
      %mul3A_174 = arith.mulf %gather3A_172, %gather3A_173 : vector<16xf32>
      %add3A_175 = arith.addf %add3A_165, %mul3A_174 : vector<16xf32>
      %add3A_176 = arith.constant 12 : i32
      %add3A_177 = vector.broadcast %add3A_176 : i32 to vector<16xi32>
      %add3A_178 = arith.addi %iota3A, %add3A_177 : vector<16xi32>
      %and3A_179 = arith.constant 63 : i32
      %and3A_180 = vector.broadcast %and3A_179 : i32 to vector<16xi32>
      %and3A_181 = arith.andi %add3A_178, %and3A_180 : vector<16xi32>
      %gather3A_182 = tpu.vector_load_idx %arg9[%add3A_56, %and3A_181] : memref<256x64xf32, #tpu.memory_space<vmem>>[vector<16xi32>, vector<16xi32>], vector<16xf32>,
      %gather3A_183 = tpu.vector_load_idx %arg10[%add3A_56, %and3A_181] : memref<256x64xf32, #tpu.memory_space<vmem>>[vector<16xi32>, vector<16xi32>], vector<16xf32>,
      %mul3A_184 = arith.mulf %gather3A_182, %gather3A_183 : vector<16xf32>
      %add3A_185 = arith.addf %add3A_175, %mul3A_184 : vector<16xf32>
      %add3A_186 = arith.constant 13 : i32
      %add3A_187 = vector.broadcast %add3A_186 : i32 to vector<16xi32>
      %add3A_188 = arith.addi %iota3A, %add3A_187 : vector<16xi32>
      %and3A_189 = arith.constant 63 : i32
      %and3A_190 = vector.broadcast %and3A_189 : i32 to vector<16xi32>
      %and3A_191 = arith.andi %add3A_188, %and3A_190 : vector<16xi32>
      %gather3A_192 = tpu.vector_load_idx %arg9[%add3A_56, %and3A_191] : memref<256x64xf32, #tpu.memory_space<vmem>>[vector<16xi32>, vector<16xi32>], vector<16xf32>,
      %gather3A_193 = tpu.vector_load_idx %arg10[%add3A_56, %and3A_191] : memref<256x64xf32, #tpu.memory_space<vmem>>[vector<16xi32>, vector<16xi32>], vector<16xf32>,
      %mul3A_194 = arith.mulf %gather3A_192, %gather3A_193 : vector<16xf32>
      %add3A_195 = arith.addf %add3A_185, %mul3A_194 : vector<16xf32>
      %add3A_196 = arith.constant 14 : i32
      %add3A_197 = vector.broadcast %add3A_196 : i32 to vector<16xi32>
      %add3A_198 = arith.addi %iota3A, %add3A_197 : vector<16xi32>
      %and3A_199 = arith.constant 63 : i32
      %and3A_200 = vector.broadcast %and3A_199 : i32 to vector<16xi32>
      %and3A_201 = arith.andi %add3A_198, %and3A_200 : vector<16xi32>
      %gather3A_202 = tpu.vector_load_idx %arg9[%add3A_56, %and3A_201] : memref<256x64xf32, #tpu.memory_space<vmem>>[vector<16xi32>, vector<16xi32>], vector<16xf32>,
      %gather3A_203 = tpu.vector_load_idx %arg10[%add3A_56, %and3A_201] : memref<256x64xf32, #tpu.memory_space<vmem>>[vector<16xi32>, vector<16xi32>], vector<16xf32>,
      %mul3A_204 = arith.mulf %gather3A_202, %gather3A_203 : vector<16xf32>
      %add3A_205 = arith.addf %add3A_195, %mul3A_204 : vector<16xf32>
      %add3A_206 = arith.constant 15 : i32
      %add3A_207 = vector.broadcast %add3A_206 : i32 to vector<16xi32>
      %add3A_208 = arith.addi %iota3A, %add3A_207 : vector<16xi32>
      %and3A_209 = arith.constant 63 : i32
      %and3A_210 = vector.broadcast %and3A_209 : i32 to vector<16xi32>
      %and3A_211 = arith.andi %add3A_208, %and3A_210 : vector<16xi32>
      %gather3A_212 = tpu.vector_load_idx %arg9[%add3A_56, %and3A_211] : memref<256x64xf32, #tpu.memory_space<vmem>>[vector<16xi32>, vector<16xi32>], vector<16xf32>,
      %gather3A_213 = tpu.vector_load_idx %arg10[%add3A_56, %and3A_211] : memref<256x64xf32, #tpu.memory_space<vmem>>[vector<16xi32>, vector<16xi32>], vector<16xf32>,
      %mul3A_214 = arith.mulf %gather3A_212, %gather3A_213 : vector<16xf32>
      %add3A_215 = arith.addf %add3A_205, %mul3A_214 : vector<16xf32>
      %add3A_216 = arith.constant 16 : i32
      %add3A_217 = vector.broadcast %add3A_216 : i32 to vector<16xi32>
      %add3A_218 = arith.addi %iota3A, %add3A_217 : vector<16xi32>
      %and3A_219 = arith.constant 63 : i32
      %and3A_220 = vector.broadcast %and3A_219 : i32 to vector<16xi32>
      %and3A_221 = arith.andi %add3A_218, %and3A_220 : vector<16xi32>
      %gather3A_222 = tpu.vector_load_idx %arg9[%add3A_56, %and3A_221] : memref<256x64xf32, #tpu.memory_space<vmem>>[vector<16xi32>, vector<16xi32>], vector<16xf32>,
      %gather3A_223 = tpu.vector_load_idx %arg10[%add3A_56, %and3A_221] : memref<256x64xf32, #tpu.memory_space<vmem>>[vector<16xi32>, vector<16xi32>], vector<16xf32>,
      %mul3A_224 = arith.mulf %gather3A_222, %gather3A_223 : vector<16xf32>
      %add3A_225 = arith.addf %add3A_215, %mul3A_224 : vector<16xf32>
      %add3A_226 = arith.constant 17 : i32
      %add3A_227 = vector.broadcast %add3A_226 : i32 to vector<16xi32>
      %add3A_228 = arith.addi %iota3A, %add3A_227 : vector<16xi32>
      %and3A_229 = arith.constant 63 : i32
      %and3A_230 = vector.broadcast %and3A_229 : i32 to vector<16xi32>
      %and3A_231 = arith.andi %add3A_228, %and3A_230 : vector<16xi32>
      %gather3A_232 = tpu.vector_load_idx %arg9[%add3A_56, %and3A_231] : memref<256x64xf32, #tpu.memory_space<vmem>>[vector<16xi32>, vector<16xi32>], vector<16xf32>,
      %gather3A_233 = tpu.vector_load_idx %arg10[%add3A_56, %and3A_231] : memref<256x64xf32, #tpu.memory_space<vmem>>[vector<16xi32>, vector<16xi32>], vector<16xf32>,
      %mul3A_234 = arith.mulf %gather3A_232, %gather3A_233 : vector<16xf32>
      %add3A_235 = arith.addf %add3A_225, %mul3A_234 : vector<16xf32>
      %add3A_236 = arith.constant 18 : i32
      %add3A_237 = vector.broadcast %add3A_236 : i32 to vector<16xi32>
      %add3A_238 = arith.addi %iota3A, %add3A_237 : vector<16xi32>
      %and3A_239 = arith.constant 63 : i32
      %and3A_240 = vector.broadcast %and3A_239 : i32 to vector<16xi32>
      %and3A_241 = arith.andi %add3A_238, %and3A_240 : vector<16xi32>
      %gather3A_242 = tpu.vector_load_idx %arg9[%add3A_56, %and3A_241] : memref<256x64xf32, #tpu.memory_space<vmem>>[vector<16xi32>, vector<16xi32>], vector<16xf32>,
      %gather3A_243 = tpu.vector_load_idx %arg10[%add3A_56, %and3A_241] : memref<256x64xf32, #tpu.memory_space<vmem>>[vector<16xi32>, vector<16xi32>], vector<16xf32>,
      %mul3A_244 = arith.mulf %gather3A_242, %gather3A_243 : vector<16xf32>
      %add3A_245 = arith.addf %add3A_235, %mul3A_244 : vector<16xf32>
      %add3A_246 = arith.constant 19 : i32
      %add3A_247 = vector.broadcast %add3A_246 : i32 to vector<16xi32>
      %add3A_248 = arith.addi %iota3A, %add3A_247 : vector<16xi32>
      %and3A_249 = arith.constant 63 : i32
      %and3A_250 = vector.broadcast %and3A_249 : i32 to vector<16xi32>
      %and3A_251 = arith.andi %add3A_248, %and3A_250 : vector<16xi32>
      %gather3A_252 = tpu.vector_load_idx %arg9[%add3A_56, %and3A_251] : memref<256x64xf32, #tpu.memory_space<vmem>>[vector<16xi32>, vector<16xi32>], vector<16xf32>,
      %gather3A_253 = tpu.vector_load_idx %arg10[%add3A_56, %and3A_251] : memref<256x64xf32, #tpu.memory_space<vmem>>[vector<16xi32>, vector<16xi32>], vector<16xf32>,
      %mul3A_254 = arith.mulf %gather3A_252, %gather3A_253 : vector<16xf32>
      %add3A_255 = arith.addf %add3A_245, %mul3A_254 : vector<16xf32>
      %add3A_256 = arith.constant 20 : i32
      %add3A_257 = vector.broadcast %add3A_256 : i32 to vector<16xi32>
      %add3A_258 = arith.addi %iota3A, %add3A_257 : vector<16xi32>
      %and3A_259 = arith.constant 63 : i32
      %and3A_260 = vector.broadcast %and3A_259 : i32 to vector<16xi32>
      %and3A_261 = arith.andi %add3A_258, %and3A_260 : vector<16xi32>
      %gather3A_262 = tpu.vector_load_idx %arg9[%add3A_56, %and3A_261] : memref<256x64xf32, #tpu.memory_space<vmem>>[vector<16xi32>, vector<16xi32>], vector<16xf32>,
      %gather3A_263 = tpu.vector_load_idx %arg10[%add3A_56, %and3A_261] : memref<256x64xf32, #tpu.memory_space<vmem>>[vector<16xi32>, vector<16xi32>], vector<16xf32>,
      %mul3A_264 = arith.mulf %gather3A_262, %gather3A_263 : vector<16xf32>
      %add3A_265 = arith.addf %add3A_255, %mul3A_264 : vector<16xf32>
      %add3A_266 = arith.constant 21 : i32
      %add3A_267 = vector.broadcast %add3A_266 : i32 to vector<16xi32>
      %add3A_268 = arith.addi %iota3A, %add3A_267 : vector<16xi32>
      %and3A_269 = arith.constant 63 : i32
      %and3A_270 = vector.broadcast %and3A_269 : i32 to vector<16xi32>
      %and3A_271 = arith.andi %add3A_268, %and3A_270 : vector<16xi32>
      %gather3A_272 = tpu.vector_load_idx %arg9[%add3A_56, %and3A_271] : memref<256x64xf32, #tpu.memory_space<vmem>>[vector<16xi32>, vector<16xi32>], vector<16xf32>,
      %gather3A_273 = tpu.vector_load_idx %arg10[%add3A_56, %and3A_271] : memref<256x64xf32, #tpu.memory_space<vmem>>[vector<16xi32>, vector<16xi32>], vector<16xf32>,
      %mul3A_274 = arith.mulf %gather3A_272, %gather3A_273 : vector<16xf32>
      %add3A_275 = arith.addf %add3A_265, %mul3A_274 : vector<16xf32>
      %add3A_276 = arith.constant 22 : i32
      %add3A_277 = vector.broadcast %add3A_276 : i32 to vector<16xi32>
      %add3A_278 = arith.addi %iota3A, %add3A_277 : vector<16xi32>
      %and3A_279 = arith.constant 63 : i32
      %and3A_280 = vector.broadcast %and3A_279 : i32 to vector<16xi32>
      %and3A_281 = arith.andi %add3A_278, %and3A_280 : vector<16xi32>
      %gather3A_282 = tpu.vector_load_idx %arg9[%add3A_56, %and3A_281] : memref<256x64xf32, #tpu.memory_space<vmem>>[vector<16xi32>, vector<16xi32>], vector<16xf32>,
      %gather3A_283 = tpu.vector_load_idx %arg10[%add3A_56, %and3A_281] : memref<256x64xf32, #tpu.memory_space<vmem>>[vector<16xi32>, vector<16xi32>], vector<16xf32>,
      %mul3A_284 = arith.mulf %gather3A_282, %gather3A_283 : vector<16xf32>
      %add3A_285 = arith.addf %add3A_275, %mul3A_284 : vector<16xf32>
      %add3A_286 = arith.constant 23 : i32
      %add3A_287 = vector.broadcast %add3A_286 : i32 to vector<16xi32>
      %add3A_288 = arith.addi %iota3A, %add3A_287 : vector<16xi32>
      %and3A_289 = arith.constant 63 : i32
      %and3A_290 = vector.broadcast %and3A_289 : i32 to vector<16xi32>
      %and3A_291 = arith.andi %add3A_288, %and3A_290 : vector<16xi32>
      %gather3A_292 = tpu.vector_load_idx %arg9[%add3A_56, %and3A_291] : memref<256x64xf32, #tpu.memory_space<vmem>>[vector<16xi32>, vector<16xi32>], vector<16xf32>,
      %gather3A_293 = tpu.vector_load_idx %arg10[%add3A_56, %and3A_291] : memref<256x64xf32, #tpu.memory_space<vmem>>[vector<16xi32>, vector<16xi32>], vector<16xf32>,
      %mul3A_294 = arith.mulf %gather3A_292, %gather3A_293 : vector<16xf32>
      %add3A_295 = arith.addf %add3A_285, %mul3A_294 : vector<16xf32>
      %add3A_296 = arith.constant 24 : i32
      %add3A_297 = vector.broadcast %add3A_296 : i32 to vector<16xi32>
      %add3A_298 = arith.addi %iota3A, %add3A_297 : vector<16xi32>
      %and3A_299 = arith.constant 63 : i32
      %and3A_300 = vector.broadcast %and3A_299 : i32 to vector<16xi32>
      %and3A_301 = arith.andi %add3A_298, %and3A_300 : vector<16xi32>
      %gather3A_302 = tpu.vector_load_idx %arg9[%add3A_56, %and3A_301] : memref<256x64xf32, #tpu.memory_space<vmem>>[vector<16xi32>, vector<16xi32>], vector<16xf32>,
      %gather3A_303 = tpu.vector_load_idx %arg10[%add3A_56, %and3A_301] : memref<256x64xf32, #tpu.memory_space<vmem>>[vector<16xi32>, vector<16xi32>], vector<16xf32>,
      %mul3A_304 = arith.mulf %gather3A_302, %gather3A_303 : vector<16xf32>
      %add3A_305 = arith.addf %add3A_295, %mul3A_304 : vector<16xf32>
      %add3A_306 = arith.constant 25 : i32
      %add3A_307 = vector.broadcast %add3A_306 : i32 to vector<16xi32>
      %add3A_308 = arith.addi %iota3A, %add3A_307 : vector<16xi32>
      %and3A_309 = arith.constant 63 : i32
      %and3A_310 = vector.broadcast %and3A_309 : i32 to vector<16xi32>
      %and3A_311 = arith.andi %add3A_308, %and3A_310 : vector<16xi32>
      %gather3A_312 = tpu.vector_load_idx %arg9[%add3A_56, %and3A_311] : memref<256x64xf32, #tpu.memory_space<vmem>>[vector<16xi32>, vector<16xi32>], vector<16xf32>,
      %gather3A_313 = tpu.vector_load_idx %arg10[%add3A_56, %and3A_311] : memref<256x64xf32, #tpu.memory_space<vmem>>[vector<16xi32>, vector<16xi32>], vector<16xf32>,
      %mul3A_314 = arith.mulf %gather3A_312, %gather3A_313 : vector<16xf32>
      %add3A_315 = arith.addf %add3A_305, %mul3A_314 : vector<16xf32>
      %add3A_316 = arith.constant 26 : i32
      %add3A_317 = vector.broadcast %add3A_316 : i32 to vector<16xi32>
      %add3A_318 = arith.addi %iota3A, %add3A_317 : vector<16xi32>
      %and3A_319 = arith.constant 63 : i32
      %and3A_320 = vector.broadcast %and3A_319 : i32 to vector<16xi32>
      %and3A_321 = arith.andi %add3A_318, %and3A_320 : vector<16xi32>
      %gather3A_322 = tpu.vector_load_idx %arg9[%add3A_56, %and3A_321] : memref<256x64xf32, #tpu.memory_space<vmem>>[vector<16xi32>, vector<16xi32>], vector<16xf32>,
      %gather3A_323 = tpu.vector_load_idx %arg10[%add3A_56, %and3A_321] : memref<256x64xf32, #tpu.memory_space<vmem>>[vector<16xi32>, vector<16xi32>], vector<16xf32>,
      %mul3A_324 = arith.mulf %gather3A_322, %gather3A_323 : vector<16xf32>
      %add3A_325 = arith.addf %add3A_315, %mul3A_324 : vector<16xf32>
      %add3A_326 = arith.constant 27 : i32
      %add3A_327 = vector.broadcast %add3A_326 : i32 to vector<16xi32>
      %add3A_328 = arith.addi %iota3A, %add3A_327 : vector<16xi32>
      %and3A_329 = arith.constant 63 : i32
      %and3A_330 = vector.broadcast %and3A_329 : i32 to vector<16xi32>
      %and3A_331 = arith.andi %add3A_328, %and3A_330 : vector<16xi32>
      %gather3A_332 = tpu.vector_load_idx %arg9[%add3A_56, %and3A_331] : memref<256x64xf32, #tpu.memory_space<vmem>>[vector<16xi32>, vector<16xi32>], vector<16xf32>,
      %gather3A_333 = tpu.vector_load_idx %arg10[%add3A_56, %and3A_331] : memref<256x64xf32, #tpu.memory_space<vmem>>[vector<16xi32>, vector<16xi32>], vector<16xf32>,
      %mul3A_334 = arith.mulf %gather3A_332, %gather3A_333 : vector<16xf32>
      %add3A_335 = arith.addf %add3A_325, %mul3A_334 : vector<16xf32>
      %add3A_336 = arith.constant 28 : i32
      %add3A_337 = vector.broadcast %add3A_336 : i32 to vector<16xi32>
      %add3A_338 = arith.addi %iota3A, %add3A_337 : vector<16xi32>
      %and3A_339 = arith.constant 63 : i32
      %and3A_340 = vector.broadcast %and3A_339 : i32 to vector<16xi32>
      %and3A_341 = arith.andi %add3A_338, %and3A_340 : vector<16xi32>
      %gather3A_342 = tpu.vector_load_idx %arg9[%add3A_56, %and3A_341] : memref<256x64xf32, #tpu.memory_space<vmem>>[vector<16xi32>, vector<16xi32>], vector<16xf32>,
      %gather3A_343 = tpu.vector_load_idx %arg10[%add3A_56, %and3A_341] : memref<256x64xf32, #tpu.memory_space<vmem>>[vector<16xi32>, vector<16xi32>], vector<16xf32>,
      %mul3A_344 = arith.mulf %gather3A_342, %gather3A_343 : vector<16xf32>
      %add3A_345 = arith.addf %add3A_335, %mul3A_344 : vector<16xf32>
      %add3A_346 = arith.constant 29 : i32
      %add3A_347 = vector.broadcast %add3A_346 : i32 to vector<16xi32>
      %add3A_348 = arith.addi %iota3A, %add3A_347 : vector<16xi32>
      %and3A_349 = arith.constant 63 : i32
      %and3A_350 = vector.broadcast %and3A_349 : i32 to vector<16xi32>
      %and3A_351 = arith.andi %add3A_348, %and3A_350 : vector<16xi32>
      %gather3A_352 = tpu.vector_load_idx %arg9[%add3A_56, %and3A_351] : memref<256x64xf32, #tpu.memory_space<vmem>>[vector<16xi32>, vector<16xi32>], vector<16xf32>,
      %gather3A_353 = tpu.vector_load_idx %arg10[%add3A_56, %and3A_351] : memref<256x64xf32, #tpu.memory_space<vmem>>[vector<16xi32>, vector<16xi32>], vector<16xf32>,
      %mul3A_354 = arith.mulf %gather3A_352, %gather3A_353 : vector<16xf32>
      %add3A_355 = arith.addf %add3A_345, %mul3A_354 : vector<16xf32>
      %add3A_356 = arith.constant 30 : i32
      %add3A_357 = vector.broadcast %add3A_356 : i32 to vector<16xi32>
      %add3A_358 = arith.addi %iota3A, %add3A_357 : vector<16xi32>
      %and3A_359 = arith.constant 63 : i32
      %and3A_360 = vector.broadcast %and3A_359 : i32 to vector<16xi32>
      %and3A_361 = arith.andi %add3A_358, %and3A_360 : vector<16xi32>
      %gather3A_362 = tpu.vector_load_idx %arg9[%add3A_56, %and3A_361] : memref<256x64xf32, #tpu.memory_space<vmem>>[vector<16xi32>, vector<16xi32>], vector<16xf32>,
      %gather3A_363 = tpu.vector_load_idx %arg10[%add3A_56, %and3A_361] : memref<256x64xf32, #tpu.memory_space<vmem>>[vector<16xi32>, vector<16xi32>], vector<16xf32>,
      %mul3A_364 = arith.mulf %gather3A_362, %gather3A_363 : vector<16xf32>
      %add3A_365 = arith.addf %add3A_355, %mul3A_364 : vector<16xf32>
      %add3A_366 = arith.constant 31 : i32
      %add3A_367 = vector.broadcast %add3A_366 : i32 to vector<16xi32>
      %add3A_368 = arith.addi %iota3A, %add3A_367 : vector<16xi32>
      %and3A_369 = arith.constant 63 : i32
      %and3A_370 = vector.broadcast %and3A_369 : i32 to vector<16xi32>
      %and3A_371 = arith.andi %add3A_368, %and3A_370 : vector<16xi32>
      %gather3A_372 = tpu.vector_load_idx %arg9[%add3A_56, %and3A_371] : memref<256x64xf32, #tpu.memory_space<vmem>>[vector<16xi32>, vector<16xi32>], vector<16xf32>,
      %gather3A_373 = tpu.vector_load_idx %arg10[%add3A_56, %and3A_371] : memref<256x64xf32, #tpu.memory_space<vmem>>[vector<16xi32>, vector<16xi32>], vector<16xf32>,
      %mul3A_374 = arith.mulf %gather3A_372, %gather3A_373 : vector<16xf32>
      %add3A_375 = arith.addf %add3A_365, %mul3A_374 : vector<16xf32>
      %add3A_376 = arith.constant 32 : i32
      %add3A_377 = vector.broadcast %add3A_376 : i32 to vector<16xi32>
      %add3A_378 = arith.addi %iota3A, %add3A_377 : vector<16xi32>
      %and3A_379 = arith.constant 63 : i32
      %and3A_380 = vector.broadcast %and3A_379 : i32 to vector<16xi32>
      %and3A_381 = arith.andi %add3A_378, %and3A_380 : vector<16xi32>
      %gather3A_382 = tpu.vector_load_idx %arg9[%add3A_56, %and3A_381] : memref<256x64xf32, #tpu.memory_space<vmem>>[vector<16xi32>, vector<16xi32>], vector<16xf32>,
      %gather3A_383 = tpu.vector_load_idx %arg10[%add3A_56, %and3A_381] : memref<256x64xf32, #tpu.memory_space<vmem>>[vector<16xi32>, vector<16xi32>], vector<16xf32>,
      %mul3A_384 = arith.mulf %gather3A_382, %gather3A_383 : vector<16xf32>
      %add3A_385 = arith.addf %add3A_375, %mul3A_384 : vector<16xf32>
      %add3A_386 = arith.constant 33 : i32
      %add3A_387 = vector.broadcast %add3A_386 : i32 to vector<16xi32>
      %add3A_388 = arith.addi %iota3A, %add3A_387 : vector<16xi32>
      %and3A_389 = arith.constant 63 : i32
      %and3A_390 = vector.broadcast %and3A_389 : i32 to vector<16xi32>
      %and3A_391 = arith.andi %add3A_388, %and3A_390 : vector<16xi32>
      %gather3A_392 = tpu.vector_load_idx %arg9[%add3A_56, %and3A_391] : memref<256x64xf32, #tpu.memory_space<vmem>>[vector<16xi32>, vector<16xi32>], vector<16xf32>,
      %gather3A_393 = tpu.vector_load_idx %arg10[%add3A_56, %and3A_391] : memref<256x64xf32, #tpu.memory_space<vmem>>[vector<16xi32>, vector<16xi32>], vector<16xf32>,
      %mul3A_394 = arith.mulf %gather3A_392, %gather3A_393 : vector<16xf32>
      %add3A_395 = arith.addf %add3A_385, %mul3A_394 : vector<16xf32>
      %add3A_396 = arith.constant 34 : i32
      %add3A_397 = vector.broadcast %add3A_396 : i32 to vector<16xi32>
      %add3A_398 = arith.addi %iota3A, %add3A_397 : vector<16xi32>
      %and3A_399 = arith.constant 63 : i32
      %and3A_400 = vector.broadcast %and3A_399 : i32 to vector<16xi32>
      %and3A_401 = arith.andi %add3A_398, %and3A_400 : vector<16xi32>
      %gather3A_402 = tpu.vector_load_idx %arg9[%add3A_56, %and3A_401] : memref<256x64xf32, #tpu.memory_space<vmem>>[vector<16xi32>, vector<16xi32>], vector<16xf32>,
      %gather3A_403 = tpu.vector_load_idx %arg10[%add3A_56, %and3A_401] : memref<256x64xf32, #tpu.memory_space<vmem>>[vector<16xi32>, vector<16xi32>], vector<16xf32>,
      %mul3A_404 = arith.mulf %gather3A_402, %gather3A_403 : vector<16xf32>
      %add3A_405 = arith.addf %add3A_395, %mul3A_404 : vector<16xf32>
      %add3A_406 = arith.constant 35 : i32
      %add3A_407 = vector.broadcast %add3A_406 : i32 to vector<16xi32>
      %add3A_408 = arith.addi %iota3A, %add3A_407 : vector<16xi32>
      %and3A_409 = arith.constant 63 : i32
      %and3A_410 = vector.broadcast %and3A_409 : i32 to vector<16xi32>
      %and3A_411 = arith.andi %add3A_408, %and3A_410 : vector<16xi32>
      %gather3A_412 = tpu.vector_load_idx %arg9[%add3A_56, %and3A_411] : memref<256x64xf32, #tpu.memory_space<vmem>>[vector<16xi32>, vector<16xi32>], vector<16xf32>,
      %gather3A_413 = tpu.vector_load_idx %arg10[%add3A_56, %and3A_411] : memref<256x64xf32, #tpu.memory_space<vmem>>[vector<16xi32>, vector<16xi32>], vector<16xf32>,
      %mul3A_414 = arith.mulf %gather3A_412, %gather3A_413 : vector<16xf32>
      %add3A_415 = arith.addf %add3A_405, %mul3A_414 : vector<16xf32>
      %add3A_416 = arith.constant 36 : i32
      %add3A_417 = vector.broadcast %add3A_416 : i32 to vector<16xi32>
      %add3A_418 = arith.addi %iota3A, %add3A_417 : vector<16xi32>
      %and3A_419 = arith.constant 63 : i32
      %and3A_420 = vector.broadcast %and3A_419 : i32 to vector<16xi32>
      %and3A_421 = arith.andi %add3A_418, %and3A_420 : vector<16xi32>
      %gather3A_422 = tpu.vector_load_idx %arg9[%add3A_56, %and3A_421] : memref<256x64xf32, #tpu.memory_space<vmem>>[vector<16xi32>, vector<16xi32>], vector<16xf32>,
      %gather3A_423 = tpu.vector_load_idx %arg10[%add3A_56, %and3A_421] : memref<256x64xf32, #tpu.memory_space<vmem>>[vector<16xi32>, vector<16xi32>], vector<16xf32>,
      %mul3A_424 = arith.mulf %gather3A_422, %gather3A_423 : vector<16xf32>
      %add3A_425 = arith.addf %add3A_415, %mul3A_424 : vector<16xf32>
      %add3A_426 = arith.constant 37 : i32
      %add3A_427 = vector.broadcast %add3A_426 : i32 to vector<16xi32>
      %add3A_428 = arith.addi %iota3A, %add3A_427 : vector<16xi32>
      %and3A_429 = arith.constant 63 : i32
      %and3A_430 = vector.broadcast %and3A_429 : i32 to vector<16xi32>
      %and3A_431 = arith.andi %add3A_428, %and3A_430 : vector<16xi32>
      %gather3A_432 = tpu.vector_load_idx %arg9[%add3A_56, %and3A_431] : memref<256x64xf32, #tpu.memory_space<vmem>>[vector<16xi32>, vector<16xi32>], vector<16xf32>,
      %gather3A_433 = tpu.vector_load_idx %arg10[%add3A_56, %and3A_431] : memref<256x64xf32, #tpu.memory_space<vmem>>[vector<16xi32>, vector<16xi32>], vector<16xf32>,
      %mul3A_434 = arith.mulf %gather3A_432, %gather3A_433 : vector<16xf32>
      %add3A_435 = arith.addf %add3A_425, %mul3A_434 : vector<16xf32>
      %add3A_436 = arith.constant 38 : i32
      %add3A_437 = vector.broadcast %add3A_436 : i32 to vector<16xi32>
      %add3A_438 = arith.addi %iota3A, %add3A_437 : vector<16xi32>
      %and3A_439 = arith.constant 63 : i32
      %and3A_440 = vector.broadcast %and3A_439 : i32 to vector<16xi32>
      %and3A_441 = arith.andi %add3A_438, %and3A_440 : vector<16xi32>
      %gather3A_442 = tpu.vector_load_idx %arg9[%add3A_56, %and3A_441] : memref<256x64xf32, #tpu.memory_space<vmem>>[vector<16xi32>, vector<16xi32>], vector<16xf32>,
      %gather3A_443 = tpu.vector_load_idx %arg10[%add3A_56, %and3A_441] : memref<256x64xf32, #tpu.memory_space<vmem>>[vector<16xi32>, vector<16xi32>], vector<16xf32>,
      %mul3A_444 = arith.mulf %gather3A_442, %gather3A_443 : vector<16xf32>
      %add3A_445 = arith.addf %add3A_435, %mul3A_444 : vector<16xf32>
      %add3A_446 = arith.constant 39 : i32
      %add3A_447 = vector.broadcast %add3A_446 : i32 to vector<16xi32>
      %add3A_448 = arith.addi %iota3A, %add3A_447 : vector<16xi32>
      %and3A_449 = arith.constant 63 : i32
      %and3A_450 = vector.broadcast %and3A_449 : i32 to vector<16xi32>
      %and3A_451 = arith.andi %add3A_448, %and3A_450 : vector<16xi32>
      %gather3A_452 = tpu.vector_load_idx %arg9[%add3A_56, %and3A_451] : memref<256x64xf32, #tpu.memory_space<vmem>>[vector<16xi32>, vector<16xi32>], vector<16xf32>,
      %gather3A_453 = tpu.vector_load_idx %arg10[%add3A_56, %and3A_451] : memref<256x64xf32, #tpu.memory_space<vmem>>[vector<16xi32>, vector<16xi32>], vector<16xf32>,
      %mul3A_454 = arith.mulf %gather3A_452, %gather3A_453 : vector<16xf32>
      %add3A_455 = arith.addf %add3A_445, %mul3A_454 : vector<16xf32>
      %add3A_456 = arith.constant 40 : i32
      %add3A_457 = vector.broadcast %add3A_456 : i32 to vector<16xi32>
      %add3A_458 = arith.addi %iota3A, %add3A_457 : vector<16xi32>
      %and3A_459 = arith.constant 63 : i32
      %and3A_460 = vector.broadcast %and3A_459 : i32 to vector<16xi32>
      %and3A_461 = arith.andi %add3A_458, %and3A_460 : vector<16xi32>
      %gather3A_462 = tpu.vector_load_idx %arg9[%add3A_56, %and3A_461] : memref<256x64xf32, #tpu.memory_space<vmem>>[vector<16xi32>, vector<16xi32>], vector<16xf32>,
      %gather3A_463 = tpu.vector_load_idx %arg10[%add3A_56, %and3A_461] : memref<256x64xf32, #tpu.memory_space<vmem>>[vector<16xi32>, vector<16xi32>], vector<16xf32>,
      %mul3A_464 = arith.mulf %gather3A_462, %gather3A_463 : vector<16xf32>
      %add3A_465 = arith.addf %add3A_455, %mul3A_464 : vector<16xf32>
      %add3A_466 = arith.constant 41 : i32
      %add3A_467 = vector.broadcast %add3A_466 : i32 to vector<16xi32>
      %add3A_468 = arith.addi %iota3A, %add3A_467 : vector<16xi32>
      %and3A_469 = arith.constant 63 : i32
      %and3A_470 = vector.broadcast %and3A_469 : i32 to vector<16xi32>
      %and3A_471 = arith.andi %add3A_468, %and3A_470 : vector<16xi32>
      %gather3A_472 = tpu.vector_load_idx %arg9[%add3A_56, %and3A_471] : memref<256x64xf32, #tpu.memory_space<vmem>>[vector<16xi32>, vector<16xi32>], vector<16xf32>,
      %gather3A_473 = tpu.vector_load_idx %arg10[%add3A_56, %and3A_471] : memref<256x64xf32, #tpu.memory_space<vmem>>[vector<16xi32>, vector<16xi32>], vector<16xf32>,
      %mul3A_474 = arith.mulf %gather3A_472, %gather3A_473 : vector<16xf32>
      %add3A_475 = arith.addf %add3A_465, %mul3A_474 : vector<16xf32>
      %add3A_476 = arith.constant 42 : i32
      %add3A_477 = vector.broadcast %add3A_476 : i32 to vector<16xi32>
      %add3A_478 = arith.addi %iota3A, %add3A_477 : vector<16xi32>
      %and3A_479 = arith.constant 63 : i32
      %and3A_480 = vector.broadcast %and3A_479 : i32 to vector<16xi32>
      %and3A_481 = arith.andi %add3A_478, %and3A_480 : vector<16xi32>
      %gather3A_482 = tpu.vector_load_idx %arg9[%add3A_56, %and3A_481] : memref<256x64xf32, #tpu.memory_space<vmem>>[vector<16xi32>, vector<16xi32>], vector<16xf32>,
      %gather3A_483 = tpu.vector_load_idx %arg10[%add3A_56, %and3A_481] : memref<256x64xf32, #tpu.memory_space<vmem>>[vector<16xi32>, vector<16xi32>], vector<16xf32>,
      %mul3A_484 = arith.mulf %gather3A_482, %gather3A_483 : vector<16xf32>
      %add3A_485 = arith.addf %add3A_475, %mul3A_484 : vector<16xf32>
      %add3A_486 = arith.constant 43 : i32
      %add3A_487 = vector.broadcast %add3A_486 : i32 to vector<16xi32>
      %add3A_488 = arith.addi %iota3A, %add3A_487 : vector<16xi32>
      %and3A_489 = arith.constant 63 : i32
      %and3A_490 = vector.broadcast %and3A_489 : i32 to vector<16xi32>
      %and3A_491 = arith.andi %add3A_488, %and3A_490 : vector<16xi32>
      %gather3A_492 = tpu.vector_load_idx %arg9[%add3A_56, %and3A_491] : memref<256x64xf32, #tpu.memory_space<vmem>>[vector<16xi32>, vector<16xi32>], vector<16xf32>,
      %gather3A_493 = tpu.vector_load_idx %arg10[%add3A_56, %and3A_491] : memref<256x64xf32, #tpu.memory_space<vmem>>[vector<16xi32>, vector<16xi32>], vector<16xf32>,
      %mul3A_494 = arith.mulf %gather3A_492, %gather3A_493 : vector<16xf32>
      %add3A_495 = arith.addf %add3A_485, %mul3A_494 : vector<16xf32>
      %add3A_496 = arith.constant 44 : i32
      %add3A_497 = vector.broadcast %add3A_496 : i32 to vector<16xi32>
      %add3A_498 = arith.addi %iota3A, %add3A_497 : vector<16xi32>
      %and3A_499 = arith.constant 63 : i32
      %and3A_500 = vector.broadcast %and3A_499 : i32 to vector<16xi32>
      %and3A_501 = arith.andi %add3A_498, %and3A_500 : vector<16xi32>
      %gather3A_502 = tpu.vector_load_idx %arg9[%add3A_56, %and3A_501] : memref<256x64xf32, #tpu.memory_space<vmem>>[vector<16xi32>, vector<16xi32>], vector<16xf32>,
      %gather3A_503 = tpu.vector_load_idx %arg10[%add3A_56, %and3A_501] : memref<256x64xf32, #tpu.memory_space<vmem>>[vector<16xi32>, vector<16xi32>], vector<16xf32>,
      %mul3A_504 = arith.mulf %gather3A_502, %gather3A_503 : vector<16xf32>
      %add3A_505 = arith.addf %add3A_495, %mul3A_504 : vector<16xf32>
      %add3A_506 = arith.constant 45 : i32
      %add3A_507 = vector.broadcast %add3A_506 : i32 to vector<16xi32>
      %add3A_508 = arith.addi %iota3A, %add3A_507 : vector<16xi32>
      %and3A_509 = arith.constant 63 : i32
      %and3A_510 = vector.broadcast %and3A_509 : i32 to vector<16xi32>
      %and3A_511 = arith.andi %add3A_508, %and3A_510 : vector<16xi32>
      %gather3A_512 = tpu.vector_load_idx %arg9[%add3A_56, %and3A_511] : memref<256x64xf32, #tpu.memory_space<vmem>>[vector<16xi32>, vector<16xi32>], vector<16xf32>,
      %gather3A_513 = tpu.vector_load_idx %arg10[%add3A_56, %and3A_511] : memref<256x64xf32, #tpu.memory_space<vmem>>[vector<16xi32>, vector<16xi32>], vector<16xf32>,
      %mul3A_514 = arith.mulf %gather3A_512, %gather3A_513 : vector<16xf32>
      %add3A_515 = arith.addf %add3A_505, %mul3A_514 : vector<16xf32>
      %add3A_516 = arith.constant 46 : i32
      %add3A_517 = vector.broadcast %add3A_516 : i32 to vector<16xi32>
      %add3A_518 = arith.addi %iota3A, %add3A_517 : vector<16xi32>
      %and3A_519 = arith.constant 63 : i32
      %and3A_520 = vector.broadcast %and3A_519 : i32 to vector<16xi32>
      %and3A_521 = arith.andi %add3A_518, %and3A_520 : vector<16xi32>
      %gather3A_522 = tpu.vector_load_idx %arg9[%add3A_56, %and3A_521] : memref<256x64xf32, #tpu.memory_space<vmem>>[vector<16xi32>, vector<16xi32>], vector<16xf32>,
      %gather3A_523 = tpu.vector_load_idx %arg10[%add3A_56, %and3A_521] : memref<256x64xf32, #tpu.memory_space<vmem>>[vector<16xi32>, vector<16xi32>], vector<16xf32>,
      %mul3A_524 = arith.mulf %gather3A_522, %gather3A_523 : vector<16xf32>
      %add3A_525 = arith.addf %add3A_515, %mul3A_524 : vector<16xf32>
      %add3A_526 = arith.constant 47 : i32
      %add3A_527 = vector.broadcast %add3A_526 : i32 to vector<16xi32>
      %add3A_528 = arith.addi %iota3A, %add3A_527 : vector<16xi32>
      %and3A_529 = arith.constant 63 : i32
      %and3A_530 = vector.broadcast %and3A_529 : i32 to vector<16xi32>
      %and3A_531 = arith.andi %add3A_528, %and3A_530 : vector<16xi32>
      %gather3A_532 = tpu.vector_load_idx %arg9[%add3A_56, %and3A_531] : memref<256x64xf32, #tpu.memory_space<vmem>>[vector<16xi32>, vector<16xi32>], vector<16xf32>,
      %gather3A_533 = tpu.vector_load_idx %arg10[%add3A_56, %and3A_531] : memref<256x64xf32, #tpu.memory_space<vmem>>[vector<16xi32>, vector<16xi32>], vector<16xf32>,
      %mul3A_534 = arith.mulf %gather3A_532, %gather3A_533 : vector<16xf32>
      %add3A_535 = arith.addf %add3A_525, %mul3A_534 : vector<16xf32>
      %add3A_536 = arith.constant 48 : i32
      %add3A_537 = vector.broadcast %add3A_536 : i32 to vector<16xi32>
      %add3A_538 = arith.addi %iota3A, %add3A_537 : vector<16xi32>
      %and3A_539 = arith.constant 63 : i32
      %and3A_540 = vector.broadcast %and3A_539 : i32 to vector<16xi32>
      %and3A_541 = arith.andi %add3A_538, %and3A_540 : vector<16xi32>
      %gather3A_542 = tpu.vector_load_idx %arg9[%add3A_56, %and3A_541] : memref<256x64xf32, #tpu.memory_space<vmem>>[vector<16xi32>, vector<16xi32>], vector<16xf32>,
      %gather3A_543 = tpu.vector_load_idx %arg10[%add3A_56, %and3A_541] : memref<256x64xf32, #tpu.memory_space<vmem>>[vector<16xi32>, vector<16xi32>], vector<16xf32>,
      %mul3A_544 = arith.mulf %gather3A_542, %gather3A_543 : vector<16xf32>
      %add3A_545 = arith.addf %add3A_535, %mul3A_544 : vector<16xf32>
      %add3A_546 = arith.constant 49 : i32
      %add3A_547 = vector.broadcast %add3A_546 : i32 to vector<16xi32>
      %add3A_548 = arith.addi %iota3A, %add3A_547 : vector<16xi32>
      %and3A_549 = arith.constant 63 : i32
      %and3A_550 = vector.broadcast %and3A_549 : i32 to vector<16xi32>
      %and3A_551 = arith.andi %add3A_548, %and3A_550 : vector<16xi32>
      %gather3A_552 = tpu.vector_load_idx %arg9[%add3A_56, %and3A_551] : memref<256x64xf32, #tpu.memory_space<vmem>>[vector<16xi32>, vector<16xi32>], vector<16xf32>,
      %gather3A_553 = tpu.vector_load_idx %arg10[%add3A_56, %and3A_551] : memref<256x64xf32, #tpu.memory_space<vmem>>[vector<16xi32>, vector<16xi32>], vector<16xf32>,
      %mul3A_554 = arith.mulf %gather3A_552, %gather3A_553 : vector<16xf32>
      %add3A_555 = arith.addf %add3A_545, %mul3A_554 : vector<16xf32>
      %add3A_556 = arith.constant 50 : i32
      %add3A_557 = vector.broadcast %add3A_556 : i32 to vector<16xi32>
      %add3A_558 = arith.addi %iota3A, %add3A_557 : vector<16xi32>
      %and3A_559 = arith.constant 63 : i32
      %and3A_560 = vector.broadcast %and3A_559 : i32 to vector<16xi32>
      %and3A_561 = arith.andi %add3A_558, %and3A_560 : vector<16xi32>
      %gather3A_562 = tpu.vector_load_idx %arg9[%add3A_56, %and3A_561] : memref<256x64xf32, #tpu.memory_space<vmem>>[vector<16xi32>, vector<16xi32>], vector<16xf32>,
      %gather3A_563 = tpu.vector_load_idx %arg10[%add3A_56, %and3A_561] : memref<256x64xf32, #tpu.memory_space<vmem>>[vector<16xi32>, vector<16xi32>], vector<16xf32>,
      %mul3A_564 = arith.mulf %gather3A_562, %gather3A_563 : vector<16xf32>
      %add3A_565 = arith.addf %add3A_555, %mul3A_564 : vector<16xf32>
      %add3A_566 = arith.constant 51 : i32
      %add3A_567 = vector.broadcast %add3A_566 : i32 to vector<16xi32>
      %add3A_568 = arith.addi %iota3A, %add3A_567 : vector<16xi32>
      %and3A_569 = arith.constant 63 : i32
      %and3A_570 = vector.broadcast %and3A_569 : i32 to vector<16xi32>
      %and3A_571 = arith.andi %add3A_568, %and3A_570 : vector<16xi32>
      %gather3A_572 = tpu.vector_load_idx %arg9[%add3A_56, %and3A_571] : memref<256x64xf32, #tpu.memory_space<vmem>>[vector<16xi32>, vector<16xi32>], vector<16xf32>,
      %gather3A_573 = tpu.vector_load_idx %arg10[%add3A_56, %and3A_571] : memref<256x64xf32, #tpu.memory_space<vmem>>[vector<16xi32>, vector<16xi32>], vector<16xf32>,
      %mul3A_574 = arith.mulf %gather3A_572, %gather3A_573 : vector<16xf32>
      %add3A_575 = arith.addf %add3A_565, %mul3A_574 : vector<16xf32>
      %add3A_576 = arith.constant 52 : i32
      %add3A_577 = vector.broadcast %add3A_576 : i32 to vector<16xi32>
      %add3A_578 = arith.addi %iota3A, %add3A_577 : vector<16xi32>
      %and3A_579 = arith.constant 63 : i32
      %and3A_580 = vector.broadcast %and3A_579 : i32 to vector<16xi32>
      %and3A_581 = arith.andi %add3A_578, %and3A_580 : vector<16xi32>
      %gather3A_582 = tpu.vector_load_idx %arg9[%add3A_56, %and3A_581] : memref<256x64xf32, #tpu.memory_space<vmem>>[vector<16xi32>, vector<16xi32>], vector<16xf32>,
      %gather3A_583 = tpu.vector_load_idx %arg10[%add3A_56, %and3A_581] : memref<256x64xf32, #tpu.memory_space<vmem>>[vector<16xi32>, vector<16xi32>], vector<16xf32>,
      %mul3A_584 = arith.mulf %gather3A_582, %gather3A_583 : vector<16xf32>
      %add3A_585 = arith.addf %add3A_575, %mul3A_584 : vector<16xf32>
      %add3A_586 = arith.constant 53 : i32
      %add3A_587 = vector.broadcast %add3A_586 : i32 to vector<16xi32>
      %add3A_588 = arith.addi %iota3A, %add3A_587 : vector<16xi32>
      %and3A_589 = arith.constant 63 : i32
      %and3A_590 = vector.broadcast %and3A_589 : i32 to vector<16xi32>
      %and3A_591 = arith.andi %add3A_588, %and3A_590 : vector<16xi32>
      %gather3A_592 = tpu.vector_load_idx %arg9[%add3A_56, %and3A_591] : memref<256x64xf32, #tpu.memory_space<vmem>>[vector<16xi32>, vector<16xi32>], vector<16xf32>,
      %gather3A_593 = tpu.vector_load_idx %arg10[%add3A_56, %and3A_591] : memref<256x64xf32, #tpu.memory_space<vmem>>[vector<16xi32>, vector<16xi32>], vector<16xf32>,
      %mul3A_594 = arith.mulf %gather3A_592, %gather3A_593 : vector<16xf32>
      %add3A_595 = arith.addf %add3A_585, %mul3A_594 : vector<16xf32>
      %add3A_596 = arith.constant 54 : i32
      %add3A_597 = vector.broadcast %add3A_596 : i32 to vector<16xi32>
      %add3A_598 = arith.addi %iota3A, %add3A_597 : vector<16xi32>
      %and3A_599 = arith.constant 63 : i32
      %and3A_600 = vector.broadcast %and3A_599 : i32 to vector<16xi32>
      %and3A_601 = arith.andi %add3A_598, %and3A_600 : vector<16xi32>
      %gather3A_602 = tpu.vector_load_idx %arg9[%add3A_56, %and3A_601] : memref<256x64xf32, #tpu.memory_space<vmem>>[vector<16xi32>, vector<16xi32>], vector<16xf32>,
      %gather3A_603 = tpu.vector_load_idx %arg10[%add3A_56, %and3A_601] : memref<256x64xf32, #tpu.memory_space<vmem>>[vector<16xi32>, vector<16xi32>], vector<16xf32>,
      %mul3A_604 = arith.mulf %gather3A_602, %gather3A_603 : vector<16xf32>
      %add3A_605 = arith.addf %add3A_595, %mul3A_604 : vector<16xf32>
      %add3A_606 = arith.constant 55 : i32
      %add3A_607 = vector.broadcast %add3A_606 : i32 to vector<16xi32>
      %add3A_608 = arith.addi %iota3A, %add3A_607 : vector<16xi32>
      %and3A_609 = arith.constant 63 : i32
      %and3A_610 = vector.broadcast %and3A_609 : i32 to vector<16xi32>
      %and3A_611 = arith.andi %add3A_608, %and3A_610 : vector<16xi32>
      %gather3A_612 = tpu.vector_load_idx %arg9[%add3A_56, %and3A_611] : memref<256x64xf32, #tpu.memory_space<vmem>>[vector<16xi32>, vector<16xi32>], vector<16xf32>,
      %gather3A_613 = tpu.vector_load_idx %arg10[%add3A_56, %and3A_611] : memref<256x64xf32, #tpu.memory_space<vmem>>[vector<16xi32>, vector<16xi32>], vector<16xf32>,
      %mul3A_614 = arith.mulf %gather3A_612, %gather3A_613 : vector<16xf32>
      %add3A_615 = arith.addf %add3A_605, %mul3A_614 : vector<16xf32>
      %add3A_616 = arith.constant 56 : i32
      %add3A_617 = vector.broadcast %add3A_616 : i32 to vector<16xi32>
      %add3A_618 = arith.addi %iota3A, %add3A_617 : vector<16xi32>
      %and3A_619 = arith.constant 63 : i32
      %and3A_620 = vector.broadcast %and3A_619 : i32 to vector<16xi32>
      %and3A_621 = arith.andi %add3A_618, %and3A_620 : vector<16xi32>
      %gather3A_622 = tpu.vector_load_idx %arg9[%add3A_56, %and3A_621] : memref<256x64xf32, #tpu.memory_space<vmem>>[vector<16xi32>, vector<16xi32>], vector<16xf32>,
      %gather3A_623 = tpu.vector_load_idx %arg10[%add3A_56, %and3A_621] : memref<256x64xf32, #tpu.memory_space<vmem>>[vector<16xi32>, vector<16xi32>], vector<16xf32>,
      %mul3A_624 = arith.mulf %gather3A_622, %gather3A_623 : vector<16xf32>
      %add3A_625 = arith.addf %add3A_615, %mul3A_624 : vector<16xf32>
      %add3A_626 = arith.constant 57 : i32
      %add3A_627 = vector.broadcast %add3A_626 : i32 to vector<16xi32>
      %add3A_628 = arith.addi %iota3A, %add3A_627 : vector<16xi32>
      %and3A_629 = arith.constant 63 : i32
      %and3A_630 = vector.broadcast %and3A_629 : i32 to vector<16xi32>
      %and3A_631 = arith.andi %add3A_628, %and3A_630 : vector<16xi32>
      %gather3A_632 = tpu.vector_load_idx %arg9[%add3A_56, %and3A_631] : memref<256x64xf32, #tpu.memory_space<vmem>>[vector<16xi32>, vector<16xi32>], vector<16xf32>,
      %gather3A_633 = tpu.vector_load_idx %arg10[%add3A_56, %and3A_631] : memref<256x64xf32, #tpu.memory_space<vmem>>[vector<16xi32>, vector<16xi32>], vector<16xf32>,
      %mul3A_634 = arith.mulf %gather3A_632, %gather3A_633 : vector<16xf32>
      %add3A_635 = arith.addf %add3A_625, %mul3A_634 : vector<16xf32>
      %add3A_636 = arith.constant 58 : i32
      %add3A_637 = vector.broadcast %add3A_636 : i32 to vector<16xi32>
      %add3A_638 = arith.addi %iota3A, %add3A_637 : vector<16xi32>
      %and3A_639 = arith.constant 63 : i32
      %and3A_640 = vector.broadcast %and3A_639 : i32 to vector<16xi32>
      %and3A_641 = arith.andi %add3A_638, %and3A_640 : vector<16xi32>
      %gather3A_642 = tpu.vector_load_idx %arg9[%add3A_56, %and3A_641] : memref<256x64xf32, #tpu.memory_space<vmem>>[vector<16xi32>, vector<16xi32>], vector<16xf32>,
      %gather3A_643 = tpu.vector_load_idx %arg10[%add3A_56, %and3A_641] : memref<256x64xf32, #tpu.memory_space<vmem>>[vector<16xi32>, vector<16xi32>], vector<16xf32>,
      %mul3A_644 = arith.mulf %gather3A_642, %gather3A_643 : vector<16xf32>
      %add3A_645 = arith.addf %add3A_635, %mul3A_644 : vector<16xf32>
      %add3A_646 = arith.constant 59 : i32
      %add3A_647 = vector.broadcast %add3A_646 : i32 to vector<16xi32>
      %add3A_648 = arith.addi %iota3A, %add3A_647 : vector<16xi32>
      %and3A_649 = arith.constant 63 : i32
      %and3A_650 = vector.broadcast %and3A_649 : i32 to vector<16xi32>
      %and3A_651 = arith.andi %add3A_648, %and3A_650 : vector<16xi32>
      %gather3A_652 = tpu.vector_load_idx %arg9[%add3A_56, %and3A_651] : memref<256x64xf32, #tpu.memory_space<vmem>>[vector<16xi32>, vector<16xi32>], vector<16xf32>,
      %gather3A_653 = tpu.vector_load_idx %arg10[%add3A_56, %and3A_651] : memref<256x64xf32, #tpu.memory_space<vmem>>[vector<16xi32>, vector<16xi32>], vector<16xf32>,
      %mul3A_654 = arith.mulf %gather3A_652, %gather3A_653 : vector<16xf32>
      %add3A_655 = arith.addf %add3A_645, %mul3A_654 : vector<16xf32>
      %add3A_656 = arith.constant 60 : i32
      %add3A_657 = vector.broadcast %add3A_656 : i32 to vector<16xi32>
      %add3A_658 = arith.addi %iota3A, %add3A_657 : vector<16xi32>
      %and3A_659 = arith.constant 63 : i32
      %and3A_660 = vector.broadcast %and3A_659 : i32 to vector<16xi32>
      %and3A_661 = arith.andi %add3A_658, %and3A_660 : vector<16xi32>
      %gather3A_662 = tpu.vector_load_idx %arg9[%add3A_56, %and3A_661] : memref<256x64xf32, #tpu.memory_space<vmem>>[vector<16xi32>, vector<16xi32>], vector<16xf32>,
      %gather3A_663 = tpu.vector_load_idx %arg10[%add3A_56, %and3A_661] : memref<256x64xf32, #tpu.memory_space<vmem>>[vector<16xi32>, vector<16xi32>], vector<16xf32>,
      %mul3A_664 = arith.mulf %gather3A_662, %gather3A_663 : vector<16xf32>
      %add3A_665 = arith.addf %add3A_655, %mul3A_664 : vector<16xf32>
      %add3A_666 = arith.constant 61 : i32
      %add3A_667 = vector.broadcast %add3A_666 : i32 to vector<16xi32>
      %add3A_668 = arith.addi %iota3A, %add3A_667 : vector<16xi32>
      %and3A_669 = arith.constant 63 : i32
      %and3A_670 = vector.broadcast %and3A_669 : i32 to vector<16xi32>
      %and3A_671 = arith.andi %add3A_668, %and3A_670 : vector<16xi32>
      %gather3A_672 = tpu.vector_load_idx %arg9[%add3A_56, %and3A_671] : memref<256x64xf32, #tpu.memory_space<vmem>>[vector<16xi32>, vector<16xi32>], vector<16xf32>,
      %gather3A_673 = tpu.vector_load_idx %arg10[%add3A_56, %and3A_671] : memref<256x64xf32, #tpu.memory_space<vmem>>[vector<16xi32>, vector<16xi32>], vector<16xf32>,
      %mul3A_674 = arith.mulf %gather3A_672, %gather3A_673 : vector<16xf32>
      %add3A_675 = arith.addf %add3A_665, %mul3A_674 : vector<16xf32>
      %add3A_676 = arith.constant 62 : i32
      %add3A_677 = vector.broadcast %add3A_676 : i32 to vector<16xi32>
      %add3A_678 = arith.addi %iota3A, %add3A_677 : vector<16xi32>
      %and3A_679 = arith.constant 63 : i32
      %and3A_680 = vector.broadcast %and3A_679 : i32 to vector<16xi32>
      %and3A_681 = arith.andi %add3A_678, %and3A_680 : vector<16xi32>
      %gather3A_682 = tpu.vector_load_idx %arg9[%add3A_56, %and3A_681] : memref<256x64xf32, #tpu.memory_space<vmem>>[vector<16xi32>, vector<16xi32>], vector<16xf32>,
      %gather3A_683 = tpu.vector_load_idx %arg10[%add3A_56, %and3A_681] : memref<256x64xf32, #tpu.memory_space<vmem>>[vector<16xi32>, vector<16xi32>], vector<16xf32>,
      %mul3A_684 = arith.mulf %gather3A_682, %gather3A_683 : vector<16xf32>
      %add3A_685 = arith.addf %add3A_675, %mul3A_684 : vector<16xf32>
      %add3A_686 = arith.constant 63 : i32
      %add3A_687 = vector.broadcast %add3A_686 : i32 to vector<16xi32>
      %add3A_688 = arith.addi %iota3A, %add3A_687 : vector<16xi32>
      %and3A_689 = arith.constant 63 : i32
      %and3A_690 = vector.broadcast %and3A_689 : i32 to vector<16xi32>
      %and3A_691 = arith.andi %add3A_688, %and3A_690 : vector<16xi32>
      %gather3A_692 = tpu.vector_load_idx %arg9[%add3A_56, %and3A_691] : memref<256x64xf32, #tpu.memory_space<vmem>>[vector<16xi32>, vector<16xi32>], vector<16xf32>,
      %gather3A_693 = tpu.vector_load_idx %arg10[%add3A_56, %and3A_691] : memref<256x64xf32, #tpu.memory_space<vmem>>[vector<16xi32>, vector<16xi32>], vector<16xf32>,
      %mul3A_694 = arith.mulf %gather3A_692, %gather3A_693 : vector<16xf32>
      %add3A_695 = arith.addf %add3A_685, %mul3A_694 : vector<16xf32>
      %mul3A_696 = arith.constant 16 : i32
      %mul3A_697 = arith.muli %scan3A_51, %mul3A_696 : i32
      %add3A_698 = arith.constant 256 : i32
      %add3A_699 = arith.addi %add3A_698, %mul3A_697 : i32
      %swap3A = arith.index_cast %add3A_699 : i32 to index
      %swap3A_700 = tpu.vector_load %arg11[%swap3A] {strides = array<i32>} : memref<512xf32, #tpu.memory_space<vmem>>, vector<16xf32>,
      tpu.vector_store %arg11[%swap3A], %add3A_695 {strides = array<i32>} : memref<512xf32, #tpu.memory_space<vmem>>, vector<16xf32>,
      %scan3A_701 = arith.constant 0 : i32
      scf.yield %scan3A_701 : i32
    }
    %scan3A_50 = arith.constant 16 : i32
    "tpu.region"() ({
      %run_scoped3A = tpu.sem_alloc : memref<!tpu.dma_semaphore, #tpu.memory_space<semaphore_mem>>
      %dma_start3A = arith.constant 0 : i32
      %dma_start3A_51 = tpu.memref_slice %arg6[%add3A, %dma_start3A] : memref<32x512xf32, #tpu.memory_space<hbm>> -> memref<1x512xf32, #tpu.memory_space<hbm>>
      %dma_start3A_52 = tpu.memref_squeeze %dma_start3A_51 : memref<1x512xf32, #tpu.memory_space<hbm>> -> memref<512xf32, #tpu.memory_space<hbm>>
      %dma_start3A_53 = arith.constant 0 : i32
      %dma_start3A_54 = tpu.memref_slice %arg6[%add3A, %dma_start3A_53] : memref<32x512xf32, #tpu.memory_space<hbm>> -> memref<1x512xf32, #tpu.memory_space<hbm>>
      %dma_start3A_55 = tpu.memref_squeeze %dma_start3A_54 : memref<1x512xf32, #tpu.memory_space<hbm>> -> memref<512xf32, #tpu.memory_space<hbm>>
      tpu.enqueue_dma source(%arg11 : memref<512xf32, #tpu.memory_space<vmem>>) target(%dma_start3A_55 : memref<512xf32, #tpu.memory_space<hbm>>) target_semaphore(%run_scoped3A : memref<!tpu.dma_semaphore, #tpu.memory_space<semaphore_mem>>)
      %dma_wait3A_56 = arith.constant 0 : i32
      %dma_wait3A_57 = tpu.memref_slice %arg6[%add3A, %dma_wait3A_56] : memref<32x512xf32, #tpu.memory_space<hbm>> -> memref<1x512xf32, #tpu.memory_space<hbm>>
      %dma_wait3A_58 = tpu.memref_squeeze %dma_wait3A_57 : memref<1x512xf32, #tpu.memory_space<hbm>> -> memref<512xf32, #tpu.memory_space<hbm>>
      %dma_wait3A_59 = arith.constant 0 : i32
      %dma_wait3A_60 = tpu.memref_slice %arg6[%add3A, %dma_wait3A_59] : memref<32x512xf32, #tpu.memory_space<hbm>> -> memref<1x512xf32, #tpu.memory_space<hbm>>
      %dma_wait3A_61 = tpu.memref_squeeze %dma_wait3A_60 : memref<1x512xf32, #tpu.memory_space<hbm>> -> memref<512xf32, #tpu.memory_space<hbm>>
      tpu.wait_dma2 semaphore(%run_scoped3A : memref<!tpu.dma_semaphore, #tpu.memory_space<semaphore_mem>>) src(%arg11 : memref<512xf32, #tpu.memory_space<vmem>>) dst(%dma_wait3A_61 : memref<512xf32, #tpu.memory_space<hbm>>)
      tpu.yield
    }) : () -> ()
    return
  }
}

</mosaic_0001>

<sc_bundles>
// kernel: _mf.3.cloned.1.call-start
scs
__scs_entry_jumppad:
0x0: {  	(pc) =	sbr.rel $0x88, $3  }
0x1: {  	(tag) =	ssettag $0x0;
	lr =	simm.s32 $0x1  }
0x2: {  	[smem:$0x3F9D] =	sst lr;
	_ =	strace $0xD0000000  }
0x3: {  	_ = 	snop  }
0x4: {  	_ = 	snop  }
0x5: {  	_ = 	snop  }
0x6: {  	_ = 	snop  }
0x7: {  	_ = 	snop  }
__scs_overlays_trampoline_lowered:
0x8: {  	[smem:$0x3FAC] =	sst s0  }
0x9: {  	[smem:$0x3FAD] =	sst s1  }
0xa: {  	[smem:$0x3FAE] =	sst s2  }
0xb: {  	[smem:$0x3FAF] =	sst s3  }
0xc: {  	[smem:$0x3FB0] =	sst s4  }
0xd: {  	[smem:$0x3FB1] =	sst s5  }
0xe: {  	[smem:$0x3FB2] =	sst s6  }
0xf: {  	[smem:$0x3FB3] =	sst s7  }
0x10: {  	[smem:$0x3FB4] =	sst s8  }
0x11: {  	[smem:$0x3FB5] =	sst s9;
	s0 =	simm.s32 @!p0 $0x0  }
0x12: {  	s1 =	sld [smem:$0x3F9B];
	s0 =	simm.s32 @p0 $0x1  }
0x13: {  	[smem:$0x3FB6] =	sst s0;
	s0 =	simm.s32 @!p1 $0x0  }
0x14: {  	s2 =	sld [smem:$0x3F9A];
	s0 =	simm.s32 @p1 $0x1  }
0x15: {  	[smem:$0x3FB7] =	sst s0;
	s0 =	simm.s32 @!p2 $0x0  }
0x16: {  	s3 =	sld [smem:$0x3FDB];
	s0 =	simm.s32 @p2 $0x1  }
0x17: {  	s4 =	simm.s32 $0x1BF5;
	[smem:$0x3FB9] =	sst s0  }
0x18: {  	s0 =	sld [smem:$0x3F9C];
	_ =	swait.ge [sflag:s4], $0x0  }
0x19: {  	s7 =	sld [smem:$0x3F9D]  }
0x1a: {  	s8 =	sadd.s32 $0xFFFFE003, lr  }
0x1b: {  	s9 =	sadd.s32 $0xFFFFFEF7, lr;
	s5 =	simm.s32 $0xFFFFFFFF;
	p2 =	slt.u32 s8, $0xFFFFF086  }
0x1c: {  	p1 =	slt.u32 s9, $0xF7A;
	s5 =	simm.s32 @!p2 $0x0  }
0x1d: {  	s5 =	simm.s32 @p1 $0x1;
	p0 =	seq.s32 s7, s2  }
0x1e: {  	s7 =	smul.u32 @!p0 $0xF7A, s2;
	p2 =	seq.s32 @!p0 s5, $0x0  }
0x1f: {  	s9 =	smul.u32 $0xF7A, s1;
	s8 =	simm.s32 @!p0 $0x1BF5;
	p2 =	por !p2, p0  }
0x20: {  	[sflag:s8] =	ssyncset.s32 @!p0 $0xFFFFF086;
	s6 =	sadd.s32 @!p0 s3, s7;
	s7 =	simm.s32 @!p0 $0x108  }
0x21: {  	s3 =	sadd.s32 s3, s9;
	s6 =	sadd.s32 @!p0 $0x88, s6;
	s7 =	simm.s32 @p2 $0x1082  }
0x22: {  	[simem:s7], [sflag:s8] =	dma.local @!p0 [hbm:s6], $0xF7A  }
0x23: {  	s9 =	sor.u32 $0xD0000000, s2;
	s6 =	simm.s32 $0x108;
	_ =	swait.ge @!p0 [sflag:s8], $0x0  }
0x24: {  	s3 =	sadd.s32 $0x88, s3;
	s6 =	simm.s32 @!p1 $0x1082;
	[sflag:s4] =	ssyncset.s32 $0xFFFFF086  }
0x25: {  	[simem:s6], [sflag:s4] =	dma.local [hbm:s3], $0xF7A  }
0x26: {  	[smem:$0x3F9D] =	sst s1;
	(tag) =	ssettag s2;
	_ =	strace s9  }
0x27: {  	s1 =	sld [smem:$0x3FAD]  }
0x28: {  	s2 =	sld [smem:$0x3FAE]  }
0x29: {  	s4 =	sld [smem:$0x3FB0]  }
0x2a: {  	p0 =	seq.s32 s5, $0x0;
	s5 =	sld [smem:$0x3FB1]  }
0x2b: {  	s6 =	sld [smem:$0x3FB2]  }
0x2c: {  	s7 =	sld [smem:$0x3FB3]  }
0x2d: {  	s3 =	simm.s32 $0x108;
	s8 =	sld [smem:$0x3FB4]  }
0x2e: {  	s3 =	simm.s32 @!p0 $0x1082;
	s9 =	sld [smem:$0x3FB5]  }
0x2f: {  	lr =	sadd.s32 s0, s3;
	s0 =	sld [smem:$0x3FAC]  }
0x30: {  	s3 =	sld [smem:$0x3FAF]  }
0x31: {  	[smem:$0x3FB8] =	sst s10  }
0x32: {  	s10 =	sld [smem:$0x3FB6];
	_ =	sdelay $0x3  }
0x33: {  	p0 =	seq.s32 s10, $0x1;
	s10 =	sld [smem:$0x3FB8];
	_ =	sdelay $0x3  }
0x34: {  	[smem:$0x3FB8] =	sst s10  }
0x35: {  	s10 =	sld [smem:$0x3FB7];
	_ =	sdelay $0x3  }
0x36: {  	p1 =	seq.s32 s10, $0x1;
	s10 =	sld [smem:$0x3FB8];
	_ =	sdelay $0x3  }
0x37: {  	[smem:$0x3FB8] =	sst s10  }
0x38: {  	s10 =	sld [smem:$0x3FB9]  }
0x39: {  	_ = 	snop;
	(pc) =	sbr.ind lr, $3  }
0x3a: {  	_ = 	snop  }
0x3b: {  	_ = 	snop  }
0x3c: {  	p2 =	seq.s32 s10, $0x1;
	s10 =	sld [smem:$0x3FB8]  }
0x3d: {  	_ =	shalt  }
0x3e: {  	_ =	shalt  }
0x3f: {  	_ =	shalt  }
0x40: {  	_ =	shalt  }
0x41: {  	_ =	shalt  }
0x42: {  	_ =	shalt  }
0x43: {  	_ =	shalt  }
0x44: {  	_ =	shalt  }
0x45: {  	_ =	shalt  }
0x46: {  	_ =	shalt  }
0x47: {  	_ =	shalt  }
0x48: {  	_ =	shalt  }
0x49: {  	_ =	shalt  }
0x4a: {  	_ =	shalt  }
0x4b: {  	_ =	shalt  }
0x4c: {  	_ =	shalt  }
0x4d: {  	_ =	shalt  }
0x4e: {  	_ =	shalt  }
0x4f: {  	_ =	shalt  }
0x50: {  	_ =	shalt  }
0x51: {  	_ =	shalt  }
0x52: {  	_ =	shalt  }
0x53: {  	_ =	shalt  }
0x54: {  	_ =	shalt  }
0x55: {  	_ =	shalt  }
0x56: {  	_ =	shalt  }
0x57: {  	_ =	shalt  }
0x58: {  	_ =	shalt  }
0x59: {  	_ =	shalt  }
0x5a: {  	_ =	shalt  }
0x5b: {  	_ =	shalt  }
0x5c: {  	_ =	shalt  }
0x5d: {  	_ =	shalt  }
0x5e: {  	_ =	shalt  }
0x5f: {  	_ =	shalt  }
0x60: {  	_ =	shalt  }
0x61: {  	_ =	shalt  }
0x62: {  	_ =	shalt  }
0x63: {  	_ =	shalt  }
0x64: {  	_ =	shalt  }
0x65: {  	_ =	shalt  }
0x66: {  	_ =	shalt  }
0x67: {  	_ =	shalt  }
0x68: {  	_ =	shalt  }
0x69: {  	_ =	shalt  }
0x6a: {  	_ =	shalt  }
0x6b: {  	_ =	shalt  }
0x6c: {  	_ =	shalt  }
0x6d: {  	_ =	shalt  }
0x6e: {  	_ =	shalt  }
0x6f: {  	_ =	shalt  }
0x70: {  	_ =	shalt  }
0x71: {  	_ =	shalt  }
0x72: {  	_ =	shalt  }
0x73: {  	_ =	shalt  }
0x74: {  	_ =	shalt  }
0x75: {  	_ =	shalt  }
0x76: {  	_ =	shalt  }
0x77: {  	_ =	shalt  }
0x78: {  	_ =	shalt  }
0x79: {  	_ =	shalt  }
0x7a: {  	_ =	shalt  }
0x7b: {  	_ =	shalt  }
0x7c: {  	_ =	shalt  }
0x7d: {  	_ =	shalt  }
0x7e: {  	_ =	shalt  }
0x7f: {  	_ =	shalt  }
0x80: {  	_ =	shalt  }
0x81: {  	_ =	shalt  }
0x82: {  	_ =	shalt  }
0x83: {  	_ =	shalt  }
0x84: {  	_ =	shalt  }
0x85: {  	_ =	shalt  }
0x86: {  	_ =	shalt  }
0x87: {  	_ =	shalt  }
.Lfunc_end0:
.L_simem_size_0:
called_computation_lowered:
.L_overlay_start_0:
0x88: {  	s2 =	sld [smem:$0x3FD9]  }
0x89: {  	s3 =	sld [smem:$0x3FFE];
	_ =	sdelay $0x1  }
0x8a: {  	s1 =	srdreg.scid  }
0x8b: {  	s0 =	sand.u32 $0x1, s1  }
0x8c: {  	s17 =	sshll.u32 s0, $0xA;
	s2 =	sadd.s32 s3, s2  }
0x8d: {  	s2 =	sadd.s32 s2, s17  }
0x8e: {  	[smem:$0x3FC4] =	sst s2  }
0x8f: {  	_ = 	snop  }
0x90: {  	s2 =	sld [smem:$0x3FC9]  }
0x91: {  	s18 =	sld [smem:$0x3FC8]  }
0x92: {  	s4 =	sld [smem:$0x3FD0];
	(tm) =	ssettm $0x1  }
0x93: {  	s5 =	sld [smem:$0x3FFB];
	_ =	sdelay $0x3  }
0x94: {  	_ =	strace s5  }
0x95: {  	s5 =	sld [smem:$0x3FFC];
	_ =	sdelay $0x3  }
0x96: {  	_ =	strace s5  }
0x97: {  	s5 =	sld [smem:$0x3FFD];
	_ =	sdelay $0x3  }
0x98: {  	_ =	strace s5  }
0x99: {  	_ =	strace $0x8FFFFFFF  }
0x9a: {  	s19 =	sld [smem:$0x3FDB];
	_ =	sdelay $0x1  }
0x9b: {  	s6 =	simm.s32 $_scs_section_size  }
0x9c: {  	s7 =	simm.s32 $_size__tile_overlayer_lowered;
	s8 =	simm.s32 $_tile_overlayer_lowered  }
0x9d: {  	s22 =	simm.s32 $0x1BFF;
	s21 =	sshll.u32 s8, $0x1;
	s5 =	sadd.s32 s6, s19  }
0x9e: {  	s9 =	simm.s32 $0x0;
	s20 =	sshll.u32 s7, $0x1;
	s7 =	sadd.s32 s21, s5  }
0x9f: {  	[timem:s9], [sflag:s22] =	dma.local [hbm:s7], s20  }
0xa0: {  	_ =	swait.ge [sflag:s22], s20  }
0xa1: {  	s6 =	ssub.s32 $0x0, s20;
	[sflag:s22] =	ssyncset.done $0x0  }
0xa2: {  	[sflag:s22] =	ssyncadd.s32 s6;
	_ =	sdelay $0x1  }
0xa3: {  	s23 =	simm.s32 $0x1B8B  }
0xa4: {  	_ =	swait.ge [sflag:s23], $0x1  }
0xa5: {  	[sflag:s23] =	ssyncset.done $0x0  }
0xa6: {  	s25 =	simm.s32 $0x1B8E;
	s24 =	sld [smem:$0x3FFE];
	[sflag:s23] =	ssyncadd.s32 $0xFFFFFFFF  }
0xa7: {  	s26 =	simm.s32 $execute0_lowered;
	[smem:$0x3FD2] =	sst s25  }
0xa8: {  	s7 =	sshll.u32 s26, $0x1;
	_ =	strace $0x80000046;
	[dreg:$0x1] =	wrdreg $0xFFFFFFFF  }
0xa9: {  	s28 =	simm.s32 $_size_execute0_lowered;
	s5 =	sadd.s32 s5, s7;
	[dreg:$0x0] =	wrdreg $0x0  }
0xaa: {  	s7 =	sshll.u32 s28, $0x1;
	[dreg:$0x2] =	wrdreg s5  }
0xab: {  	[dreg:$0x3] =	wrdreg s7  }
0xac: {  	[dreg:$0x4] =	wrdreg $0xC0  }
0xad: {  	_ =	task [dreg:s9], $0x5FFFF  }
0xae: {  	[dreg:$0x1] =	wrdreg $0xFFFFFFFF  }
0xaf: {  	[dreg:$0x0] =	wrdreg $0x60  }
0xb0: {  	[dreg:$0x2] =	wrdreg s2  }
0xb1: {  	[dreg:$0x3] =	wrdreg s18  }
0xb2: {  	[dreg:$0x4] =	wrdreg s24  }
0xb3: {  	[dreg:$0x5] =	wrdreg s4  }
0xb4: {  	[dreg:$0x6] =	wrdreg $0x9  }
0xb5: {  	_ =	task.clear_ibuf [dreg:s9], $0x7FFFF;
	_ =	strace $0x90000046  }
0xb6: {  	s29 =	simm.s32 $0x9;
	_ =	strace $0x80000048  }
0xb7: {  	_ =	swait.ge [sflag:s29], $0x1  }
0xb8: {  	[sflag:s29] =	ssyncadd.s32 $0xFFFFFFFF  }
0xb9: {  	_ =	strace $0x90000048  }
0xba: {  	_ =	sfence  }
0xbb: {  	s30 =	sld [smem:$0x0];
	_ =	sdelay $0x2  }
0xbc: {  	s31 =	sshll.u32 s1, $0xD;
	s1 =	sshrl.u32 s1, $0x2  }
0xbd: {  	s3 =	sand.u32 $0x4000, s31;
	s1 =	sadd.s32 s1, s30  }
0xbe: {  	s0 =	sor.u32 s3, s0;
	s1 =	sshll.u32 s1, $0x11  }
0xbf: {  	s0 =	sor.u32 s1, s0  }
0xc0: {  	s0 =	sadd.s32 $0x8F2B, s0  }
0xc1: {  	[sflag:s0] =	ssyncadd.remote.s32 $0x1  }
0xc2: {  	_ =	sfence.sel $0xFFFF  }
0xc3: {  	[dreg:$0x0] =	wrdreg $0xFFFFFFFF;
	(pc) =	sbr.abs _section_cstart, $3  }
0xc4: {  	[dreg:$0x1] =	wrdreg $0xFFFFFFFF  }
0xc5: {  	_ =	task.clear_ibuf [dreg:s9], $0x2FFFF;
	_ =	strace $0x9FFFFFFF  }
0xc6: {  	(tm) =	ssettm $0x7FFFFFFF  }
0xc7: {  	_ =	shalt  }
tec
execute0_lowered:
.L_overlay_start_1:
0x0: {  	(tag) =	ssettag $0x1  }
0x1: {  	v13 =	vlaneseq.u32  }
0x2: {  	v56 =	vadd.s32 $0x2, v13  }
0x3: {  	v57 =	vadd.s32 $0x4, v13;
	[tilespmem:$0x1FBE0] =	vst v56  }
0x4: {  	v58 =	vadd.s32 $0x6, v13;
	[tilespmem:$0x1FBF0] =	vst v57  }
0x5: {  	v59 =	vadd.s32 $0x8, v13;
	[tilespmem:$0x1FC00] =	vst v58  }
0x6: {  	v37 =	vimm.s32 $0x34333231;
	v38 =	vimm.s32 $0x38373635;
	v60 =	vadd.s32 $0xA, v13;
	[tilespmem:$0x1FC10] =	vst v59  }
0x7: {  	v2 =	vimm.s32 $0x3C3B3A39;
	v3 =	vimm.s32 $0x3F3E3D;
	v62 =	vadd.s32 $0xC, v13;
	[tilespmem:$0x1FC20] =	vst v60  }
0x8: {  	vm0 =	vcmask $0x1F10;
	v40 =	vimm.s32 $0x35343332;
	v63 =	vadd.s32 $0xE, v13;
	[tilespmem:$0x1FC30] =	vst v62  }
0x9: {  	v41 =	vimm.s32 $0x39383736;
	v42 =	vimm.s32 $0x3D3C3B3A;
	v4 =	vor.u32 $0x10, v13;
	[tilespmem:$0x1FC40] =	vst v63  }
0xa: {  	v46 =	vimm.s32 $0x36353433;
	v47 =	vimm.s32 $0x3020100;
	v5 =	vadd.s32 $0x12, v13;
	[tilespmem:$0x1FC50] =	vst v4  }
0xb: {  	v48 =	vimm.s32 $0x3A393837;
	v52 =	vimm.s32 $0x87654321;
	v6 =	vadd.s32 $0x14, v13;
	[tilespmem:$0x1FC60] =	vst v5  }
0xc: {  	vm1 =	vcmask $0x2F10;
	vm2 =	vcmask $0x3F30;
	v7 =	vadd.s32 $0x16, v13;
	[tilespmem:$0x1FC70] =	vst v6  }
0xd: {  	v0 =	vmul.u32 $0x80, v13;
	v32 =	vadd.s32 $0x18, v13;
	v33 =	vadd.s32 $0x1A, v13;
	[tilespmem:$0x1FC80] =	vst v7  }
0xe: {  	v34 =	vadd.s32 $0x1C, v13;
	v35 =	vadd.s32 $0x1E, v13;
	v36 =	vor.u32 $0x20, v13;
	[tilespmem:$0x1FC90] =	vst v32  }
0xf: {  	v1 =	vadd.s32 $0x22, v13;
	v39 =	vadd.s32 $0x24, v13;
	v43 =	vadd.s32 $0x26, v13;
	[tilespmem:$0x1FCA0] =	vst v33  }
0x10: {  	[tilespmem:$0x1FCE0] =	vst v1;
	v4 =	vunpack.c.0.s8.s32 v38;
	v5 =	vunpack.c.0.s8.s32 v2;
	v1 =	vunpack.c.0.s8.s32 v3  }
0x11: {  	[tilespmem:$0x1FCB0] =	vst v34;
	v2 =	vunpack.c.0.s8.s32 v40;
	v6 =	vunpack.c.0.s8.s32 v41;
	v7 =	vunpack.c.0.s8.s32 v42  }
0x12: {  	v38 =	vimm.s32 $0x201003F;
	v40 =	vimm.s32 $0x3F3E3D3C;
	[tilespmem:$0x1FBD0] =	vst v0;
	v0 =	vunpack.c.0.s8.s32 v37  }
0x13: {  	v41 =	vimm.s32 $0x37363534;
	v60 =	vimm.s32 $0x4030201;
	v37 =	vimm.s32 $0x1003F3E  }
0x14: {  	v32 =	vimm.s32 $0x32107654;
	[tilespmem:$0x1FD00] =	vst v4;
	v0 =	vsel vm0, v4, v0;
	v4 =	vunpack.c.0.s8.s32 v37  }
0x15: {  	[tilespmem:$0x1FCC0] =	vst v35;
	v33 =	vimm.s32 $0x5040302;
	v35 =	vimm.s32 $0x98765432;
	v49 =	vunpack.c.0.s8.s32 v40  }
0x16: {  	[tilespmem:$0x1FCD0] =	vst v36;
	v3 =	vsel vm0, v1, v5;
	v45 =	vsel vm0, v6, v2;
	v2 =	vsel vm0, v4, v7  }
0x17: {  	[tilespmem:$0x1FCF0] =	vst v39;
	v50 =	vunpack.c.0.s8.s32 v41;
	v57 =	vcombine.low v0, v3;
	v0 =	vcombine.low v45, v2  }
0x18: {  	v10 =	vunpack.c.0.s8.s32 v38;
	v38 =	vunpack.c.l.s4.s8 v32;
	[tilespmem:$0x1FD10] =	vst v5;
	v37 =	vunpack.c.l.s4.s8 v52  }
0x19: {  	v5 =	vunpack.c.0.s8.s32 v47;
	[tilespmem:$0x1FD50] =	vst v0;
	v0 =	vunpack.c.0.s8.s32 v46;
	v46 =	vimm.s32 $0x3B3A3938  }
0x1a: {  	[tilespmem:$0x1FD20] =	vst v43;
	v40 =	vunpack.c.0.s8.s32 v33;
	v37 =	vunpack.c.0.s8.s32 v37;
	v51 =	vunpack.c.0.s8.s32 v46  }
0x1b: {  	v41 =	vunpack.c.l.s4.s8 v35;
	[tilespmem:$0x1FD30] =	vst v6;
	v38 =	vunpack.c.0.s8.s32 v38;
	v5 =	vsel vm0, v5, v49  }
0x1c: {  	[tilespmem:$0x1FD40] =	vst v7;
	v39 =	vsel vm0, v40, v4;
	v37 =	vand.u32 $0xF, v37;
	v55 =	vsel vm0, v51, v50  }
0x1d: {  	[tilespmem:$0x1FDA0] =	vst v49;
	v3 =	vcombine.low v3, v37;
	v63 =	vcombine.low v55, v5;
	v5 =	vunpack.c.0.s8.s32 v60  }
0x1e: {  	v9 =	vunpack.c.0.s8.s32 v48;
	v43 =	vimm.s32 $0xB0A0908;
	v40 =	vunpack.c.0.s8.s32 v41;
	[tilespmem:$0x1FD80] =	vst v39  }
0x1f: {  	s5 =	rddreg [dreg:$0x0];
	v41 =	vand.u32 $0xF, v38;
	v38 =	vunpack.c.0.s8.s32 v43;
	[tilespmem:$0x1FD90] =	vst v3;
	v5 =	vsel vm0, v5, v1  }
0x20: {  	s6 =	rddreg [dreg:$0x1];
	v42 =	vimm.s32 $0x43218765;
	v52 =	vimm.s32 $0xA9876543;
	[tilespmem:$0x1FD70] =	vst v5;
	v5 =	vsel vm1, v41, v49  }
0x21: {  	s4 =	rddreg [dreg:$0x2];
	s1 =	simm.s32 $0x0;
	v37 =	vunpack.c.l.s4.s8 v42;
	v3 =	vand.u32 $0xF, v40;
	[tilespmem:$0x1FD60] =	vst v51;
	v46 =	vsel vm2, v38, v5  }
0x22: {  	[smem:$0x7FF] =	sst s1;
	v0 =	vsel vm0, v9, v0;
	v27 =	vcombine.low v2, v3;
	v41 =	vimm.s32 $0x3E3D3C3B;
	[tilespmem:$0x1FDB0] =	vst v46  }
0x23: {  	s7 =	rddreg [dreg:$0x3];
	v51 =	vimm.s32 $0x6050403;
	v3 =	vunpack.c.l.s4.s8 v52;
	v42 =	vunpack.c.0.s8.s32 v41;
	_ =	strace $0x80000047;
	[tilespmem:$0x1FDD0] =	vst v9  }
0x24: {  	v45 =	vimm.s32 $0x54329876;
	v35 =	vunpack.c.0.s8.s32 v51;
	[tilespmem:$0x1FDE0] =	vst v0  }
0x25: {  	v47 =	vunpack.c.l.s4.s8 v45;
	v37 =	vunpack.c.0.s8.s32 v37;
	v3 =	vunpack.c.0.s8.s32 v3;
	[tilespmem:$0x1FDF0] =	vst v42  }
0x26: {  	v50 =	vimm.s32 $0x6543A987;
	v43 =	vsel vm0, v35, v10;
	[tilespmem:$0x1FE00] =	vst v10  }
0x27: {  	v2 =	vunpack.c.0.s8.s32 v47;
	v48 =	vand.u32 $0xF, v37;
	v47 =	vand.u32 $0xF, v3;
	[tilespmem:$0x1FE10] =	vst v43  }
0x28: {  	v1 =	vsel vm1, v48, v1;
	v48 =	vadd.s32 $0x27, v13;
	v49 =	vimm.s32 $0xC0B0A09;
	[tilespmem:$0x1FE30] =	vst v47  }
0x29: {  	v37 =	vunpack.c.l.s4.s8 v50;
	v5 =	vunpack.c.0.s8.s32 v49;
	v49 =	vadd.s32 $0x28, v13;
	[tilespmem:$0x1FE40] =	vst v48  }
0x2a: {  	v50 =	vadd.s32 $0x29, v13;
	[tilespmem:$0x1FE50] =	vst v49  }
0x2b: {  	v51 =	vadd.s32 $0x2A, v13;
	v60 =	vunpack.c.0.s8.s32 v37;
	[tilespmem:$0x1FE60] =	vst v50  }
0x2c: {  	v52 =	vadd.s32 $0x2C, v13;
	[tilespmem:$0x1FE70] =	vst v51  }
0x2d: {  	v55 =	vand.u32 $0xF, v2;
	v2 =	vand.u32 $0xF, v60;
	v60 =	vadd.s32 $0x2E, v13;
	[tilespmem:$0x1FE80] =	vst v52  }
0x2e: {  	v17 =	vadd.s32 $0x2B, v13;
	[tilespmem:$0x1FEA0] =	vst v60  }
0x2f: {  	v23 =	vadd.s32 $0x2F, v13;
	[tilespmem:$0x1FEC0] =	vst v17  }
0x30: {  	v25 =	vor.u32 $0x30, v13;
	[tilespmem:$0x1FED0] =	vst v23  }
0x31: {  	v44 =	vadd.s32 $0x1, v13;
	[tilespmem:$0x1FEE0] =	vst v25  }
0x32: {  	v34 =	vadd.s32 $0x25, v13;
	[tilespmem:$0x1FEF0] =	vst v44  }
0x33: {  	v11 =	vadd.s32 $0x19, v13;
	[tilespmem:$0x1FF00] =	vst v34  }
0x34: {  	v61 =	vadd.s32 $0x3, v13;
	[tilespmem:$0x1FF10] =	vst v11  }
0x35: {  	v18 =	vadd.s32 $0xF, v13;
	[tilespmem:$0x1FF30] =	vst v61  }
0x36: {  	v54 =	vadd.s32 $0xD, v13;
	[tilespmem:$0x1FF40] =	vst v18  }
0x37: {  	[tilespmem:$0x1FF50] =	vst v54  }
0x38: {  	[tilespmem:$0x1FF60] =	vst v27  }
0x39: {  	[tilespmem:$0x1FF70] =	vst v57  }
0x3a: {  	v28 =	vadd.s32 $0x21, v13;
	[tilespmem:$0x1FF80] =	vst v63  }
0x3b: {  	v26 =	vadd.s32 $0x23, v13;
	[tilespmem:$0x1FF90] =	vst v28  }
0x3c: {  	s3 =	srdreg.scid;
	v30 =	vadd.s32 $0x1F, v13;
	[tilespmem:$0x1FFA0] =	vst v26  }
0x3d: {  	s0 =	stileid.u32;
	s13 =	simm.s32 $0x500;
	s14 =	simm.s32 $0x8500;
	v20 =	vadd.s32 $0xB, v13;
	[tilespmem:$0x1FFB0] =	vst v30  }
0x3e: {  	v24 =	vadd.s32 $0x9, v13;
	v53 =	vadd.s32 $0x1D, v13;
	s8 =	sand.u32 $0x1, s3;
	s10 =	sshll.u32 s0, $0x5;
	s11 =	sshll.u32 s0, $0x7;
	v32 =	vimm.s32 $0xD0C0B0A;
	[tilespmem:$0x1FFC0] =	vst v20  }
0x3f: {  	s9 =	ssub.s32 $0x2, s8;
	s8 =	sshll.u32 s8, $0x4;
	s10 =	sand.u32 $0x60, s10;
	v6 =	vsel vm2, v5, v1;
	v1 =	vsel vm1, v55, v4;
	v4 =	vunpack.c.0.s8.s32 v32;
	[tilespmem:$0x1FFD0] =	vst v24  }
0x40: {  	s3 =	sadd.s32 $0x400, s4;
	v58 =	vadd.s32 $0x13, v13;
	s11 =	sand.u32 $0x600, s11;
	s8 =	sor.u32 s8, s10;
	[tilespmem:$0x1FFE0] =	vst v53  }
0x41: {  	s16 =	simm.s32 $0x0;
	v33 =	vimm.s32 $0xE0D0C0B;
	s8 =	sor.u32 s11, s8;
	v39 =	vimm.s32 $0x76543210;
	[tilespmem:$0x1FFF0] =	vst v58;
	v1 =	vsel vm2, v4, v1  }
0x42: {  	s4 =	sadd.s32 $0xF42800, s4;
	s12 =	sshrl.u32 s9, $0x1;
	s28 =	sadd.s32 s5, s8;
	v5 =	vunpack.c.0.s8.s32 v33;
	v55 =	vadd.s32 $0x2D, v13;
	[tilespmem:$0x1FDC0] =	vst v1;
	v1 =	vunpack.c.l.s4.s8 v39  }
0x43: {  	s10 =	simm.s32 $0x400;
	s29 =	sadd.s32 s6, s8;
	v2 =	vsel vm1, v2, v10;
	[dreg:$0x5] =	wrdreg s28;
	[tilespmem:$0x1FE90] =	vst v55  }
0x44: {  	s9 =	ssub.s32 s9, s12;
	s30 =	sadd.s32 s7, s8;
	[dreg:$0x6] =	wrdreg s29;
	[tilespmem:$0x1FF20] =	vst v6;
	v40 =	vsel vm2, v5, v2;
	v45 =	vunpack.c.0.s8.s32 v1  }
0x45: {  	v15 =	vadd.s32 $0x5, v13;
	v16 =	vadd.s32 $0x11, v13;
	v14 =	vadd.s32 $0x15, v13;
	s11 =	simm.s32 $0x2;
	s31 =	smax.u32 s9, $0x1;
	[dreg:$0x7] =	wrdreg s30;
	[tilespmem:$0x1FEB0] =	vst v40  }
0x46: {  	v56 =	vadd.s32 $0x7, v13;
	v59 =	vadd.s32 $0x17, v13;
	v62 =	vadd.s32 $0x1B, v13;
	s12 =	simm.s32 $0x1;
	s9 =	simm.s32 $0x80;
	v10 =	vmovc v15;
	[dreg:$0x8] =	wrdreg s31;
	[tilespmem:$0x1FE20] =	vst v45  }
.LBB2_1:
0x47: {  	s0 =	rddreg [dreg:$0x5]  }
0x48: {  	[tilespmem:s1], [sflag:$0x2] =	stream.strided.gather [hbm4b:s0+s9], $0x200, s10, s9, $0x38;
	[tilespmem:$0x10700] =	vst v63  }
0x49: {  	_ =	swait.ge [sflag:s11], $0x200  }
0x4a: {  	[sflag:s11] =	ssyncset.done $0x0  }
0x4b: {  	s17 =	simm.s32 $0x280;
	s26 =	rddreg [dreg:$0x6];
	[sflag:s11] =	ssyncadd.s32 $0xFFFFFE00  }
0x4c: {  	[tilespmem:s17], [sflag:$0x2] =	stream.strided.gather [hbm4b:s26+s9], $0x200, s10, s9, $0x38;
	[tilespmem:$0x10700] =	vst v63  }
0x4d: {  	_ =	swait.ge [sflag:s11], $0x200  }
0x4e: {  	[sflag:s11] =	ssyncset.done $0x0  }
0x4f: {  	[sflag:s11] =	ssyncadd.s32 $0xFFFFFE00  }
0x50: {  	v0 =	vld [tilespmem:s17+$0x0]  }
0x51: {  	v1 =	vld [tilespmem:s1+$0x0];
	_ =	sdelay $0x3  }
0x52: {  	v0 =	vshll.u32 v0, $0x4  }
0x53: {  	v1 =	vshll.u32 v1, $0x4;
	(v2sf) =	vpush v0, $0x0  }
0x54: {  	(v2sf) =	vpush v1, $0x0  }
0x55: {  	(v2sf) =	vpush v1, $0x1  }
0x56: {  	(v2sf) =	vpush v0, $0x1;
	_ =	sdelay $0x1  }
0x57: {  	(v2sf) =	vpush v1, $0x2;
	_ =	sdelay $0x1  }
0x58: {  	(v2sf) =	vpush v0, $0x2;
	_ =	sdelay $0x3  }
0x59: {  	(v2sf) =	vpush v1, $0x3  }
0x5a: {  	s20 =	simm.s32 $0x0  }
0x5b: {  	s18 =	simm.s32 $0x8;
	s19 =	simm.s32 $0x288;
	s22 =	simm.s32 $0x8500  }
0x5c: {  	s24 =	simm.s32 $0x600;
	s25 =	simm.s32 $0x500;
	s2 =	simm.s32 $0x8580  }
0x5d: {  	s6 =	simm.s32 $0x8600;
	s15 =	simm.s32 $0x700;
	s21 =	spop (v2sf);
	(v2sf) =	vpush v0, $0x3  }
0x5e: {  	s0 =	simm.s32 $0x580;
	s17 =	simm.s32 $0x1000;
	s23 =	spop (v2sf)  }
0x5f: {  	(v2sf) =	vpush v1, $0x4;
	s21 =	sand.u32 $0x1FFFFFF0, s21;
	s23 =	sand.u32 $0x1FFFFFF0, s23;
	s26 =	spop (v2sf)  }
0x60: {  	s21 =	sadd.s32 s4, s21;
	(v2sf) =	vpush v0, $0x4;
	s23 =	sadd.s32 s3, s23;
	s28 =	spop (v2sf)  }
0x61: {  	[tilespmem:s25], [sflag:$0x1] =	stream.linear.gather [hbm4b:s23+s1], $0x80, $0x38;
	[tilespmem:$0x10700] =	vst v63  }
0x62: {  	s29 =	sand.u32 $0x1FFFFFF0, s26;
	(v2sf) =	vpush v1, $0x5;
	s30 =	sand.u32 $0x1FFFFFF0, s28;
	s31 =	spop (v2sf)  }
0x63: {  	[tilespmem:s22], [sflag:$0x1] =	stream.linear.gather [hbm4b:s21+s1], $0x80, $0x38;
	[tilespmem:$0x10700] =	vst v63  }
0x64: {  	(v2sf) =	vpush v0, $0x5;
	s25 =	sand.u32 $0x1FFFFFF0, s31;
	s5 =	spop (v2sf);
	s21 =	sadd.s32 s3, s29  }
0x65: {  	(v2sf) =	vpush v1, $0x6;
	[tilespmem:s0], [sflag:$0x1] =	stream.linear.gather [hbm4b:s21+s1], $0x80, $0x38;
	[tilespmem:$0x10700] =	vst v63  }
0x66: {  	s23 =	simm.s32 $0x780;
	s22 =	sadd.s32 s4, s30;
	s7 =	sadd.s32 s3, s25  }
0x67: {  	[tilespmem:s2], [sflag:$0x1] =	stream.linear.gather [hbm4b:s22+s1], $0x80, $0x38;
	[tilespmem:$0x10700] =	vst v63  }
0x68: {  	s8 =	sand.u32 $0x1FFFFFF0, s5;
	s28 =	spop (v2sf);
	s29 =	simm.s32 $0x680  }
0x69: {  	(v2sf) =	vpush v0, $0x6;
	[tilespmem:s24], [sflag:$0x1] =	stream.linear.gather [hbm4b:s7+s1], $0x80, $0x38;
	[tilespmem:$0x10700] =	vst v63  }
0x6a: {  	s25 =	sadd.s32 s4, s8;
	s0 =	simm.s32 $0x8680;
	s22 =	sand.u32 $0x1FFFFFF0, s28  }
0x6b: {  	(v2sf) =	vpush v1, $0x7;
	[tilespmem:s6], [sflag:$0x1] =	stream.linear.gather [hbm4b:s25+s1], $0x80, $0x38;
	[tilespmem:$0x10700] =	vst v63  }
0x6c: {  	s22 =	sadd.s32 s3, s22;
	s7 =	simm.s32 $0x8700;
	s30 =	spop (v2sf)  }
0x6d: {  	[tilespmem:s29], [sflag:$0x1] =	stream.linear.gather [hbm4b:s22+s1], $0x80, $0x38;
	[tilespmem:$0x10700] =	vst v63  }
0x6e: {  	(v2sf) =	vpush v0, $0x7;
	s25 =	sand.u32 $0x1FFFFFF0, s30;
	s31 =	spop (v2sf);
	s22 =	simm.s32 $0x8800  }
0x6f: {  	s2 =	sadd.s32 s4, s25;
	s5 =	sand.u32 $0x1FFFFFF0, s31;
	s6 =	spop (v2sf)  }
0x70: {  	[tilespmem:s0], [sflag:$0x1] =	stream.linear.gather [hbm4b:s2+s1], $0x80, $0x38;
	[tilespmem:$0x10700] =	vst v63  }
0x71: {  	s29 =	simm.s32 $0x8780;
	s25 =	sadd.s32 s3, s5;
	s8 =	spop (v2sf)  }
0x72: {  	[tilespmem:s15], [sflag:$0x1] =	stream.linear.gather [hbm4b:s25+s1], $0x80, $0x38;
	[tilespmem:$0x10700] =	vst v63  }
0x73: {  	s21 =	sand.u32 $0x1FFFFFF0, s6;
	s25 =	sand.u32 $0x1FFFFFF0, s8;
	s15 =	spop (v2sf)  }
0x74: {  	s21 =	sadd.s32 s4, s21;
	s25 =	sadd.s32 s3, s25;
	s30 =	spop (v2sf)  }
0x75: {  	[tilespmem:s7], [sflag:$0x1] =	stream.linear.gather [hbm4b:s21+s1], $0x80, $0x38;
	[tilespmem:$0x10700] =	vst v63  }
0x76: {  	s28 =	sand.u32 $0x1FFFFFF0, s15;
	s21 =	simm.s32 $0x8880;
	s24 =	sand.u32 $0x1FFFFFF0, s30  }
0x77: {  	[tilespmem:s23], [sflag:$0x1] =	stream.linear.gather [hbm4b:s25+s1], $0x80, $0x38;
	[tilespmem:$0x10700] =	vst v63  }
0x78: {  	s31 =	spop (v2sf);
	s26 =	sadd.s32 s3, s24;
	s25 =	sadd.s32 s4, s28  }
0x79: {  	[tilespmem:s29], [sflag:$0x1] =	stream.linear.gather [hbm4b:s25+s1], $0x80, $0x38;
	[tilespmem:$0x10700] =	vst v63  }
0x7a: {  	s24 =	sand.u32 $0x1FFFFFF0, s31;
	s23 =	simm.s32 $0x800;
	s25 =	spop (v2sf)  }
.LBB2_2:
0x7b: {  	[tilespmem:s23], [sflag:$0x1] =	stream.linear.gather [hbm4b:s26+s1], $0x80, $0x38;
	[tilespmem:$0x10700] =	vst v63  }
0x7c: {  	s23 =	smov.u32 s17  }
0x7d: {  	s24 =	sadd.s32 s4, s24;
	s25 =	sand.u32 $0x1FFFFFF0, s25;
	s26 =	spop (v2sf)  }
0x7e: {  	[tilespmem:s22], [sflag:$0x1] =	stream.linear.gather [hbm4b:s24+s1], $0x80, $0x38;
	[tilespmem:$0x10700] =	vst v63  }
0x7f: {  	s20 =	sadd.s32 $0x880, s20;
	s22 =	sadd.s32 s3, s25;
	s24 =	sand.u32 $0x1FFFFFF0, s26  }
0x80: {  	[tilespmem:s20], [sflag:$0x1] =	stream.linear.gather [hbm4b:s22+s1], $0x80, $0x38;
	[tilespmem:$0x10700] =	vst v63  }
0x81: {  	p0 =	sne.s32 s17, $0x1F000;
	s17 =	sadd.s32 $0x1000, s17;
	s20 =	sadd.s32 s4, s24  }
0x82: {  	[tilespmem:s21], [sflag:$0x1] =	stream.linear.gather [hbm4b:s20+s1], $0x80, $0x38;
	[tilespmem:$0x10700] =	vst v63  }
0x83: {  	v0 =	vld [tilespmem:s19+$0x0]  }
0x84: {  	v1 =	vld [tilespmem:s18+$0x0];
	_ =	sdelay $0x3  }
0x85: {  	v0 =	vshll.u32 v0, $0x4  }
0x86: {  	v1 =	vshll.u32 v1, $0x4;
	(v2sf) =	vpush v0, $0x0  }
0x87: {  	(v2sf) =	vpush v1, $0x0  }
0x88: {  	(v2sf) =	vpush v1, $0x1  }
0x89: {  	(v2sf) =	vpush v0, $0x1;
	_ =	sdelay $0x1  }
0x8a: {  	(v2sf) =	vpush v1, $0x2;
	_ =	sdelay $0x3  }
0x8b: {  	(v2sf) =	vpush v0, $0x2;
	_ =	sdelay $0x1  }
0x8c: {  	s20 =	sshra.s32 s23, $0x2;
	s19 =	sadd.s32 $0x8, s19;
	s18 =	sadd.s32 $0x8, s18;
	(v2sf) =	vpush v1, $0x3  }
0x8d: {  	s31 =	sadd.s32 $0x8500, s20;
	s0 =	sadd.s32 $0x600, s20;
	s24 =	sadd.s32 $0x780, s20  }
0x8e: {  	s2 =	sadd.s32 $0x500, s20;
	s15 =	sadd.s32 $0x8600, s20;
	s26 =	sadd.s32 $0x700, s20;
	(v2sf) =	vpush v0, $0x3  }
0x8f: {  	s30 =	sadd.s32 $0x680, s20;
	s29 =	sadd.s32 $0x8680, s20;
	s22 =	sadd.s32 $0x8800, s20  }
0x90: {  	s28 =	sadd.s32 $0x8700, s20;
	s21 =	sadd.s32 $0x8880, s20;
	s23 =	spop (v2sf);
	(v2sf) =	vpush v1, $0x4  }
0x91: {  	s25 =	sadd.s32 $0x8780, s20;
	s5 =	sand.u32 $0x1FFFFFF0, s23;
	s23 =	spop (v2sf)  }
0x92: {  	s6 =	sand.u32 $0x1FFFFFF0, s23;
	s23 =	sadd.s32 $0x800, s20;
	s7 =	spop (v2sf);
	(v2sf) =	vpush v0, $0x4  }
0x93: {  	s6 =	sadd.s32 s3, s6;
	s7 =	sand.u32 $0x1FFFFFF0, s7;
	s8 =	spop (v2sf)  }
0x94: {  	[tilespmem:s2], [sflag:$0x1] =	stream.linear.gather [hbm4b:s6+s1], $0x80, $0x38;
	(v2sf) =	vpush v1, $0x5;
	[tilespmem:$0x10700] =	vst v63  }
0x95: {  	s2 =	sadd.s32 s4, s5;
	s5 =	sand.u32 $0x1FFFFFF0, s8;
	s6 =	spop (v2sf)  }
0x96: {  	[tilespmem:s31], [sflag:$0x1] =	stream.linear.gather [hbm4b:s2+s1], $0x80, $0x38;
	(v2sf) =	vpush v0, $0x5;
	[tilespmem:$0x10700] =	vst v63  }
0x97: {  	s7 =	sadd.s32 s3, s7;
	s2 =	sadd.s32 $0x580, s20;
	s6 =	sand.u32 $0x1FFFFFF0, s6  }
0x98: {  	[tilespmem:s2], [sflag:$0x1] =	stream.linear.gather [hbm4b:s7+s1], $0x80, $0x38;
	(v2sf) =	vpush v1, $0x6;
	[tilespmem:$0x10700] =	vst v63  }
0x99: {  	s5 =	sadd.s32 s4, s5;
	s2 =	sadd.s32 $0x8580, s20;
	s7 =	spop (v2sf)  }
0x9a: {  	[tilespmem:s2], [sflag:$0x1] =	stream.linear.gather [hbm4b:s5+s1], $0x80, $0x38;
	(v2sf) =	vpush v0, $0x6;
	[tilespmem:$0x10700] =	vst v63  }
0x9b: {  	s2 =	sadd.s32 s3, s6;
	s5 =	sand.u32 $0x1FFFFFF0, s7;
	s6 =	spop (v2sf)  }
0x9c: {  	[tilespmem:s0], [sflag:$0x1] =	stream.linear.gather [hbm4b:s2+s1], $0x80, $0x38;
	(v2sf) =	vpush v1, $0x7;
	[tilespmem:$0x10700] =	vst v63  }
0x9d: {  	s0 =	sadd.s32 s4, s5;
	s2 =	sand.u32 $0x1FFFFFF0, s6;
	s5 =	spop (v2sf)  }
0x9e: {  	[tilespmem:s15], [sflag:$0x1] =	stream.linear.gather [hbm4b:s0+s1], $0x80, $0x38;
	(v2sf) =	vpush v0, $0x7;
	[tilespmem:$0x10700] =	vst v63  }
0x9f: {  	s0 =	sadd.s32 s3, s2;
	s2 =	sand.u32 $0x1FFFFFF0, s5;
	s5 =	spop (v2sf)  }
0xa0: {  	[tilespmem:s30], [sflag:$0x1] =	stream.linear.gather [hbm4b:s0+s1], $0x80, $0x38;
	[tilespmem:$0x10700] =	vst v63  }
0xa1: {  	s0 =	sadd.s32 s4, s2;
	s2 =	sand.u32 $0x1FFFFFF0, s5;
	s5 =	spop (v2sf)  }
0xa2: {  	[tilespmem:s29], [sflag:$0x1] =	stream.linear.gather [hbm4b:s0+s1], $0x80, $0x38;
	[tilespmem:$0x10700] =	vst v63  }
0xa3: {  	s0 =	sadd.s32 s3, s2;
	s2 =	sand.u32 $0x1FFFFFF0, s5;
	s5 =	spop (v2sf)  }
0xa4: {  	[tilespmem:s26], [sflag:$0x1] =	stream.linear.gather [hbm4b:s0+s1], $0x80, $0x38;
	[tilespmem:$0x10700] =	vst v63  }
0xa5: {  	s0 =	sadd.s32 s4, s2;
	s2 =	sand.u32 $0x1FFFFFF0, s5;
	s5 =	spop (v2sf)  }
0xa6: {  	[tilespmem:s28], [sflag:$0x1] =	stream.linear.gather [hbm4b:s0+s1], $0x80, $0x38;
	[tilespmem:$0x10700] =	vst v63  }
0xa7: {  	s0 =	sadd.s32 s3, s2  }
.Ltmp0:
0xa8: {  	s2 =	sand.u32 $0x1FFFFFF0, s5;
	s5 =	spop (v2sf);
	(pc) =	sbr.rel @p0 .LBB2_2-.Ltmp0, $4  }
0xa9: {  	[tilespmem:s24], [sflag:$0x1] =	stream.linear.gather [hbm4b:s0+s1], $0x80, $0x38;
	[tilespmem:$0x10700] =	vst v63  }
0xaa: {  	s0 =	sadd.s32 s4, s2;
	s2 =	sand.u32 $0x1FFFFFF0, s5;
	s5 =	spop (v2sf)  }
0xab: {  	[tilespmem:s25], [sflag:$0x1] =	stream.linear.gather [hbm4b:s0+s1], $0x80, $0x38;
	[tilespmem:$0x10700] =	vst v63  }
0xac: {  	s26 =	sadd.s32 s3, s2;
	s24 =	sand.u32 $0x1FFFFFF0, s5;
	s25 =	spop (v2sf)  }
0xad: {  	[tilespmem:s23], [sflag:$0x1] =	stream.linear.gather [hbm4b:s26+s1], $0x80, $0x38;
	[tilespmem:$0x10700] =	vst v63  }
0xae: {  	s0 =	sadd.s32 s4, s24;
	s2 =	sand.u32 $0x1FFFFFF0, s25;
	s28 =	spop (v2sf)  }
0xaf: {  	[tilespmem:s22], [sflag:$0x1] =	stream.linear.gather [hbm4b:s0+s1], $0x80, $0x38;
	[tilespmem:$0x10700] =	vst v63  }
0xb0: {  	s5 =	sadd.s32 $0x880, s20;
	s2 =	sadd.s32 s3, s2;
	s0 =	sand.u32 $0x1FFFFFF0, s28  }
0xb1: {  	[tilespmem:s5], [sflag:$0x1] =	stream.linear.gather [hbm4b:s2+s1], $0x80, $0x38;
	[tilespmem:$0x10700] =	vst v63  }
0xb2: {  	s0 =	sadd.s32 s4, s0  }
0xb3: {  	[tilespmem:s21], [sflag:$0x1] =	stream.linear.gather [hbm4b:s0+s1], $0x80, $0x38;
	[tilespmem:$0x10700] =	vst v63  }
0xb4: {  	_ =	swait.ge [sflag:s12], $0x8000  }
0xb5: {  	[sflag:s12] =	ssyncset.done $0x0  }
0xb6: {  	[sflag:s12] =	ssyncadd.s32 $0xFFFF8000  }
0xb7: {  	v6 =	vld [tilespmem:$0x1FBD0];
	_ =	swait.ge [sflag:s12], $0x8000  }
0xb8: {  	v55 =	vld [tilespmem:$0x1FBE0]  }
0xb9: {  	v15 =	vld [tilespmem:$0x1FBF0]  }
0xba: {  	s29 =	simm.s32 $0x0;
	v38 =	vld [tilespmem:$0x1FC00]  }
0xbb: {  	v0 =	vmov s29;
	v21 =	vld [tilespmem:$0x1FC10]  }
0xbc: {  	v0 =	vshll.u32 v0, $0x7;
	v52 =	vld [tilespmem:$0x1FC20]  }
0xbd: {  	v22 =	vld [tilespmem:$0x1FC30];
	v1 =	vor.u32 v6, v0  }
0xbe: {  	v27 =	vld [tilespmem:$0x1FC50];
	v0 =	vor.u32 v13, v1  }
0xbf: {  	v29 =	vld [tilespmem:$0x1FC60]  }
0xc0: {  	v51 =	vld [tilespmem:$0x1FC70];
	v2 =	vor.u32 v44, v1  }
0xc1: {  	[sflag:s12] =	ssyncset.done $0x0;
	v45 =	vld [tilespmem:$0x1FCC0]  }
0xc2: {  	[sflag:s12] =	ssyncadd.s32 $0xFFFF8000;
	v5 =	vor.u32 v61, v1;
	v61 =	vld [tilespmem:$0x1FC90]  }
0xc3: {  	v49 =	vor.u32 v10, v1;
	v4 =	vld.idx.msk [tilespmem:v0+s14+$0x0], $0xffff  }
0xc4: {  	v3 =	vor.u32 v55, v1;
	v0 =	vld.idx.msk [tilespmem:v0+s13+$0x0], $0xffff  }
0xc5: {  	v46 =	vld.idx.msk [tilespmem:v2+s13+$0x0], $0xffff  }
0xc6: {  	v33 =	vor.u32 v56, v1;
	v2 =	vld.idx.msk [tilespmem:v2+s14+$0x0], $0xffff  }
0xc7: {  	v60 =	vld.idx.msk [tilespmem:v5+s13+$0x0], $0xffff  }
0xc8: {  	v47 =	vor.u32 v15, v1;
	v8 =	vld.idx.msk [tilespmem:v49+s13+$0x0], $0xffff  }
0xc9: {  	v48 =	vld.idx.msk [tilespmem:v3+s13+$0x0], $0xffff  }
0xca: {  	v3 =	vld.idx.msk [tilespmem:v3+s14+$0x0], $0xffff  }
0xcb: {  	v37 =	vld.idx.msk [tilespmem:v33+s13+$0x0], $0xffff;
	v0 =	vmul.f32 v4, v0  }
0xcc: {  	v4 =	vld.idx.msk [tilespmem:v5+s14+$0x0], $0xffff;
	v5 =	vor.u32 v38, v1  }
0xcd: {  	v7 =	vld.idx.msk [tilespmem:v47+s13+$0x0], $0xffff;
	v2 =	vmul.f32 v2, v46;
	v0 =	vadd.f32 $0.0e+00, v0  }
0xce: {  	v41 =	vor.u32 v52, v1;
	v32 =	vld.idx.msk [tilespmem:v47+s14+$0x0], $0xffff  }
0xcf: {  	v40 =	vld.idx.msk [tilespmem:v33+s14+$0x0], $0xffff;
	v0 =	vadd.f32 v2, v0;
	v2 =	vmul.f32 v3, v48  }
0xd0: {  	v35 =	vor.u32 v21, v1;
	v3 =	vld.idx.msk [tilespmem:v49+s14+$0x0], $0xffff  }
0xd1: {  	v36 =	vld.idx.msk [tilespmem:v5+s13+$0x0], $0xffff;
	v0 =	vadd.f32 v2, v0;
	v2 =	vmul.f32 v4, v60  }
0xd2: {  	v4 =	vld.idx.msk [tilespmem:v5+s14+$0x0], $0xffff;
	v5 =	vor.u32 v24, v1  }
0xd3: {  	v43 =	vld.idx.msk [tilespmem:v41+s13+$0x0], $0xffff;
	v0 =	vadd.f32 v2, v0;
	v2 =	vmul.f32 v32, v7  }
0xd4: {  	v39 =	vmov v56;
	v56 =	vld.idx.msk [tilespmem:v41+s14+$0x0], $0xffff  }
0xd5: {  	v42 =	vor.u32 v20, v1;
	v7 =	vld.idx.msk [tilespmem:v35+s13+$0x0], $0xffff;
	v0 =	vadd.f32 v2, v0;
	v2 =	vmul.f32 v3, v8  }
0xd6: {  	v3 =	vld.idx.msk [tilespmem:v35+s14+$0x0], $0xffff  }
0xd7: {  	v41 =	vor.u32 v27, v1;
	v9 =	vld.idx.msk [tilespmem:v5+s13+$0x0], $0xffff;
	v0 =	vadd.f32 v2, v0;
	v2 =	vmul.f32 v4, v36  }
0xd8: {  	v4 =	vld.idx.msk [tilespmem:v5+s14+$0x0], $0xffff;
	v5 =	vor.u32 v22, v1  }
0xd9: {  	v60 =	vld [tilespmem:$0x1FC40];
	v36 =	vor.u32 v54, v1;
	v0 =	vadd.f32 v2, v0;
	v2 =	vmul.f32 v40, v37  }
0xda: {  	v8 =	vld.idx.msk [tilespmem:v42+s13+$0x0], $0xffff  }
0xdb: {  	v0 =	vadd.f32 v2, v0;
	v2 =	vmul.f32 v3, v7;
	v3 =	vld.idx.msk [tilespmem:v42+s14+$0x0], $0xffff  }
0xdc: {  	v31 =	vmovc v16;
	v35 =	vmov v54;
	v54 =	vor.u32 v58, v1;
	v42 =	vor.u32 v16, v1;
	v16 =	vld.idx.msk [tilespmem:v41+s13+$0x0], $0xffff  }
0xdd: {  	v17 =	vld.idx.msk [tilespmem:v5+s13+$0x0], $0xffff  }
0xde: {  	v37 =	vor.u32 v60, v1;
	v40 =	vld.idx.msk [tilespmem:v36+s14+$0x0], $0xffff  }
0xdf: {  	v0 =	vadd.f32 v2, v0;
	v2 =	vmul.f32 v4, v9;
	v4 =	vld.idx.msk [tilespmem:v5+s14+$0x0], $0xffff  }
0xe0: {  	v33 =	vmov v18;
	v5 =	vor.u32 v18, v1;
	v18 =	vld [tilespmem:$0x1FC80]  }
0xe1: {  	v58 =	vld.idx.msk [tilespmem:v54+s14+$0x0], $0xffff;
	v0 =	vadd.f32 v2, v0;
	v2 =	vmul.f32 v56, v43  }
0xe2: {  	v9 =	vld.idx.msk [tilespmem:v36+s13+$0x0], $0xffff  }
0xe3: {  	v7 =	vld.idx.msk [tilespmem:v37+s13+$0x0], $0xffff;
	v0 =	vadd.f32 v2, v0;
	v2 =	vmul.f32 v3, v8  }
0xe4: {  	v3 =	vld.idx.msk [tilespmem:v37+s14+$0x0], $0xffff  }
0xe5: {  	v8 =	vld.idx.msk [tilespmem:v5+s13+$0x0], $0xffff;
	v36 =	vor.u32 v18, v1;
	v0 =	vadd.f32 v2, v0;
	v2 =	vmul.f32 v4, v17  }
0xe6: {  	v4 =	vld.idx.msk [tilespmem:v5+s14+$0x0], $0xffff;
	v5 =	vor.u32 v29, v1  }
0xe7: {  	v43 =	vld.idx.msk [tilespmem:v41+s14+$0x0], $0xffff;
	v0 =	vadd.f32 v2, v0;
	v2 =	vmul.f32 v40, v9  }
0xe8: {  	v9 =	vld.idx.msk [tilespmem:v42+s13+$0x0], $0xffff  }
0xe9: {  	v56 =	vor.u32 v51, v1;
	v0 =	vadd.f32 v2, v0;
	v2 =	vmul.f32 v3, v7;
	v3 =	vld.idx.msk [tilespmem:v42+s14+$0x0], $0xffff  }
0xea: {  	v41 =	vld.idx.msk [tilespmem:v36+s14+$0x0], $0xffff  }
0xeb: {  	v7 =	vld.idx.msk [tilespmem:v5+s13+$0x0], $0xffff  }
0xec: {  	v0 =	vadd.f32 v2, v0;
	v2 =	vmul.f32 v4, v8;
	v4 =	vld.idx.msk [tilespmem:v5+s14+$0x0], $0xffff  }
0xed: {  	v5 =	vor.u32 v14, v1;
	v8 =	vld.idx.msk [tilespmem:v54+s13+$0x0], $0xffff  }
0xee: {  	v32 =	vmov v14;
	v37 =	vor.u32 v59, v1;
	v14 =	vld.idx.msk [tilespmem:v56+s13+$0x0], $0xffff  }
0xef: {  	v42 =	vor.u32 v11, v1;
	v0 =	vadd.f32 v2, v0;
	v2 =	vmul.f32 v43, v16;
	v43 =	vmovc v59;
	v59 =	vld [tilespmem:$0x1FCA0]  }
0xf0: {  	v16 =	vld [tilespmem:$0x1FCB0]  }
0xf1: {  	v0 =	vadd.f32 v2, v0;
	v2 =	vmul.f32 v3, v9;
	v3 =	vld.idx.msk [tilespmem:v56+s14+$0x0], $0xffff  }
0xf2: {  	v9 =	vld.idx.msk [tilespmem:v5+s13+$0x0], $0xffff  }
0xf3: {  	v0 =	vadd.f32 v2, v0;
	v2 =	vmul.f32 v4, v7;
	v4 =	vld.idx.msk [tilespmem:v5+s14+$0x0], $0xffff;
	v5 =	vor.u32 v61, v1  }
0xf4: {  	v56 =	vld.idx.msk [tilespmem:v42+s14+$0x0], $0xffff  }
0xf5: {  	v7 =	vld.idx.msk [tilespmem:v36+s13+$0x0], $0xffff;
	v0 =	vadd.f32 v2, v0;
	v2 =	vmul.f32 v58, v8  }
0xf6: {  	v8 =	vld.idx.msk [tilespmem:v37+s13+$0x0], $0xffff;
	v58 =	vor.u32 v16, v1  }
0xf7: {  	v0 =	vadd.f32 v2, v0;
	v2 =	vmul.f32 v3, v14;
	v3 =	vld.idx.msk [tilespmem:v37+s14+$0x0], $0xffff  }
0xf8: {  	v54 =	vor.u32 v59, v1;
	v12 =	vld.idx.msk [tilespmem:v5+s13+$0x0], $0xffff  }
0xf9: {  	v0 =	vadd.f32 v2, v0;
	v2 =	vmul.f32 v4, v9;
	v4 =	vld.idx.msk [tilespmem:v5+s14+$0x0], $0xffff  }
0xfa: {  	v5 =	vor.u32 v62, v1;
	v9 =	vld.idx.msk [tilespmem:v42+s13+$0x0], $0xffff  }
0xfb: {  	v42 =	vmov v11;
	v11 =	vld.idx.msk [tilespmem:v58+s13+$0x0], $0xffff;
	v0 =	vadd.f32 v2, v0;
	v2 =	vmul.f32 v41, v7  }
0xfc: {  	v37 =	vld.idx.msk [tilespmem:v58+s14+$0x0], $0xffff  }
0xfd: {  	v7 =	vld.idx.msk [tilespmem:v54+s13+$0x0], $0xffff;
	v41 =	vor.u32 v30, v1;
	v0 =	vadd.f32 v2, v0;
	v2 =	vmul.f32 v3, v8  }
0xfe: {  	v36 =	vor.u32 v53, v1;
	v3 =	vld.idx.msk [tilespmem:v54+s14+$0x0], $0xffff  }
0xff: {  	v8 =	vld.idx.msk [tilespmem:v5+s13+$0x0], $0xffff;
	v0 =	vadd.f32 v2, v0;
	v2 =	vmul.f32 v4, v12  }
0x100: {  	v4 =	vld.idx.msk [tilespmem:v5+s14+$0x0], $0xffff  }
0x101: {  	v30 =	vld [tilespmem:$0x1FCD0];
	v0 =	vadd.f32 v2, v0;
	v2 =	vmul.f32 v56, v9  }
0x102: {  	v5 =	vor.u32 v45, v1;
	v54 =	vld.idx.msk [tilespmem:v41+s14+$0x0], $0xffff  }
0x103: {  	v9 =	vld.idx.msk [tilespmem:v36+s13+$0x0], $0xffff;
	v0 =	vadd.f32 v2, v0;
	v2 =	vmul.f32 v3, v7  }
0x104: {  	v3 =	vld.idx.msk [tilespmem:v36+s14+$0x0], $0xffff  }
0x105: {  	v0 =	vadd.f32 v2, v0;
	v2 =	vmul.f32 v4, v8;
	v8 =	vld.idx.msk [tilespmem:v41+s13+$0x0], $0xffff  }
0x106: {  	v44 =	vmov v53;
	v53 =	vor.u32 v30, v1;
	v41 =	vld [tilespmem:$0x1FCE0]  }
0x107: {  	v7 =	vld.idx.msk [tilespmem:v5+s13+$0x0], $0xffff  }
0x108: {  	v4 =	vld.idx.msk [tilespmem:v5+s14+$0x0], $0xffff;
	v5 =	vor.u32 v28, v1  }
0x109: {  	v49 =	vld [tilespmem:$0x1FCF0];
	v0 =	vadd.f32 v2, v0;
	v2 =	vmul.f32 v37, v11  }
0x10a: {  	v50 =	vld [tilespmem:$0x1FD20];
	v58 =	vor.u32 v26, v1  }
0x10b: {  	v11 =	vld.idx.msk [tilespmem:v53+s13+$0x0], $0xffff;
	v0 =	vadd.f32 v2, v0;
	v2 =	vmul.f32 v3, v9;
	v56 =	vor.u32 v41, v1  }
0x10c: {  	v3 =	vld.idx.msk [tilespmem:v53+s14+$0x0], $0xffff  }
0x10d: {  	v9 =	vld.idx.msk [tilespmem:v5+s13+$0x0], $0xffff;
	v0 =	vadd.f32 v2, v0;
	v2 =	vmul.f32 v4, v7  }
0x10e: {  	v4 =	vld.idx.msk [tilespmem:v5+s14+$0x0], $0xffff;
	v5 =	vor.u32 v49, v1  }
0x10f: {  	v0 =	vadd.f32 v2, v0;
	v2 =	vmul.f32 v54, v8;
	v8 =	vld.idx.msk [tilespmem:v58+s13+$0x0], $0xffff  }
0x110: {  	v7 =	vld.idx.msk [tilespmem:v56+s13+$0x0], $0xffff  }
0x111: {  	v37 =	vor.u32 v34, v1;
	v36 =	vld.idx.msk [tilespmem:v56+s14+$0x0], $0xffff  }
0x112: {  	v0 =	vadd.f32 v2, v0;
	v2 =	vmul.f32 v3, v11;
	v3 =	vld.idx.msk [tilespmem:v58+s14+$0x0], $0xffff  }
0x113: {  	v11 =	vld.idx.msk [tilespmem:v5+s13+$0x0], $0xffff  }
0x114: {  	v0 =	vadd.f32 v2, v0;
	v2 =	vmul.f32 v4, v9;
	v4 =	vld.idx.msk [tilespmem:v5+s14+$0x0], $0xffff  }
0x115: {  	v5 =	vld [tilespmem:$0x1FE40]  }
0x116: {  	v53 =	vor.u32 v50, v1;
	v14 =	vld.idx.msk [tilespmem:v37+s13+$0x0], $0xffff  }
0x117: {  	v9 =	vld [tilespmem:$0x1FE50];
	v0 =	vadd.f32 v2, v0;
	v2 =	vmul.f32 v36, v7  }
0x118: {  	v7 =	vld.idx.msk [tilespmem:v37+s14+$0x0], $0xffff  }
0x119: {  	v0 =	vadd.f32 v2, v0;
	v2 =	vmul.f32 v3, v8;
	v8 =	vld [tilespmem:$0x1FE60]  }
0x11a: {  	v12 =	vld [tilespmem:$0x1FE70];
	v5 =	vor.u32 v5, v1  }
0x11b: {  	v56 =	vld.idx.msk [tilespmem:v53+s13+$0x0], $0xffff  }
0x11c: {  	v54 =	vor.u32 v9, v1;
	v3 =	vld.idx.msk [tilespmem:v53+s14+$0x0], $0xffff;
	v0 =	vadd.f32 v2, v0;
	v2 =	vmul.f32 v4, v11  }
0x11d: {  	v53 =	vld [tilespmem:$0x1FEC0]  }
0x11e: {  	v0 =	vadd.f32 v2, v0;
	v2 =	vmul.f32 v7, v14;
	v14 =	vld [tilespmem:$0x1FE80];
	v58 =	vor.u32 v8, v1  }
0x11f: {  	v8 =	vld.idx.msk [tilespmem:v5+s13+$0x0], $0xffff  }
0x120: {  	v4 =	vld.idx.msk [tilespmem:v5+s14+$0x0], $0xffff;
	v5 =	vor.u32 v12, v1  }
0x121: {  	v9 =	vld.idx.msk [tilespmem:v54+s13+$0x0], $0xffff  }
0x122: {  	v7 =	vld.idx.msk [tilespmem:v54+s14+$0x0], $0xffff  }
0x123: {  	v46 =	vmov v10;
	v36 =	vor.u32 v53, v1;
	v10 =	vld.idx.msk [tilespmem:v58+s13+$0x0], $0xffff  }
0x124: {  	v0 =	vadd.f32 v2, v0;
	v2 =	vmul.f32 v3, v56;
	v3 =	vld.idx.msk [tilespmem:v58+s14+$0x0], $0xffff  }
0x125: {  	v11 =	vld.idx.msk [tilespmem:v5+s13+$0x0], $0xffff  }
0x126: {  	v0 =	vadd.f32 v2, v0;
	v2 =	vmul.f32 v4, v8;
	v4 =	vld.idx.msk [tilespmem:v5+s14+$0x0], $0xffff  }
0x127: {  	v5 =	vld [tilespmem:$0x1FE90]  }
0x128: {  	v8 =	vld.idx.msk [tilespmem:v36+s13+$0x0], $0xffff;
	v0 =	vadd.f32 v2, v0;
	v2 =	vmul.f32 v7, v9  }
0x129: {  	v7 =	vld.idx.msk [tilespmem:v36+s14+$0x0], $0xffff  }
0x12a: {  	v37 =	vor.u32 v14, v1;
	v0 =	vadd.f32 v2, v0;
	v2 =	vmul.f32 v3, v10  }
0x12b: {  	v40 =	vmov v20;
	v20 =	vld [tilespmem:$0x1FEE0]  }
0x12c: {  	v14 =	vld [tilespmem:$0x1FEA0];
	v5 =	vor.u32 v5, v1;
	v0 =	vadd.f32 v2, v0;
	v2 =	vmul.f32 v4, v11  }
0x12d: {  	v3 =	vld [tilespmem:$0x1FE00]  }
0x12e: {  	v0 =	vadd.f32 v2, v0;
	v2 =	vmul.f32 v7, v8;
	v8 =	vld [tilespmem:$0x1FDF0]  }
0x12f: {  	v9 =	vld.idx.msk [tilespmem:v37+s13+$0x0], $0xffff  }
0x130: {  	v36 =	vld.idx.msk [tilespmem:v37+s14+$0x0], $0xffff  }
0x131: {  	v10 =	vld.idx.msk [tilespmem:v5+s13+$0x0], $0xffff  }
0x132: {  	v4 =	vld.idx.msk [tilespmem:v5+s14+$0x0], $0xffff;
	v5 =	vor.u32 v20, v1  }
0x133: {  	v11 =	vsel vm0, v3, v8;
	v3 =	vadd.f32 v2, v0;
	v0 =	vld [tilespmem:$0x1FDE0];
	_ =	sdelay $0x2  }
0x134: {  	v19 =	vld [tilespmem:$0x1FED0]  }
0x135: {  	v2 =	vmul.f32 v36, v9;
	v9 =	vld.idx.msk [tilespmem:v5+s13+$0x0], $0xffff  }
0x136: {  	v54 =	vor.u32 v14, v1;
	v26 =	vld.idx.msk [tilespmem:v5+s14+$0x0], $0xffff;
	v7 =	vcombine.low v0, v11  }
0x137: {  	v2 =	vadd.f32 v2, v3;
	v3 =	vmul.f32 v4, v10;
	v4 =	vld [tilespmem:$0x1FD00]  }
0x138: {  	[tilespmem:$0x1FA80] =	vst v7;
	v5 =	vor.u32 v7, v1;
	v7 =	vld [tilespmem:$0x1FD10];
	_ =	sdelay $0x1  }
0x139: {  	v17 =	vld [tilespmem:$0x1FD50]  }
0x13a: {  	v56 =	vor.u32 v19, v1;
	v14 =	vld.idx.msk [tilespmem:v54+s13+$0x0], $0xffff  }
0x13b: {  	v58 =	vld.idx.msk [tilespmem:v54+s14+$0x0], $0xffff  }
0x13c: {  	v54 =	vsel vm0, v7, v4;
	v4 =	vadd.f32 v3, v2;
	v3 =	vld [tilespmem:$0x1FD70];
	_ =	sdelay $0x1  }
0x13d: {  	v0 =	vor.u32 v17, v1  }
0x13e: {  	v25 =	vld.idx.msk [tilespmem:v56+s13+$0x0], $0xffff  }
0x13f: {  	v7 =	vld [tilespmem:$0x1FD40]  }
0x140: {  	v2 =	vmul.f32 v58, v14;
	v14 =	vcombine.low v54, v3;
	v3 =	vld [tilespmem:$0x1FD30]  }
0x141: {  	v47 =	vld.idx.msk [tilespmem:v56+s14+$0x0], $0xffff;
	v37 =	vor.u32 v57, v1  }
0x142: {  	v28 =	vld.idx.msk [tilespmem:v0+s13+$0x0], $0xffff  }
0x143: {  	v57 =	vld.idx.msk [tilespmem:v0+s14+$0x0], $0xffff  }
0x144: {  	v0 =	vld [tilespmem:$0x1FDD0]  }
0x145: {  	v7 =	vsel vm0, v7, v3;
	v3 =	vld [tilespmem:$0x1FD80]  }
0x146: {  	v10 =	vld.idx.msk [tilespmem:v37+s13+$0x0], $0xffff  }
0x147: {  	v37 =	vld.idx.msk [tilespmem:v37+s14+$0x0], $0xffff  }
0x148: {  	v58 =	vld.idx.msk [tilespmem:v5+s13+$0x0], $0xffff  }
0x149: {  	v56 =	vor.u32 v63, v1;
	v63 =	vld.idx.msk [tilespmem:v5+s14+$0x0], $0xffff;
	v4 =	vadd.f32 v2, v4  }
0x14a: {  	v2 =	vmul.f32 v47, v25;
	v25 =	vcombine.low v7, v3;
	v7 =	vsel vm0, v8, v0;
	v0 =	vld [tilespmem:$0x1FE10]  }
0x14b: {  	v5 =	vld [tilespmem:$0x1FD60]  }
0x14c: {  	v8 =	vadd.f32 v2, v4;
	v2 =	vld [tilespmem:$0x1FDA0];
	_ =	sdelay $0x2  }
0x14d: {  	v4 =	vmul.f32 v26, v9;
	v26 =	vcombine.low v7, v0;
	v0 =	vor.u32 v25, v1;
	_ =	sdelay $0x1  }
0x14e: {  	v54 =	vld.idx.msk [tilespmem:v56+s14+$0x0], $0xffff;
	v2 =	vsel vm0, v2, v5;
	v5 =	vadd.f32 v4, v8;
	v4 =	vmul.f32 v37, v10  }
0x14f: {  	[tilespmem:$0x1FAB0] =	vst v25;
	v25 =	vld.idx.msk [tilespmem:v56+s13+$0x0], $0xffff  }
0x150: {  	v7 =	vld [tilespmem:$0x1FE20];
	v5 =	vadd.f32 v4, v5;
	v4 =	vmul.f32 v57, v28  }
0x151: {  	v3 =	vor.u32 v14, v1;
	v28 =	vld.idx.msk [tilespmem:v0+s13+$0x0], $0xffff  }
0x152: {  	v57 =	vadd.f32 v4, v5;
	v5 =	vmul.f32 v63, v58;
	v58 =	vld.idx.msk [tilespmem:v0+s14+$0x0], $0xffff  }
0x153: {  	v0 =	vld [tilespmem:$0x1FE30]  }
0x154: {  	v23 =	vmov v34  }
0x155: {  	[tilespmem:$0x1FA90] =	vst v14;
	v10 =	vmov v23;
	v23 =	vld [tilespmem:$0x1FD90];
	v14 =	vcombine.low v2, v7;
	v2 =	vor.u32 v26, v1  }
0x156: {  	v56 =	vld.idx.msk [tilespmem:v3+s14+$0x0], $0xffff  }
0x157: {  	[tilespmem:$0x1FAD0] =	vst v26;
	v26 =	vld.idx.msk [tilespmem:v3+s13+$0x0], $0xffff;
	v3 =	vor.u32 v14, v1  }
0x158: {  	v48 =	vadd.f32 v5, v57;
	v5 =	vmul.f32 v54, v25;
	v25 =	vcombine.low v11, v0;
	v0 =	vld [tilespmem:$0x1FF60];
	_ =	sdelay $0x1  }
0x159: {  	v4 =	vor.u32 v23, v1;
	v34 =	vld.idx.msk [tilespmem:v2+s13+$0x0], $0xffff  }
0x15a: {  	v11 =	vld.idx.msk [tilespmem:v2+s14+$0x0], $0xffff  }
0x15b: {  	v37 =	vmov v12;
	v12 =	vadd.f32 v5, v48;
	v5 =	vmul.f32 v56, v26;
	v47 =	vld.idx.msk [tilespmem:v3+s14+$0x0], $0xffff  }
0x15c: {  	v2 =	vor.u32 v0, v1;
	v0 =	vld.idx.msk [tilespmem:v3+s13+$0x0], $0xffff  }
0x15d: {  	v12 =	vadd.f32 v5, v12;
	v5 =	vmul.f32 v58, v28;
	v28 =	vld [tilespmem:$0x1FDB0]  }
0x15e: {  	v26 =	vld.idx.msk [tilespmem:v4+s13+$0x0], $0xffff  }
0x15f: {  	v63 =	vadd.f32 v5, v12;
	v12 =	vld [tilespmem:$0x1FF20];
	v11 =	vmul.f32 v11, v34  }
0x160: {  	v48 =	vld.idx.msk [tilespmem:v4+s14+$0x0], $0xffff;
	v3 =	vor.u32 v25, v1  }
0x161: {  	v63 =	vadd.f32 v11, v63;
	v11 =	vld [tilespmem:$0x1FDC0];
	v0 =	vmul.f32 v47, v0  }
0x162: {  	v4 =	vor.u32 v28, v1;
	v36 =	vld.idx.msk [tilespmem:v2+s13+$0x0], $0xffff  }
0x163: {  	v57 =	vadd.f32 v0, v63;
	v0 =	vld [tilespmem:$0x1FEB0]  }
0x164: {  	v5 =	vor.u32 v12, v1;
	v54 =	vld.idx.msk [tilespmem:v2+s14+$0x0], $0xffff  }
0x165: {  	v34 =	vld.idx.msk [tilespmem:v3+s13+$0x0], $0xffff  }
0x166: {  	v56 =	vld.idx.msk [tilespmem:v3+s14+$0x0], $0xffff;
	v2 =	vor.u32 v11, v1  }
0x167: {  	v3 =	vmul.f32 v48, v26;
	v58 =	vld.idx.msk [tilespmem:v4+s13+$0x0], $0xffff  }
0x168: {  	v63 =	vld.idx.msk [tilespmem:v4+s14+$0x0], $0xffff;
	v1 =	vor.u32 v0, v1  }
0x169: {  	v4 =	vadd.f32 v3, v57;
	v3 =	vmul.f32 v54, v36;
	v0 =	vld.idx.msk [tilespmem:v5+s13+$0x0], $0xffff  }
0x16a: {  	v5 =	vld.idx.msk [tilespmem:v5+s14+$0x0], $0xffff  }
0x16b: {  	v26 =	vld.idx.msk [tilespmem:v2+s13+$0x0], $0xffff;
	v3 =	vadd.f32 v3, v4;
	v4 =	vmul.f32 v56, v34  }
0x16c: {  	v2 =	vld.idx.msk [tilespmem:v2+s14+$0x0], $0xffff  }
0x16d: {  	v3 =	vadd.f32 v4, v3;
	v4 =	vmul.f32 v63, v58;
	v56 =	vld.idx.msk [tilespmem:v1+s13+$0x0], $0xffff  }
0x16e: {  	v57 =	vld.idx.msk [tilespmem:v1+s14+$0x0], $0xffff  }
0x16f: {  	s30 =	simm.s32 $0x10;
	v1 =	vadd.f32 v4, v3;
	v3 =	vmul.f32 v5, v0  }
0x170: {  	v8 =	vld [tilespmem:$0x1FEF0];
	v4 =	vmov s30  }
0x171: {  	v2 =	vmul.f32 v2, v26;
	v4 =	vshll.u32 v4, $0x7;
	v3 =	vadd.f32 v3, v1  }
0x172: {  	v1 =	vor.u32 v6, v4  }
0x173: {  	v4 =	vor.u32 v13, v1;
	v2 =	vadd.f32 v2, v3;
	v3 =	vmul.f32 v57, v56  }
0x174: {  	v7 =	vld [tilespmem:$0x1FF30]  }
0x175: {  	v5 =	vor.u32 v8, v1;
	v2 =	vadd.f32 v3, v2  }
0x176: {  	s17 =	simm.s32 $0x10500  }
0x177: {  	v3 =	vor.u32 v55, v1;
	[tilespmem:s17+$0x0] =	vst v2  }
0x178: {  	v0 =	vld.idx.msk [tilespmem:v4+s14+$0x0], $0xffff  }
0x179: {  	v2 =	vor.u32 v7, v1;
	v58 =	vld.idx.msk [tilespmem:v4+s13+$0x0], $0xffff  }
0x17a: {  	v48 =	vld.idx.msk [tilespmem:v5+s13+$0x0], $0xffff  }
0x17b: {  	v63 =	vld.idx.msk [tilespmem:v5+s14+$0x0], $0xffff;
	v4 =	vor.u32 v15, v1  }
0x17c: {  	v34 =	vld.idx.msk [tilespmem:v3+s13+$0x0], $0xffff  }
0x17d: {  	v47 =	vld.idx.msk [tilespmem:v3+s14+$0x0], $0xffff;
	v3 =	vor.u32 v46, v1  }
0x17e: {  	v9 =	vld.idx.msk [tilespmem:v2+s13+$0x0], $0xffff;
	v5 =	vmul.f32 v0, v58  }
0x17f: {  	v36 =	vld.idx.msk [tilespmem:v2+s14+$0x0], $0xffff;
	v2 =	vor.u32 v38, v1  }
0x180: {  	v26 =	vmov v15;
	v0 =	vld.idx.msk [tilespmem:v4+s13+$0x0], $0xffff;
	v15 =	vadd.f32 $0.0e+00, v5;
	v5 =	vmul.f32 v63, v48  }
0x181: {  	v63 =	vld.idx.msk [tilespmem:v4+s14+$0x0], $0xffff;
	v4 =	vor.u32 v39, v1  }
0x182: {  	v48 =	vadd.f32 v5, v15;
	v15 =	vld.idx.msk [tilespmem:v3+s13+$0x0], $0xffff;
	v5 =	vmul.f32 v47, v34  }
0x183: {  	v47 =	vld.idx.msk [tilespmem:v3+s14+$0x0], $0xffff;
	v3 =	vor.u32 v21, v1  }
0x184: {  	v54 =	vmov v21;
	v34 =	vld.idx.msk [tilespmem:v2+s13+$0x0], $0xffff;
	v21 =	vadd.f32 v5, v48;
	v5 =	vmul.f32 v36, v9  }
0x185: {  	v57 =	vld.idx.msk [tilespmem:v2+s14+$0x0], $0xffff;
	v2 =	vor.u32 v24, v1  }
0x186: {  	v9 =	vld.idx.msk [tilespmem:v4+s13+$0x0], $0xffff;
	v24 =	vadd.f32 v5, v21;
	v5 =	vmul.f32 v63, v0  }
0x187: {  	v63 =	vld.idx.msk [tilespmem:v4+s14+$0x0], $0xffff;
	v4 =	vor.u32 v52, v1  }
0x188: {  	v0 =	vld.idx.msk [tilespmem:v3+s13+$0x0], $0xffff;
	v24 =	vadd.f32 v5, v24;
	v5 =	vmul.f32 v47, v15  }
0x189: {  	v56 =	vmov v55;
	v48 =	vld.idx.msk [tilespmem:v3+s14+$0x0], $0xffff;
	v3 =	vor.u32 v40, v1  }
0x18a: {  	v55 =	vmovc v39;
	v21 =	vmov v52;
	v52 =	vld.idx.msk [tilespmem:v2+s14+$0x0], $0xffff;
	v39 =	vadd.f32 v5, v24;
	v5 =	vmul.f32 v57, v34  }
0x18b: {  	v24 =	vld.idx.msk [tilespmem:v2+s13+$0x0], $0xffff;
	v2 =	vor.u32 v22, v1  }
0x18c: {  	v15 =	vmov v22;
	v22 =	vld.idx.msk [tilespmem:v4+s13+$0x0], $0xffff;
	v57 =	vadd.f32 v5, v39;
	v5 =	vmul.f32 v63, v9  }
0x18d: {  	v63 =	vld.idx.msk [tilespmem:v4+s14+$0x0], $0xffff;
	v4 =	vor.u32 v35, v1  }
0x18e: {  	v9 =	vld.idx.msk [tilespmem:v3+s13+$0x0], $0xffff;
	v40 =	vadd.f32 v5, v57;
	v5 =	vmul.f32 v48, v0  }
0x18f: {  	v58 =	vmov v38;
	v38 =	vld.idx.msk [tilespmem:v3+s14+$0x0], $0xffff  }
0x190: {  	v3 =	vor.u32 v60, v1;
	v0 =	vld.idx.msk [tilespmem:v2+s13+$0x0], $0xffff;
	v40 =	vadd.f32 v5, v40;
	v5 =	vmul.f32 v52, v24  }
0x191: {  	v47 =	vld.idx.msk [tilespmem:v2+s14+$0x0], $0xffff  }
0x192: {  	v24 =	vld.idx.msk [tilespmem:v4+s13+$0x0], $0xffff;
	v48 =	vadd.f32 v5, v40;
	v5 =	vmul.f32 v63, v22  }
0x193: {  	v2 =	vor.u32 v33, v1;
	v52 =	vld.idx.msk [tilespmem:v4+s14+$0x0], $0xffff  }
0x194: {  	v4 =	vor.u32 v27, v1;
	v63 =	vmovc v27;
	v27 =	vadd.f32 v5, v48;
	v5 =	vmul.f32 v38, v9  }
0x195: {  	v57 =	vmov v60;
	v60 =	vld.idx.msk [tilespmem:v3+s14+$0x0], $0xffff  }
0x196: {  	v27 =	vadd.f32 v5, v27;
	v5 =	vmul.f32 v47, v0;
	v0 =	vld [tilespmem:$0x1FFF0]  }
0x197: {  	v22 =	vld.idx.msk [tilespmem:v3+s13+$0x0], $0xffff;
	v3 =	vor.u32 v31, v1  }
0x198: {  	v9 =	vld.idx.msk [tilespmem:v2+s13+$0x0], $0xffff  }
0x199: {  	v47 =	vld.idx.msk [tilespmem:v2+s14+$0x0], $0xffff;
	v2 =	vor.u32 v29, v1  }
0x19a: {  	v40 =	vmov v29;
	v29 =	vadd.f32 v5, v27;
	v27 =	vld.idx.msk [tilespmem:v4+s13+$0x0], $0xffff;
	v5 =	vmul.f32 v52, v24  }
0x19b: {  	v24 =	vld.idx.msk [tilespmem:v4+s14+$0x0], $0xffff;
	v4 =	vor.u32 v0, v1  }
0x19c: {  	v52 =	vld.idx.msk [tilespmem:v3+s14+$0x0], $0xffff;
	v29 =	vadd.f32 v5, v29;
	v5 =	vmul.f32 v60, v22  }
0x19d: {  	v39 =	vmovc v35;
	v35 =	vmovc v33;
	v33 =	vmov v31;
	v31 =	vmov v0;
	v0 =	vld.idx.msk [tilespmem:v3+s13+$0x0], $0xffff;
	v3 =	vor.u32 v51, v1  }
0x19e: {  	v22 =	vld.idx.msk [tilespmem:v2+s13+$0x0], $0xffff;
	v38 =	vadd.f32 v5, v29;
	v5 =	vmul.f32 v47, v9  }
0x19f: {  	v60 =	vld.idx.msk [tilespmem:v2+s14+$0x0], $0xffff;
	v2 =	vor.u32 v32, v1  }
0x1a0: {  	v38 =	vadd.f32 v5, v38;
	v5 =	vmul.f32 v24, v27;
	v9 =	vld.idx.msk [tilespmem:v4+s13+$0x0], $0xffff  }
0x1a1: {  	v24 =	vld.idx.msk [tilespmem:v4+s14+$0x0], $0xffff;
	v4 =	vor.u32 v18, v1  }
0x1a2: {  	v29 =	vmovc v32;
	v32 =	vmov v18;
	v38 =	vadd.f32 v5, v38;
	v18 =	vld.idx.msk [tilespmem:v3+s13+$0x0], $0xffff;
	v5 =	vmul.f32 v52, v0  }
0x1a3: {  	v27 =	vld.idx.msk [tilespmem:v3+s14+$0x0], $0xffff;
	v3 =	vor.u32 v43, v1  }
0x1a4: {  	v0 =	vld.idx.msk [tilespmem:v2+s13+$0x0], $0xffff;
	v36 =	vadd.f32 v5, v38;
	v5 =	vmul.f32 v60, v22  }
0x1a5: {  	v34 =	vld.idx.msk [tilespmem:v2+s14+$0x0], $0xffff;
	v2 =	vor.u32 v61, v1  }
0x1a6: {  	v47 =	vmovc v43;
	v43 =	vmov v61;
	v61 =	vadd.f32 v5, v36;
	v22 =	vld.idx.msk [tilespmem:v4+s13+$0x0], $0xffff;
	v5 =	vmul.f32 v24, v9  }
0x1a7: {  	v38 =	vld.idx.msk [tilespmem:v4+s14+$0x0], $0xffff;
	v4 =	vor.u32 v42, v1  }
0x1a8: {  	v9 =	vld.idx.msk [tilespmem:v3+s13+$0x0], $0xffff;
	v24 =	vadd.f32 v5, v61;
	v5 =	vmul.f32 v27, v18  }
0x1a9: {  	v27 =	vld.idx.msk [tilespmem:v3+s14+$0x0], $0xffff  }
0x1aa: {  	v61 =	vld.idx.msk [tilespmem:v2+s14+$0x0], $0xffff;
	v60 =	vadd.f32 v5, v24;
	v5 =	vmul.f32 v34, v0  }
0x1ab: {  	v3 =	vor.u32 v59, v1;
	v24 =	vld.idx.msk [tilespmem:v2+s13+$0x0], $0xffff  }
0x1ac: {  	v36 =	vmov v42;
	v0 =	vld.idx.msk [tilespmem:v4+s13+$0x0], $0xffff;
	v42 =	vadd.f32 v5, v60;
	v5 =	vmul.f32 v38, v22  }
0x1ad: {  	v52 =	vmov v62;
	v2 =	vor.u32 v62, v1;
	v62 =	vld.idx.msk [tilespmem:v4+s14+$0x0], $0xffff  }
0x1ae: {  	v22 =	vadd.f32 v5, v42;
	v5 =	vmul.f32 v27, v9  }
0x1af: {  	v18 =	vmov v59;
	v59 =	vmov v16  }
0x1b0: {  	v4 =	vor.u32 v16, v1;
	v16 =	vld.idx.msk [tilespmem:v3+s13+$0x0], $0xffff;
	v22 =	vadd.f32 v5, v22;
	v5 =	vmul.f32 v61, v24  }
0x1b1: {  	v27 =	vld.idx.msk [tilespmem:v3+s14+$0x0], $0xffff  }
0x1b2: {  	v24 =	vadd.f32 v5, v22;
	v5 =	vmul.f32 v62, v0;
	v0 =	vld [tilespmem:$0x1FFB0]  }
0x1b3: {  	v3 =	vor.u32 v44, v1;
	v9 =	vld.idx.msk [tilespmem:v2+s13+$0x0], $0xffff  }
0x1b4: {  	v34 =	vld.idx.msk [tilespmem:v2+s14+$0x0], $0xffff  }
0x1b5: {  	v38 =	vld.idx.msk [tilespmem:v4+s14+$0x0], $0xffff  }
0x1b6: {  	v48 =	vmovc v51;
	v51 =	vmov v44;
	v44 =	vmov v45;
	v2 =	vor.u32 v45, v1;
	v22 =	vld.idx.msk [tilespmem:v4+s13+$0x0], $0xffff  }
0x1b7: {  	v45 =	vmovc v0;
	v4 =	vor.u32 v0, v1;
	v0 =	vadd.f32 v5, v24;
	v5 =	vmul.f32 v27, v16  }
0x1b8: {  	v24 =	vld.idx.msk [tilespmem:v3+s13+$0x0], $0xffff  }
0x1b9: {  	v60 =	vadd.f32 v5, v0;
	v0 =	vld [tilespmem:$0x1FF90]  }
0x1ba: {  	v27 =	vld.idx.msk [tilespmem:v3+s14+$0x0], $0xffff;
	v3 =	vor.u32 v30, v1  }
0x1bb: {  	v16 =	vld.idx.msk [tilespmem:v2+s13+$0x0], $0xffff  }
0x1bc: {  	v42 =	vmov v30;
	v30 =	vld.idx.msk [tilespmem:v2+s14+$0x0], $0xffff;
	v5 =	vmul.f32 v34, v9  }
0x1bd: {  	v9 =	vld.idx.msk [tilespmem:v4+s13+$0x0], $0xffff  }
0x1be: {  	v2 =	vor.u32 v0, v1;
	v0 =	vadd.f32 v5, v60;
	v5 =	vmul.f32 v38, v22;
	v38 =	vld.idx.msk [tilespmem:v4+s14+$0x0], $0xffff  }
0x1bf: {  	v22 =	vld.idx.msk [tilespmem:v3+s13+$0x0], $0xffff  }
0x1c0: {  	v60 =	vadd.f32 v5, v0;
	v5 =	vmul.f32 v27, v24;
	v27 =	vld.idx.msk [tilespmem:v3+s14+$0x0], $0xffff  }
0x1c1: {  	v4 =	vor.u32 v41, v1;
	v3 =	vld [tilespmem:$0x1FFA0];
	_ =	sdelay $0x1  }
0x1c2: {  	v60 =	vadd.f32 v5, v60;
	v5 =	vmul.f32 v30, v16;
	v24 =	vld.idx.msk [tilespmem:v2+s13+$0x0], $0xffff  }
0x1c3: {  	v34 =	vmov v41;
	v41 =	vld.idx.msk [tilespmem:v2+s14+$0x0], $0xffff;
	v2 =	vor.u32 v49, v1  }
0x1c4: {  	v30 =	vadd.f32 v5, v60;
	v5 =	vmul.f32 v38, v9  }
0x1c5: {  	v16 =	vld.idx.msk [tilespmem:v4+s13+$0x0], $0xffff;
	v0 =	vmov v3;
	v3 =	vor.u32 v3, v1  }
0x1c6: {  	v38 =	vld.idx.msk [tilespmem:v4+s14+$0x0], $0xffff;
	v4 =	vor.u32 v10, v1;
	v10 =	vadd.f32 v5, v30;
	v5 =	vmul.f32 v27, v22;
	_ =	sdelay $0x1  }
0x1c7: {  	v61 =	vadd.f32 v5, v10;
	v10 =	vld.idx.msk [tilespmem:v2+s13+$0x0], $0xffff  }
0x1c8: {  	v27 =	vld.idx.msk [tilespmem:v2+s14+$0x0], $0xffff  }
0x1c9: {  	v9 =	vld.idx.msk [tilespmem:v3+s13+$0x0], $0xffff  }
0x1ca: {  	v22 =	vld.idx.msk [tilespmem:v3+s14+$0x0], $0xffff;
	v3 =	vor.u32 v50, v1  }
0x1cb: {  	v5 =	vmul.f32 v41, v24;
	v2 =	vld [tilespmem:$0x1FE40]  }
0x1cc: {  	v24 =	vld.idx.msk [tilespmem:v4+s13+$0x0], $0xffff  }
0x1cd: {  	v60 =	vadd.f32 v5, v61;
	v5 =	vmul.f32 v38, v16;
	v38 =	vld.idx.msk [tilespmem:v4+s14+$0x0], $0xffff  }
0x1ce: {  	v4 =	vld [tilespmem:$0x1FE50]  }
0x1cf: {  	v16 =	vld.idx.msk [tilespmem:v3+s13+$0x0], $0xffff  }
0x1d0: {  	v30 =	vmov v50;
	v50 =	vld.idx.msk [tilespmem:v3+s14+$0x0], $0xffff  }
0x1d1: {  	v41 =	vmov v2;
	v2 =	vor.u32 v2, v1;
	v3 =	vld [tilespmem:$0x1FE60];
	_ =	sdelay $0x1  }
0x1d2: {  	v61 =	vadd.f32 v5, v60;
	v5 =	vmul.f32 v22, v9  }
0x1d3: {  	v62 =	vmov v49;
	v49 =	vmov v4;
	v4 =	vor.u32 v4, v1  }
0x1d4: {  	v61 =	vadd.f32 v5, v61  }
0x1d5: {  	v5 =	vmul.f32 v27, v10;
	v9 =	vld.idx.msk [tilespmem:v2+s13+$0x0], $0xffff;
	v60 =	vmov v3;
	v3 =	vor.u32 v3, v1  }
0x1d6: {  	v27 =	vld.idx.msk [tilespmem:v2+s14+$0x0], $0xffff  }
0x1d7: {  	v61 =	vadd.f32 v5, v61;
	v5 =	vmul.f32 v38, v24  }
0x1d8: {  	v22 =	vmov v37;
	v10 =	vld.idx.msk [tilespmem:v4+s13+$0x0], $0xffff  }
0x1d9: {  	v2 =	vor.u32 v37, v1;
	v38 =	vld.idx.msk [tilespmem:v4+s14+$0x0], $0xffff;
	v37 =	vadd.f32 v5, v61;
	v5 =	vmul.f32 v50, v16  }
0x1da: {  	v24 =	vld.idx.msk [tilespmem:v3+s13+$0x0], $0xffff  }
0x1db: {  	v61 =	vadd.f32 v5, v37;
	v5 =	vmul.f32 v27, v9;
	v50 =	vld.idx.msk [tilespmem:v3+s14+$0x0], $0xffff  }
0x1dc: {  	v3 =	vld [tilespmem:$0x1FE80]  }
0x1dd: {  	v5 =	vadd.f32 v5, v61;
	_ =	sdelay $0x1  }
0x1de: {  	[tilespmem:$0x1FA40] =	vst v5  }
0x1df: {  	v5 =	vmul.f32 v38, v10;
	v10 =	vld [tilespmem:$0x1FA40]  }
0x1e0: {  	v16 =	vmov v3;
	v3 =	vor.u32 v3, v1  }
0x1e1: {  	v37 =	vld.idx.msk [tilespmem:v2+s13+$0x0], $0xffff  }
0x1e2: {  	v4 =	vor.u32 v53, v1;
	v53 =	vld.idx.msk [tilespmem:v2+s14+$0x0], $0xffff  }
0x1e3: {  	v2 =	vld [tilespmem:$0x1FE90]  }
0x1e4: {  	v5 =	vadd.f32 v5, v10  }
0x1e5: {  	v10 =	vld.idx.msk [tilespmem:v3+s13+$0x0], $0xffff  }
0x1e6: {  	[tilespmem:$0x1FA50] =	vst v5;
	v5 =	vmul.f32 v50, v24;
	v24 =	vld.idx.msk [tilespmem:v3+s14+$0x0], $0xffff  }
0x1e7: {  	v3 =	vor.u32 v19, v1;
	v19 =	vld [tilespmem:$0x1FA50]  }
0x1e8: {  	v27 =	vmov v2;
	v2 =	vor.u32 v2, v1;
	_ =	sdelay $0x2  }
0x1e9: {  	v9 =	vld.idx.msk [tilespmem:v4+s13+$0x0], $0xffff  }
0x1ea: {  	v38 =	vld.idx.msk [tilespmem:v4+s14+$0x0], $0xffff;
	v5 =	vadd.f32 v5, v19  }
0x1eb: {  	v50 =	vld.idx.msk [tilespmem:v2+s14+$0x0], $0xffff  }
0x1ec: {  	v19 =	vld.idx.msk [tilespmem:v2+s13+$0x0], $0xffff;
	[tilespmem:$0x1FA60] =	vst v5  }
0x1ed: {  	v2 =	vor.u32 v20, v1;
	v20 =	vld [tilespmem:$0x1FA60]  }
0x1ee: {  	v4 =	vld [tilespmem:$0x1FEA0];
	_ =	sdelay $0x1  }
0x1ef: {  	v5 =	vmul.f32 v53, v37;
	_ =	sdelay $0x1  }
0x1f0: {  	v37 =	vadd.f32 v5, v20;
	v5 =	vmul.f32 v38, v9  }
0x1f1: {  	v61 =	vmov v4;
	v4 =	vor.u32 v4, v1  }
0x1f2: {  	v5 =	vadd.f32 v5, v37;
	_ =	sdelay $0x1  }
0x1f3: {  	[tilespmem:$0x1FA70] =	vst v5  }
0x1f4: {  	v5 =	vmul.f32 v24, v10;
	v10 =	vld [tilespmem:$0x1FA70]  }
0x1f5: {  	v20 =	vld.idx.msk [tilespmem:v4+s13+$0x0], $0xffff  }
0x1f6: {  	v38 =	vld.idx.msk [tilespmem:v4+s14+$0x0], $0xffff  }
0x1f7: {  	v53 =	vld.idx.msk [tilespmem:v3+s14+$0x0], $0xffff  }
0x1f8: {  	v9 =	vld.idx.msk [tilespmem:v3+s13+$0x0], $0xffff  }
0x1f9: {  	v4 =	vld [tilespmem:$0x1FF70];
	v24 =	vadd.f32 v5, v10;
	v5 =	vmul.f32 v50, v19  }
0x1fa: {  	v10 =	vld.idx.msk [tilespmem:v2+s13+$0x0], $0xffff  }
0x1fb: {  	v2 =	vld.idx.msk [tilespmem:v2+s14+$0x0], $0xffff;
	v19 =	vadd.f32 v5, v24;
	v5 =	vmul.f32 v38, v20;
	_ =	sdelay $0x1  }
0x1fc: {  	v20 =	vadd.f32 v5, v19;
	v5 =	vmul.f32 v53, v9  }
0x1fd: {  	v3 =	vor.u32 v17, v1  }
0x1fe: {  	v4 =	vor.u32 v4, v1;
	v5 =	vadd.f32 v5, v20  }
0x1ff: {  	[tilespmem:$0x1FAA0] =	vst v2  }
0x200: {  	[tilespmem:$0x1FAC0] =	vst v5;
	v5 =	vld [tilespmem:$0x1FAA0];
	_ =	sdelay $0x1  }
0x201: {  	v50 =	vld.idx.msk [tilespmem:v3+s13+$0x0], $0xffff  }
0x202: {  	v24 =	vld.idx.msk [tilespmem:v4+s13+$0x0], $0xffff  }
0x203: {  	v38 =	vld.idx.msk [tilespmem:v4+s14+$0x0], $0xffff  }
0x204: {  	v5 =	vmul.f32 v5, v10;
	v10 =	vld [tilespmem:$0x1FAC0]  }
0x205: {  	v2 =	vld [tilespmem:$0x1FA80]  }
0x206: {  	v53 =	vld.idx.msk [tilespmem:v3+s14+$0x0], $0xffff  }
0x207: {  	v3 =	vld [tilespmem:$0x1FA90];
	_ =	sdelay $0x1  }
0x208: {  	v5 =	vadd.f32 v5, v10  }
0x209: {  	v37 =	vmov v17;
	v17 =	vmov v2;
	v2 =	vor.u32 v2, v1  }
0x20a: {  	[tilespmem:$0x1FAE0] =	vst v5  }
0x20b: {  	v19 =	vmov v3;
	v3 =	vor.u32 v3, v1;
	v5 =	vmul.f32 v38, v24;
	v24 =	vld [tilespmem:$0x1FAE0];
	_ =	sdelay $0x2  }
0x20c: {  	v9 =	vld.idx.msk [tilespmem:v2+s13+$0x0], $0xffff  }
0x20d: {  	v2 =	vld.idx.msk [tilespmem:v2+s14+$0x0], $0xffff  }
0x20e: {  	v5 =	vadd.f32 v5, v24;
	v24 =	vld.idx.msk [tilespmem:v3+s13+$0x0], $0xffff  }
0x20f: {  	v3 =	vld.idx.msk [tilespmem:v3+s14+$0x0], $0xffff  }
0x210: {  	v4 =	vld [tilespmem:$0x1FF80];
	_ =	sdelay $0x1  }
0x211: {  	[tilespmem:$0x1FB00] =	vst v2  }
0x212: {  	v2 =	vld [tilespmem:$0x1FAB0];
	[tilespmem:$0x1FAF0] =	vst v5  }
0x213: {  	v5 =	vmul.f32 v53, v50;
	v50 =	vmov v14;
	[tilespmem:$0x1FB30] =	vst v3;
	v3 =	vor.u32 v14, v1;
	v14 =	vld [tilespmem:$0x1FAF0]  }
0x214: {  	v4 =	vor.u32 v4, v1;
	_ =	sdelay $0x3  }
0x215: {  	v20 =	vmov v2;
	v2 =	vor.u32 v2, v1;
	v5 =	vadd.f32 v5, v14  }
0x216: {  	v10 =	vld.idx.msk [tilespmem:v4+s13+$0x0], $0xffff  }
0x217: {  	[tilespmem:$0x1FB10] =	vst v5;
	v5 =	vld [tilespmem:$0x1FB00]  }
0x218: {  	v4 =	vld.idx.msk [tilespmem:v4+s14+$0x0], $0xffff;
	_ =	sdelay $0x1  }
0x219: {  	v53 =	vld.idx.msk [tilespmem:v2+s13+$0x0], $0xffff  }
0x21a: {  	v2 =	vld.idx.msk [tilespmem:v2+s14+$0x0], $0xffff  }
0x21b: {  	v5 =	vmul.f32 v5, v9;
	v9 =	vld [tilespmem:$0x1FB10]  }
0x21c: {  	[tilespmem:$0x1FB20] =	vst v4;
	v4 =	vld [tilespmem:$0x1FAD0];
	_ =	sdelay $0x3  }
0x21d: {  	[tilespmem:$0x1FB40] =	vst v2;
	v2 =	vor.u32 v23, v1;
	v14 =	vmov v23;
	v23 =	vadd.f32 v5, v9;
	v5 =	vld [tilespmem:$0x1FB20]  }
0x21e: {  	v38 =	vmov v4;
	v4 =	vor.u32 v4, v1;
	_ =	sdelay $0x3  }
0x21f: {  	v5 =	vmul.f32 v5, v10  }
0x220: {  	v9 =	vld.idx.msk [tilespmem:v4+s13+$0x0], $0xffff  }
0x221: {  	v23 =	vadd.f32 v5, v23;
	v5 =	vld [tilespmem:$0x1FB30]  }
0x222: {  	v4 =	vld.idx.msk [tilespmem:v4+s14+$0x0], $0xffff;
	_ =	sdelay $0x3  }
0x223: {  	v5 =	vmul.f32 v5, v24  }
0x224: {  	[tilespmem:$0x1FB60] =	vst v4;
	v4 =	vld [tilespmem:$0x1FF60]  }
0x225: {  	v5 =	vadd.f32 v5, v23;
	v23 =	vld.idx.msk [tilespmem:v2+s13+$0x0], $0xffff  }
0x226: {  	v2 =	vld.idx.msk [tilespmem:v2+s14+$0x0], $0xffff;
	_ =	sdelay $0x2  }
0x227: {  	[tilespmem:$0x1FB50] =	vst v5;
	v5 =	vld [tilespmem:$0x1FB40];
	_ =	sdelay $0x1  }
0x228: {  	v4 =	vor.u32 v4, v1;
	[tilespmem:$0x1FB90] =	vst v2;
	v2 =	vld [tilespmem:$0x1FB50];
	_ =	sdelay $0x2  }
0x229: {  	v53 =	vmul.f32 v5, v53;
	_ =	sdelay $0x1  }
0x22a: {  	v53 =	vadd.f32 v53, v2;
	v2 =	vld.idx.msk [tilespmem:v4+s13+$0x0], $0xffff;
	_ =	sdelay $0x4  }
0x22b: {  	[tilespmem:$0x1FBA0] =	vst v2;
	v2 =	vld [tilespmem:$0x1FB60];
	_ =	sdelay $0x1  }
0x22c: {  	v10 =	vld.idx.msk [tilespmem:v3+s13+$0x0], $0xffff  }
0x22d: {  	v3 =	vld.idx.msk [tilespmem:v3+s14+$0x0], $0xffff;
	_ =	sdelay $0x1  }
0x22e: {  	v9 =	vmul.f32 v2, v9;
	_ =	sdelay $0x1  }
0x22f: {  	v2 =	vld.idx.msk [tilespmem:v4+s14+$0x0], $0xffff;
	v4 =	vadd.f32 v9, v53  }
0x230: {  	[tilespmem:$0x1FB70] =	vst v3  }
0x231: {  	[tilespmem:$0x1FB80] =	vst v4;
	v4 =	vld [tilespmem:$0x1FB70];
	_ =	sdelay $0x2  }
0x232: {  	v3 =	vor.u32 v25, v1;
	_ =	sdelay $0x1  }
0x233: {  	v4 =	vmul.f32 v4, v10;
	v10 =	vld [tilespmem:$0x1FB80]  }
0x234: {  	v5 =	vor.u32 v28, v1;
	_ =	sdelay $0x1  }
0x235: {  	v9 =	vld.idx.msk [tilespmem:v3+s13+$0x0], $0xffff  }
0x236: {  	v24 =	vmovc v25;
	v25 =	vmov v28;
	v28 =	vmov v12;
	[tilespmem:$0x1FBB0] =	vst v2;
	v2 =	vor.u32 v12, v1;
	v12 =	vld.idx.msk [tilespmem:v3+s14+$0x0], $0xffff  }
0x237: {  	v10 =	vadd.f32 v4, v10;
	v4 =	vld [tilespmem:$0x1FB90]  }
0x238: {  	v53 =	vmov v11;
	v3 =	vor.u32 v11, v1;
	v11 =	vld.idx.msk [tilespmem:v5+s13+$0x0], $0xffff  }
0x239: {  	v5 =	vld.idx.msk [tilespmem:v5+s14+$0x0], $0xffff;
	_ =	sdelay $0x2  }
0x23a: {  	v4 =	vmul.f32 v4, v23;
	_ =	sdelay $0x1  }
0x23b: {  	[tilespmem:$0x1FBC0] =	vst v5;
	v5 =	vadd.f32 v4, v10;
	v4 =	vld [tilespmem:$0x1FBA0]  }
0x23c: {  	v10 =	vld [tilespmem:$0x1FBB0];
	_ =	sdelay $0x4  }
0x23d: {  	v4 =	vmul.f32 v10, v4;
	_ =	sdelay $0x1  }
0x23e: {  	v4 =	vadd.f32 v4, v5;
	v5 =	vld [tilespmem:$0x1FEB0];
	_ =	sdelay $0x4  }
0x23f: {  	v23 =	vmov v5;
	v1 =	vor.u32 v5, v1;
	v5 =	vmul.f32 v12, v9;
	_ =	sdelay $0x1  }
0x240: {  	v4 =	vadd.f32 v5, v4;
	v5 =	vld [tilespmem:$0x1FBC0]  }
0x241: {  	v10 =	vld.idx.msk [tilespmem:v2+s13+$0x0], $0xffff  }
0x242: {  	v2 =	vld.idx.msk [tilespmem:v2+s14+$0x0], $0xffff  }
0x243: {  	v9 =	vld.idx.msk [tilespmem:v3+s13+$0x0], $0xffff  }
0x244: {  	v3 =	vld.idx.msk [tilespmem:v3+s14+$0x0], $0xffff  }
0x245: {  	v5 =	vmul.f32 v5, v11;
	_ =	sdelay $0x1  }
0x246: {  	s31 =	simm.s32 $0x20;
	v4 =	vadd.f32 v5, v4;
	v5 =	vmul.f32 v2, v10  }
0x247: {  	v2 =	vld.idx.msk [tilespmem:v1+s13+$0x0], $0xffff;
	v10 =	vmov s31  }
0x248: {  	s18 =	simm.s32 $0x30;
	v4 =	vadd.f32 v5, v4;
	v5 =	vmul.f32 v3, v9;
	v3 =	vld.idx.msk [tilespmem:v1+s14+$0x0], $0xffff;
	v1 =	vshll.u32 v10, $0x7  }
.LBB2_4:
0x249: {  	_ =	sdelay $0x2  }
0x24a: {  	v1 =	vor.u32 v6, v1  }
0x24b: {  	v4 =	vadd.f32 v5, v4;
	v2 =	vmul.f32 v3, v2;
	v6 =	vor.u32 v13, v1;
	_ =	sdelay $0x1  }
0x24c: {  	v3 =	vor.u32 v8, v1;
	v2 =	vadd.f32 v2, v4  }
0x24d: {  	s17 =	sadd.s32 $0x10, s17  }
0x24e: {  	v4 =	vor.u32 v56, v1;
	[tilespmem:s17+$0x0] =	vst v2  }
0x24f: {  	v2 =	vld.idx.msk [tilespmem:v6+s14+$0x0], $0xffff  }
0x250: {  	v5 =	vld.idx.msk [tilespmem:v6+s13+$0x0], $0xffff;
	v6 =	vor.u32 v7, v1  }
0x251: {  	v7 =	vld.idx.msk [tilespmem:v3+s13+$0x0], $0xffff  }
0x252: {  	v8 =	vor.u32 v26, v1;
	v3 =	vld.idx.msk [tilespmem:v3+s14+$0x0], $0xffff  }
0x253: {  	v10 =	vor.u32 v46, v1;
	v9 =	vld.idx.msk [tilespmem:v4+s13+$0x0], $0xffff  }
0x254: {  	v4 =	vld.idx.msk [tilespmem:v4+s14+$0x0], $0xffff  }
0x255: {  	v11 =	vld.idx.msk [tilespmem:v6+s13+$0x0], $0xffff  }
0x256: {  	v2 =	vmul.f32 v2, v5;
	v5 =	vld.idx.msk [tilespmem:v6+s14+$0x0], $0xffff;
	v6 =	vor.u32 v58, v1  }
0x257: {  	v12 =	vld.idx.msk [tilespmem:v8+s13+$0x0], $0xffff  }
0x258: {  	v13 =	vld.idx.msk [tilespmem:v10+s13+$0x0], $0xffff;
	v3 =	vmul.f32 v3, v7;
	v2 =	vadd.f32 $0.0e+00, v2  }
0x259: {  	v7 =	vld.idx.msk [tilespmem:v8+s14+$0x0], $0xffff  }
0x25a: {  	v2 =	vadd.f32 v3, v2;
	v3 =	vmul.f32 v4, v9;
	v4 =	vld.idx.msk [tilespmem:v10+s14+$0x0], $0xffff;
	v9 =	vor.u32 v54, v1  }
0x25b: {  	v10 =	vld.idx.msk [tilespmem:v6+s13+$0x0], $0xffff  }
0x25c: {  	v2 =	vadd.f32 v3, v2;
	v3 =	vmul.f32 v5, v11;
	v5 =	vld.idx.msk [tilespmem:v6+s14+$0x0], $0xffff  }
0x25d: {  	v6 =	vld [tilespmem:$0x1FFD0]  }
0x25e: {  	v8 =	vor.u32 v55, v1;
	v2 =	vadd.f32 v3, v2;
	v3 =	vmul.f32 v7, v12  }
0x25f: {  	v12 =	vld.idx.msk [tilespmem:v9+s13+$0x0], $0xffff  }
0x260: {  	v2 =	vadd.f32 v3, v2;
	v3 =	vmul.f32 v4, v13;
	v4 =	vld.idx.msk [tilespmem:v9+s14+$0x0], $0xffff  }
0x261: {  	v9 =	vld [tilespmem:$0x1FFC0]  }
0x262: {  	v6 =	vor.u32 v6, v1  }
0x263: {  	v11 =	vld.idx.msk [tilespmem:v8+s13+$0x0], $0xffff  }
0x264: {  	v7 =	vld.idx.msk [tilespmem:v8+s14+$0x0], $0xffff;
	v8 =	vor.u32 v21, v1;
	_ =	sdelay $0x1  }
0x265: {  	v9 =	vor.u32 v9, v1  }
0x266: {  	v13 =	vld.idx.msk [tilespmem:v6+s13+$0x0], $0xffff  }
0x267: {  	v2 =	vadd.f32 v3, v2;
	v3 =	vmul.f32 v5, v10;
	v5 =	vld.idx.msk [tilespmem:v6+s14+$0x0], $0xffff;
	v6 =	vor.u32 v15, v1  }
0x268: {  	v10 =	vld.idx.msk [tilespmem:v8+s13+$0x0], $0xffff  }
0x269: {  	v2 =	vadd.f32 v3, v2;
	v3 =	vmul.f32 v7, v11;
	v7 =	vld.idx.msk [tilespmem:v8+s14+$0x0], $0xffff;
	v8 =	vor.u32 v39, v1  }
0x26a: {  	v11 =	vld.idx.msk [tilespmem:v9+s13+$0x0], $0xffff  }
0x26b: {  	v2 =	vadd.f32 v3, v2;
	v3 =	vmul.f32 v4, v12;
	v4 =	vld.idx.msk [tilespmem:v9+s14+$0x0], $0xffff;
	v9 =	vor.u32 v57, v1  }
0x26c: {  	v12 =	vld.idx.msk [tilespmem:v6+s13+$0x0], $0xffff  }
0x26d: {  	v2 =	vadd.f32 v3, v2;
	v3 =	vmul.f32 v5, v13;
	v5 =	vld.idx.msk [tilespmem:v6+s14+$0x0], $0xffff;
	v6 =	vor.u32 v35, v1  }
0x26e: {  	v13 =	vld.idx.msk [tilespmem:v8+s13+$0x0], $0xffff  }
0x26f: {  	v2 =	vadd.f32 v3, v2;
	v3 =	vmul.f32 v7, v10;
	v7 =	vld.idx.msk [tilespmem:v8+s14+$0x0], $0xffff;
	v8 =	vor.u32 v63, v1  }
0x270: {  	v10 =	vld.idx.msk [tilespmem:v9+s13+$0x0], $0xffff  }
0x271: {  	v2 =	vadd.f32 v3, v2;
	v3 =	vmul.f32 v4, v11;
	v4 =	vld.idx.msk [tilespmem:v9+s14+$0x0], $0xffff;
	v9 =	vor.u32 v33, v1  }
0x272: {  	v11 =	vld.idx.msk [tilespmem:v6+s13+$0x0], $0xffff  }
0x273: {  	v2 =	vadd.f32 v3, v2;
	v3 =	vmul.f32 v5, v12;
	v5 =	vld.idx.msk [tilespmem:v6+s14+$0x0], $0xffff;
	v6 =	vor.u32 v40, v1  }
0x274: {  	v12 =	vld.idx.msk [tilespmem:v8+s13+$0x0], $0xffff  }
0x275: {  	v2 =	vadd.f32 v3, v2;
	v3 =	vmul.f32 v7, v13;
	v7 =	vld.idx.msk [tilespmem:v8+s14+$0x0], $0xffff;
	v8 =	vor.u32 v31, v1  }
0x276: {  	v13 =	vld.idx.msk [tilespmem:v9+s13+$0x0], $0xffff  }
0x277: {  	v2 =	vadd.f32 v3, v2;
	v3 =	vmul.f32 v4, v10;
	v4 =	vld.idx.msk [tilespmem:v9+s14+$0x0], $0xffff;
	v9 =	vor.u32 v48, v1  }
0x278: {  	v10 =	vld.idx.msk [tilespmem:v6+s13+$0x0], $0xffff  }
0x279: {  	v2 =	vadd.f32 v3, v2;
	v3 =	vmul.f32 v5, v11;
	v5 =	vld.idx.msk [tilespmem:v6+s14+$0x0], $0xffff;
	v6 =	vor.u32 v29, v1  }
0x27a: {  	v11 =	vld.idx.msk [tilespmem:v8+s13+$0x0], $0xffff  }
0x27b: {  	v2 =	vadd.f32 v3, v2;
	v3 =	vmul.f32 v7, v12;
	v7 =	vld.idx.msk [tilespmem:v8+s14+$0x0], $0xffff;
	v8 =	vor.u32 v32, v1  }
0x27c: {  	v12 =	vld.idx.msk [tilespmem:v9+s13+$0x0], $0xffff  }
0x27d: {  	v2 =	vadd.f32 v3, v2;
	v3 =	vmul.f32 v4, v13;
	v4 =	vld.idx.msk [tilespmem:v9+s14+$0x0], $0xffff;
	v9 =	vor.u32 v47, v1  }
0x27e: {  	v13 =	vld.idx.msk [tilespmem:v6+s13+$0x0], $0xffff  }
0x27f: {  	v2 =	vadd.f32 v3, v2;
	v3 =	vmul.f32 v5, v10;
	v5 =	vld.idx.msk [tilespmem:v6+s14+$0x0], $0xffff;
	v6 =	vor.u32 v43, v1  }
0x280: {  	v10 =	vld.idx.msk [tilespmem:v8+s13+$0x0], $0xffff  }
0x281: {  	v2 =	vadd.f32 v3, v2;
	v3 =	vmul.f32 v7, v11;
	v7 =	vld.idx.msk [tilespmem:v8+s14+$0x0], $0xffff;
	v8 =	vor.u32 v36, v1  }
0x282: {  	v11 =	vld.idx.msk [tilespmem:v9+s13+$0x0], $0xffff  }
0x283: {  	v2 =	vadd.f32 v3, v2;
	v3 =	vmul.f32 v4, v12;
	v4 =	vld.idx.msk [tilespmem:v9+s14+$0x0], $0xffff;
	v9 =	vor.u32 v18, v1  }
0x284: {  	v12 =	vld.idx.msk [tilespmem:v6+s13+$0x0], $0xffff  }
0x285: {  	v2 =	vadd.f32 v3, v2;
	v3 =	vmul.f32 v5, v13;
	v5 =	vld.idx.msk [tilespmem:v6+s14+$0x0], $0xffff;
	v6 =	vor.u32 v52, v1  }
0x286: {  	v13 =	vld.idx.msk [tilespmem:v8+s13+$0x0], $0xffff  }
0x287: {  	v2 =	vadd.f32 v3, v2;
	v3 =	vmul.f32 v7, v10;
	v7 =	vld.idx.msk [tilespmem:v8+s14+$0x0], $0xffff;
	v8 =	vor.u32 v59, v1  }
0x288: {  	v10 =	vld.idx.msk [tilespmem:v9+s13+$0x0], $0xffff  }
0x289: {  	v2 =	vadd.f32 v3, v2;
	v3 =	vmul.f32 v4, v11;
	v4 =	vld.idx.msk [tilespmem:v9+s14+$0x0], $0xffff;
	v9 =	vor.u32 v51, v1  }
0x28a: {  	v11 =	vld.idx.msk [tilespmem:v6+s13+$0x0], $0xffff  }
0x28b: {  	v2 =	vadd.f32 v3, v2;
	v3 =	vmul.f32 v5, v12;
	v5 =	vld.idx.msk [tilespmem:v6+s14+$0x0], $0xffff;
	v6 =	vor.u32 v44, v1  }
0x28c: {  	v12 =	vld.idx.msk [tilespmem:v8+s13+$0x0], $0xffff  }
0x28d: {  	v2 =	vadd.f32 v3, v2;
	v3 =	vmul.f32 v7, v13;
	v7 =	vld.idx.msk [tilespmem:v8+s14+$0x0], $0xffff  }
0x28e: {  	v8 =	vor.u32 v45, v1;
	v13 =	vld.idx.msk [tilespmem:v9+s13+$0x0], $0xffff  }
0x28f: {  	v2 =	vadd.f32 v3, v2;
	v3 =	vmul.f32 v4, v10;
	v4 =	vld.idx.msk [tilespmem:v9+s14+$0x0], $0xffff  }
0x290: {  	v10 =	vld.idx.msk [tilespmem:v6+s13+$0x0], $0xffff  }
0x291: {  	v2 =	vadd.f32 v3, v2;
	v3 =	vmul.f32 v5, v11;
	v5 =	vld.idx.msk [tilespmem:v6+s14+$0x0], $0xffff  }
0x292: {  	v6 =	vld [tilespmem:$0x1FF90]  }
0x293: {  	v9 =	vor.u32 v42, v1;
	v11 =	vld.idx.msk [tilespmem:v8+s13+$0x0], $0xffff  }
0x294: {  	v2 =	vadd.f32 v3, v2;
	v3 =	vmul.f32 v7, v12;
	v7 =	vld.idx.msk [tilespmem:v8+s14+$0x0], $0xffff;
	v8 =	vor.u32 v34, v1;
	_ =	sdelay $0x1  }
0x295: {  	v2 =	vadd.f32 v3, v2;
	v3 =	vmul.f32 v4, v13;
	_ =	sdelay $0x1  }
0x296: {  	v12 =	vld.idx.msk [tilespmem:v9+s13+$0x0], $0xffff;
	v6 =	vor.u32 v6, v1;
	v2 =	vadd.f32 v3, v2;
	v3 =	vmul.f32 v5, v10  }
0x297: {  	v10 =	vld.idx.msk [tilespmem:v8+s13+$0x0], $0xffff  }
0x298: {  	v2 =	vadd.f32 v3, v2;
	v3 =	vmul.f32 v7, v11;
	v7 =	vld.idx.msk [tilespmem:v8+s14+$0x0], $0xffff  }
0x299: {  	v8 =	vld [tilespmem:$0x1FF00]  }
0x29a: {  	v4 =	vld.idx.msk [tilespmem:v9+s14+$0x0], $0xffff;
	v9 =	vor.u32 v0, v1  }
0x29b: {  	v13 =	vld.idx.msk [tilespmem:v6+s13+$0x0], $0xffff  }
0x29c: {  	v5 =	vld.idx.msk [tilespmem:v6+s14+$0x0], $0xffff;
	v6 =	vor.u32 v62, v1;
	_ =	sdelay $0x1  }
0x29d: {  	v8 =	vor.u32 v8, v1  }
0x29e: {  	v11 =	vld.idx.msk [tilespmem:v9+s13+$0x0], $0xffff  }
0x29f: {  	v2 =	vadd.f32 v3, v2;
	v3 =	vmul.f32 v4, v12;
	v4 =	vld.idx.msk [tilespmem:v9+s14+$0x0], $0xffff  }
0x2a0: {  	v12 =	vld.idx.msk [tilespmem:v6+s13+$0x0], $0xffff  }
0x2a1: {  	v2 =	vadd.f32 v3, v2;
	v3 =	vmul.f32 v5, v13;
	v5 =	vld.idx.msk [tilespmem:v6+s14+$0x0], $0xffff  }
0x2a2: {  	v9 =	vor.u32 v30, v1;
	v13 =	vld.idx.msk [tilespmem:v8+s13+$0x0], $0xffff  }
0x2a3: {  	v2 =	vadd.f32 v3, v2;
	v3 =	vmul.f32 v7, v10;
	v7 =	vld.idx.msk [tilespmem:v8+s14+$0x0], $0xffff;
	v8 =	vor.u32 v49, v1;
	_ =	sdelay $0x1  }
0x2a4: {  	v2 =	vadd.f32 v3, v2;
	v3 =	vmul.f32 v4, v11;
	_ =	sdelay $0x1  }
0x2a5: {  	v6 =	vor.u32 v41, v1;
	v10 =	vld.idx.msk [tilespmem:v9+s13+$0x0], $0xffff;
	v2 =	vadd.f32 v3, v2;
	v3 =	vmul.f32 v5, v12  }
0x2a6: {  	v12 =	vld.idx.msk [tilespmem:v8+s13+$0x0], $0xffff  }
0x2a7: {  	v2 =	vadd.f32 v3, v2;
	v3 =	vmul.f32 v7, v13;
	v7 =	vld.idx.msk [tilespmem:v8+s14+$0x0], $0xffff  }
0x2a8: {  	v8 =	vld [tilespmem:$0x1FEC0]  }
0x2a9: {  	v4 =	vld.idx.msk [tilespmem:v9+s14+$0x0], $0xffff;
	v9 =	vor.u32 v60, v1  }
0x2aa: {  	v11 =	vld.idx.msk [tilespmem:v6+s13+$0x0], $0xffff  }
0x2ab: {  	v5 =	vld.idx.msk [tilespmem:v6+s14+$0x0], $0xffff;
	v6 =	vor.u32 v22, v1;
	_ =	sdelay $0x1  }
0x2ac: {  	v8 =	vor.u32 v8, v1  }
0x2ad: {  	v13 =	vld.idx.msk [tilespmem:v9+s13+$0x0], $0xffff  }
0x2ae: {  	v2 =	vadd.f32 v3, v2;
	v3 =	vmul.f32 v4, v10;
	v4 =	vld.idx.msk [tilespmem:v9+s14+$0x0], $0xffff  }
0x2af: {  	v9 =	vor.u32 v16, v1;
	v10 =	vld.idx.msk [tilespmem:v6+s13+$0x0], $0xffff  }
0x2b0: {  	v2 =	vadd.f32 v3, v2;
	v3 =	vmul.f32 v5, v11;
	v5 =	vld.idx.msk [tilespmem:v6+s14+$0x0], $0xffff  }
0x2b1: {  	v11 =	vld.idx.msk [tilespmem:v8+s13+$0x0], $0xffff  }
0x2b2: {  	v2 =	vadd.f32 v3, v2;
	v3 =	vmul.f32 v7, v12;
	v7 =	vld.idx.msk [tilespmem:v8+s14+$0x0], $0xffff;
	v8 =	vor.u32 v61, v1;
	_ =	sdelay $0x1  }
0x2b3: {  	v12 =	vld.idx.msk [tilespmem:v9+s13+$0x0], $0xffff;
	v2 =	vadd.f32 v3, v2;
	v3 =	vmul.f32 v4, v13  }
0x2b4: {  	v4 =	vld.idx.msk [tilespmem:v9+s14+$0x0], $0xffff  }
0x2b5: {  	v6 =	vor.u32 v27, v1;
	v9 =	vld [tilespmem:$0x1FED0];
	v2 =	vadd.f32 v3, v2;
	v3 =	vmul.f32 v5, v10  }
0x2b6: {  	v10 =	vld.idx.msk [tilespmem:v8+s13+$0x0], $0xffff  }
0x2b7: {  	v2 =	vadd.f32 v3, v2;
	v3 =	vmul.f32 v7, v11;
	v7 =	vld.idx.msk [tilespmem:v8+s14+$0x0], $0xffff  }
0x2b8: {  	v8 =	vld [tilespmem:$0x1FF70];
	_ =	sdelay $0x1  }
0x2b9: {  	v13 =	vld.idx.msk [tilespmem:v6+s13+$0x0], $0xffff  }
0x2ba: {  	v5 =	vld.idx.msk [tilespmem:v6+s14+$0x0], $0xffff  }
0x2bb: {  	v6 =	vld [tilespmem:$0x1FEE0];
	v9 =	vor.u32 v9, v1  }
0x2bc: {  	v8 =	vor.u32 v8, v1;
	_ =	sdelay $0x1  }
0x2bd: {  	v2 =	vadd.f32 v3, v2;
	v3 =	vmul.f32 v4, v12;
	_ =	sdelay $0x1  }
0x2be: {  	v6 =	vor.u32 v6, v1;
	v11 =	vld.idx.msk [tilespmem:v9+s13+$0x0], $0xffff;
	v2 =	vadd.f32 v3, v2;
	v3 =	vmul.f32 v5, v13  }
0x2bf: {  	v13 =	vld.idx.msk [tilespmem:v8+s13+$0x0], $0xffff  }
0x2c0: {  	v2 =	vadd.f32 v3, v2;
	v3 =	vmul.f32 v7, v10;
	v7 =	vld.idx.msk [tilespmem:v8+s14+$0x0], $0xffff  }
0x2c1: {  	v8 =	vld [tilespmem:$0x1FF80]  }
0x2c2: {  	v4 =	vld.idx.msk [tilespmem:v9+s14+$0x0], $0xffff;
	v9 =	vor.u32 v37, v1  }
0x2c3: {  	v12 =	vld.idx.msk [tilespmem:v6+s13+$0x0], $0xffff  }
0x2c4: {  	v5 =	vld.idx.msk [tilespmem:v6+s14+$0x0], $0xffff;
	v6 =	vor.u32 v17, v1;
	_ =	sdelay $0x1  }
0x2c5: {  	v8 =	vor.u32 v8, v1  }
0x2c6: {  	v10 =	vld.idx.msk [tilespmem:v9+s13+$0x0], $0xffff  }
0x2c7: {  	v2 =	vadd.f32 v3, v2;
	v3 =	vmul.f32 v4, v11;
	v4 =	vld.idx.msk [tilespmem:v9+s14+$0x0], $0xffff  }
0x2c8: {  	v11 =	vld.idx.msk [tilespmem:v6+s13+$0x0], $0xffff  }
0x2c9: {  	v2 =	vadd.f32 v3, v2;
	v3 =	vmul.f32 v5, v12;
	v5 =	vld.idx.msk [tilespmem:v6+s14+$0x0], $0xffff  }
0x2ca: {  	v9 =	vor.u32 v19, v1;
	v12 =	vld.idx.msk [tilespmem:v8+s13+$0x0], $0xffff  }
0x2cb: {  	v2 =	vadd.f32 v3, v2;
	v3 =	vmul.f32 v7, v13;
	v7 =	vld.idx.msk [tilespmem:v8+s14+$0x0], $0xffff;
	v8 =	vor.u32 v38, v1;
	_ =	sdelay $0x1  }
0x2cc: {  	v2 =	vadd.f32 v3, v2;
	v3 =	vmul.f32 v4, v10;
	_ =	sdelay $0x1  }
0x2cd: {  	v6 =	vor.u32 v20, v1;
	v13 =	vld.idx.msk [tilespmem:v9+s13+$0x0], $0xffff;
	v2 =	vadd.f32 v3, v2;
	v3 =	vmul.f32 v5, v11  }
0x2ce: {  	v11 =	vld.idx.msk [tilespmem:v8+s13+$0x0], $0xffff  }
0x2cf: {  	v2 =	vadd.f32 v3, v2;
	v3 =	vmul.f32 v7, v12;
	v7 =	vld.idx.msk [tilespmem:v8+s14+$0x0], $0xffff  }
0x2d0: {  	v8 =	vld [tilespmem:$0x1FF60]  }
0x2d1: {  	v4 =	vld.idx.msk [tilespmem:v9+s14+$0x0], $0xffff;
	v9 =	vor.u32 v50, v1  }
0x2d2: {  	v10 =	vld.idx.msk [tilespmem:v6+s13+$0x0], $0xffff  }
0x2d3: {  	v5 =	vld.idx.msk [tilespmem:v6+s14+$0x0], $0xffff;
	v6 =	vor.u32 v14, v1;
	_ =	sdelay $0x1  }
0x2d4: {  	v8 =	vor.u32 v8, v1  }
0x2d5: {  	v12 =	vld.idx.msk [tilespmem:v9+s13+$0x0], $0xffff;
	v2 =	vadd.f32 v3, v2;
	v3 =	vmul.f32 v4, v13  }
0x2d6: {  	v4 =	vld.idx.msk [tilespmem:v9+s14+$0x0], $0xffff;
	v9 =	vor.u32 v24, v1  }
0x2d7: {  	v13 =	vld.idx.msk [tilespmem:v6+s13+$0x0], $0xffff;
	v2 =	vadd.f32 v3, v2;
	v3 =	vmul.f32 v5, v10  }
0x2d8: {  	v5 =	vld.idx.msk [tilespmem:v6+s14+$0x0], $0xffff;
	v6 =	vor.u32 v25, v1  }
0x2d9: {  	v2 =	vadd.f32 v3, v2;
	v3 =	vmul.f32 v7, v11;
	v10 =	vld.idx.msk [tilespmem:v8+s13+$0x0], $0xffff  }
0x2da: {  	v7 =	vld.idx.msk [tilespmem:v8+s14+$0x0], $0xffff;
	v8 =	vor.u32 v28, v1  }
0x2db: {  	v11 =	vld.idx.msk [tilespmem:v9+s13+$0x0], $0xffff;
	v2 =	vadd.f32 v3, v2;
	v3 =	vmul.f32 v4, v12  }
0x2dc: {  	v4 =	vld.idx.msk [tilespmem:v9+s14+$0x0], $0xffff;
	v9 =	vor.u32 v53, v1  }
0x2dd: {  	v12 =	vld.idx.msk [tilespmem:v6+s13+$0x0], $0xffff;
	v2 =	vadd.f32 v3, v2;
	v3 =	vmul.f32 v5, v13  }
0x2de: {  	v5 =	vld.idx.msk [tilespmem:v6+s14+$0x0], $0xffff;
	v1 =	vor.u32 v23, v1  }
0x2df: {  	v2 =	vadd.f32 v3, v2;
	v6 =	vld.idx.msk [tilespmem:v8+s13+$0x0], $0xffff;
	v3 =	vmul.f32 v7, v10  }
0x2e0: {  	v7 =	vld.idx.msk [tilespmem:v8+s14+$0x0], $0xffff  }
0x2e1: {  	v4 =	vmul.f32 v4, v11;
	v8 =	vld.idx.msk [tilespmem:v9+s13+$0x0], $0xffff;
	v3 =	vadd.f32 v3, v2  }
0x2e2: {  	p0 =	sne.s32 s18, $0xF0;
	v9 =	vld.idx.msk [tilespmem:v9+s14+$0x0], $0xffff  }
.Ltmp1:
0x2e3: {  	v5 =	vmul.f32 v5, v12;
	v2 =	vld.idx.msk [tilespmem:v1+s13+$0x0], $0xffff;
	v4 =	vadd.f32 v4, v3;
	(pc) =	sbr.rel @p0 .LBB2_4-.Ltmp1, $4  }
0x2e4: {  	v3 =	vld.idx.msk [tilespmem:v1+s14+$0x0], $0xffff  }
0x2e5: {  	v4 =	vadd.f32 v5, v4;
	v5 =	vmul.f32 v7, v6;
	v7 =	vld [tilespmem:$0x1FF30]  }
0x2e6: {  	v13 =	vlaneseq.u32;
	v1 =	vmov s18;
	v6 =	vld [tilespmem:$0x1FBD0]  }
0x2e7: {  	s18 =	sadd.s32 $0x10, s18;
	v1 =	vshll.u32 v1, $0x7;
	v4 =	vadd.f32 v5, v4;
	v5 =	vmul.f32 v9, v8;
	v8 =	vld [tilespmem:$0x1FEF0]  }
0x2e8: {  	_ =	sdelay $0x2  }
0x2e9: {  	v1 =	vor.u32 v6, v1  }
0x2ea: {  	v4 =	vadd.f32 v5, v4;
	v2 =	vmul.f32 v3, v2;
	v6 =	vor.u32 v13, v1;
	_ =	sdelay $0x1  }
0x2eb: {  	v2 =	vadd.f32 v2, v4  }
0x2ec: {  	s17 =	sadd.s32 $0x10, s17;
	v3 =	vor.u32 v8, v1  }
0x2ed: {  	[tilespmem:s17+$0x0] =	vst v2  }
0x2ee: {  	v4 =	vor.u32 v56, v1;
	v2 =	vld.idx.msk [tilespmem:v6+s14+$0x0], $0xffff  }
0x2ef: {  	v5 =	vld.idx.msk [tilespmem:v6+s13+$0x0], $0xffff;
	v6 =	vor.u32 v7, v1;
	_ =	sdelay $0x1  }
0x2f0: {  	v56 =	vmov v26;
	v26 =	vmov v7;
	v7 =	vld.idx.msk [tilespmem:v3+s13+$0x0], $0xffff  }
0x2f1: {  	v3 =	vld.idx.msk [tilespmem:v3+s14+$0x0], $0xffff  }
0x2f2: {  	v8 =	vor.u32 v56, v1;
	v9 =	vld.idx.msk [tilespmem:v4+s13+$0x0], $0xffff  }
0x2f3: {  	v11 =	vld.idx.msk [tilespmem:v6+s13+$0x0], $0xffff  }
0x2f4: {  	v2 =	vmul.f32 v2, v5;
	v5 =	vld.idx.msk [tilespmem:v6+s14+$0x0], $0xffff  }
0x2f5: {  	v12 =	vmov v58;
	v10 =	vor.u32 v46, v1;
	v4 =	vld.idx.msk [tilespmem:v4+s14+$0x0], $0xffff  }
0x2f6: {  	v56 =	vor.u32 v12, v1  }
0x2f7: {  	v12 =	vld.idx.msk [tilespmem:v8+s13+$0x0], $0xffff  }
0x2f8: {  	v3 =	vmul.f32 v3, v7;
	v7 =	vld.idx.msk [tilespmem:v8+s14+$0x0], $0xffff  }
0x2f9: {  	v2 =	vadd.f32 $0.0e+00, v2;
	v5 =	vmul.f32 v5, v11;
	v11 =	vld [tilespmem:$0x1FFD0]  }
0x2fa: {  	v8 =	vor.u32 v55, v1;
	v4 =	vmul.f32 v4, v9;
	v9 =	vld.idx.msk [tilespmem:v10+s14+$0x0], $0xffff  }
0x2fb: {  	v6 =	vld.idx.msk [tilespmem:v56+s14+$0x0], $0xffff;
	v2 =	vadd.f32 v3, v2  }
0x2fc: {  	v3 =	vld.idx.msk [tilespmem:v10+s13+$0x0], $0xffff;
	v10 =	vor.u32 v54, v1  }
0x2fd: {  	v58 =	vmov v46;
	v46 =	vmov v55;
	v55 =	vld [tilespmem:$0x1FFC0];
	v2 =	vadd.f32 v4, v2  }
0x2fe: {  	v4 =	vld.idx.msk [tilespmem:v56+s13+$0x0], $0xffff;
	v56 =	vmov v11;
	v11 =	vor.u32 v11, v1  }
0x2ff: {  	v7 =	vmul.f32 v7, v12;
	v2 =	vadd.f32 v5, v2;
	v5 =	vld.idx.msk [tilespmem:v8+s13+$0x0], $0xffff  }
0x300: {  	v12 =	vor.u32 v21, v1;
	v8 =	vld.idx.msk [tilespmem:v8+s14+$0x0], $0xffff  }
0x301: {  	v3 =	vmul.f32 v9, v3;
	v54 =	vld.idx.msk [tilespmem:v10+s14+$0x0], $0xffff;
	v2 =	vadd.f32 v7, v2  }
0x302: {  	v7 =	vld.idx.msk [tilespmem:v10+s13+$0x0], $0xffff;
	v10 =	vor.u32 v55, v1  }
0x303: {  	v4 =	vmul.f32 v6, v4;
	v2 =	vadd.f32 v3, v2;
	v3 =	vld.idx.msk [tilespmem:v11+s13+$0x0], $0xffff  }
0x304: {  	v6 =	vld.idx.msk [tilespmem:v11+s14+$0x0], $0xffff;
	v11 =	vor.u32 v15, v1  }
0x305: {  	v5 =	vmul.f32 v8, v5;
	v8 =	vld.idx.msk [tilespmem:v12+s14+$0x0], $0xffff;
	v2 =	vadd.f32 v4, v2  }
0x306: {  	v4 =	vld.idx.msk [tilespmem:v12+s13+$0x0], $0xffff;
	v12 =	vor.u32 v39, v1  }
0x307: {  	v39 =	vld.idx.msk [tilespmem:v10+s13+$0x0], $0xffff;
	v7 =	vmul.f32 v54, v7;
	v2 =	vadd.f32 v5, v2  }
0x308: {  	v21 =	vmov v55;
	v55 =	vor.u32 v57, v1;
	v54 =	vld.idx.msk [tilespmem:v10+s14+$0x0], $0xffff  }
0x309: {  	v2 =	vadd.f32 v7, v2;
	v7 =	vld.idx.msk [tilespmem:v11+s13+$0x0], $0xffff;
	v3 =	vmul.f32 v6, v3  }
0x30a: {  	v57 =	vor.u32 v35, v1;
	v6 =	vld.idx.msk [tilespmem:v11+s14+$0x0], $0xffff  }
0x30b: {  	v4 =	vmul.f32 v8, v4;
	v35 =	vld.idx.msk [tilespmem:v12+s14+$0x0], $0xffff;
	v2 =	vadd.f32 v3, v2  }
0x30c: {  	v3 =	vld.idx.msk [tilespmem:v12+s13+$0x0], $0xffff;
	v12 =	vor.u32 v63, v1  }
0x30d: {  	v9 =	vld.idx.msk [tilespmem:v55+s14+$0x0], $0xffff;
	v5 =	vmul.f32 v54, v39;
	v2 =	vadd.f32 v4, v2  }
0x30e: {  	v39 =	vor.u32 v33, v1;
	v4 =	vld.idx.msk [tilespmem:v55+s13+$0x0], $0xffff  }
0x30f: {  	v6 =	vmul.f32 v6, v7;
	v7 =	vld.idx.msk [tilespmem:v57+s14+$0x0], $0xffff;
	v2 =	vadd.f32 v5, v2  }
0x310: {  	v55 =	vor.u32 v40, v1;
	v5 =	vld.idx.msk [tilespmem:v57+s13+$0x0], $0xffff  }
0x311: {  	v57 =	vld.idx.msk [tilespmem:v12+s13+$0x0], $0xffff;
	v3 =	vmul.f32 v35, v3;
	v2 =	vadd.f32 v6, v2  }
0x312: {  	v63 =	vld.idx.msk [tilespmem:v12+s14+$0x0], $0xffff;
	v12 =	vor.u32 v31, v1  }
0x313: {  	v2 =	vadd.f32 v3, v2;
	v3 =	vld.idx.msk [tilespmem:v39+s13+$0x0], $0xffff  }
0x314: {  	v4 =	vmul.f32 v9, v4;
	v39 =	vld.idx.msk [tilespmem:v39+s14+$0x0], $0xffff  }
0x315: {  	v40 =	vor.u32 v48, v1;
	v5 =	vmul.f32 v7, v5;
	v7 =	vld.idx.msk [tilespmem:v55+s14+$0x0], $0xffff  }
0x316: {  	v2 =	vadd.f32 v4, v2;
	v4 =	vld.idx.msk [tilespmem:v55+s13+$0x0], $0xffff  }
0x317: {  	v48 =	vor.u32 v29, v1;
	v55 =	vld.idx.msk [tilespmem:v12+s13+$0x0], $0xffff  }
0x318: {  	v6 =	vmul.f32 v63, v57;
	v57 =	vld.idx.msk [tilespmem:v12+s14+$0x0], $0xffff;
	v12 =	vor.u32 v32, v1  }
0x319: {  	v2 =	vadd.f32 v5, v2  }
0x31a: {  	v63 =	vld.idx.msk [tilespmem:v40+s14+$0x0], $0xffff  }
0x31b: {  	v32 =	vor.u32 v47, v1;
	v3 =	vmul.f32 v39, v3;
	v2 =	vadd.f32 v6, v2;
	v6 =	vld.idx.msk [tilespmem:v40+s13+$0x0], $0xffff  }
0x31c: {  	v39 =	vmov v47;
	v47 =	vor.u32 v43, v1;
	v40 =	vld.idx.msk [tilespmem:v48+s14+$0x0], $0xffff  }
0x31d: {  	v4 =	vmul.f32 v7, v4;
	v5 =	vmul.f32 v57, v55;
	v55 =	vld.idx.msk [tilespmem:v12+s14+$0x0], $0xffff;
	v2 =	vadd.f32 v3, v2  }
0x31e: {  	v3 =	vld.idx.msk [tilespmem:v48+s13+$0x0], $0xffff  }
0x31f: {  	v48 =	vld.idx.msk [tilespmem:v12+s13+$0x0], $0xffff;
	v12 =	vor.u32 v36, v1;
	v2 =	vadd.f32 v4, v2  }
0x320: {  	v57 =	vld.idx.msk [tilespmem:v32+s13+$0x0], $0xffff  }
0x321: {  	v36 =	vld.idx.msk [tilespmem:v47+s13+$0x0], $0xffff;
	v6 =	vmul.f32 v63, v6;
	v2 =	vadd.f32 v5, v2  }
0x322: {  	v63 =	vld.idx.msk [tilespmem:v32+s14+$0x0], $0xffff  }
0x323: {  	v32 =	vor.u32 v18, v1;
	v3 =	vmul.f32 v40, v3;
	v40 =	vld.idx.msk [tilespmem:v47+s14+$0x0], $0xffff;
	v2 =	vadd.f32 v6, v2  }
0x324: {  	v47 =	vld.idx.msk [tilespmem:v12+s14+$0x0], $0xffff  }
0x325: {  	v2 =	vadd.f32 v3, v2;
	v3 =	vld.idx.msk [tilespmem:v12+s13+$0x0], $0xffff;
	v12 =	vor.u32 v59, v1;
	_ =	sdelay $0x1  }
0x326: {  	v42 =	vor.u32 v42, v1  }
0x327: {  	v43 =	vor.u32 v52, v1;
	v4 =	vmul.f32 v55, v48;
	v48 =	vld.idx.msk [tilespmem:v32+s13+$0x0], $0xffff  }
0x328: {  	v35 =	vmov v29;
	v29 =	vmov v52;
	v52 =	vld.idx.msk [tilespmem:v32+s14+$0x0], $0xffff  }
0x329: {  	v54 =	vmov v33;
	v32 =	vld.idx.msk [tilespmem:v12+s13+$0x0], $0xffff  }
0x32a: {  	v33 =	vmovc v31;
	v31 =	vmov v51;
	v6 =	vmul.f32 v40, v36;
	v36 =	vld.idx.msk [tilespmem:v12+s14+$0x0], $0xffff;
	v12 =	vor.u32 v45, v1  }
0x32b: {  	v55 =	vor.u32 v51, v1;
	v51 =	vld.idx.msk [tilespmem:v42+s13+$0x0], $0xffff;
	v5 =	vmul.f32 v63, v57;
	v2 =	vadd.f32 v4, v2  }
0x32c: {  	v57 =	vld.idx.msk [tilespmem:v43+s13+$0x0], $0xffff  }
0x32d: {  	v59 =	vld.idx.msk [tilespmem:v43+s14+$0x0], $0xffff;
	v2 =	vadd.f32 v5, v2  }
0x32e: {  	v63 =	vor.u32 v44, v1;
	v45 =	vld [tilespmem:$0x1FF90]  }
0x32f: {  	v3 =	vmul.f32 v47, v3;
	v2 =	vadd.f32 v6, v2;
	v47 =	vld.idx.msk [tilespmem:v12+s13+$0x0], $0xffff  }
0x330: {  	v4 =	vmul.f32 v52, v48;
	v48 =	vld.idx.msk [tilespmem:v12+s14+$0x0], $0xffff;
	v12 =	vor.u32 v34, v1  }
0x331: {  	v40 =	vld.idx.msk [tilespmem:v55+s14+$0x0], $0xffff;
	v2 =	vadd.f32 v3, v2  }
0x332: {  	v3 =	vld.idx.msk [tilespmem:v55+s13+$0x0], $0xffff  }
0x333: {  	v43 =	vld.idx.msk [tilespmem:v63+s13+$0x0], $0xffff;
	v5 =	vmul.f32 v59, v57;
	v2 =	vadd.f32 v4, v2  }
0x334: {  	v44 =	vld.idx.msk [tilespmem:v63+s14+$0x0], $0xffff;
	v11 =	vor.u32 v45, v1  }
0x335: {  	v6 =	vmul.f32 v36, v32;
	v2 =	vadd.f32 v5, v2;
	v63 =	vld.idx.msk [tilespmem:v12+s13+$0x0], $0xffff  }
0x336: {  	v32 =	vld.idx.msk [tilespmem:v12+s14+$0x0], $0xffff  }
0x337: {  	v62 =	vor.u32 v62, v1;
	v3 =	vmul.f32 v40, v3;
	v2 =	vadd.f32 v6, v2;
	v12 =	vld [tilespmem:$0x1FF00]  }
0x338: {  	v57 =	vor.u32 v0, v1;
	v55 =	vld.idx.msk [tilespmem:v42+s14+$0x0], $0xffff  }
0x339: {  	v4 =	vmul.f32 v44, v43;
	v59 =	vld.idx.msk [tilespmem:v11+s14+$0x0], $0xffff;
	v2 =	vadd.f32 v3, v2  }
0x33a: {  	v3 =	vld.idx.msk [tilespmem:v11+s13+$0x0], $0xffff  }
0x33b: {  	v0 =	vld [tilespmem:$0x1FEC0];
	v44 =	vor.u32 v41, v1;
	v5 =	vmul.f32 v48, v47;
	v2 =	vadd.f32 v4, v2  }
0x33c: {  	v42 =	vld.idx.msk [tilespmem:v62+s13+$0x0], $0xffff;
	v12 =	vor.u32 v12, v1  }
0x33d: {  	v34 =	vld.idx.msk [tilespmem:v57+s13+$0x0], $0xffff;
	v6 =	vmul.f32 v55, v51;
	v2 =	vadd.f32 v5, v2  }
0x33e: {  	v36 =	vld.idx.msk [tilespmem:v57+s14+$0x0], $0xffff  }
0x33f: {  	v43 =	vld.idx.msk [tilespmem:v62+s14+$0x0], $0xffff;
	v40 =	vor.u32 v30, v1;
	v3 =	vmul.f32 v59, v3;
	v2 =	vadd.f32 v6, v2  }
0x340: {  	v55 =	vld.idx.msk [tilespmem:v44+s13+$0x0], $0xffff  }
0x341: {  	v51 =	vor.u32 v60, v1;
	v2 =	vadd.f32 v3, v2;
	v3 =	vld.idx.msk [tilespmem:v12+s13+$0x0], $0xffff  }
0x342: {  	v52 =	vmov v45;
	v45 =	vld.idx.msk [tilespmem:v12+s14+$0x0], $0xffff;
	v12 =	vor.u32 v49, v1  }
0x343: {  	v57 =	vld.idx.msk [tilespmem:v44+s14+$0x0], $0xffff  }
0x344: {  	v47 =	vld.idx.msk [tilespmem:v40+s13+$0x0], $0xffff;
	v4 =	vmul.f32 v32, v63  }
0x345: {  	v48 =	vld.idx.msk [tilespmem:v40+s14+$0x0], $0xffff;
	v59 =	vor.u32 v22, v1  }
0x346: {  	v5 =	vmul.f32 v36, v34;
	v32 =	vld.idx.msk [tilespmem:v51+s14+$0x0], $0xffff;
	v2 =	vadd.f32 v4, v2  }
0x347: {  	v34 =	vor.u32 v16, v1;
	v62 =	vld.idx.msk [tilespmem:v12+s13+$0x0], $0xffff  }
0x348: {  	v6 =	vmul.f32 v43, v42;
	v2 =	vadd.f32 v5, v2;
	v63 =	vld.idx.msk [tilespmem:v12+s14+$0x0], $0xffff  }
0x349: {  	v12 =	vor.u32 v0, v1;
	v0 =	vld [tilespmem:$0x1FED0]  }
0x34a: {  	v36 =	vld.idx.msk [tilespmem:v59+s13+$0x0], $0xffff;
	v2 =	vadd.f32 v6, v2;
	v3 =	vmul.f32 v45, v3  }
0x34b: {  	v40 =	vld.idx.msk [tilespmem:v59+s14+$0x0], $0xffff  }
0x34c: {  	v4 =	vmul.f32 v48, v47;
	v47 =	vld.idx.msk [tilespmem:v34+s14+$0x0], $0xffff;
	v2 =	vadd.f32 v3, v2  }
0x34d: {  	v42 =	vor.u32 v27, v1;
	v3 =	vld.idx.msk [tilespmem:v51+s13+$0x0], $0xffff  }
0x34e: {  	v5 =	vmul.f32 v57, v55;
	v2 =	vadd.f32 v4, v2;
	v48 =	vor.u32 v0, v1;
	v0 =	vld [tilespmem:$0x1FEE0]  }
0x34f: {  	v43 =	vld.idx.msk [tilespmem:v12+s13+$0x0], $0xffff  }
0x350: {  	v6 =	vmul.f32 v63, v62;
	v44 =	vld.idx.msk [tilespmem:v12+s14+$0x0], $0xffff;
	v12 =	vor.u32 v61, v1;
	v2 =	vadd.f32 v5, v2  }
0x351: {  	v45 =	vld.idx.msk [tilespmem:v34+s13+$0x0], $0xffff  }
0x352: {  	v51 =	vld.idx.msk [tilespmem:v42+s14+$0x0], $0xffff;
	v3 =	vmul.f32 v32, v3;
	v2 =	vadd.f32 v6, v2  }
0x353: {  	v55 =	vor.u32 v0, v1;
	v0 =	vld [tilespmem:$0x1FF70]  }
0x354: {  	v2 =	vadd.f32 v3, v2;
	v3 =	vld.idx.msk [tilespmem:v42+s13+$0x0], $0xffff  }
0x355: {  	v4 =	vmul.f32 v40, v36;
	v32 =	vor.u32 v37, v1;
	v57 =	vld.idx.msk [tilespmem:v12+s13+$0x0], $0xffff  }
0x356: {  	v59 =	vld.idx.msk [tilespmem:v12+s14+$0x0], $0xffff  }
0x357: {  	v5 =	vmul.f32 v44, v43;
	v62 =	vld.idx.msk [tilespmem:v48+s13+$0x0], $0xffff;
	v2 =	vadd.f32 v4, v2  }
0x358: {  	v63 =	vld.idx.msk [tilespmem:v48+s14+$0x0], $0xffff;
	v12 =	vor.u32 v0, v1  }
0x359: {  	v6 =	vmul.f32 v47, v45;
	v2 =	vadd.f32 v5, v2;
	v0 =	vld [tilespmem:$0x1FF80]  }
0x35a: {  	v42 =	vld.idx.msk [tilespmem:v32+s13+$0x0], $0xffff  }
0x35b: {  	v37 =	vor.u32 v17, v1;
	v34 =	vld.idx.msk [tilespmem:v55+s13+$0x0], $0xffff;
	v3 =	vmul.f32 v51, v3;
	v2 =	vadd.f32 v6, v2  }
0x35c: {  	v36 =	vld.idx.msk [tilespmem:v55+s14+$0x0], $0xffff  }
0x35d: {  	v44 =	vor.u32 v19, v1;
	v4 =	vmul.f32 v59, v57;
	v2 =	vadd.f32 v3, v2;
	v3 =	vld.idx.msk [tilespmem:v12+s13+$0x0], $0xffff  }
0x35e: {  	v40 =	vld.idx.msk [tilespmem:v12+s14+$0x0], $0xffff;
	v12 =	vor.u32 v0, v1  }
0x35f: {  	v43 =	vld.idx.msk [tilespmem:v32+s14+$0x0], $0xffff;
	v5 =	vmul.f32 v63, v62;
	v2 =	vadd.f32 v4, v2  }
0x360: {  	v45 =	vld.idx.msk [tilespmem:v37+s13+$0x0], $0xffff  }
0x361: {  	v47 =	vld.idx.msk [tilespmem:v37+s14+$0x0], $0xffff;
	v6 =	vmul.f32 v36, v34;
	v2 =	vadd.f32 v5, v2  }
0x362: {  	v48 =	vor.u32 v20, v1;
	v57 =	vld.idx.msk [tilespmem:v44+s14+$0x0], $0xffff  }
0x363: {  	v2 =	vadd.f32 v6, v2;
	v51 =	vld.idx.msk [tilespmem:v12+s13+$0x0], $0xffff;
	v3 =	vmul.f32 v40, v3  }
0x364: {  	v55 =	vld.idx.msk [tilespmem:v12+s14+$0x0], $0xffff;
	v12 =	vor.u32 v38, v1  }
0x365: {  	v18 =	vmovc v27;
	v27 =	vmovc v17;
	v17 =	vmov v0;
	v4 =	vmul.f32 v43, v42;
	v0 =	vld [tilespmem:$0x1FF60];
	v2 =	vadd.f32 v3, v2  }
0x366: {  	v59 =	vor.u32 v50, v1;
	v3 =	vld.idx.msk [tilespmem:v44+s13+$0x0], $0xffff  }
0x367: {  	v62 =	vld.idx.msk [tilespmem:v48+s13+$0x0], $0xffff;
	v5 =	vmul.f32 v47, v45;
	v2 =	vadd.f32 v4, v2  }
0x368: {  	v32 =	vor.u32 v14, v1;
	v63 =	vld.idx.msk [tilespmem:v48+s14+$0x0], $0xffff  }
0x369: {  	v34 =	vld.idx.msk [tilespmem:v12+s13+$0x0], $0xffff;
	v6 =	vmul.f32 v55, v51;
	v2 =	vadd.f32 v5, v2  }
0x36a: {  	v36 =	vld.idx.msk [tilespmem:v12+s14+$0x0], $0xffff;
	v12 =	vor.u32 v0, v1  }
0x36b: {  	v37 =	vld.idx.msk [tilespmem:v59+s13+$0x0], $0xffff;
	v3 =	vmul.f32 v57, v3;
	v2 =	vadd.f32 v6, v2  }
0x36c: {  	v38 =	vld.idx.msk [tilespmem:v59+s14+$0x0], $0xffff;
	v40 =	vor.u32 v24, v1  }
0x36d: {  	v42 =	vld.idx.msk [tilespmem:v32+s14+$0x0], $0xffff;
	v4 =	vmul.f32 v63, v62;
	v2 =	vadd.f32 v3, v2  }
0x36e: {  	v43 =	vor.u32 v25, v1;
	v3 =	vld.idx.msk [tilespmem:v32+s13+$0x0], $0xffff  }
0x36f: {  	v44 =	vld.idx.msk [tilespmem:v12+s13+$0x0], $0xffff;
	v5 =	vmul.f32 v36, v34;
	v2 =	vadd.f32 v4, v2  }
0x370: {  	v45 =	vld.idx.msk [tilespmem:v12+s14+$0x0], $0xffff;
	v12 =	vor.u32 v28, v1  }
0x371: {  	v47 =	vld.idx.msk [tilespmem:v40+s13+$0x0], $0xffff;
	v6 =	vmul.f32 v38, v37;
	v2 =	vadd.f32 v5, v2  }
0x372: {  	[tilespmem:$0x1FA20] =	vst v50;
	v50 =	vor.u32 v53, v1;
	v48 =	vld.idx.msk [tilespmem:v40+s14+$0x0], $0xffff  }
0x373: {  	v53 =	vld.idx.msk [tilespmem:v43+s14+$0x0], $0xffff;
	v3 =	vmul.f32 v42, v3;
	v2 =	vadd.f32 v6, v2  }
0x374: {  	v51 =	vld.idx.msk [tilespmem:v43+s13+$0x0], $0xffff;
	v1 =	vor.u32 v23, v1  }
0x375: {  	v55 =	vld.idx.msk [tilespmem:v12+s13+$0x0], $0xffff;
	v2 =	vadd.f32 v3, v2;
	v3 =	vmul.f32 v45, v44  }
0x376: {  	v57 =	vld.idx.msk [tilespmem:v12+s14+$0x0], $0xffff  }
0x377: {  	v59 =	vld.idx.msk [tilespmem:v50+s13+$0x0], $0xffff;
	v2 =	vadd.f32 v3, v2;
	v3 =	vmul.f32 v48, v47  }
0x378: {  	v62 =	vld.idx.msk [tilespmem:v50+s14+$0x0], $0xffff  }
0x379: {  	v63 =	vld.idx.msk [tilespmem:v1+s13+$0x0], $0xffff;
	v2 =	vadd.f32 v3, v2;
	v3 =	vmul.f32 v53, v51  }
0x37a: {  	v1 =	vld.idx.msk [tilespmem:v1+s14+$0x0], $0xffff  }
0x37b: {  	v2 =	vadd.f32 v3, v2;
	v3 =	vmul.f32 v57, v55;
	_ =	sdelay $0x1  }
0x37c: {  	v2 =	vadd.f32 v3, v2;
	v3 =	vmul.f32 v62, v59;
	_ =	sdelay $0x1  }
0x37d: {  	v1 =	vmul.f32 v1, v63;
	v2 =	vadd.f32 v3, v2;
	_ =	sdelay $0x1  }
0x37e: {  	v1 =	vadd.f32 v1, v2  }
0x37f: {  	s0 =	sadd.s32 $0x10, s17  }
0x380: {  	s30 =	simm.s32 $0x380;
	[tilespmem:s0+$0x0] =	vst v1  }
0x381: {  	s2 =	simm.s32 $0x100;
	v1 =	vld [tilespmem:s30+$0x0]  }
0x382: {  	v2 =	vld [tilespmem:s2+$0x0];
	_ =	sdelay $0x3  }
0x383: {  	v1 =	vshll.u32 v1, $0x4  }
0x384: {  	v2 =	vshll.u32 v2, $0x4;
	(v2sf) =	vpush v1, $0x0  }
0x385: {  	(v2sf) =	vpush v2, $0x0  }
0x386: {  	(v2sf) =	vpush v2, $0x1  }
0x387: {  	(v2sf) =	vpush v1, $0x1;
	_ =	sdelay $0x1  }
0x388: {  	(v2sf) =	vpush v2, $0x2;
	_ =	sdelay $0x3  }
0x389: {  	(v2sf) =	vpush v1, $0x2;
	_ =	sdelay $0x1  }
0x38a: {  	s20 =	simm.s32 $0x0;
	(v2sf) =	vpush v2, $0x3  }
0x38b: {  	s18 =	simm.s32 $0x108;
	s19 =	simm.s32 $0x388;
	s31 =	simm.s32 $0x8500  }
0x38c: {  	s23 =	simm.s32 $0x780;
	s5 =	simm.s32 $0x500;
	s6 =	simm.s32 $0x8600;
	(v2sf) =	vpush v1, $0x3  }
0x38d: {  	s7 =	simm.s32 $0x700;
	s8 =	simm.s32 $0x680;
	s15 =	simm.s32 $0x8680  }
0x38e: {  	s21 =	simm.s32 $0x8800;
	s24 =	simm.s32 $0x8700;
	s22 =	spop (v2sf);
	(v2sf) =	vpush v2, $0x4  }
0x38f: {  	s17 =	simm.s32 $0x1000;
	s2 =	simm.s32 $0x600;
	s25 =	spop (v2sf)  }
0x390: {  	s30 =	simm.s32 $0x580;
	(v2sf) =	vpush v1, $0x4;
	s25 =	sand.u32 $0x1FFFFFF0, s25;
	s26 =	spop (v2sf)  }
0x391: {  	s22 =	sand.u32 $0x1FFFFFF0, s22;
	(v2sf) =	vpush v2, $0x5;
	s25 =	sadd.s32 s3, s25;
	s28 =	spop (v2sf)  }
0x392: {  	[tilespmem:s5], [sflag:$0x1] =	stream.linear.gather [hbm4b:s25+s1], $0x80, $0x38;
	[tilespmem:$0x10700] =	vst v63  }
0x393: {  	s26 =	sand.u32 $0x1FFFFFF0, s26;
	(v2sf) =	vpush v1, $0x5;
	s25 =	sadd.s32 s4, s22;
	s29 =	spop (v2sf)  }
0x394: {  	(v2sf) =	vpush v2, $0x6;
	[tilespmem:s31], [sflag:$0x1] =	stream.linear.gather [hbm4b:s25+s1], $0x80, $0x38;
	[tilespmem:$0x10700] =	vst v63  }
0x395: {  	s28 =	sand.u32 $0x1FFFFFF0, s28;
	s5 =	simm.s32 $0x8580;
	s31 =	sadd.s32 s3, s26  }
0x396: {  	[tilespmem:s30], [sflag:$0x1] =	stream.linear.gather [hbm4b:s31+s1], $0x80, $0x38;
	[tilespmem:$0x10700] =	vst v63  }
0x397: {  	s25 =	sand.u32 $0x1FFFFFF0, s29;
	s26 =	sadd.s32 s4, s28;
	s28 =	spop (v2sf)  }
0x398: {  	(v2sf) =	vpush v1, $0x6;
	[tilespmem:s5], [sflag:$0x1] =	stream.linear.gather [hbm4b:s26+s1], $0x80, $0x38;
	[tilespmem:$0x10700] =	vst v63  }
0x399: {  	s29 =	sadd.s32 s3, s25;
	s30 =	sand.u32 $0x1FFFFFF0, s28;
	s31 =	spop (v2sf)  }
0x39a: {  	(v2sf) =	vpush v2, $0x7;
	[tilespmem:s2], [sflag:$0x1] =	stream.linear.gather [hbm4b:s29+s1], $0x80, $0x38;
	[tilespmem:$0x10700] =	vst v63  }
0x39b: {  	s22 =	spop (v2sf);
	s5 =	sand.u32 $0x1FFFFFF0, s31;
	s2 =	sadd.s32 s4, s30  }
0x39c: {  	[tilespmem:s6], [sflag:$0x1] =	stream.linear.gather [hbm4b:s2+s1], $0x80, $0x38;
	[tilespmem:$0x10700] =	vst v63  }
0x39d: {  	s26 =	sand.u32 $0x1FFFFFF0, s22;
	s25 =	sadd.s32 s3, s5;
	s28 =	spop (v2sf)  }
0x39e: {  	(v2sf) =	vpush v1, $0x7;
	[tilespmem:s8], [sflag:$0x1] =	stream.linear.gather [hbm4b:s25+s1], $0x80, $0x38;
	[tilespmem:$0x10700] =	vst v63  }
0x39f: {  	s22 =	simm.s32 $0x8880;
	s29 =	sadd.s32 s4, s26;
	s31 =	spop (v2sf)  }
0x3a0: {  	s30 =	sand.u32 $0x1FFFFFF0, s28;
	s28 =	simm.s32 $0x8780;
	s6 =	spop (v2sf)  }
0x3a1: {  	[tilespmem:s15], [sflag:$0x1] =	stream.linear.gather [hbm4b:s29+s1], $0x80, $0x38;
	[tilespmem:$0x10700] =	vst v63  }
0x3a2: {  	s2 =	sadd.s32 s3, s30;
	s8 =	sand.u32 $0x1FFFFFF0, s6;
	s15 =	spop (v2sf)  }
0x3a3: {  	s5 =	sand.u32 $0x1FFFFFF0, s31;
	s25 =	sadd.s32 s3, s8;
	s29 =	spop (v2sf)  }
0x3a4: {  	[tilespmem:s7], [sflag:$0x1] =	stream.linear.gather [hbm4b:s2+s1], $0x80, $0x38;
	[tilespmem:$0x10700] =	vst v63  }
0x3a5: {  	s26 =	sand.u32 $0x1FFFFFF0, s15;
	s7 =	sadd.s32 s4, s5;
	s30 =	sand.u32 $0x1FFFFFF0, s29  }
0x3a6: {  	[tilespmem:s24], [sflag:$0x1] =	stream.linear.gather [hbm4b:s7+s1], $0x80, $0x38;
	[tilespmem:$0x10700] =	vst v63  }
0x3a7: {  	s2 =	sadd.s32 s4, s26;
	s31 =	spop (v2sf);
	s26 =	sadd.s32 s3, s30  }
0x3a8: {  	[tilespmem:s23], [sflag:$0x1] =	stream.linear.gather [hbm4b:s25+s1], $0x80, $0x38;
	[tilespmem:$0x10700] =	vst v63  }
0x3a9: {  	[tilespmem:$0x1FA30] =	vst v24;
	s24 =	sand.u32 $0x1FFFFFF0, s31;
	s23 =	simm.s32 $0x800;
	s25 =	spop (v2sf)  }
0x3aa: {  	v19 =	vmov v18;
	v0 =	vmov v22;
	v63 =	vmov v16;
	[tilespmem:s28], [sflag:$0x1] =	stream.linear.gather [hbm4b:s2+s1], $0x80, $0x38;
	[tilespmem:$0x10700] =	vst v63  }
.LBB2_6:
0x3ab: {  	[tilespmem:s23], [sflag:$0x1] =	stream.linear.gather [hbm4b:s26+s1], $0x80, $0x38;
	[tilespmem:$0x10700] =	vst v63  }
0x3ac: {  	s0 =	smov.u32 s17  }
0x3ad: {  	s2 =	sadd.s32 s4, s24;
	s5 =	sand.u32 $0x1FFFFFF0, s25;
	s6 =	spop (v2sf)  }
0x3ae: {  	[tilespmem:s21], [sflag:$0x1] =	stream.linear.gather [hbm4b:s2+s1], $0x80, $0x38;
	[tilespmem:$0x10700] =	vst v63  }
0x3af: {  	s5 =	sadd.s32 s3, s5;
	s2 =	sadd.s32 $0x880, s20;
	s6 =	sand.u32 $0x1FFFFFF0, s6  }
0x3b0: {  	[tilespmem:s2], [sflag:$0x1] =	stream.linear.gather [hbm4b:s5+s1], $0x80, $0x38;
	[tilespmem:$0x10700] =	vst v63  }
0x3b1: {  	p0 =	sne.s32 s17, $0x1F000;
	s17 =	sadd.s32 $0x1000, s17;
	s2 =	sadd.s32 s4, s6  }
0x3b2: {  	[tilespmem:s22], [sflag:$0x1] =	stream.linear.gather [hbm4b:s2+s1], $0x80, $0x38;
	[tilespmem:$0x10700] =	vst v63  }
0x3b3: {  	v1 =	vld [tilespmem:s19+$0x0]  }
0x3b4: {  	v2 =	vld [tilespmem:s18+$0x0];
	_ =	sdelay $0x3  }
0x3b5: {  	v1 =	vshll.u32 v1, $0x4  }
0x3b6: {  	v2 =	vshll.u32 v2, $0x4;
	(v2sf) =	vpush v1, $0x0  }
0x3b7: {  	(v2sf) =	vpush v2, $0x0  }
0x3b8: {  	(v2sf) =	vpush v2, $0x1  }
0x3b9: {  	(v2sf) =	vpush v1, $0x1;
	_ =	sdelay $0x1  }
0x3ba: {  	(v2sf) =	vpush v2, $0x2;
	_ =	sdelay $0x3  }
0x3bb: {  	(v2sf) =	vpush v1, $0x2;
	_ =	sdelay $0x1  }
0x3bc: {  	s20 =	sshra.s32 s0, $0x2;
	s19 =	sadd.s32 $0x8, s19;
	s18 =	sadd.s32 $0x8, s18;
	(v2sf) =	vpush v2, $0x3  }
0x3bd: {  	s0 =	sadd.s32 $0x8500, s20;
	s24 =	sadd.s32 $0x780, s20;
	s2 =	sadd.s32 $0x600, s20  }
0x3be: {  	s26 =	sadd.s32 $0x700, s20;
	s5 =	sadd.s32 $0x500, s20;
	s6 =	sadd.s32 $0x8600, s20;
	(v2sf) =	vpush v1, $0x3  }
0x3bf: {  	s30 =	sadd.s32 $0x680, s20;
	s29 =	sadd.s32 $0x8680, s20;
	s21 =	sadd.s32 $0x8800, s20  }
0x3c0: {  	s28 =	sadd.s32 $0x8700, s20;
	s22 =	sadd.s32 $0x8880, s20;
	s7 =	spop (v2sf);
	(v2sf) =	vpush v2, $0x4  }
0x3c1: {  	s25 =	sadd.s32 $0x8780, s20;
	s7 =	sand.u32 $0x1FFFFFF0, s7;
	s8 =	spop (v2sf)  }
0x3c2: {  	s23 =	sadd.s32 $0x800, s20;
	s8 =	sand.u32 $0x1FFFFFF0, s8;
	s15 =	spop (v2sf);
	(v2sf) =	vpush v1, $0x4  }
0x3c3: {  	s8 =	sadd.s32 s3, s8;
	s15 =	sand.u32 $0x1FFFFFF0, s15;
	s31 =	spop (v2sf)  }
0x3c4: {  	[tilespmem:s5], [sflag:$0x1] =	stream.linear.gather [hbm4b:s8+s1], $0x80, $0x38;
	(v2sf) =	vpush v2, $0x5;
	[tilespmem:$0x10700] =	vst v63  }
0x3c5: {  	s5 =	sadd.s32 s4, s7;
	s7 =	sand.u32 $0x1FFFFFF0, s31;
	s8 =	spop (v2sf)  }
0x3c6: {  	[tilespmem:s0], [sflag:$0x1] =	stream.linear.gather [hbm4b:s5+s1], $0x80, $0x38;
	(v2sf) =	vpush v1, $0x5;
	[tilespmem:$0x10700] =	vst v63  }
0x3c7: {  	s0 =	sadd.s32 $0x580, s20;
	s5 =	sadd.s32 s3, s15;
	s8 =	sand.u32 $0x1FFFFFF0, s8  }
0x3c8: {  	[tilespmem:s0], [sflag:$0x1] =	stream.linear.gather [hbm4b:s5+s1], $0x80, $0x38;
	(v2sf) =	vpush v2, $0x6;
	[tilespmem:$0x10700] =	vst v63  }
0x3c9: {  	s0 =	sadd.s32 $0x8580, s20;
	s5 =	sadd.s32 s4, s7;
	s7 =	spop (v2sf)  }
0x3ca: {  	[tilespmem:s0], [sflag:$0x1] =	stream.linear.gather [hbm4b:s5+s1], $0x80, $0x38;
	(v2sf) =	vpush v1, $0x6;
	[tilespmem:$0x10700] =	vst v63  }
0x3cb: {  	s0 =	sadd.s32 s3, s8;
	s5 =	sand.u32 $0x1FFFFFF0, s7;
	s7 =	spop (v2sf)  }
0x3cc: {  	[tilespmem:s2], [sflag:$0x1] =	stream.linear.gather [hbm4b:s0+s1], $0x80, $0x38;
	(v2sf) =	vpush v2, $0x7;
	[tilespmem:$0x10700] =	vst v63  }
0x3cd: {  	s0 =	sadd.s32 s4, s5;
	s2 =	sand.u32 $0x1FFFFFF0, s7;
	s5 =	spop (v2sf)  }
0x3ce: {  	[tilespmem:s6], [sflag:$0x1] =	stream.linear.gather [hbm4b:s0+s1], $0x80, $0x38;
	(v2sf) =	vpush v1, $0x7;
	[tilespmem:$0x10700] =	vst v63  }
0x3cf: {  	s0 =	sadd.s32 s3, s2;
	s2 =	sand.u32 $0x1FFFFFF0, s5;
	s5 =	spop (v2sf)  }
0x3d0: {  	[tilespmem:s30], [sflag:$0x1] =	stream.linear.gather [hbm4b:s0+s1], $0x80, $0x38;
	[tilespmem:$0x10700] =	vst v63  }
0x3d1: {  	s0 =	sadd.s32 s4, s2;
	s2 =	sand.u32 $0x1FFFFFF0, s5;
	s5 =	spop (v2sf)  }
0x3d2: {  	[tilespmem:s29], [sflag:$0x1] =	stream.linear.gather [hbm4b:s0+s1], $0x80, $0x38;
	[tilespmem:$0x10700] =	vst v63  }
0x3d3: {  	s0 =	sadd.s32 s3, s2;
	s2 =	sand.u32 $0x1FFFFFF0, s5;
	s5 =	spop (v2sf)  }
0x3d4: {  	[tilespmem:s26], [sflag:$0x1] =	stream.linear.gather [hbm4b:s0+s1], $0x80, $0x38;
	[tilespmem:$0x10700] =	vst v63  }
0x3d5: {  	s0 =	sadd.s32 s4, s2;
	s2 =	sand.u32 $0x1FFFFFF0, s5;
	s5 =	spop (v2sf)  }
0x3d6: {  	[tilespmem:s28], [sflag:$0x1] =	stream.linear.gather [hbm4b:s0+s1], $0x80, $0x38;
	[tilespmem:$0x10700] =	vst v63  }
0x3d7: {  	s0 =	sadd.s32 s3, s2  }
.Ltmp2:
0x3d8: {  	s2 =	sand.u32 $0x1FFFFFF0, s5;
	s5 =	spop (v2sf);
	(pc) =	sbr.rel @p0 .LBB2_6-.Ltmp2, $4  }
0x3d9: {  	[tilespmem:s24], [sflag:$0x1] =	stream.linear.gather [hbm4b:s0+s1], $0x80, $0x38;
	[tilespmem:$0x10700] =	vst v63  }
0x3da: {  	s0 =	sadd.s32 s4, s2;
	s2 =	sand.u32 $0x1FFFFFF0, s5;
	s5 =	spop (v2sf)  }
0x3db: {  	[tilespmem:s25], [sflag:$0x1] =	stream.linear.gather [hbm4b:s0+s1], $0x80, $0x38;
	[tilespmem:$0x10700] =	vst v63  }
0x3dc: {  	s26 =	sadd.s32 s3, s2;
	s24 =	sand.u32 $0x1FFFFFF0, s5;
	s25 =	spop (v2sf)  }
0x3dd: {  	[tilespmem:s23], [sflag:$0x1] =	stream.linear.gather [hbm4b:s26+s1], $0x80, $0x38;
	[tilespmem:$0x10700] =	vst v63  }
0x3de: {  	s0 =	sadd.s32 s4, s24;
	s2 =	sand.u32 $0x1FFFFFF0, s25;
	s31 =	spop (v2sf)  }
0x3df: {  	[tilespmem:s21], [sflag:$0x1] =	stream.linear.gather [hbm4b:s0+s1], $0x80, $0x38;
	[tilespmem:$0x10700] =	vst v63  }
0x3e0: {  	s5 =	sadd.s32 $0x880, s20;
	s2 =	sadd.s32 s3, s2;
	s0 =	sand.u32 $0x1FFFFFF0, s31  }
0x3e1: {  	[tilespmem:s5], [sflag:$0x1] =	stream.linear.gather [hbm4b:s2+s1], $0x80, $0x38;
	[tilespmem:$0x10700] =	vst v63  }
0x3e2: {  	s0 =	sadd.s32 s4, s0  }
0x3e3: {  	[tilespmem:s22], [sflag:$0x1] =	stream.linear.gather [hbm4b:s0+s1], $0x80, $0x38;
	[tilespmem:$0x10700] =	vst v63  }
0x3e4: {  	_ =	swait.ge [sflag:s12], $0x8000  }
0x3e5: {  	[sflag:s12] =	ssyncset.done $0x0  }
0x3e6: {  	[sflag:s12] =	ssyncadd.s32 $0xFFFF8000  }
0x3e7: {  	v14 =	vld [tilespmem:$0x1FBD0];
	_ =	swait.ge [sflag:s12], $0x8000  }
0x3e8: {  	v3 =	vld [tilespmem:$0x1FEF0]  }
0x3e9: {  	s17 =	simm.s32 $0x0;
	v16 =	vld [tilespmem:$0x1FBE0]  }
0x3ea: {  	v1 =	vmov s17;
	v18 =	vld [tilespmem:$0x1FBF0]  }
0x3eb: {  	v1 =	vshll.u32 v1, $0x7;
	v20 =	vld [tilespmem:$0x1FC00]  }
0x3ec: {  	v22 =	vld [tilespmem:$0x1FC10];
	v1 =	vor.u32 v14, v1  }
0x3ed: {  	v24 =	vld [tilespmem:$0x1FC20];
	v2 =	vor.u32 v13, v1  }
0x3ee: {  	v28 =	vld [tilespmem:$0x1FC40]  }
0x3ef: {  	v34 =	vld [tilespmem:$0x1FF40];
	v37 =	vmov v3;
	v3 =	vor.u32 v3, v1  }
0x3f0: {  	[sflag:s12] =	ssyncset.done $0x0;
	v30 =	vld [tilespmem:$0x1FC50]  }
0x3f1: {  	v53 =	vmov v26;
	[sflag:s12] =	ssyncadd.s32 $0xFFFF8000;
	v6 =	vor.u32 v26, v1;
	v26 =	vld [tilespmem:$0x1FC30];
	v4 =	vor.u32 v16, v1  }
0x3f2: {  	v5 =	vld.idx.msk [tilespmem:v2+s14+$0x0], $0xffff  }
0x3f3: {  	v2 =	vld.idx.msk [tilespmem:v2+s13+$0x0], $0xffff  }
0x3f4: {  	v7 =	vld.idx.msk [tilespmem:v3+s13+$0x0], $0xffff  }
0x3f5: {  	v8 =	vor.u32 v18, v1;
	v3 =	vld.idx.msk [tilespmem:v3+s14+$0x0], $0xffff  }
0x3f6: {  	v9 =	vld.idx.msk [tilespmem:v4+s13+$0x0], $0xffff  }
0x3f7: {  	v10 =	vor.u32 v58, v1;
	v4 =	vld.idx.msk [tilespmem:v4+s14+$0x0], $0xffff  }
0x3f8: {  	v11 =	vld.idx.msk [tilespmem:v6+s13+$0x0], $0xffff;
	v2 =	vmul.f32 v5, v2  }
0x3f9: {  	v5 =	vld.idx.msk [tilespmem:v6+s14+$0x0], $0xffff;
	v6 =	vor.u32 v20, v1  }
0x3fa: {  	v12 =	vld.idx.msk [tilespmem:v8+s13+$0x0], $0xffff;
	v2 =	vadd.f32 $0.0e+00, v2;
	v3 =	vmul.f32 v3, v7  }
0x3fb: {  	v44 =	vor.u32 v22, v1;
	v7 =	vld.idx.msk [tilespmem:v8+s14+$0x0], $0xffff  }
0x3fc: {  	v42 =	vor.u32 v46, v1;
	v43 =	vld.idx.msk [tilespmem:v10+s14+$0x0], $0xffff;
	v4 =	vmul.f32 v4, v9;
	v2 =	vadd.f32 v3, v2  }
0x3fd: {  	v3 =	vld.idx.msk [tilespmem:v10+s13+$0x0], $0xffff  }
0x3fe: {  	v5 =	vmul.f32 v5, v11;
	v2 =	vadd.f32 v4, v2;
	v4 =	vld.idx.msk [tilespmem:v6+s13+$0x0], $0xffff  }
0x3ff: {  	v55 =	vmov v46;
	v46 =	vor.u32 v56, v1;
	v6 =	vld.idx.msk [tilespmem:v6+s14+$0x0], $0xffff  }
0x400: {  	v47 =	vld.idx.msk [tilespmem:v44+s14+$0x0], $0xffff;
	v7 =	vmul.f32 v7, v12;
	v12 =	vor.u32 v24, v1;
	v2 =	vadd.f32 v5, v2  }
0x401: {  	v8 =	vld.idx.msk [tilespmem:v42+s14+$0x0], $0xffff  }
0x402: {  	v5 =	vld.idx.msk [tilespmem:v42+s13+$0x0], $0xffff;
	v3 =	vmul.f32 v43, v3;
	v2 =	vadd.f32 v7, v2  }
0x403: {  	v7 =	vld.idx.msk [tilespmem:v44+s13+$0x0], $0xffff  }
0x404: {  	v4 =	vmul.f32 v6, v4;
	v6 =	vld.idx.msk [tilespmem:v46+s14+$0x0], $0xffff;
	v2 =	vadd.f32 v3, v2  }
0x405: {  	v45 =	vmov v58;
	v50 =	vor.u32 v21, v1;
	v58 =	vld.idx.msk [tilespmem:v12+s14+$0x0], $0xffff  }
0x406: {  	v2 =	vadd.f32 v4, v2;
	v4 =	vld.idx.msk [tilespmem:v12+s13+$0x0], $0xffff  }
0x407: {  	v12 =	vld [tilespmem:$0x1FF50]  }
0x408: {  	v57 =	vmov v56;
	v56 =	vor.u32 v26, v1;
	v3 =	vld.idx.msk [tilespmem:v46+s13+$0x0], $0xffff  }
0x409: {  	v32 =	vld [tilespmem:$0x1FC60]  }
0x40a: {  	v62 =	vor.u32 v28, v1;
	v59 =	vld.idx.msk [tilespmem:v50+s14+$0x0], $0xffff;
	v5 =	vmul.f32 v8, v5  }
0x40b: {  	v40 =	vor.u32 v54, v1;
	v11 =	vor.u32 v34, v1;
	v34 =	vld [tilespmem:$0x1FC70];
	v7 =	vmul.f32 v47, v7  }
0x40c: {  	v2 =	vadd.f32 v5, v2;
	v5 =	vld.idx.msk [tilespmem:v50+s13+$0x0], $0xffff;
	v43 =	vmov v12;
	v12 =	vor.u32 v12, v1  }
0x40d: {  	v3 =	vmul.f32 v6, v3;
	v6 =	vld.idx.msk [tilespmem:v56+s14+$0x0], $0xffff  }
0x40e: {  	v2 =	vadd.f32 v7, v2;
	v7 =	vld.idx.msk [tilespmem:v56+s13+$0x0], $0xffff  }
0x40f: {  	v38 =	vld.idx.msk [tilespmem:v62+s14+$0x0], $0xffff  }
0x410: {  	v46 =	vld.idx.msk [tilespmem:v40+s14+$0x0], $0xffff;
	v4 =	vmul.f32 v58, v4;
	v2 =	vadd.f32 v3, v2  }
0x411: {  	v47 =	vor.u32 v34, v1;
	v3 =	vld.idx.msk [tilespmem:v12+s13+$0x0], $0xffff  }
0x412: {  	v5 =	vmul.f32 v59, v5;
	v2 =	vadd.f32 v4, v2;
	v36 =	vld.idx.msk [tilespmem:v12+s14+$0x0], $0xffff;
	v12 =	vor.u32 v30, v1  }
0x413: {  	v6 =	vmul.f32 v6, v7;
	v7 =	vld.idx.msk [tilespmem:v11+s14+$0x0], $0xffff  }
0x414: {  	v42 =	vor.u32 v32, v1;
	v2 =	vadd.f32 v5, v2;
	v5 =	vld.idx.msk [tilespmem:v11+s13+$0x0], $0xffff  }
0x415: {  	v4 =	vld.idx.msk [tilespmem:v62+s13+$0x0], $0xffff  }
0x416: {  	v25 =	vmov v54;
	v54 =	vld.idx.msk [tilespmem:v47+s14+$0x0], $0xffff  }
0x417: {  	v2 =	vadd.f32 v6, v2;
	v6 =	vld.idx.msk [tilespmem:v12+s13+$0x0], $0xffff  }
0x418: {  	v3 =	vmul.f32 v36, v3;
	v44 =	vld.idx.msk [tilespmem:v12+s14+$0x0], $0xffff  }
0x419: {  	v12 =	vor.u32 v33, v1;
	v5 =	vmul.f32 v7, v5;
	v7 =	vld.idx.msk [tilespmem:v42+s14+$0x0], $0xffff  }
0x41a: {  	v4 =	vmul.f32 v38, v4;
	v36 =	vld [tilespmem:$0x1FC80];
	v2 =	vadd.f32 v3, v2  }
0x41b: {  	v3 =	vld.idx.msk [tilespmem:v40+s13+$0x0], $0xffff  }
0x41c: {  	v2 =	vadd.f32 v4, v2;
	v4 =	vld.idx.msk [tilespmem:v42+s13+$0x0], $0xffff  }
0x41d: {  	v48 =	vor.u32 v35, v1;
	v42 =	vld [tilespmem:$0x1FC90]  }
0x41e: {  	v50 =	vld.idx.msk [tilespmem:v12+s14+$0x0], $0xffff  }
0x41f: {  	v6 =	vmul.f32 v44, v6;
	v2 =	vadd.f32 v5, v2;
	v5 =	vld.idx.msk [tilespmem:v12+s13+$0x0], $0xffff;
	v12 =	vor.u32 v36, v1  }
0x420: {  	v44 =	vld [tilespmem:$0x1FCA0]  }
0x421: {  	v3 =	vmul.f32 v46, v3;
	v2 =	vadd.f32 v6, v2;
	v6 =	vld.idx.msk [tilespmem:v47+s13+$0x0], $0xffff  }
0x422: {  	v4 =	vmul.f32 v7, v4;
	v7 =	vld.idx.msk [tilespmem:v48+s14+$0x0], $0xffff  }
0x423: {  	v2 =	vadd.f32 v3, v2;
	v3 =	vld.idx.msk [tilespmem:v48+s13+$0x0], $0xffff  }
0x424: {  	v33 =	vor.u32 v39, v1;
	v38 =	vld.idx.msk [tilespmem:v12+s14+$0x0], $0xffff  }
0x425: {  	v2 =	vadd.f32 v4, v2;
	v4 =	vld.idx.msk [tilespmem:v12+s13+$0x0], $0xffff  }
0x426: {  	v12 =	vld [tilespmem:$0x1FF10]  }
0x427: {  	v40 =	vmov v35;
	v35 =	vor.u32 v42, v1;
	v5 =	vmul.f32 v50, v5  }
0x428: {  	v59 =	vmov v39  }
0x429: {  	v39 =	vld.idx.msk [tilespmem:v33+s14+$0x0], $0xffff;
	v6 =	vmul.f32 v54, v6;
	v54 =	vor.u32 v44, v1;
	v2 =	vadd.f32 v5, v2  }
0x42a: {  	v5 =	vld.idx.msk [tilespmem:v33+s13+$0x0], $0xffff  }
0x42b: {  	v50 =	vld [tilespmem:$0x1FCB0];
	v3 =	vmul.f32 v7, v3;
	v2 =	vadd.f32 v6, v2;
	v62 =	vmovc v12;
	v12 =	vor.u32 v12, v1  }
0x42c: {  	v7 =	vld.idx.msk [tilespmem:v35+s14+$0x0], $0xffff  }
0x42d: {  	v6 =	vld.idx.msk [tilespmem:v35+s13+$0x0], $0xffff;
	v4 =	vmul.f32 v38, v4;
	v2 =	vadd.f32 v3, v2  }
0x42e: {  	v56 =	vor.u32 v29, v1;
	v33 =	vld.idx.msk [tilespmem:v54+s14+$0x0], $0xffff  }
0x42f: {  	v2 =	vadd.f32 v4, v2;
	v4 =	vld.idx.msk [tilespmem:v54+s13+$0x0], $0xffff  }
0x430: {  	v3 =	vld.idx.msk [tilespmem:v12+s13+$0x0], $0xffff  }
0x431: {  	v58 =	vld.idx.msk [tilespmem:v12+s14+$0x0], $0xffff;
	v12 =	vor.u32 v50, v1  }
0x432: {  	v5 =	vmul.f32 v39, v5;
	v54 =	vld [tilespmem:$0x1FCC0]  }
0x433: {  	v6 =	vmul.f32 v7, v6;
	v7 =	vld.idx.msk [tilespmem:v56+s14+$0x0], $0xffff  }
0x434: {  	v2 =	vadd.f32 v5, v2;
	v5 =	vld.idx.msk [tilespmem:v56+s13+$0x0], $0xffff  }
0x435: {  	v35 =	vor.u32 v31, v1;
	v56 =	vld [tilespmem:$0x1FCD0]  }
0x436: {  	v2 =	vadd.f32 v6, v2;
	v6 =	vld.idx.msk [tilespmem:v12+s13+$0x0], $0xffff  }
0x437: {  	v39 =	vld.idx.msk [tilespmem:v12+s14+$0x0], $0xffff  }
0x438: {  	v12 =	vld [tilespmem:$0x1FFB0]  }
0x439: {  	v38 =	vor.u32 v54, v1;
	v3 =	vmul.f32 v58, v3  }
0x43a: {  	v46 =	vld.idx.msk [tilespmem:v35+s14+$0x0], $0xffff;
	v4 =	vmul.f32 v33, v4  }
0x43b: {  	v33 =	vor.u32 v52, v1;
	v52 =	vld [tilespmem:$0x1FCF0];
	v48 =	vor.u32 v56, v1;
	v2 =	vadd.f32 v3, v2  }
0x43c: {  	v58 =	vld [tilespmem:$0x1FCE0]  }
0x43d: {  	v5 =	vmul.f32 v7, v5;
	v3 =	vld.idx.msk [tilespmem:v35+s13+$0x0], $0xffff;
	v2 =	vadd.f32 v4, v2;
	v12 =	vor.u32 v12, v1  }
0x43e: {  	v7 =	vld.idx.msk [tilespmem:v38+s14+$0x0], $0xffff  }
0x43f: {  	v4 =	vld.idx.msk [tilespmem:v38+s13+$0x0], $0xffff;
	v6 =	vmul.f32 v39, v6;
	v2 =	vadd.f32 v5, v2  }
0x440: {  	v38 =	vld.idx.msk [tilespmem:v48+s14+$0x0], $0xffff  }
0x441: {  	v2 =	vadd.f32 v6, v2;
	v6 =	vld.idx.msk [tilespmem:v48+s13+$0x0], $0xffff  }
0x442: {  	v5 =	vld.idx.msk [tilespmem:v12+s13+$0x0], $0xffff  }
0x443: {  	v35 =	vld.idx.msk [tilespmem:v12+s14+$0x0], $0xffff;
	v12 =	vor.u32 v58, v1  }
0x444: {  	v39 =	vld [tilespmem:$0x1FFA0];
	v3 =	vmul.f32 v46, v3  }
0x445: {  	v4 =	vmul.f32 v7, v4;
	v7 =	vld.idx.msk [tilespmem:v33+s14+$0x0], $0xffff  }
0x446: {  	v2 =	vadd.f32 v3, v2;
	v3 =	vld.idx.msk [tilespmem:v33+s13+$0x0], $0xffff  }
0x447: {  	v6 =	vmul.f32 v38, v6;
	v38 =	vld [tilespmem:$0x1FD20]  }
0x448: {  	v2 =	vadd.f32 v4, v2;
	v4 =	vld.idx.msk [tilespmem:v12+s13+$0x0], $0xffff  }
0x449: {  	v10 =	vor.u32 v39, v1;
	v48 =	vld.idx.msk [tilespmem:v12+s14+$0x0], $0xffff  }
0x44a: {  	v5 =	vmul.f32 v35, v5;
	v12 =	vld [tilespmem:$0x1FF00]  }
0x44b: {  	v46 =	vor.u32 v52, v1  }
0x44c: {  	v2 =	vadd.f32 v5, v2  }
0x44d: {  	v35 =	vor.u32 v38, v1  }
0x44e: {  	v33 =	vld.idx.msk [tilespmem:v10+s14+$0x0], $0xffff;
	v3 =	vmul.f32 v7, v3;
	v2 =	vadd.f32 v6, v2  }
0x44f: {  	v5 =	vld.idx.msk [tilespmem:v10+s13+$0x0], $0xffff;
	v12 =	vor.u32 v12, v1  }
0x450: {  	v7 =	vld.idx.msk [tilespmem:v46+s14+$0x0], $0xffff;
	v4 =	vmul.f32 v48, v4;
	v2 =	vadd.f32 v3, v2  }
0x451: {  	v6 =	vld.idx.msk [tilespmem:v46+s13+$0x0], $0xffff  }
0x452: {  	v39 =	vor.u32 v41, v1;
	v2 =	vadd.f32 v4, v2;
	v4 =	vld.idx.msk [tilespmem:v35+s13+$0x0], $0xffff  }
0x453: {  	v48 =	vld.idx.msk [tilespmem:v35+s14+$0x0], $0xffff  }
0x454: {  	v5 =	vmul.f32 v33, v5;
	v33 =	vor.u32 v60, v1;
	v3 =	vld.idx.msk [tilespmem:v12+s13+$0x0], $0xffff  }
0x455: {  	v46 =	vld.idx.msk [tilespmem:v12+s14+$0x0], $0xffff;
	v12 =	vor.u32 v49, v1;
	_ =	sdelay $0x1  }
0x456: {  	v6 =	vmul.f32 v7, v6;
	v7 =	vld.idx.msk [tilespmem:v39+s14+$0x0], $0xffff  }
0x457: {  	v2 =	vadd.f32 v5, v2;
	v5 =	vld.idx.msk [tilespmem:v39+s13+$0x0], $0xffff  }
0x458: {  	v4 =	vmul.f32 v48, v4;
	v48 =	vld.idx.msk [tilespmem:v33+s14+$0x0], $0xffff  }
0x459: {  	v2 =	vadd.f32 v6, v2;
	v6 =	vld.idx.msk [tilespmem:v12+s13+$0x0], $0xffff  }
0x45a: {  	v35 =	vor.u32 v0, v1;
	v3 =	vmul.f32 v46, v3;
	v39 =	vld.idx.msk [tilespmem:v12+s14+$0x0], $0xffff  }
0x45b: {  	v12 =	vld [tilespmem:$0x1FEC0]  }
0x45c: {  	v2 =	vadd.f32 v3, v2;
	v3 =	vld.idx.msk [tilespmem:v33+s13+$0x0], $0xffff;
	v33 =	vor.u32 v63, v1;
	_ =	sdelay $0x2  }
0x45d: {  	v5 =	vmul.f32 v7, v5;
	v7 =	vld.idx.msk [tilespmem:v35+s14+$0x0], $0xffff;
	v2 =	vadd.f32 v4, v2  }
0x45e: {  	v4 =	vld.idx.msk [tilespmem:v35+s13+$0x0], $0xffff;
	v15 =	vmov v12;
	v12 =	vor.u32 v12, v1  }
0x45f: {  	v46 =	vmov v41;
	v6 =	vmul.f32 v39, v6;
	v2 =	vadd.f32 v5, v2;
	v41 =	vld.idx.msk [tilespmem:v33+s14+$0x0], $0xffff  }
0x460: {  	v3 =	vmul.f32 v48, v3;
	v48 =	vld [tilespmem:$0x1FED0]  }
0x461: {  	v35 =	vor.u32 v19, v1;
	v2 =	vadd.f32 v6, v2;
	v6 =	vld.idx.msk [tilespmem:v33+s13+$0x0], $0xffff  }
0x462: {  	v33 =	vld [tilespmem:$0x1FEE0]  }
0x463: {  	v5 =	vld.idx.msk [tilespmem:v12+s13+$0x0], $0xffff  }
0x464: {  	v39 =	vld.idx.msk [tilespmem:v12+s14+$0x0], $0xffff;
	v12 =	vor.u32 v61, v1;
	_ =	sdelay $0x1  }
0x465: {  	v4 =	vmul.f32 v7, v4;
	v7 =	vld.idx.msk [tilespmem:v35+s14+$0x0], $0xffff  }
0x466: {  	v2 =	vadd.f32 v3, v2;
	v3 =	vld.idx.msk [tilespmem:v35+s13+$0x0], $0xffff  }
0x467: {  	v10 =	vor.u32 v48, v1;
	v6 =	vmul.f32 v41, v6;
	v41 =	vld [tilespmem:$0x1FD50]  }
0x468: {  	v2 =	vadd.f32 v4, v2;
	v11 =	vor.u32 v33, v1;
	v4 =	vld.idx.msk [tilespmem:v12+s13+$0x0], $0xffff  }
0x469: {  	v5 =	vmul.f32 v39, v5;
	v35 =	vld.idx.msk [tilespmem:v12+s14+$0x0], $0xffff  }
0x46a: {  	v12 =	vld [tilespmem:$0x1FF70]  }
0x46b: {  	v47 =	vmov v29;
	v29 =	vld [tilespmem:$0x1FA90];
	v2 =	vadd.f32 v5, v2  }
0x46c: {  	v5 =	vld.idx.msk [tilespmem:v10+s13+$0x0], $0xffff;
	v48 =	vor.u32 v41, v1  }
0x46d: {  	v3 =	vmul.f32 v7, v3;
	v7 =	vld.idx.msk [tilespmem:v11+s14+$0x0], $0xffff;
	v2 =	vadd.f32 v6, v2  }
0x46e: {  	v33 =	vor.u32 v27, v1;
	v6 =	vld.idx.msk [tilespmem:v11+s13+$0x0], $0xffff  }
0x46f: {  	v9 =	vld.idx.msk [tilespmem:v10+s14+$0x0], $0xffff;
	v12 =	vor.u32 v12, v1;
	v4 =	vmul.f32 v35, v4;
	v2 =	vadd.f32 v3, v2  }
0x470: {  	v31 =	vld [tilespmem:$0x1FAB0]  }
0x471: {  	v2 =	vadd.f32 v4, v2;
	v4 =	vld.idx.msk [tilespmem:v48+s13+$0x0], $0xffff  }
0x472: {  	v39 =	vld.idx.msk [tilespmem:v48+s14+$0x0], $0xffff  }
0x473: {  	v6 =	vmul.f32 v7, v6;
	v7 =	vld.idx.msk [tilespmem:v33+s14+$0x0], $0xffff  }
0x474: {  	v5 =	vmul.f32 v9, v5;
	v3 =	vld.idx.msk [tilespmem:v12+s13+$0x0], $0xffff  }
0x475: {  	v48 =	vor.u32 v29, v1;
	v35 =	vld.idx.msk [tilespmem:v12+s14+$0x0], $0xffff  }
0x476: {  	v12 =	vor.u32 v17, v1;
	v2 =	vadd.f32 v5, v2;
	v5 =	vld.idx.msk [tilespmem:v33+s13+$0x0], $0xffff  }
0x477: {  	v33 =	vld [tilespmem:$0x1FAD0];
	_ =	sdelay $0x1  }
0x478: {  	v51 =	vmov v21;
	v21 =	vmov v61;
	v61 =	vld [tilespmem:$0x1FD90];
	v11 =	vor.u32 v31, v1  }
0x479: {  	v4 =	vmul.f32 v39, v4;
	v39 =	vld.idx.msk [tilespmem:v48+s14+$0x0], $0xffff  }
0x47a: {  	v2 =	vadd.f32 v6, v2;
	v6 =	vld.idx.msk [tilespmem:v12+s13+$0x0], $0xffff  }
0x47b: {  	v3 =	vmul.f32 v35, v3;
	v8 =	vld.idx.msk [tilespmem:v12+s14+$0x0], $0xffff;
	v12 =	vor.u32 v33, v1  }
0x47c: {  	v35 =	vld [tilespmem:$0x1FA20]  }
0x47d: {  	v5 =	vmul.f32 v7, v5;
	v7 =	vld.idx.msk [tilespmem:v11+s14+$0x0], $0xffff;
	v2 =	vadd.f32 v3, v2  }
0x47e: {  	v3 =	vld.idx.msk [tilespmem:v48+s13+$0x0], $0xffff  }
0x47f: {  	v2 =	vadd.f32 v4, v2;
	v4 =	vld.idx.msk [tilespmem:v11+s13+$0x0], $0xffff  }
0x480: {  	v6 =	vmul.f32 v8, v6;
	v8 =	vld.idx.msk [tilespmem:v12+s14+$0x0], $0xffff  }
0x481: {  	v2 =	vadd.f32 v5, v2;
	v5 =	vld.idx.msk [tilespmem:v12+s13+$0x0], $0xffff  }
0x482: {  	v17 =	vmov v63;
	v63 =	vor.u32 v61, v1;
	v12 =	vld [tilespmem:$0x1FF60]  }
0x483: {  	v48 =	vor.u32 v35, v1;
	_ =	sdelay $0x1  }
0x484: {  	v3 =	vmul.f32 v39, v3;
	v39 =	vld [tilespmem:$0x1FA30];
	_ =	sdelay $0x1  }
0x485: {  	v4 =	vmul.f32 v7, v4;
	v7 =	vld.idx.msk [tilespmem:v63+s14+$0x0], $0xffff;
	v12 =	vor.u32 v12, v1  }
0x486: {  	v2 =	vadd.f32 v6, v2;
	v6 =	vld.idx.msk [tilespmem:v48+s13+$0x0], $0xffff  }
0x487: {  	v9 =	vld.idx.msk [tilespmem:v48+s14+$0x0], $0xffff  }
0x488: {  	v2 =	vadd.f32 v3, v2;
	v3 =	vld.idx.msk [tilespmem:v63+s13+$0x0], $0xffff;
	v48 =	vor.u32 v39, v1  }
0x489: {  	v63 =	vld [tilespmem:$0x1FDB0]  }
0x48a: {  	v2 =	vadd.f32 v4, v2;
	v4 =	vld.idx.msk [tilespmem:v12+s13+$0x0], $0xffff  }
0x48b: {  	v5 =	vmul.f32 v8, v5;
	v8 =	vld.idx.msk [tilespmem:v12+s14+$0x0], $0xffff  }
0x48c: {  	v12 =	vld [tilespmem:$0x1FF20]  }
0x48d: {  	v2 =	vadd.f32 v5, v2;
	v6 =	vmul.f32 v9, v6;
	v5 =	vld.idx.msk [tilespmem:v48+s13+$0x0], $0xffff  }
0x48e: {  	v9 =	vld.idx.msk [tilespmem:v48+s14+$0x0], $0xffff  }
0x48f: {  	v11 =	vor.u32 v63, v1;
	v3 =	vmul.f32 v7, v3;
	v48 =	vld [tilespmem:$0x1FDC0];
	v2 =	vadd.f32 v6, v2;
	_ =	sdelay $0x1  }
0x490: {  	v2 =	vadd.f32 v3, v2;
	v12 =	vor.u32 v12, v1;
	v3 =	vmul.f32 v8, v4;
	_ =	sdelay $0x1  }
0x491: {  	v2 =	vadd.f32 v3, v2;
	v3 =	vld [tilespmem:$0x1FEB0]  }
0x492: {  	v6 =	vld.idx.msk [tilespmem:v11+s13+$0x0], $0xffff;
	v10 =	vor.u32 v48, v1  }
0x493: {  	v7 =	vld.idx.msk [tilespmem:v11+s14+$0x0], $0xffff  }
0x494: {  	v4 =	vld.idx.msk [tilespmem:v12+s13+$0x0], $0xffff  }
0x495: {  	v8 =	vld.idx.msk [tilespmem:v12+s14+$0x0], $0xffff  }
0x496: {  	v23 =	vmov v3;
	v1 =	vor.u32 v3, v1;
	v3 =	vmul.f32 v9, v5  }
0x497: {  	v5 =	vld.idx.msk [tilespmem:v10+s13+$0x0], $0xffff  }
0x498: {  	v9 =	vld.idx.msk [tilespmem:v10+s14+$0x0], $0xffff;
	v2 =	vadd.f32 v3, v2;
	v3 =	vmul.f32 v7, v6;
	_ =	sdelay $0x1  }
0x499: {  	v4 =	vmul.f32 v8, v4;
	v3 =	vadd.f32 v3, v2  }
0x49a: {  	s18 =	simm.s32 $0x10;
	v2 =	vld.idx.msk [tilespmem:v1+s13+$0x0], $0xffff  }
0x49b: {  	v6 =	vmov s18;
	v4 =	vadd.f32 v4, v3;
	v3 =	vld.idx.msk [tilespmem:v1+s14+$0x0], $0xffff  }
0x49c: {  	s19 =	simm.s32 $0x20;
	v5 =	vmul.f32 v9, v5;
	v1 =	vshll.u32 v6, $0x7  }
.LBB2_8:
0x49d: {  	_ =	sdelay $0x1  }
0x49e: {  	v1 =	vor.u32 v14, v1  }
0x49f: {  	v6 =	vor.u32 v13, v1;
	v4 =	vadd.f32 v5, v4;
	v2 =	vmul.f32 v3, v2;
	_ =	sdelay $0x1  }
0x4a0: {  	v3 =	vor.u32 v37, v1;
	v2 =	vadd.f32 v2, v4  }
0x4a1: {  	s0 =	sand.u32 $0xF0, s17  }
0x4a2: {  	v4 =	vor.u32 v16, v1;
	[tilespmem:s0+$0x10600] =	vst v2  }
0x4a3: {  	v2 =	vld.idx.msk [tilespmem:v6+s14+$0x0], $0xffff  }
0x4a4: {  	v5 =	vld.idx.msk [tilespmem:v6+s13+$0x0], $0xffff;
	v6 =	vor.u32 v53, v1  }
0x4a5: {  	v7 =	vld.idx.msk [tilespmem:v3+s13+$0x0], $0xffff  }
0x4a6: {  	v8 =	vor.u32 v18, v1;
	v3 =	vld.idx.msk [tilespmem:v3+s14+$0x0], $0xffff  }
0x4a7: {  	v9 =	vld.idx.msk [tilespmem:v4+s13+$0x0], $0xffff  }
0x4a8: {  	v10 =	vor.u32 v45, v1;
	v4 =	vld.idx.msk [tilespmem:v4+s14+$0x0], $0xffff  }
0x4a9: {  	v11 =	vld.idx.msk [tilespmem:v6+s13+$0x0], $0xffff  }
0x4aa: {  	v2 =	vmul.f32 v2, v5;
	v5 =	vld.idx.msk [tilespmem:v6+s14+$0x0], $0xffff;
	v6 =	vor.u32 v20, v1  }
0x4ab: {  	v12 =	vld.idx.msk [tilespmem:v8+s13+$0x0], $0xffff  }
0x4ac: {  	v3 =	vmul.f32 v3, v7;
	v7 =	vld.idx.msk [tilespmem:v8+s14+$0x0], $0xffff;
	v8 =	vor.u32 v55, v1;
	v2 =	vadd.f32 $0.0e+00, v2  }
0x4ad: {  	v13 =	vld.idx.msk [tilespmem:v10+s13+$0x0], $0xffff  }
0x4ae: {  	v2 =	vadd.f32 v3, v2;
	v3 =	vmul.f32 v4, v9;
	v4 =	vld.idx.msk [tilespmem:v10+s14+$0x0], $0xffff;
	v9 =	vor.u32 v22, v1  }
0x4af: {  	v10 =	vld.idx.msk [tilespmem:v6+s13+$0x0], $0xffff  }
0x4b0: {  	v2 =	vadd.f32 v3, v2;
	v3 =	vmul.f32 v5, v11;
	v5 =	vld.idx.msk [tilespmem:v6+s14+$0x0], $0xffff;
	v6 =	vor.u32 v57, v1  }
0x4b1: {  	v11 =	vld.idx.msk [tilespmem:v8+s13+$0x0], $0xffff  }
0x4b2: {  	v2 =	vadd.f32 v3, v2;
	v3 =	vmul.f32 v7, v12;
	v7 =	vld.idx.msk [tilespmem:v8+s14+$0x0], $0xffff;
	v8 =	vor.u32 v24, v1  }
0x4b3: {  	v12 =	vld.idx.msk [tilespmem:v9+s13+$0x0], $0xffff  }
0x4b4: {  	v2 =	vadd.f32 v3, v2;
	v3 =	vmul.f32 v4, v13;
	v4 =	vld.idx.msk [tilespmem:v9+s14+$0x0], $0xffff;
	v9 =	vor.u32 v51, v1  }
0x4b5: {  	v13 =	vld.idx.msk [tilespmem:v6+s13+$0x0], $0xffff  }
0x4b6: {  	v2 =	vadd.f32 v3, v2;
	v3 =	vmul.f32 v5, v10;
	v5 =	vld.idx.msk [tilespmem:v6+s14+$0x0], $0xffff;
	v6 =	vor.u32 v26, v1  }
0x4b7: {  	v10 =	vld.idx.msk [tilespmem:v8+s13+$0x0], $0xffff  }
0x4b8: {  	v2 =	vadd.f32 v3, v2;
	v3 =	vmul.f32 v7, v11;
	v7 =	vld.idx.msk [tilespmem:v8+s14+$0x0], $0xffff  }
0x4b9: {  	v8 =	vor.u32 v43, v1;
	v11 =	vld.idx.msk [tilespmem:v9+s13+$0x0], $0xffff  }
0x4ba: {  	v2 =	vadd.f32 v3, v2;
	v3 =	vmul.f32 v4, v12;
	v4 =	vld.idx.msk [tilespmem:v9+s14+$0x0], $0xffff  }
0x4bb: {  	v12 =	vld.idx.msk [tilespmem:v6+s13+$0x0], $0xffff  }
0x4bc: {  	v2 =	vadd.f32 v3, v2;
	v3 =	vmul.f32 v5, v13;
	v5 =	vld.idx.msk [tilespmem:v6+s14+$0x0], $0xffff  }
0x4bd: {  	v6 =	vld [tilespmem:$0x1FF40]  }
0x4be: {  	v9 =	vor.u32 v28, v1;
	v13 =	vld.idx.msk [tilespmem:v8+s13+$0x0], $0xffff  }
0x4bf: {  	v2 =	vadd.f32 v3, v2;
	v3 =	vmul.f32 v7, v10;
	v7 =	vld.idx.msk [tilespmem:v8+s14+$0x0], $0xffff;
	v8 =	vor.u32 v30, v1;
	_ =	sdelay $0x1  }
0x4c0: {  	v2 =	vadd.f32 v3, v2;
	v3 =	vmul.f32 v4, v11;
	_ =	sdelay $0x1  }
0x4c1: {  	v10 =	vld.idx.msk [tilespmem:v9+s13+$0x0], $0xffff;
	v6 =	vor.u32 v6, v1;
	v2 =	vadd.f32 v3, v2;
	v3 =	vmul.f32 v5, v12  }
0x4c2: {  	v12 =	vld.idx.msk [tilespmem:v8+s13+$0x0], $0xffff  }
0x4c3: {  	v2 =	vadd.f32 v3, v2;
	v3 =	vmul.f32 v7, v13;
	v7 =	vld.idx.msk [tilespmem:v8+s14+$0x0], $0xffff  }
0x4c4: {  	v8 =	vld [tilespmem:$0x1FFF0]  }
0x4c5: {  	v4 =	vld.idx.msk [tilespmem:v9+s14+$0x0], $0xffff;
	v9 =	vor.u32 v25, v1  }
0x4c6: {  	v11 =	vld.idx.msk [tilespmem:v6+s13+$0x0], $0xffff  }
0x4c7: {  	v5 =	vld.idx.msk [tilespmem:v6+s14+$0x0], $0xffff;
	v6 =	vor.u32 v32, v1;
	_ =	sdelay $0x1  }
0x4c8: {  	v8 =	vor.u32 v8, v1  }
0x4c9: {  	v13 =	vld.idx.msk [tilespmem:v9+s13+$0x0], $0xffff  }
0x4ca: {  	v2 =	vadd.f32 v3, v2;
	v3 =	vmul.f32 v4, v10;
	v4 =	vld.idx.msk [tilespmem:v9+s14+$0x0], $0xffff;
	v9 =	vor.u32 v34, v1  }
0x4cb: {  	v10 =	vld.idx.msk [tilespmem:v6+s13+$0x0], $0xffff  }
0x4cc: {  	v2 =	vadd.f32 v3, v2;
	v3 =	vmul.f32 v5, v11;
	v5 =	vld.idx.msk [tilespmem:v6+s14+$0x0], $0xffff;
	v6 =	vor.u32 v40, v1  }
0x4cd: {  	v11 =	vld.idx.msk [tilespmem:v8+s13+$0x0], $0xffff  }
0x4ce: {  	v2 =	vadd.f32 v3, v2;
	v3 =	vmul.f32 v7, v12;
	v7 =	vld.idx.msk [tilespmem:v8+s14+$0x0], $0xffff;
	v8 =	vor.u32 v36, v1  }
0x4cf: {  	v12 =	vld.idx.msk [tilespmem:v9+s13+$0x0], $0xffff  }
0x4d0: {  	v2 =	vadd.f32 v3, v2;
	v3 =	vmul.f32 v4, v13;
	v4 =	vld.idx.msk [tilespmem:v9+s14+$0x0], $0xffff;
	v9 =	vor.u32 v59, v1  }
0x4d1: {  	v13 =	vld.idx.msk [tilespmem:v6+s13+$0x0], $0xffff  }
0x4d2: {  	v2 =	vadd.f32 v3, v2;
	v3 =	vmul.f32 v5, v10;
	v5 =	vld.idx.msk [tilespmem:v6+s14+$0x0], $0xffff;
	v6 =	vor.u32 v42, v1  }
0x4d3: {  	v10 =	vld.idx.msk [tilespmem:v8+s13+$0x0], $0xffff  }
0x4d4: {  	v2 =	vadd.f32 v3, v2;
	v3 =	vmul.f32 v7, v11;
	v7 =	vld.idx.msk [tilespmem:v8+s14+$0x0], $0xffff;
	v8 =	vor.u32 v62, v1  }
0x4d5: {  	v11 =	vld.idx.msk [tilespmem:v9+s13+$0x0], $0xffff  }
0x4d6: {  	v2 =	vadd.f32 v3, v2;
	v3 =	vmul.f32 v4, v12;
	v4 =	vld.idx.msk [tilespmem:v9+s14+$0x0], $0xffff;
	v9 =	vor.u32 v44, v1  }
0x4d7: {  	v12 =	vld.idx.msk [tilespmem:v6+s13+$0x0], $0xffff  }
0x4d8: {  	v2 =	vadd.f32 v3, v2;
	v3 =	vmul.f32 v5, v13;
	v5 =	vld.idx.msk [tilespmem:v6+s14+$0x0], $0xffff  }
0x4d9: {  	v6 =	vor.u32 v47, v1;
	v13 =	vld.idx.msk [tilespmem:v8+s13+$0x0], $0xffff  }
0x4da: {  	v2 =	vadd.f32 v3, v2;
	v3 =	vmul.f32 v7, v10;
	v7 =	vld.idx.msk [tilespmem:v8+s14+$0x0], $0xffff  }
0x4db: {  	v8 =	vor.u32 v50, v1;
	v10 =	vld.idx.msk [tilespmem:v9+s13+$0x0], $0xffff  }
0x4dc: {  	v2 =	vadd.f32 v3, v2;
	v3 =	vmul.f32 v4, v11;
	v4 =	vld.idx.msk [tilespmem:v9+s14+$0x0], $0xffff  }
0x4dd: {  	v9 =	vld [tilespmem:$0x1FFE0]  }
0x4de: {  	v11 =	vld.idx.msk [tilespmem:v6+s13+$0x0], $0xffff  }
0x4df: {  	v2 =	vadd.f32 v3, v2;
	v3 =	vmul.f32 v5, v12;
	v5 =	vld.idx.msk [tilespmem:v6+s14+$0x0], $0xffff  }
0x4e0: {  	v12 =	vld.idx.msk [tilespmem:v8+s13+$0x0], $0xffff  }
0x4e1: {  	v2 =	vadd.f32 v3, v2;
	v3 =	vmul.f32 v7, v13;
	v7 =	vld.idx.msk [tilespmem:v8+s14+$0x0], $0xffff  }
0x4e2: {  	v6 =	vor.u32 v54, v1;
	v8 =	vld [tilespmem:$0x1FFB0]  }
0x4e3: {  	v9 =	vor.u32 v9, v1;
	_ =	sdelay $0x3  }
0x4e4: {  	v2 =	vadd.f32 v3, v2;
	v3 =	vmul.f32 v4, v10;
	v10 =	vld.idx.msk [tilespmem:v6+s13+$0x0], $0xffff;
	v8 =	vor.u32 v8, v1  }
0x4e5: {  	v13 =	vld.idx.msk [tilespmem:v9+s13+$0x0], $0xffff  }
0x4e6: {  	v4 =	vld.idx.msk [tilespmem:v9+s14+$0x0], $0xffff;
	v9 =	vor.u32 v56, v1  }
0x4e7: {  	v2 =	vadd.f32 v3, v2;
	v3 =	vmul.f32 v5, v11;
	v5 =	vld.idx.msk [tilespmem:v6+s14+$0x0], $0xffff  }
0x4e8: {  	v6 =	vld [tilespmem:$0x1FF90]  }
0x4e9: {  	v11 =	vld.idx.msk [tilespmem:v8+s13+$0x0], $0xffff  }
0x4ea: {  	v2 =	vadd.f32 v3, v2;
	v3 =	vmul.f32 v7, v12;
	v7 =	vld.idx.msk [tilespmem:v8+s14+$0x0], $0xffff;
	v8 =	vor.u32 v58, v1  }
0x4eb: {  	v12 =	vld.idx.msk [tilespmem:v9+s13+$0x0], $0xffff  }
0x4ec: {  	v2 =	vadd.f32 v3, v2;
	v3 =	vmul.f32 v4, v13;
	v4 =	vld.idx.msk [tilespmem:v9+s14+$0x0], $0xffff  }
0x4ed: {  	v9 =	vld [tilespmem:$0x1FFA0]  }
0x4ee: {  	v6 =	vor.u32 v6, v1;
	v2 =	vadd.f32 v3, v2;
	v3 =	vmul.f32 v5, v10  }
0x4ef: {  	v10 =	vld.idx.msk [tilespmem:v8+s13+$0x0], $0xffff  }
0x4f0: {  	v2 =	vadd.f32 v3, v2;
	v3 =	vmul.f32 v7, v11;
	v7 =	vld.idx.msk [tilespmem:v8+s14+$0x0], $0xffff  }
0x4f1: {  	v8 =	vld [tilespmem:$0x1FF00]  }
0x4f2: {  	v9 =	vor.u32 v9, v1  }
0x4f3: {  	v13 =	vld.idx.msk [tilespmem:v6+s13+$0x0], $0xffff  }
0x4f4: {  	v5 =	vld.idx.msk [tilespmem:v6+s14+$0x0], $0xffff;
	v6 =	vor.u32 v52, v1;
	_ =	sdelay $0x1  }
0x4f5: {  	v8 =	vor.u32 v8, v1  }
0x4f6: {  	v11 =	vld.idx.msk [tilespmem:v9+s13+$0x0], $0xffff  }
0x4f7: {  	v2 =	vadd.f32 v3, v2;
	v3 =	vmul.f32 v4, v12;
	v4 =	vld.idx.msk [tilespmem:v9+s14+$0x0], $0xffff;
	v9 =	vor.u32 v38, v1  }
0x4f8: {  	v12 =	vld.idx.msk [tilespmem:v6+s13+$0x0], $0xffff  }
0x4f9: {  	v2 =	vadd.f32 v3, v2;
	v3 =	vmul.f32 v5, v13;
	v5 =	vld.idx.msk [tilespmem:v6+s14+$0x0], $0xffff;
	v6 =	vor.u32 v46, v1  }
0x4fa: {  	v13 =	vld.idx.msk [tilespmem:v8+s13+$0x0], $0xffff  }
0x4fb: {  	v2 =	vadd.f32 v3, v2;
	v3 =	vmul.f32 v7, v10;
	v7 =	vld.idx.msk [tilespmem:v8+s14+$0x0], $0xffff;
	v8 =	vor.u32 v49, v1  }
0x4fc: {  	v10 =	vld.idx.msk [tilespmem:v9+s13+$0x0], $0xffff  }
0x4fd: {  	v2 =	vadd.f32 v3, v2;
	v3 =	vmul.f32 v4, v11;
	v4 =	vld.idx.msk [tilespmem:v9+s14+$0x0], $0xffff;
	v9 =	vor.u32 v60, v1  }
0x4fe: {  	v11 =	vld.idx.msk [tilespmem:v6+s13+$0x0], $0xffff  }
0x4ff: {  	v2 =	vadd.f32 v3, v2;
	v3 =	vmul.f32 v5, v12;
	v5 =	vld.idx.msk [tilespmem:v6+s14+$0x0], $0xffff;
	v6 =	vor.u32 v0, v1  }
0x500: {  	v12 =	vld.idx.msk [tilespmem:v8+s13+$0x0], $0xffff  }
0x501: {  	v2 =	vadd.f32 v3, v2;
	v3 =	vmul.f32 v7, v13;
	v7 =	vld.idx.msk [tilespmem:v8+s14+$0x0], $0xffff;
	v8 =	vor.u32 v15, v1  }
0x502: {  	v13 =	vld.idx.msk [tilespmem:v9+s13+$0x0], $0xffff  }
0x503: {  	v2 =	vadd.f32 v3, v2;
	v3 =	vmul.f32 v4, v10;
	v4 =	vld.idx.msk [tilespmem:v9+s14+$0x0], $0xffff  }
0x504: {  	v9 =	vor.u32 v17, v1;
	v10 =	vld.idx.msk [tilespmem:v6+s13+$0x0], $0xffff  }
0x505: {  	v2 =	vadd.f32 v3, v2;
	v3 =	vmul.f32 v5, v11;
	v5 =	vld.idx.msk [tilespmem:v6+s14+$0x0], $0xffff  }
0x506: {  	v11 =	vld.idx.msk [tilespmem:v8+s13+$0x0], $0xffff  }
0x507: {  	v2 =	vadd.f32 v3, v2;
	v3 =	vmul.f32 v7, v12;
	v7 =	vld.idx.msk [tilespmem:v8+s14+$0x0], $0xffff;
	v8 =	vor.u32 v21, v1;
	_ =	sdelay $0x1  }
0x508: {  	v12 =	vld.idx.msk [tilespmem:v9+s13+$0x0], $0xffff;
	v2 =	vadd.f32 v3, v2;
	v3 =	vmul.f32 v4, v13  }
0x509: {  	v4 =	vld.idx.msk [tilespmem:v9+s14+$0x0], $0xffff  }
0x50a: {  	v6 =	vor.u32 v19, v1;
	v9 =	vld [tilespmem:$0x1FED0];
	v2 =	vadd.f32 v3, v2;
	v3 =	vmul.f32 v5, v10  }
0x50b: {  	v10 =	vld.idx.msk [tilespmem:v8+s13+$0x0], $0xffff  }
0x50c: {  	v2 =	vadd.f32 v3, v2;
	v3 =	vmul.f32 v7, v11;
	v7 =	vld.idx.msk [tilespmem:v8+s14+$0x0], $0xffff  }
0x50d: {  	v8 =	vld [tilespmem:$0x1FF70];
	_ =	sdelay $0x1  }
0x50e: {  	v13 =	vld.idx.msk [tilespmem:v6+s13+$0x0], $0xffff  }
0x50f: {  	v5 =	vld.idx.msk [tilespmem:v6+s14+$0x0], $0xffff  }
0x510: {  	v6 =	vld [tilespmem:$0x1FEE0];
	v9 =	vor.u32 v9, v1  }
0x511: {  	v8 =	vor.u32 v8, v1;
	_ =	sdelay $0x1  }
0x512: {  	v2 =	vadd.f32 v3, v2;
	v3 =	vmul.f32 v4, v12;
	_ =	sdelay $0x1  }
0x513: {  	v6 =	vor.u32 v6, v1;
	v2 =	vadd.f32 v3, v2;
	v3 =	vmul.f32 v5, v13;
	v11 =	vld.idx.msk [tilespmem:v9+s13+$0x0], $0xffff  }
0x514: {  	v13 =	vld.idx.msk [tilespmem:v8+s13+$0x0], $0xffff  }
0x515: {  	v2 =	vadd.f32 v3, v2;
	v3 =	vmul.f32 v7, v10;
	v7 =	vld.idx.msk [tilespmem:v8+s14+$0x0], $0xffff  }
0x516: {  	v8 =	vld [tilespmem:$0x1FF80]  }
0x517: {  	v4 =	vld.idx.msk [tilespmem:v9+s14+$0x0], $0xffff;
	v9 =	vor.u32 v41, v1  }
0x518: {  	v12 =	vld.idx.msk [tilespmem:v6+s13+$0x0], $0xffff  }
0x519: {  	v5 =	vld.idx.msk [tilespmem:v6+s14+$0x0], $0xffff;
	v6 =	vor.u32 v27, v1;
	_ =	sdelay $0x1  }
0x51a: {  	v8 =	vor.u32 v8, v1  }
0x51b: {  	v10 =	vld.idx.msk [tilespmem:v9+s13+$0x0], $0xffff  }
0x51c: {  	v2 =	vadd.f32 v3, v2;
	v3 =	vmul.f32 v4, v11;
	v4 =	vld.idx.msk [tilespmem:v9+s14+$0x0], $0xffff  }
0x51d: {  	v11 =	vld.idx.msk [tilespmem:v6+s13+$0x0], $0xffff  }
0x51e: {  	v2 =	vadd.f32 v3, v2;
	v3 =	vmul.f32 v5, v12;
	v5 =	vld.idx.msk [tilespmem:v6+s14+$0x0], $0xffff  }
0x51f: {  	v12 =	vld.idx.msk [tilespmem:v8+s13+$0x0], $0xffff  }
0x520: {  	v2 =	vadd.f32 v3, v2;
	v3 =	vmul.f32 v7, v13;
	v7 =	vld.idx.msk [tilespmem:v8+s14+$0x0], $0xffff;
	v8 =	vor.u32 v33, v1;
	_ =	sdelay $0x1  }
0x521: {  	v2 =	vadd.f32 v3, v2;
	v3 =	vmul.f32 v4, v10  }
0x522: {  	v9 =	vor.u32 v29, v1  }
0x523: {  	v2 =	vadd.f32 v3, v2;
	v3 =	vmul.f32 v5, v11  }
0x524: {  	v6 =	vor.u32 v31, v1;
	v11 =	vld.idx.msk [tilespmem:v8+s13+$0x0], $0xffff  }
0x525: {  	v2 =	vadd.f32 v3, v2;
	v3 =	vmul.f32 v7, v12;
	v7 =	vld.idx.msk [tilespmem:v8+s14+$0x0], $0xffff  }
0x526: {  	v8 =	vld [tilespmem:$0x1FF60]  }
0x527: {  	v13 =	vld.idx.msk [tilespmem:v9+s13+$0x0], $0xffff  }
0x528: {  	v4 =	vld.idx.msk [tilespmem:v9+s14+$0x0], $0xffff  }
0x529: {  	v10 =	vld.idx.msk [tilespmem:v6+s13+$0x0], $0xffff  }
0x52a: {  	v9 =	vor.u32 v35, v1;
	v5 =	vld.idx.msk [tilespmem:v6+s14+$0x0], $0xffff  }
0x52b: {  	v8 =	vor.u32 v8, v1;
	_ =	sdelay $0x1  }
0x52c: {  	v2 =	vadd.f32 v3, v2;
	v3 =	vmul.f32 v4, v13;
	_ =	sdelay $0x1  }
0x52d: {  	v6 =	vor.u32 v61, v1;
	v12 =	vld.idx.msk [tilespmem:v9+s13+$0x0], $0xffff;
	v2 =	vadd.f32 v3, v2;
	v3 =	vmul.f32 v5, v10  }
0x52e: {  	v10 =	vld.idx.msk [tilespmem:v8+s13+$0x0], $0xffff  }
0x52f: {  	v2 =	vadd.f32 v3, v2;
	v3 =	vmul.f32 v7, v11;
	v7 =	vld.idx.msk [tilespmem:v8+s14+$0x0], $0xffff  }
0x530: {  	v8 =	vld [tilespmem:$0x1FF20]  }
0x531: {  	v4 =	vld.idx.msk [tilespmem:v9+s14+$0x0], $0xffff;
	v9 =	vor.u32 v39, v1  }
0x532: {  	v13 =	vld.idx.msk [tilespmem:v6+s13+$0x0], $0xffff  }
0x533: {  	v5 =	vld.idx.msk [tilespmem:v6+s14+$0x0], $0xffff;
	v6 =	vor.u32 v63, v1;
	_ =	sdelay $0x1  }
0x534: {  	v8 =	vor.u32 v8, v1  }
0x535: {  	v11 =	vld.idx.msk [tilespmem:v9+s13+$0x0], $0xffff;
	v2 =	vadd.f32 v3, v2;
	v3 =	vmul.f32 v4, v12  }
0x536: {  	v4 =	vld.idx.msk [tilespmem:v9+s14+$0x0], $0xffff;
	v9 =	vor.u32 v48, v1  }
0x537: {  	v12 =	vld.idx.msk [tilespmem:v6+s13+$0x0], $0xffff;
	v2 =	vadd.f32 v3, v2;
	v3 =	vmul.f32 v5, v13  }
0x538: {  	v5 =	vld.idx.msk [tilespmem:v6+s14+$0x0], $0xffff  }
0x539: {  	v2 =	vadd.f32 v3, v2;
	v3 =	vmul.f32 v7, v10;
	v6 =	vld.idx.msk [tilespmem:v8+s13+$0x0], $0xffff  }
0x53a: {  	v1 =	vor.u32 v23, v1;
	v7 =	vld.idx.msk [tilespmem:v8+s14+$0x0], $0xffff  }
0x53b: {  	v4 =	vmul.f32 v4, v11;
	v3 =	vadd.f32 v3, v2;
	v8 =	vld.idx.msk [tilespmem:v9+s13+$0x0], $0xffff  }
0x53c: {  	p0 =	sne.s32 s19, $0xF0;
	v9 =	vld.idx.msk [tilespmem:v9+s14+$0x0], $0xffff  }
.Ltmp3:
0x53d: {  	v5 =	vmul.f32 v5, v12;
	v4 =	vadd.f32 v4, v3;
	(pc) =	sbr.rel @p0 .LBB2_8-.Ltmp3, $4  }
0x53e: {  	_ = 	snop  }
0x53f: {  	v2 =	vld.idx.msk [tilespmem:v1+s13+$0x0], $0xffff;
	v4 =	vadd.f32 v5, v4;
	v5 =	vmul.f32 v7, v6  }
0x540: {  	v13 =	vlaneseq.u32;
	v3 =	vld.idx.msk [tilespmem:v1+s14+$0x0], $0xffff;
	v1 =	vmov s19  }
0x541: {  	s17 =	smov.u32 s18;
	s18 =	smov.u32 s19;
	s19 =	sadd.s32 $0x10, s19;
	v1 =	vshll.u32 v1, $0x7;
	v4 =	vadd.f32 v5, v4;
	v5 =	vmul.f32 v9, v8  }
0x542: {  	_ =	sdelay $0x1  }
0x543: {  	v1 =	vor.u32 v14, v1  }
0x544: {  	v6 =	vor.u32 v13, v1;
	v4 =	vadd.f32 v5, v4;
	v2 =	vmul.f32 v3, v2;
	_ =	sdelay $0x1  }
0x545: {  	v3 =	vor.u32 v37, v1;
	v2 =	vadd.f32 v2, v4  }
0x546: {  	s0 =	sand.u32 $0xF0, s17  }
0x547: {  	v37 =	vor.u32 v53, v1;
	[tilespmem:s0+$0x10600] =	vst v2  }
0x548: {  	v4 =	vor.u32 v16, v1;
	v2 =	vld.idx.msk [tilespmem:v6+s14+$0x0], $0xffff  }
0x549: {  	v5 =	vld.idx.msk [tilespmem:v6+s13+$0x0], $0xffff  }
0x54a: {  	v8 =	vor.u32 v18, v1;
	v7 =	vld.idx.msk [tilespmem:v3+s13+$0x0], $0xffff  }
0x54b: {  	v3 =	vld.idx.msk [tilespmem:v3+s14+$0x0], $0xffff  }
0x54c: {  	v11 =	vld.idx.msk [tilespmem:v37+s13+$0x0], $0xffff  }
0x54d: {  	v10 =	vor.u32 v45, v1;
	v9 =	vld.idx.msk [tilespmem:v4+s13+$0x0], $0xffff  }
0x54e: {  	v4 =	vld.idx.msk [tilespmem:v4+s14+$0x0], $0xffff  }
0x54f: {  	v16 =	vmov v53;
	v53 =	vor.u32 v20, v1;
	v12 =	vld.idx.msk [tilespmem:v8+s13+$0x0], $0xffff;
	v2 =	vmul.f32 v2, v5  }
0x550: {  	v5 =	vld.idx.msk [tilespmem:v37+s14+$0x0], $0xffff  }
0x551: {  	v3 =	vmul.f32 v3, v7;
	v7 =	vld.idx.msk [tilespmem:v8+s14+$0x0], $0xffff;
	v8 =	vor.u32 v55, v1;
	v2 =	vadd.f32 $0.0e+00, v2  }
0x552: {  	v37 =	vld.idx.msk [tilespmem:v10+s13+$0x0], $0xffff  }
0x553: {  	v4 =	vmul.f32 v4, v9;
	v9 =	vld.idx.msk [tilespmem:v10+s14+$0x0], $0xffff;
	v10 =	vor.u32 v22, v1;
	v2 =	vadd.f32 v3, v2  }
0x554: {  	v18 =	vmov v45;
	v45 =	vld.idx.msk [tilespmem:v53+s13+$0x0], $0xffff  }
0x555: {  	v6 =	vld.idx.msk [tilespmem:v53+s14+$0x0], $0xffff;
	v5 =	vmul.f32 v5, v11;
	v11 =	vor.u32 v57, v1;
	v2 =	vadd.f32 v4, v2  }
0x556: {  	v53 =	vld.idx.msk [tilespmem:v8+s13+$0x0], $0xffff  }
0x557: {  	v7 =	vmul.f32 v7, v12;
	v8 =	vld.idx.msk [tilespmem:v8+s14+$0x0], $0xffff;
	v12 =	vor.u32 v24, v1;
	v2 =	vadd.f32 v5, v2  }
0x558: {  	v3 =	vmul.f32 v9, v37;
	v9 =	vld.idx.msk [tilespmem:v10+s14+$0x0], $0xffff  }
0x559: {  	v2 =	vadd.f32 v7, v2;
	v7 =	vld.idx.msk [tilespmem:v10+s13+$0x0], $0xffff;
	v10 =	vor.u32 v51, v1  }
0x55a: {  	v22 =	vmov v57;
	v57 =	vld.idx.msk [tilespmem:v11+s13+$0x0], $0xffff  }
0x55b: {  	v4 =	vmul.f32 v6, v45;
	v45 =	vld.idx.msk [tilespmem:v11+s14+$0x0], $0xffff  }
0x55c: {  	v37 =	vmov v51;
	v51 =	vld.idx.msk [tilespmem:v12+s13+$0x0], $0xffff  }
0x55d: {  	v11 =	vor.u32 v26, v1;
	v5 =	vmul.f32 v8, v53;
	v8 =	vld.idx.msk [tilespmem:v12+s14+$0x0], $0xffff;
	v2 =	vadd.f32 v3, v2  }
0x55e: {  	v12 =	vor.u32 v43, v1;
	v53 =	vld.idx.msk [tilespmem:v10+s13+$0x0], $0xffff  }
0x55f: {  	v2 =	vadd.f32 v4, v2;
	v7 =	vmul.f32 v9, v7;
	v9 =	vld.idx.msk [tilespmem:v10+s14+$0x0], $0xffff  }
0x560: {  	v10 =	vor.u32 v28, v1;
	v28 =	vld [tilespmem:$0x1FF40]  }
0x561: {  	v2 =	vadd.f32 v5, v2  }
0x562: {  	v3 =	vmul.f32 v45, v57;
	v45 =	vld.idx.msk [tilespmem:v11+s14+$0x0], $0xffff  }
0x563: {  	v4 =	vmul.f32 v8, v51;
	v8 =	vld.idx.msk [tilespmem:v12+s14+$0x0], $0xffff;
	v2 =	vadd.f32 v7, v2  }
0x564: {  	v7 =	vld.idx.msk [tilespmem:v11+s13+$0x0], $0xffff  }
0x565: {  	v11 =	vor.u32 v28, v1;
	v2 =	vadd.f32 v3, v2;
	v3 =	vld.idx.msk [tilespmem:v12+s13+$0x0], $0xffff  }
0x566: {  	v57 =	vld.idx.msk [tilespmem:v10+s13+$0x0], $0xffff  }
0x567: {  	v12 =	vor.u32 v30, v1;
	v5 =	vmul.f32 v9, v53;
	v9 =	vld.idx.msk [tilespmem:v10+s14+$0x0], $0xffff  }
0x568: {  	v51 =	vmov v25;
	v10 =	vor.u32 v25, v1;
	v25 =	vld [tilespmem:$0x1FFF0];
	v2 =	vadd.f32 v4, v2  }
0x569: {  	v30 =	vld [tilespmem:$0x1FFB0]  }
0x56a: {  	v2 =	vadd.f32 v5, v2;
	v5 =	vld.idx.msk [tilespmem:v11+s13+$0x0], $0xffff  }
0x56b: {  	v6 =	vmul.f32 v45, v7;
	v45 =	vld.idx.msk [tilespmem:v11+s14+$0x0], $0xffff;
	v11 =	vor.u32 v32, v1  }
0x56c: {  	v3 =	vmul.f32 v8, v3;
	v8 =	vld.idx.msk [tilespmem:v12+s14+$0x0], $0xffff  }
0x56d: {  	v2 =	vadd.f32 v6, v2;
	v6 =	vld.idx.msk [tilespmem:v12+s13+$0x0], $0xffff;
	v12 =	vor.u32 v25, v1  }
0x56e: {  	v53 =	vld.idx.msk [tilespmem:v10+s13+$0x0], $0xffff  }
0x56f: {  	v4 =	vmul.f32 v9, v57;
	v9 =	vld.idx.msk [tilespmem:v10+s14+$0x0], $0xffff;
	v10 =	vor.u32 v34, v1  }
0x570: {  	v57 =	vld.idx.msk [tilespmem:v11+s13+$0x0], $0xffff  }
0x571: {  	v32 =	vld.idx.msk [tilespmem:v11+s14+$0x0], $0xffff;
	v11 =	vor.u32 v40, v1  }
0x572: {  	v34 =	vld.idx.msk [tilespmem:v12+s13+$0x0], $0xffff  }
0x573: {  	v6 =	vmul.f32 v8, v6;
	v8 =	vld.idx.msk [tilespmem:v12+s14+$0x0], $0xffff;
	v12 =	vor.u32 v36, v1  }
0x574: {  	v2 =	vadd.f32 v3, v2;
	v3 =	vmul.f32 v9, v53;
	v9 =	vld.idx.msk [tilespmem:v10+s14+$0x0], $0xffff  }
0x575: {  	v36 =	vld.idx.msk [tilespmem:v10+s13+$0x0], $0xffff;
	v10 =	vor.u32 v59, v1  }
0x576: {  	v5 =	vmul.f32 v45, v5;
	v45 =	vmov v40;
	v40 =	vld.idx.msk [tilespmem:v11+s13+$0x0], $0xffff  }
0x577: {  	v2 =	vadd.f32 v4, v2;
	v53 =	vld.idx.msk [tilespmem:v11+s14+$0x0], $0xffff;
	v11 =	vor.u32 v42, v1  }
0x578: {  	v4 =	vmul.f32 v32, v57;
	v57 =	vld.idx.msk [tilespmem:v12+s13+$0x0], $0xffff  }
0x579: {  	v2 =	vadd.f32 v5, v2;
	v5 =	vmul.f32 v8, v34;
	v8 =	vld.idx.msk [tilespmem:v12+s14+$0x0], $0xffff  }
0x57a: {  	v12 =	vor.u32 v62, v1;
	v32 =	vld.idx.msk [tilespmem:v10+s13+$0x0], $0xffff  }
0x57b: {  	v2 =	vadd.f32 v6, v2;
	v6 =	vmul.f32 v9, v36;
	v9 =	vld.idx.msk [tilespmem:v10+s14+$0x0], $0xffff  }
0x57c: {  	v10 =	vor.u32 v44, v1;
	v34 =	vld.idx.msk [tilespmem:v11+s13+$0x0], $0xffff  }
0x57d: {  	v36 =	vld.idx.msk [tilespmem:v11+s14+$0x0], $0xffff  }
0x57e: {  	v2 =	vadd.f32 v3, v2;
	v3 =	vmul.f32 v53, v40;
	v11 =	vor.u32 v47, v1;
	v53 =	vld [tilespmem:$0x1FFE0]  }
0x57f: {  	v40 =	vld.idx.msk [tilespmem:v12+s13+$0x0], $0xffff  }
0x580: {  	v2 =	vadd.f32 v4, v2;
	v4 =	vmul.f32 v8, v57;
	v8 =	vld.idx.msk [tilespmem:v12+s14+$0x0], $0xffff;
	v12 =	vor.u32 v50, v1  }
0x581: {  	v42 =	vld.idx.msk [tilespmem:v10+s13+$0x0], $0xffff  }
0x582: {  	v2 =	vadd.f32 v5, v2;
	v5 =	vmul.f32 v9, v32;
	v9 =	vld.idx.msk [tilespmem:v10+s14+$0x0], $0xffff  }
0x583: {  	v10 =	vor.u32 v53, v1;
	v44 =	vld.idx.msk [tilespmem:v11+s13+$0x0], $0xffff  }
0x584: {  	v2 =	vadd.f32 v6, v2;
	v50 =	vld.idx.msk [tilespmem:v11+s14+$0x0], $0xffff  }
0x585: {  	v11 =	vor.u32 v54, v1;
	v54 =	vld.idx.msk [tilespmem:v12+s13+$0x0], $0xffff  }
0x586: {  	v2 =	vadd.f32 v3, v2;
	v3 =	vmul.f32 v8, v40;
	v8 =	vld.idx.msk [tilespmem:v12+s14+$0x0], $0xffff  }
0x587: {  	v40 =	vld [tilespmem:$0x1FF90]  }
0x588: {  	v2 =	vadd.f32 v4, v2;
	v12 =	vor.u32 v30, v1;
	v57 =	vld.idx.msk [tilespmem:v10+s13+$0x0], $0xffff  }
0x589: {  	v4 =	vmul.f32 v9, v42;
	v9 =	vld.idx.msk [tilespmem:v10+s14+$0x0], $0xffff  }
0x58a: {  	v6 =	vmul.f32 v36, v34;
	v2 =	vadd.f32 v5, v2;
	v10 =	vor.u32 v56, v1;
	v32 =	vld.idx.msk [tilespmem:v11+s13+$0x0], $0xffff  }
0x58b: {  	v34 =	vld.idx.msk [tilespmem:v11+s14+$0x0], $0xffff  }
0x58c: {  	v26 =	vld [tilespmem:$0x1FFA0];
	v2 =	vadd.f32 v6, v2  }
0x58d: {  	v11 =	vor.u32 v40, v1;
	v36 =	vld.idx.msk [tilespmem:v12+s13+$0x0], $0xffff  }
0x58e: {  	v6 =	vmul.f32 v8, v54;
	v8 =	vld.idx.msk [tilespmem:v12+s14+$0x0], $0xffff;
	v2 =	vadd.f32 v3, v2  }
0x58f: {  	v12 =	vor.u32 v58, v1;
	v42 =	vld.idx.msk [tilespmem:v10+s13+$0x0], $0xffff  }
0x590: {  	v2 =	vadd.f32 v4, v2;
	v4 =	vmul.f32 v34, v32;
	v34 =	vld [tilespmem:$0x1FF00]  }
0x591: {  	v3 =	vmul.f32 v9, v57;
	v9 =	vld.idx.msk [tilespmem:v10+s14+$0x0], $0xffff;
	v10 =	vor.u32 v26, v1  }
0x592: {  	v5 =	vmul.f32 v50, v44;
	v44 =	vld.idx.msk [tilespmem:v11+s13+$0x0], $0xffff  }
0x593: {  	v50 =	vld.idx.msk [tilespmem:v11+s14+$0x0], $0xffff;
	v11 =	vor.u32 v52, v1  }
0x594: {  	v2 =	vadd.f32 v5, v2;
	v54 =	vld.idx.msk [tilespmem:v12+s13+$0x0], $0xffff  }
0x595: {  	v5 =	vmul.f32 v8, v36;
	v8 =	vld.idx.msk [tilespmem:v12+s14+$0x0], $0xffff;
	v12 =	vor.u32 v34, v1  }
0x596: {  	v2 =	vadd.f32 v6, v2;
	v56 =	vld.idx.msk [tilespmem:v10+s13+$0x0], $0xffff  }
0x597: {  	v6 =	vmul.f32 v9, v42;
	v9 =	vld.idx.msk [tilespmem:v10+s14+$0x0], $0xffff;
	v10 =	vor.u32 v38, v1  }
0x598: {  	v2 =	vadd.f32 v3, v2;
	v57 =	vld.idx.msk [tilespmem:v11+s13+$0x0], $0xffff  }
0x599: {  	v58 =	vld.idx.msk [tilespmem:v11+s14+$0x0], $0xffff;
	v11 =	vor.u32 v46, v1  }
0x59a: {  	v2 =	vadd.f32 v4, v2;
	v32 =	vld.idx.msk [tilespmem:v12+s13+$0x0], $0xffff  }
0x59b: {  	v4 =	vmul.f32 v8, v54;
	v8 =	vld.idx.msk [tilespmem:v12+s14+$0x0], $0xffff  }
0x59c: {  	v2 =	vadd.f32 v5, v2;
	v12 =	vor.u32 v49, v1;
	v36 =	vld.idx.msk [tilespmem:v10+s13+$0x0], $0xffff  }
0x59d: {  	v5 =	vmul.f32 v9, v56;
	v9 =	vld.idx.msk [tilespmem:v10+s14+$0x0], $0xffff  }
0x59e: {  	v3 =	vmul.f32 v50, v44;
	v10 =	vor.u32 v60, v1;
	v2 =	vadd.f32 v6, v2;
	v38 =	vld.idx.msk [tilespmem:v11+s13+$0x0], $0xffff  }
0x59f: {  	v42 =	vld.idx.msk [tilespmem:v11+s14+$0x0], $0xffff  }
0x5a0: {  	v6 =	vmul.f32 v58, v57;
	v57 =	vld [tilespmem:$0x1FF70];
	v2 =	vadd.f32 v3, v2  }
0x5a1: {  	v11 =	vor.u32 v0, v1;
	v44 =	vld.idx.msk [tilespmem:v12+s13+$0x0], $0xffff  }
0x5a2: {  	v2 =	vadd.f32 v4, v2;
	v3 =	vmul.f32 v8, v32;
	v8 =	vld.idx.msk [tilespmem:v12+s14+$0x0], $0xffff  }
0x5a3: {  	v12 =	vor.u32 v15, v1;
	v46 =	vld.idx.msk [tilespmem:v10+s13+$0x0], $0xffff  }
0x5a4: {  	v4 =	vmul.f32 v9, v36;
	v9 =	vld.idx.msk [tilespmem:v10+s14+$0x0], $0xffff;
	v2 =	vadd.f32 v5, v2  }
0x5a5: {  	v15 =	vld [tilespmem:$0x1FED0]  }
0x5a6: {  	v49 =	vld.idx.msk [tilespmem:v11+s13+$0x0], $0xffff;
	v2 =	vadd.f32 v6, v2  }
0x5a7: {  	v10 =	vor.u32 v17, v1;
	v50 =	vld.idx.msk [tilespmem:v11+s14+$0x0], $0xffff  }
0x5a8: {  	v52 =	vld.idx.msk [tilespmem:v12+s13+$0x0], $0xffff;
	v2 =	vadd.f32 v3, v2  }
0x5a9: {  	v11 =	vor.u32 v19, v1;
	v6 =	vmul.f32 v8, v44;
	v8 =	vld.idx.msk [tilespmem:v12+s14+$0x0], $0xffff  }
0x5aa: {  	v5 =	vmul.f32 v42, v38;
	v12 =	vor.u32 v21, v1;
	v21 =	vld [tilespmem:$0x1FEE0];
	v2 =	vadd.f32 v4, v2  }
0x5ab: {  	v17 =	vld [tilespmem:$0x1FF80]  }
0x5ac: {  	v54 =	vld.idx.msk [tilespmem:v10+s13+$0x0], $0xffff;
	v2 =	vadd.f32 v5, v2  }
0x5ad: {  	v3 =	vmul.f32 v9, v46;
	v9 =	vld.idx.msk [tilespmem:v10+s14+$0x0], $0xffff;
	v10 =	vor.u32 v15, v1  }
0x5ae: {  	v60 =	vld.idx.msk [tilespmem:v11+s13+$0x0], $0xffff;
	v2 =	vadd.f32 v6, v2  }
0x5af: {  	v32 =	vld.idx.msk [tilespmem:v11+s14+$0x0], $0xffff;
	v11 =	vor.u32 v21, v1  }
0x5b0: {  	v4 =	vmul.f32 v50, v49;
	v36 =	vld.idx.msk [tilespmem:v12+s13+$0x0], $0xffff;
	v2 =	vadd.f32 v3, v2  }
0x5b1: {  	v5 =	vmul.f32 v8, v52;
	v8 =	vld.idx.msk [tilespmem:v12+s14+$0x0], $0xffff;
	v12 =	vor.u32 v57, v1  }
0x5b2: {  	v38 =	vld.idx.msk [tilespmem:v10+s13+$0x0], $0xffff;
	v2 =	vadd.f32 v4, v2  }
0x5b3: {  	v6 =	vmul.f32 v9, v54;
	v9 =	vld.idx.msk [tilespmem:v10+s14+$0x0], $0xffff  }
0x5b4: {  	v10 =	vor.u32 v41, v1;
	v41 =	vld.idx.msk [tilespmem:v11+s13+$0x0], $0xffff;
	v2 =	vadd.f32 v5, v2  }
0x5b5: {  	v42 =	vld.idx.msk [tilespmem:v11+s14+$0x0], $0xffff  }
0x5b6: {  	v3 =	vmul.f32 v32, v60;
	v44 =	vld.idx.msk [tilespmem:v12+s13+$0x0], $0xffff;
	v2 =	vadd.f32 v6, v2  }
0x5b7: {  	v11 =	vor.u32 v27, v1;
	v27 =	vld [tilespmem:$0x1FF60]  }
0x5b8: {  	v4 =	vmul.f32 v8, v36;
	v8 =	vld.idx.msk [tilespmem:v12+s14+$0x0], $0xffff;
	v2 =	vadd.f32 v3, v2  }
0x5b9: {  	v12 =	vor.u32 v17, v1;
	v49 =	vld.idx.msk [tilespmem:v10+s13+$0x0], $0xffff  }
0x5ba: {  	v46 =	vmul.f32 v9, v38;
	v9 =	vld.idx.msk [tilespmem:v10+s14+$0x0], $0xffff;
	v2 =	vadd.f32 v4, v2  }
0x5bb: {  	v10 =	vor.u32 v29, v1;
	v29 =	vld [tilespmem:$0x1FF20]  }
0x5bc: {  	v50 =	vmul.f32 v42, v41;
	v52 =	vld.idx.msk [tilespmem:v11+s13+$0x0], $0xffff;
	v2 =	vadd.f32 v46, v2  }
0x5bd: {  	v54 =	vld.idx.msk [tilespmem:v11+s14+$0x0], $0xffff;
	v11 =	vor.u32 v31, v1  }
0x5be: {  	v56 =	vld.idx.msk [tilespmem:v12+s13+$0x0], $0xffff;
	v3 =	vmul.f32 v8, v44;
	v2 =	vadd.f32 v50, v2  }
0x5bf: {  	v8 =	vld.idx.msk [tilespmem:v12+s14+$0x0], $0xffff;
	v12 =	vor.u32 v33, v1  }
0x5c0: {  	v58 =	vmul.f32 v9, v49;
	v60 =	vld.idx.msk [tilespmem:v10+s13+$0x0], $0xffff;
	v2 =	vadd.f32 v3, v2  }
0x5c1: {  	v9 =	vld.idx.msk [tilespmem:v10+s14+$0x0], $0xffff;
	v10 =	vor.u32 v35, v1  }
0x5c2: {  	v32 =	vld.idx.msk [tilespmem:v11+s13+$0x0], $0xffff;
	v6 =	vmul.f32 v54, v52;
	v2 =	vadd.f32 v58, v2  }
0x5c3: {  	v33 =	vld.idx.msk [tilespmem:v11+s14+$0x0], $0xffff;
	v11 =	vor.u32 v61, v1  }
0x5c4: {  	v35 =	vld.idx.msk [tilespmem:v12+s13+$0x0], $0xffff;
	v4 =	vmul.f32 v8, v56;
	v2 =	vadd.f32 v6, v2  }
0x5c5: {  	v8 =	vld.idx.msk [tilespmem:v12+s14+$0x0], $0xffff;
	v12 =	vor.u32 v27, v1  }
0x5c6: {  	v36 =	vmul.f32 v9, v60;
	v38 =	vld.idx.msk [tilespmem:v10+s13+$0x0], $0xffff;
	v2 =	vadd.f32 v4, v2  }
0x5c7: {  	v14 =	vor.u32 v39, v1;
	v9 =	vld.idx.msk [tilespmem:v10+s14+$0x0], $0xffff  }
0x5c8: {  	v41 =	vld.idx.msk [tilespmem:v11+s13+$0x0], $0xffff;
	v3 =	vmul.f32 v33, v32;
	v2 =	vadd.f32 v36, v2  }
0x5c9: {  	v10 =	vor.u32 v63, v1;
	v42 =	vld.idx.msk [tilespmem:v11+s14+$0x0], $0xffff  }
0x5ca: {  	v44 =	vld.idx.msk [tilespmem:v12+s13+$0x0], $0xffff;
	v6 =	vmul.f32 v8, v35;
	v2 =	vadd.f32 v3, v2  }
0x5cb: {  	v11 =	vor.u32 v29, v1;
	v8 =	vld.idx.msk [tilespmem:v12+s14+$0x0], $0xffff  }
0x5cc: {  	v46 =	vld.idx.msk [tilespmem:v14+s13+$0x0], $0xffff;
	v5 =	vmul.f32 v9, v38;
	v2 =	vadd.f32 v6, v2  }
0x5cd: {  	v9 =	vor.u32 v48, v1;
	v12 =	vld.idx.msk [tilespmem:v14+s14+$0x0], $0xffff  }
0x5ce: {  	v49 =	vld.idx.msk [tilespmem:v10+s13+$0x0], $0xffff;
	v4 =	vmul.f32 v42, v41;
	v2 =	vadd.f32 v5, v2  }
0x5cf: {  	v50 =	vld.idx.msk [tilespmem:v10+s14+$0x0], $0xffff;
	v1 =	vor.u32 v23, v1  }
0x5d0: {  	v52 =	vld.idx.msk [tilespmem:v11+s13+$0x0], $0xffff;
	v3 =	vmul.f32 v8, v44;
	v2 =	vadd.f32 v4, v2  }
0x5d1: {  	v8 =	vld.idx.msk [tilespmem:v11+s14+$0x0], $0xffff  }
0x5d2: {  	v54 =	vld.idx.msk [tilespmem:v9+s13+$0x0], $0xffff;
	v10 =	vmul.f32 v12, v46;
	v2 =	vadd.f32 v3, v2  }
0x5d3: {  	v56 =	vld.idx.msk [tilespmem:v9+s14+$0x0], $0xffff  }
0x5d4: {  	v58 =	vmul.f32 v50, v49;
	v60 =	vld.idx.msk [tilespmem:v1+s13+$0x0], $0xffff;
	v9 =	vadd.f32 v10, v2  }
0x5d5: {  	v1 =	vld.idx.msk [tilespmem:v1+s14+$0x0], $0xffff  }
0x5d6: {  	v61 =	vmul.f32 v8, v52;
	v7 =	vadd.f32 v58, v9;
	_ =	sdelay $0x1  }
0x5d7: {  	v63 =	vmul.f32 v56, v54;
	v4 =	vadd.f32 v61, v7;
	_ =	sdelay $0x1  }
0x5d8: {  	v1 =	vmul.f32 v1, v60;
	v2 =	vadd.f32 v63, v4;
	_ =	sdelay $0x1  }
0x5d9: {  	v1 =	vadd.f32 v1, v2  }
0x5da: {  	s29 =	sand.u32 $0xF0, s18  }
0x5db: {  	s30 =	rddreg [dreg:$0x7];
	s2 =	simm.s32 $0x10500;
	[tilespmem:s29+$0x10600] =	vst v1  }
0x5dc: {  	[hbm4b:s30+s9] =	stream.strided.scatter [tilespmem:s2], [sflag:$0x2], $0x200, s10, s9, $0x38;
	[tilespmem:$0x10700] =	vst v63  }
0x5dd: {  	_ =	swait.ge [sflag:s11], $0x200  }
0x5de: {  	s16 =	sadd.s32 $0x1, s16;
	s31 =	rddreg [dreg:$0x8]  }
0x5df: {  	p0 =	sne.s32 s16, s31  }
.Ltmp4:
0x5e0: {  	_ = 	snop;
	(pc) =	sbr.rel @p0 .LBB2_1-.Ltmp4, $4  }
0x5e1: {  	_ = 	snop  }
0x5e2: {  	v24 =	vmovc v22;
	v20 =	vmov v37;
	v14 =	vmov v45;
	v11 =	vmov v62  }
0x5e3: {  	v62 =	vmovc v47;
	v56 =	vmovc v55;
	v54 =	vmov v43;
	v10 =	vmov v18;
	v18 =	vmov v28;
	[sflag:s11] =	ssyncset.done $0x0  }
0x5e4: {  	v28 =	vmovc v40;
	v58 =	vmovc v25;
	v61 =	vmov v16;
	v16 =	vmov v51;
	v63 =	vmov v17;
	v44 =	vld [tilespmem:$0x1FEF0];
	[sflag:s11] =	ssyncadd.s32 $0xFFFFFE00  }
0x5e5: {  	_ =	sfence.sel $0x180000  }
0x5e6: {  	[bflag:$0x0] =	sbarrier.arrive $0xFFFF  }
0x5e7: {  	_ =	strace $0x90000047  }
0x5e8: {  	s0 =	stileid.u32;
	[bflag:$0x2] =	sbarrier.arrive $0xFFFF  }
0x5e9: {  	p0 =	sne.s32 s0, $0x0;
	s0 =	rddreg [dreg:$0x4]  }
0x5ea: {  	s0 =	sadd.s32 @!p0 $0x100000, s0  }
0x5eb: {  	[sflag:s0] =	ssyncadd.tile.s32 @!p0 $0x1;
	_ =	shalt  }
.Lfunc_end2:
_tile_overlayer_lowered:
.L_overlay_start_2:
0x5ec: {  	(tag) =	ssettag $0x2  }
0x5ed: {  	s0 =	rddreg [dreg:$0x0];
	s2 =	stileid.u32  }
0x5ee: {  	s1 =	rddreg [dreg:$0x1];
	p0 =	sne.s32 s2, $0x0  }
0x5ef: {  	s3 =	rddreg [dreg:$0x2];
	[bflag:$0x3] =	sbarrier.arrive $0xFFFF;
	s2 =	simm.s32 @!p0 $0x1C02  }
0x5f0: {  	[timem:s3], [sflag:s2] =	dma.local @!p0 [hbm:s0], s1  }
0x5f1: {  	s0 =	simm.s32 @!p0 $0x2  }
0x5f2: {  	_ =	swait.ge @!p0 [sflag:s0], s1  }
0x5f3: {  	s1 =	ssub.s32 @!p0 $0x0, s1;
	[sflag:s0] =	ssyncset.done @!p0 $0x0  }
0x5f4: {  	[sflag:s0] =	ssyncadd.s32 @!p0 s1  }
0x5f5: {  	[bflag:$0x3] =	sbarrier.arrive $0xFFFF  }
0x5f6: {  	_ =	shalt  }

</sc_bundles>
